<compile_context>
chip_gen: v7x
topology: tpu7x:2x2x1
jax: 0.10.2.dev20260603
libtpu: 0.0.44.dev20260713+nightly
codegen_flags: <defaults>
</compile_context>

<pallas_src>
import functools

import jax
import jax.numpy as jnp
from jax import lax
from jax.experimental import pallas as pl
from jax.experimental.pallas import tpu as pltpu
from jax.experimental.pallas import tpu_sc as plsc

D = 64
NC, NS = 2, 16
NW = NC * NS


def _sc_gather(u_emb, v_emb, uvidx, seg, bpw):
    mesh = plsc.VectorSubcoreMesh(
        core_axis_name="c", subcore_axis_name="s", num_cores=NC, num_subcores=NS
    )

    @functools.partial(
        pl.kernel,
        out_type=jax.ShapeDtypeStruct((NW, seg, bpw, D), jnp.float32),
        mesh=mesh,
        compiler_params=pltpu.CompilerParams(use_tc_tiling_on_sc=True),
        scratch_types=[
            pltpu.VMEM((seg, bpw), jnp.int32),
            pltpu.VMEM((seg, bpw, D), jnp.float32),
            pltpu.SemaphoreType.DMA,
        ],
    )
    def sc_kernel(u_hbm, v_hbm, uvidx_hbm, out_hbm, idxbuf, rows, sem):
        wid = lax.axis_index("s") * NC + lax.axis_index("c")
        pltpu.sync_copy(uvidx_hbm.at[wid], idxbuf)

        for s in range(seg):
            src = u_hbm if s == 0 else v_hbm

            def group(g, carry, s=s, src=src):
                vec = idxbuf[s, pl.ds(g * 16, 16)]
                for k in range(16):
                    pltpu.async_copy(
                        src.at[pl.ds(vec[k], 1), :],
                        rows.at[s].at[pl.ds(g * 16 + k, 1), :],
                        sem)
                return carry

            lax.fori_loop(0, bpw // 16, group, 0)

        for s in range(seg):
            src = u_hbm if s == 0 else v_hbm
            pltpu.make_async_copy(src.at[pl.ds(0, bpw), :], rows.at[s], sem).wait()

        pltpu.sync_copy(rows, out_hbm.at[wid])

    return sc_kernel(u_emb, v_emb, uvidx)


def _tc_score(rows, dur_w, dur_b, bpw, seg, dur_from_v):
    B = NW * bpw

    def body(v_ref, w_ref, b_ref, loss_ref, dur_ref):
        w = pl.program_id(0)
        u = v_ref[0:bpw, :]
        pv = v_ref[bpw:2 * bpw, :]
        s = jnp.clip(jnp.sum(u * pv, axis=1, keepdims=True), -10.0, 10.0)
        tot = jnp.log1p(jnp.exp(-s))
        for j in range(2, seg):
            nvr = v_ref[j * bpw:(j + 1) * bpw, :]
            ns = jnp.clip(jnp.sum(u * nvr, axis=1, keepdims=True), -10.0, 10.0)
            tot = tot + jnp.log1p(jnp.exp(ns))
        part = jnp.sum(tot)

        @pl.when(w == 0)
        def _init():
            loss_ref[0] = 0.0

        loss_ref[0] += part

        @pl.when(w == NW - 1)
        def _finish():
            loss_ref[0] = loss_ref[0] / B

        sel = pv if dur_from_v else u
        dur_ref[...] = jnp.sum(sel * w_ref[...], axis=1, keepdims=True) + b_ref[0]

    return pl.pallas_call(
        body,
        grid=(NW,),
        in_specs=[
            pl.BlockSpec((seg * bpw, D), lambda w: (w, 0)),
            pl.BlockSpec((1, D), lambda w: (0, 0)),
            pl.BlockSpec(memory_space=pltpu.SMEM),
        ],
        out_specs=[
            pl.BlockSpec(memory_space=pltpu.SMEM),
            pl.BlockSpec((bpw, 1), lambda w: (w, 0)),
        ],
        out_shape=[
            jax.ShapeDtypeStruct((1,), jnp.float32),
            jax.ShapeDtypeStruct((B, 1), jnp.float32),
        ],
    )(rows, dur_w, dur_b)


def kernel(pos_u, pos_v, neg_v, predict_fix, u_emb, v_emb, dur_w, dur_b):
    B = pos_u.shape[0]
    nneg = neg_v.shape[1]
    seg = 2 + nneg
    bpw = B // NW

    negt = jnp.transpose(neg_v.reshape(NW, bpw, nneg), (0, 2, 1))
    uvidx = jnp.concatenate(
        [pos_u.reshape(NW, 1, bpw), pos_v.reshape(NW, 1, bpw), negt], axis=1)

    rows = _sc_gather(u_emb, v_emb, uvidx, seg, bpw)

    dur_from_v = isinstance(predict_fix, str) and predict_fix == "output"
    loss, dur = _tc_score(
        rows.reshape(NW * seg * bpw, D), dur_w, dur_b, bpw, seg, dur_from_v)
    return loss[0], dur.reshape(B)

# --- scband reference (transcript-rebuilt; emitter-appended) ---
"""Pipeline reference for scband-skip-gram-29231547417139 (READ-ONLY COPY).

The authoritative reference and input builder live on the scoring server;
editing this copy changes nothing except your own understanding.
"""

import jax, jax.numpy as jnp
import numpy as np

V = 1000000
D = 64
B = 4096
NNEG = 5

def setup_inputs(seed: int = 0) -> dict:
    key = jax.random.key(seed)
    k1, k2, k3, k4, k5, k6 = jax.random.split(key, 6)
    initrange = 1.0 / D
    u_emb = jax.random.uniform(k1, (V, D), minval=-initrange, maxval=initrange, dtype=jnp.float32)
    # torch inits v to zeros; use small uniform so scores are nontrivial
    v_emb = jax.random.uniform(k2, (V, D), minval=-initrange, maxval=initrange, dtype=jnp.float32)
    dur_w = jax.random.normal(k3, (1, D), dtype=jnp.float32) * (1.0 / np.sqrt(D))
    dur_b = jnp.zeros((1,), dtype=jnp.float32)
    pos_u = jax.random.randint(k4, (B,), 0, V, dtype=jnp.int32)
    pos_v = jax.random.randint(k5, (B,), 0, V, dtype=jnp.int32)
    neg_v = jax.random.randint(k6, (B, NNEG), 0, V, dtype=jnp.int32)
    return {"pos_u": pos_u, "pos_v": pos_v, "neg_v": neg_v, "predict_fix": 0,
            "u_emb": u_emb, "v_emb": v_emb, "dur_w": dur_w, "dur_b": dur_b}

def reference(pos_u, pos_v, neg_v, predict_fix, u_emb, v_emb, dur_w, dur_b):
    emb_u = jnp.take(u_emb, pos_u, axis=0)          # [B, D]
    emb_v = jnp.take(v_emb, pos_v, axis=0)          # [B, D]
    emb_neg_v = jnp.take(v_emb, neg_v, axis=0)      # [B, N, D]
    score = jnp.sum(emb_u * emb_v, axis=1)
    score = jnp.clip(score, -10.0, 10.0)
    score = -jax.nn.log_sigmoid(score)
    neg_score = jnp.einsum('bnd,bd->bn', emb_neg_v, emb_u)  # bmm(emb_neg_v, emb_u[:, :, None]).squeeze()
    neg_score = jnp.clip(neg_score, -10.0, 10.0)
    neg_score = -jnp.sum(jax.nn.log_sigmoid(-neg_score), axis=1)
    emb_sel = emb_v if predict_fix == 'output' else emb_u
    duration = jnp.squeeze(emb_sel @ dur_w.T + dur_b, axis=-1)  # [B]
    return (jnp.mean(score + neg_score), duration)

if __name__ == "__main__":
    import jax
    _d = setup_inputs()
    print(jax.jit(kernel)(*tuple(_d.values())))

</pallas_src>

<mosaic_0001>
#map = affine_map<(d0, d1) -> (0, 0)>
#map1 = affine_map<(d0, d1) -> (0, 0, 0)>
#map2 = affine_map<(d0, d1) -> (0, 0, 0, 0)>
module attributes {stable_mosaic.version = 14 : i64} {
  func.func @sc_kernel(%arg0: i32, %arg1: i32, %arg2: memref<1000000x64xf32, #tpu.memory_space<hbm>>, %arg3: memref<1000000x64xf32, #tpu.memory_space<hbm>>, %arg4: memref<32x7x128xi32, #tpu.memory_space<hbm>>, %arg5: memref<32x7x128x64xf32, #tpu.memory_space<hbm>>, %arg6: memref<7x128xi32, #tpu.memory_space<vmem>>, %arg7: memref<7x128x64xf32, #tpu.memory_space<vmem>>, %arg8: memref<!tpu.dma_semaphore, #tpu.memory_space<semaphore_mem>>) attributes {dimension_semantics = [#tpu.dimension_semantics<core_parallel>, #tpu.dimension_semantics<subcore_parallel>], iteration_bounds = array<i64: 2, 16>, scalar_prefetch = 0 : i64, scratch_operands = 3 : i64, tpu.core_type = #tpu.core_type<sc_vector_subcore>, window_params = [{transform_indices = #map}, {transform_indices = #map}, {transform_indices = #map1}, {transform_indices = #map2}]} {
    %mul3A = arith.constant 2 : i32
    %mul3A_0 = arith.muli %arg1, %mul3A : i32
    %add3A = arith.addi %mul3A_0, %arg0 : i32
    "tpu.region"() ({
      %run_scoped3A = tpu.sem_alloc : memref<!tpu.dma_semaphore, #tpu.memory_space<semaphore_mem>>
      %dma_start3A = arith.constant 0 : i32
      %dma_start3A_146 = arith.constant 0 : i32
      %dma_start3A_147 = tpu.memref_slice %arg4[%add3A, %dma_start3A, %dma_start3A_146] : memref<32x7x128xi32, #tpu.memory_space<hbm>> -> memref<1x7x128xi32, #tpu.memory_space<hbm>>
      %dma_start3A_148 = tpu.memref_squeeze %dma_start3A_147 : memref<1x7x128xi32, #tpu.memory_space<hbm>> -> memref<7x128xi32, #tpu.memory_space<hbm>>
      %dma_start3A_149 = arith.constant 0 : i32
      %dma_start3A_150 = arith.constant 0 : i32
      %dma_start3A_151 = tpu.memref_slice %arg4[%add3A, %dma_start3A_149, %dma_start3A_150] : memref<32x7x128xi32, #tpu.memory_space<hbm>> -> memref<1x7x128xi32, #tpu.memory_space<hbm>>
      %dma_start3A_152 = tpu.memref_squeeze %dma_start3A_151 : memref<1x7x128xi32, #tpu.memory_space<hbm>> -> memref<7x128xi32, #tpu.memory_space<hbm>>
      tpu.enqueue_dma source(%dma_start3A_152 : memref<7x128xi32, #tpu.memory_space<hbm>>) target(%arg6 : memref<7x128xi32, #tpu.memory_space<vmem>>) target_semaphore(%run_scoped3A : memref<!tpu.dma_semaphore, #tpu.memory_space<semaphore_mem>>)
      %dma_wait3A_153 = arith.constant 0 : i32
      %dma_wait3A_154 = arith.constant 0 : i32
      %dma_wait3A_155 = tpu.memref_slice %arg4[%add3A, %dma_wait3A_153, %dma_wait3A_154] : memref<32x7x128xi32, #tpu.memory_space<hbm>> -> memref<1x7x128xi32, #tpu.memory_space<hbm>>
      %dma_wait3A_156 = tpu.memref_squeeze %dma_wait3A_155 : memref<1x7x128xi32, #tpu.memory_space<hbm>> -> memref<7x128xi32, #tpu.memory_space<hbm>>
      %dma_wait3A_157 = arith.constant 0 : i32
      %dma_wait3A_158 = arith.constant 0 : i32
      %dma_wait3A_159 = tpu.memref_slice %arg4[%add3A, %dma_wait3A_157, %dma_wait3A_158] : memref<32x7x128xi32, #tpu.memory_space<hbm>> -> memref<1x7x128xi32, #tpu.memory_space<hbm>>
      %dma_wait3A_160 = tpu.memref_squeeze %dma_wait3A_159 : memref<1x7x128xi32, #tpu.memory_space<hbm>> -> memref<7x128xi32, #tpu.memory_space<hbm>>
      tpu.wait_dma2 semaphore(%run_scoped3A : memref<!tpu.dma_semaphore, #tpu.memory_space<semaphore_mem>>) src(%dma_wait3A_160 : memref<7x128xi32, #tpu.memory_space<hbm>>) dst(%arg6 : memref<7x128xi32, #tpu.memory_space<vmem>>)
      tpu.yield
    }) : () -> ()
    %scan3A = arith.constant 0 : i32
    %scan3A_1 = arith.constant 0 : i32
    %scan3A_2 = arith.constant 8 : i32
    %scan3A_3 = arith.addi %scan3A_1, %scan3A_2 : i32
    %scan3A_4 = arith.constant 1 : i32
    scf.for %scan3A_146 = %scan3A_1 to %scan3A_3 step %scan3A_4  : i32 {
      %mul3A_147 = arith.constant 16 : i32
      %mul3A_148 = arith.muli %scan3A_146, %mul3A_147 : i32
      %get3A = arith.constant 0 : i32
      %get3A_149 = arith.index_cast %get3A : i32 to index
      %get3A_150 = arith.index_cast %mul3A_148 : i32 to index
      %get3A_151 = tpu.vector_load %arg6[%get3A_149, %get3A_150] {strides = array<i32>} : memref<7x128xi32, #tpu.memory_space<vmem>>, vector<1x16xi32>,
      %get3A_152 = vector.shape_cast %get3A_151 : vector<1x16xi32> to vector<16xi32>
      %slice3A = vector.extract_strided_slice %get3A_152 {offsets = [0], sizes = [1], strides = [1]} : vector<16xi32> to vector<1xi32>
      %squeeze3A = vector.extract %slice3A[0] : i32 from vector<1xi32>
      %mul3A_153 = arith.constant 16 : i32
      %mul3A_154 = arith.muli %scan3A_146, %mul3A_153 : i32
      %add3A_155 = arith.constant 0 : i32
      %add3A_156 = arith.addi %mul3A_154, %add3A_155 : i32
      %dma_start3A = arith.constant 0 : i32
      %dma_start3A_157 = arith.constant 0 : i32
      %dma_start3A_158 = arith.constant 0 : i32
      %dma_start3A_159 = tpu.memref_slice %arg7[%dma_start3A, %dma_start3A_157, %dma_start3A_158] : memref<7x128x64xf32, #tpu.memory_space<vmem>> -> memref<1x128x64xf32, #tpu.memory_space<vmem>>
      %dma_start3A_160 = tpu.memref_squeeze %dma_start3A_159 : memref<1x128x64xf32, #tpu.memory_space<vmem>> -> memref<128x64xf32, #tpu.memory_space<vmem>>
      %dma_start3A_161 = arith.constant 0 : i32
      %dma_start3A_162 = tpu.memref_slice %dma_start3A_160[%add3A_156, %dma_start3A_161] : memref<128x64xf32, #tpu.memory_space<vmem>> -> memref<1x64xf32, #tpu.memory_space<vmem>>
      %dma_start3A_163 = arith.constant 0 : i32
      %dma_start3A_164 = tpu.memref_slice %arg2[%squeeze3A, %dma_start3A_163] : memref<1000000x64xf32, #tpu.memory_space<hbm>> -> memref<1x64xf32, #tpu.memory_space<hbm>>
      %dma_start3A_165 = arith.constant 0 : i32
      %dma_start3A_166 = arith.constant 0 : i32
      %dma_start3A_167 = tpu.memref_slice %arg7[%dma_start3A, %dma_start3A_165, %dma_start3A_166] : memref<7x128x64xf32, #tpu.memory_space<vmem>> -> memref<1x128x64xf32, #tpu.memory_space<vmem>>
      %dma_start3A_168 = tpu.memref_squeeze %dma_start3A_167 : memref<1x128x64xf32, #tpu.memory_space<vmem>> -> memref<128x64xf32, #tpu.memory_space<vmem>>
      %dma_start3A_169 = arith.constant 0 : i32
      %dma_start3A_170 = tpu.memref_slice %dma_start3A_168[%add3A_156, %dma_start3A_169] : memref<128x64xf32, #tpu.memory_space<vmem>> -> memref<1x64xf32, #tpu.memory_space<vmem>>
      %dma_start3A_171 = arith.constant 0 : i32
      %dma_start3A_172 = tpu.memref_slice %arg2[%squeeze3A, %dma_start3A_171] : memref<1000000x64xf32, #tpu.memory_space<hbm>> -> memref<1x64xf32, #tpu.memory_space<hbm>>
      tpu.enqueue_dma source(%dma_start3A_172 : memref<1x64xf32, #tpu.memory_space<hbm>>) target(%dma_start3A_170 : memref<1x64xf32, #tpu.memory_space<vmem>>) target_semaphore(%arg8 : memref<!tpu.dma_semaphore, #tpu.memory_space<semaphore_mem>>)
      %slice3A_173 = vector.extract_strided_slice %get3A_152 {offsets = [1], sizes = [1], strides = [1]} : vector<16xi32> to vector<1xi32>
      %squeeze3A_174 = vector.extract %slice3A_173[0] : i32 from vector<1xi32>
      %mul3A_175 = arith.constant 16 : i32
      %mul3A_176 = arith.muli %scan3A_146, %mul3A_175 : i32
      %add3A_177 = arith.constant 1 : i32
      %add3A_178 = arith.addi %mul3A_176, %add3A_177 : i32
      %dma_start3A_179 = arith.constant 0 : i32
      %dma_start3A_180 = arith.constant 0 : i32
      %dma_start3A_181 = arith.constant 0 : i32
      %dma_start3A_182 = tpu.memref_slice %arg7[%dma_start3A_179, %dma_start3A_180, %dma_start3A_181] : memref<7x128x64xf32, #tpu.memory_space<vmem>> -> memref<1x128x64xf32, #tpu.memory_space<vmem>>
      %dma_start3A_183 = tpu.memref_squeeze %dma_start3A_182 : memref<1x128x64xf32, #tpu.memory_space<vmem>> -> memref<128x64xf32, #tpu.memory_space<vmem>>
      %dma_start3A_184 = arith.constant 0 : i32
      %dma_start3A_185 = tpu.memref_slice %dma_start3A_183[%add3A_178, %dma_start3A_184] : memref<128x64xf32, #tpu.memory_space<vmem>> -> memref<1x64xf32, #tpu.memory_space<vmem>>
      %dma_start3A_186 = arith.constant 0 : i32
      %dma_start3A_187 = tpu.memref_slice %arg2[%squeeze3A_174, %dma_start3A_186] : memref<1000000x64xf32, #tpu.memory_space<hbm>> -> memref<1x64xf32, #tpu.memory_space<hbm>>
      %dma_start3A_188 = arith.constant 0 : i32
      %dma_start3A_189 = arith.constant 0 : i32
      %dma_start3A_190 = tpu.memref_slice %arg7[%dma_start3A_179, %dma_start3A_188, %dma_start3A_189] : memref<7x128x64xf32, #tpu.memory_space<vmem>> -> memref<1x128x64xf32, #tpu.memory_space<vmem>>
      %dma_start3A_191 = tpu.memref_squeeze %dma_start3A_190 : memref<1x128x64xf32, #tpu.memory_space<vmem>> -> memref<128x64xf32, #tpu.memory_space<vmem>>
      %dma_start3A_192 = arith.constant 0 : i32
      %dma_start3A_193 = tpu.memref_slice %dma_start3A_191[%add3A_178, %dma_start3A_192] : memref<128x64xf32, #tpu.memory_space<vmem>> -> memref<1x64xf32, #tpu.memory_space<vmem>>
      %dma_start3A_194 = arith.constant 0 : i32
      %dma_start3A_195 = tpu.memref_slice %arg2[%squeeze3A_174, %dma_start3A_194] : memref<1000000x64xf32, #tpu.memory_space<hbm>> -> memref<1x64xf32, #tpu.memory_space<hbm>>
      tpu.enqueue_dma source(%dma_start3A_195 : memref<1x64xf32, #tpu.memory_space<hbm>>) target(%dma_start3A_193 : memref<1x64xf32, #tpu.memory_space<vmem>>) target_semaphore(%arg8 : memref<!tpu.dma_semaphore, #tpu.memory_space<semaphore_mem>>)
      %slice3A_196 = vector.extract_strided_slice %get3A_152 {offsets = [2], sizes = [1], strides = [1]} : vector<16xi32> to vector<1xi32>
      %squeeze3A_197 = vector.extract %slice3A_196[0] : i32 from vector<1xi32>
      %mul3A_198 = arith.constant 16 : i32
      %mul3A_199 = arith.muli %scan3A_146, %mul3A_198 : i32
      %add3A_200 = arith.constant 2 : i32
      %add3A_201 = arith.addi %mul3A_199, %add3A_200 : i32
      %dma_start3A_202 = arith.constant 0 : i32
      %dma_start3A_203 = arith.constant 0 : i32
      %dma_start3A_204 = arith.constant 0 : i32
      %dma_start3A_205 = tpu.memref_slice %arg7[%dma_start3A_202, %dma_start3A_203, %dma_start3A_204] : memref<7x128x64xf32, #tpu.memory_space<vmem>> -> memref<1x128x64xf32, #tpu.memory_space<vmem>>
      %dma_start3A_206 = tpu.memref_squeeze %dma_start3A_205 : memref<1x128x64xf32, #tpu.memory_space<vmem>> -> memref<128x64xf32, #tpu.memory_space<vmem>>
      %dma_start3A_207 = arith.constant 0 : i32
      %dma_start3A_208 = tpu.memref_slice %dma_start3A_206[%add3A_201, %dma_start3A_207] : memref<128x64xf32, #tpu.memory_space<vmem>> -> memref<1x64xf32, #tpu.memory_space<vmem>>
      %dma_start3A_209 = arith.constant 0 : i32
      %dma_start3A_210 = tpu.memref_slice %arg2[%squeeze3A_197, %dma_start3A_209] : memref<1000000x64xf32, #tpu.memory_space<hbm>> -> memref<1x64xf32, #tpu.memory_space<hbm>>
      %dma_start3A_211 = arith.constant 0 : i32
      %dma_start3A_212 = arith.constant 0 : i32
      %dma_start3A_213 = tpu.memref_slice %arg7[%dma_start3A_202, %dma_start3A_211, %dma_start3A_212] : memref<7x128x64xf32, #tpu.memory_space<vmem>> -> memref<1x128x64xf32, #tpu.memory_space<vmem>>
      %dma_start3A_214 = tpu.memref_squeeze %dma_start3A_213 : memref<1x128x64xf32, #tpu.memory_space<vmem>> -> memref<128x64xf32, #tpu.memory_space<vmem>>
      %dma_start3A_215 = arith.constant 0 : i32
      %dma_start3A_216 = tpu.memref_slice %dma_start3A_214[%add3A_201, %dma_start3A_215] : memref<128x64xf32, #tpu.memory_space<vmem>> -> memref<1x64xf32, #tpu.memory_space<vmem>>
      %dma_start3A_217 = arith.constant 0 : i32
      %dma_start3A_218 = tpu.memref_slice %arg2[%squeeze3A_197, %dma_start3A_217] : memref<1000000x64xf32, #tpu.memory_space<hbm>> -> memref<1x64xf32, #tpu.memory_space<hbm>>
      tpu.enqueue_dma source(%dma_start3A_218 : memref<1x64xf32, #tpu.memory_space<hbm>>) target(%dma_start3A_216 : memref<1x64xf32, #tpu.memory_space<vmem>>) target_semaphore(%arg8 : memref<!tpu.dma_semaphore, #tpu.memory_space<semaphore_mem>>)
      %slice3A_219 = vector.extract_strided_slice %get3A_152 {offsets = [3], sizes = [1], strides = [1]} : vector<16xi32> to vector<1xi32>
      %squeeze3A_220 = vector.extract %slice3A_219[0] : i32 from vector<1xi32>
      %mul3A_221 = arith.constant 16 : i32
      %mul3A_222 = arith.muli %scan3A_146, %mul3A_221 : i32
      %add3A_223 = arith.constant 3 : i32
      %add3A_224 = arith.addi %mul3A_222, %add3A_223 : i32
      %dma_start3A_225 = arith.constant 0 : i32
      %dma_start3A_226 = arith.constant 0 : i32
      %dma_start3A_227 = arith.constant 0 : i32
      %dma_start3A_228 = tpu.memref_slice %arg7[%dma_start3A_225, %dma_start3A_226, %dma_start3A_227] : memref<7x128x64xf32, #tpu.memory_space<vmem>> -> memref<1x128x64xf32, #tpu.memory_space<vmem>>
      %dma_start3A_229 = tpu.memref_squeeze %dma_start3A_228 : memref<1x128x64xf32, #tpu.memory_space<vmem>> -> memref<128x64xf32, #tpu.memory_space<vmem>>
      %dma_start3A_230 = arith.constant 0 : i32
      %dma_start3A_231 = tpu.memref_slice %dma_start3A_229[%add3A_224, %dma_start3A_230] : memref<128x64xf32, #tpu.memory_space<vmem>> -> memref<1x64xf32, #tpu.memory_space<vmem>>
      %dma_start3A_232 = arith.constant 0 : i32
      %dma_start3A_233 = tpu.memref_slice %arg2[%squeeze3A_220, %dma_start3A_232] : memref<1000000x64xf32, #tpu.memory_space<hbm>> -> memref<1x64xf32, #tpu.memory_space<hbm>>
      %dma_start3A_234 = arith.constant 0 : i32
      %dma_start3A_235 = arith.constant 0 : i32
      %dma_start3A_236 = tpu.memref_slice %arg7[%dma_start3A_225, %dma_start3A_234, %dma_start3A_235] : memref<7x128x64xf32, #tpu.memory_space<vmem>> -> memref<1x128x64xf32, #tpu.memory_space<vmem>>
      %dma_start3A_237 = tpu.memref_squeeze %dma_start3A_236 : memref<1x128x64xf32, #tpu.memory_space<vmem>> -> memref<128x64xf32, #tpu.memory_space<vmem>>
      %dma_start3A_238 = arith.constant 0 : i32
      %dma_start3A_239 = tpu.memref_slice %dma_start3A_237[%add3A_224, %dma_start3A_238] : memref<128x64xf32, #tpu.memory_space<vmem>> -> memref<1x64xf32, #tpu.memory_space<vmem>>
      %dma_start3A_240 = arith.constant 0 : i32
      %dma_start3A_241 = tpu.memref_slice %arg2[%squeeze3A_220, %dma_start3A_240] : memref<1000000x64xf32, #tpu.memory_space<hbm>> -> memref<1x64xf32, #tpu.memory_space<hbm>>
      tpu.enqueue_dma source(%dma_start3A_241 : memref<1x64xf32, #tpu.memory_space<hbm>>) target(%dma_start3A_239 : memref<1x64xf32, #tpu.memory_space<vmem>>) target_semaphore(%arg8 : memref<!tpu.dma_semaphore, #tpu.memory_space<semaphore_mem>>)
      %slice3A_242 = vector.extract_strided_slice %get3A_152 {offsets = [4], sizes = [1], strides = [1]} : vector<16xi32> to vector<1xi32>
      %squeeze3A_243 = vector.extract %slice3A_242[0] : i32 from vector<1xi32>
      %mul3A_244 = arith.constant 16 : i32
      %mul3A_245 = arith.muli %scan3A_146, %mul3A_244 : i32
      %add3A_246 = arith.constant 4 : i32
      %add3A_247 = arith.addi %mul3A_245, %add3A_246 : i32
      %dma_start3A_248 = arith.constant 0 : i32
      %dma_start3A_249 = arith.constant 0 : i32
      %dma_start3A_250 = arith.constant 0 : i32
      %dma_start3A_251 = tpu.memref_slice %arg7[%dma_start3A_248, %dma_start3A_249, %dma_start3A_250] : memref<7x128x64xf32, #tpu.memory_space<vmem>> -> memref<1x128x64xf32, #tpu.memory_space<vmem>>
      %dma_start3A_252 = tpu.memref_squeeze %dma_start3A_251 : memref<1x128x64xf32, #tpu.memory_space<vmem>> -> memref<128x64xf32, #tpu.memory_space<vmem>>
      %dma_start3A_253 = arith.constant 0 : i32
      %dma_start3A_254 = tpu.memref_slice %dma_start3A_252[%add3A_247, %dma_start3A_253] : memref<128x64xf32, #tpu.memory_space<vmem>> -> memref<1x64xf32, #tpu.memory_space<vmem>>
      %dma_start3A_255 = arith.constant 0 : i32
      %dma_start3A_256 = tpu.memref_slice %arg2[%squeeze3A_243, %dma_start3A_255] : memref<1000000x64xf32, #tpu.memory_space<hbm>> -> memref<1x64xf32, #tpu.memory_space<hbm>>
      %dma_start3A_257 = arith.constant 0 : i32
      %dma_start3A_258 = arith.constant 0 : i32
      %dma_start3A_259 = tpu.memref_slice %arg7[%dma_start3A_248, %dma_start3A_257, %dma_start3A_258] : memref<7x128x64xf32, #tpu.memory_space<vmem>> -> memref<1x128x64xf32, #tpu.memory_space<vmem>>
      %dma_start3A_260 = tpu.memref_squeeze %dma_start3A_259 : memref<1x128x64xf32, #tpu.memory_space<vmem>> -> memref<128x64xf32, #tpu.memory_space<vmem>>
      %dma_start3A_261 = arith.constant 0 : i32
      %dma_start3A_262 = tpu.memref_slice %dma_start3A_260[%add3A_247, %dma_start3A_261] : memref<128x64xf32, #tpu.memory_space<vmem>> -> memref<1x64xf32, #tpu.memory_space<vmem>>
      %dma_start3A_263 = arith.constant 0 : i32
      %dma_start3A_264 = tpu.memref_slice %arg2[%squeeze3A_243, %dma_start3A_263] : memref<1000000x64xf32, #tpu.memory_space<hbm>> -> memref<1x64xf32, #tpu.memory_space<hbm>>
      tpu.enqueue_dma source(%dma_start3A_264 : memref<1x64xf32, #tpu.memory_space<hbm>>) target(%dma_start3A_262 : memref<1x64xf32, #tpu.memory_space<vmem>>) target_semaphore(%arg8 : memref<!tpu.dma_semaphore, #tpu.memory_space<semaphore_mem>>)
      %slice3A_265 = vector.extract_strided_slice %get3A_152 {offsets = [5], sizes = [1], strides = [1]} : vector<16xi32> to vector<1xi32>
      %squeeze3A_266 = vector.extract %slice3A_265[0] : i32 from vector<1xi32>
      %mul3A_267 = arith.constant 16 : i32
      %mul3A_268 = arith.muli %scan3A_146, %mul3A_267 : i32
      %add3A_269 = arith.constant 5 : i32
      %add3A_270 = arith.addi %mul3A_268, %add3A_269 : i32
      %dma_start3A_271 = arith.constant 0 : i32
      %dma_start3A_272 = arith.constant 0 : i32
      %dma_start3A_273 = arith.constant 0 : i32
      %dma_start3A_274 = tpu.memref_slice %arg7[%dma_start3A_271, %dma_start3A_272, %dma_start3A_273] : memref<7x128x64xf32, #tpu.memory_space<vmem>> -> memref<1x128x64xf32, #tpu.memory_space<vmem>>
      %dma_start3A_275 = tpu.memref_squeeze %dma_start3A_274 : memref<1x128x64xf32, #tpu.memory_space<vmem>> -> memref<128x64xf32, #tpu.memory_space<vmem>>
      %dma_start3A_276 = arith.constant 0 : i32
      %dma_start3A_277 = tpu.memref_slice %dma_start3A_275[%add3A_270, %dma_start3A_276] : memref<128x64xf32, #tpu.memory_space<vmem>> -> memref<1x64xf32, #tpu.memory_space<vmem>>
      %dma_start3A_278 = arith.constant 0 : i32
      %dma_start3A_279 = tpu.memref_slice %arg2[%squeeze3A_266, %dma_start3A_278] : memref<1000000x64xf32, #tpu.memory_space<hbm>> -> memref<1x64xf32, #tpu.memory_space<hbm>>
      %dma_start3A_280 = arith.constant 0 : i32
      %dma_start3A_281 = arith.constant 0 : i32
      %dma_start3A_282 = tpu.memref_slice %arg7[%dma_start3A_271, %dma_start3A_280, %dma_start3A_281] : memref<7x128x64xf32, #tpu.memory_space<vmem>> -> memref<1x128x64xf32, #tpu.memory_space<vmem>>
      %dma_start3A_283 = tpu.memref_squeeze %dma_start3A_282 : memref<1x128x64xf32, #tpu.memory_space<vmem>> -> memref<128x64xf32, #tpu.memory_space<vmem>>
      %dma_start3A_284 = arith.constant 0 : i32
      %dma_start3A_285 = tpu.memref_slice %dma_start3A_283[%add3A_270, %dma_start3A_284] : memref<128x64xf32, #tpu.memory_space<vmem>> -> memref<1x64xf32, #tpu.memory_space<vmem>>
      %dma_start3A_286 = arith.constant 0 : i32
      %dma_start3A_287 = tpu.memref_slice %arg2[%squeeze3A_266, %dma_start3A_286] : memref<1000000x64xf32, #tpu.memory_space<hbm>> -> memref<1x64xf32, #tpu.memory_space<hbm>>
      tpu.enqueue_dma source(%dma_start3A_287 : memref<1x64xf32, #tpu.memory_space<hbm>>) target(%dma_start3A_285 : memref<1x64xf32, #tpu.memory_space<vmem>>) target_semaphore(%arg8 : memref<!tpu.dma_semaphore, #tpu.memory_space<semaphore_mem>>)
      %slice3A_288 = vector.extract_strided_slice %get3A_152 {offsets = [6], sizes = [1], strides = [1]} : vector<16xi32> to vector<1xi32>
      %squeeze3A_289 = vector.extract %slice3A_288[0] : i32 from vector<1xi32>
      %mul3A_290 = arith.constant 16 : i32
      %mul3A_291 = arith.muli %scan3A_146, %mul3A_290 : i32
      %add3A_292 = arith.constant 6 : i32
      %add3A_293 = arith.addi %mul3A_291, %add3A_292 : i32
      %dma_start3A_294 = arith.constant 0 : i32
      %dma_start3A_295 = arith.constant 0 : i32
      %dma_start3A_296 = arith.constant 0 : i32
      %dma_start3A_297 = tpu.memref_slice %arg7[%dma_start3A_294, %dma_start3A_295, %dma_start3A_296] : memref<7x128x64xf32, #tpu.memory_space<vmem>> -> memref<1x128x64xf32, #tpu.memory_space<vmem>>
      %dma_start3A_298 = tpu.memref_squeeze %dma_start3A_297 : memref<1x128x64xf32, #tpu.memory_space<vmem>> -> memref<128x64xf32, #tpu.memory_space<vmem>>
      %dma_start3A_299 = arith.constant 0 : i32
      %dma_start3A_300 = tpu.memref_slice %dma_start3A_298[%add3A_293, %dma_start3A_299] : memref<128x64xf32, #tpu.memory_space<vmem>> -> memref<1x64xf32, #tpu.memory_space<vmem>>
      %dma_start3A_301 = arith.constant 0 : i32
      %dma_start3A_302 = tpu.memref_slice %arg2[%squeeze3A_289, %dma_start3A_301] : memref<1000000x64xf32, #tpu.memory_space<hbm>> -> memref<1x64xf32, #tpu.memory_space<hbm>>
      %dma_start3A_303 = arith.constant 0 : i32
      %dma_start3A_304 = arith.constant 0 : i32
      %dma_start3A_305 = tpu.memref_slice %arg7[%dma_start3A_294, %dma_start3A_303, %dma_start3A_304] : memref<7x128x64xf32, #tpu.memory_space<vmem>> -> memref<1x128x64xf32, #tpu.memory_space<vmem>>
      %dma_start3A_306 = tpu.memref_squeeze %dma_start3A_305 : memref<1x128x64xf32, #tpu.memory_space<vmem>> -> memref<128x64xf32, #tpu.memory_space<vmem>>
      %dma_start3A_307 = arith.constant 0 : i32
      %dma_start3A_308 = tpu.memref_slice %dma_start3A_306[%add3A_293, %dma_start3A_307] : memref<128x64xf32, #tpu.memory_space<vmem>> -> memref<1x64xf32, #tpu.memory_space<vmem>>
      %dma_start3A_309 = arith.constant 0 : i32
      %dma_start3A_310 = tpu.memref_slice %arg2[%squeeze3A_289, %dma_start3A_309] : memref<1000000x64xf32, #tpu.memory_space<hbm>> -> memref<1x64xf32, #tpu.memory_space<hbm>>
      tpu.enqueue_dma source(%dma_start3A_310 : memref<1x64xf32, #tpu.memory_space<hbm>>) target(%dma_start3A_308 : memref<1x64xf32, #tpu.memory_space<vmem>>) target_semaphore(%arg8 : memref<!tpu.dma_semaphore, #tpu.memory_space<semaphore_mem>>)
      %slice3A_311 = vector.extract_strided_slice %get3A_152 {offsets = [7], sizes = [1], strides = [1]} : vector<16xi32> to vector<1xi32>
      %squeeze3A_312 = vector.extract %slice3A_311[0] : i32 from vector<1xi32>
      %mul3A_313 = arith.constant 16 : i32
      %mul3A_314 = arith.muli %scan3A_146, %mul3A_313 : i32
      %add3A_315 = arith.constant 7 : i32
      %add3A_316 = arith.addi %mul3A_314, %add3A_315 : i32
      %dma_start3A_317 = arith.constant 0 : i32
      %dma_start3A_318 = arith.constant 0 : i32
      %dma_start3A_319 = arith.constant 0 : i32
      %dma_start3A_320 = tpu.memref_slice %arg7[%dma_start3A_317, %dma_start3A_318, %dma_start3A_319] : memref<7x128x64xf32, #tpu.memory_space<vmem>> -> memref<1x128x64xf32, #tpu.memory_space<vmem>>
      %dma_start3A_321 = tpu.memref_squeeze %dma_start3A_320 : memref<1x128x64xf32, #tpu.memory_space<vmem>> -> memref<128x64xf32, #tpu.memory_space<vmem>>
      %dma_start3A_322 = arith.constant 0 : i32
      %dma_start3A_323 = tpu.memref_slice %dma_start3A_321[%add3A_316, %dma_start3A_322] : memref<128x64xf32, #tpu.memory_space<vmem>> -> memref<1x64xf32, #tpu.memory_space<vmem>>
      %dma_start3A_324 = arith.constant 0 : i32
      %dma_start3A_325 = tpu.memref_slice %arg2[%squeeze3A_312, %dma_start3A_324] : memref<1000000x64xf32, #tpu.memory_space<hbm>> -> memref<1x64xf32, #tpu.memory_space<hbm>>
      %dma_start3A_326 = arith.constant 0 : i32
      %dma_start3A_327 = arith.constant 0 : i32
      %dma_start3A_328 = tpu.memref_slice %arg7[%dma_start3A_317, %dma_start3A_326, %dma_start3A_327] : memref<7x128x64xf32, #tpu.memory_space<vmem>> -> memref<1x128x64xf32, #tpu.memory_space<vmem>>
      %dma_start3A_329 = tpu.memref_squeeze %dma_start3A_328 : memref<1x128x64xf32, #tpu.memory_space<vmem>> -> memref<128x64xf32, #tpu.memory_space<vmem>>
      %dma_start3A_330 = arith.constant 0 : i32
      %dma_start3A_331 = tpu.memref_slice %dma_start3A_329[%add3A_316, %dma_start3A_330] : memref<128x64xf32, #tpu.memory_space<vmem>> -> memref<1x64xf32, #tpu.memory_space<vmem>>
      %dma_start3A_332 = arith.constant 0 : i32
      %dma_start3A_333 = tpu.memref_slice %arg2[%squeeze3A_312, %dma_start3A_332] : memref<1000000x64xf32, #tpu.memory_space<hbm>> -> memref<1x64xf32, #tpu.memory_space<hbm>>
      tpu.enqueue_dma source(%dma_start3A_333 : memref<1x64xf32, #tpu.memory_space<hbm>>) target(%dma_start3A_331 : memref<1x64xf32, #tpu.memory_space<vmem>>) target_semaphore(%arg8 : memref<!tpu.dma_semaphore, #tpu.memory_space<semaphore_mem>>)
      %slice3A_334 = vector.extract_strided_slice %get3A_152 {offsets = [8], sizes = [1], strides = [1]} : vector<16xi32> to vector<1xi32>
      %squeeze3A_335 = vector.extract %slice3A_334[0] : i32 from vector<1xi32>
      %mul3A_336 = arith.constant 16 : i32
      %mul3A_337 = arith.muli %scan3A_146, %mul3A_336 : i32
      %add3A_338 = arith.constant 8 : i32
      %add3A_339 = arith.addi %mul3A_337, %add3A_338 : i32
      %dma_start3A_340 = arith.constant 0 : i32
      %dma_start3A_341 = arith.constant 0 : i32
      %dma_start3A_342 = arith.constant 0 : i32
      %dma_start3A_343 = tpu.memref_slice %arg7[%dma_start3A_340, %dma_start3A_341, %dma_start3A_342] : memref<7x128x64xf32, #tpu.memory_space<vmem>> -> memref<1x128x64xf32, #tpu.memory_space<vmem>>
      %dma_start3A_344 = tpu.memref_squeeze %dma_start3A_343 : memref<1x128x64xf32, #tpu.memory_space<vmem>> -> memref<128x64xf32, #tpu.memory_space<vmem>>
      %dma_start3A_345 = arith.constant 0 : i32
      %dma_start3A_346 = tpu.memref_slice %dma_start3A_344[%add3A_339, %dma_start3A_345] : memref<128x64xf32, #tpu.memory_space<vmem>> -> memref<1x64xf32, #tpu.memory_space<vmem>>
      %dma_start3A_347 = arith.constant 0 : i32
      %dma_start3A_348 = tpu.memref_slice %arg2[%squeeze3A_335, %dma_start3A_347] : memref<1000000x64xf32, #tpu.memory_space<hbm>> -> memref<1x64xf32, #tpu.memory_space<hbm>>
      %dma_start3A_349 = arith.constant 0 : i32
      %dma_start3A_350 = arith.constant 0 : i32
      %dma_start3A_351 = tpu.memref_slice %arg7[%dma_start3A_340, %dma_start3A_349, %dma_start3A_350] : memref<7x128x64xf32, #tpu.memory_space<vmem>> -> memref<1x128x64xf32, #tpu.memory_space<vmem>>
      %dma_start3A_352 = tpu.memref_squeeze %dma_start3A_351 : memref<1x128x64xf32, #tpu.memory_space<vmem>> -> memref<128x64xf32, #tpu.memory_space<vmem>>
      %dma_start3A_353 = arith.constant 0 : i32
      %dma_start3A_354 = tpu.memref_slice %dma_start3A_352[%add3A_339, %dma_start3A_353] : memref<128x64xf32, #tpu.memory_space<vmem>> -> memref<1x64xf32, #tpu.memory_space<vmem>>
      %dma_start3A_355 = arith.constant 0 : i32
      %dma_start3A_356 = tpu.memref_slice %arg2[%squeeze3A_335, %dma_start3A_355] : memref<1000000x64xf32, #tpu.memory_space<hbm>> -> memref<1x64xf32, #tpu.memory_space<hbm>>
      tpu.enqueue_dma source(%dma_start3A_356 : memref<1x64xf32, #tpu.memory_space<hbm>>) target(%dma_start3A_354 : memref<1x64xf32, #tpu.memory_space<vmem>>) target_semaphore(%arg8 : memref<!tpu.dma_semaphore, #tpu.memory_space<semaphore_mem>>)
      %slice3A_357 = vector.extract_strided_slice %get3A_152 {offsets = [9], sizes = [1], strides = [1]} : vector<16xi32> to vector<1xi32>
      %squeeze3A_358 = vector.extract %slice3A_357[0] : i32 from vector<1xi32>
      %mul3A_359 = arith.constant 16 : i32
      %mul3A_360 = arith.muli %scan3A_146, %mul3A_359 : i32
      %add3A_361 = arith.constant 9 : i32
      %add3A_362 = arith.addi %mul3A_360, %add3A_361 : i32
      %dma_start3A_363 = arith.constant 0 : i32
      %dma_start3A_364 = arith.constant 0 : i32
      %dma_start3A_365 = arith.constant 0 : i32
      %dma_start3A_366 = tpu.memref_slice %arg7[%dma_start3A_363, %dma_start3A_364, %dma_start3A_365] : memref<7x128x64xf32, #tpu.memory_space<vmem>> -> memref<1x128x64xf32, #tpu.memory_space<vmem>>
      %dma_start3A_367 = tpu.memref_squeeze %dma_start3A_366 : memref<1x128x64xf32, #tpu.memory_space<vmem>> -> memref<128x64xf32, #tpu.memory_space<vmem>>
      %dma_start3A_368 = arith.constant 0 : i32
      %dma_start3A_369 = tpu.memref_slice %dma_start3A_367[%add3A_362, %dma_start3A_368] : memref<128x64xf32, #tpu.memory_space<vmem>> -> memref<1x64xf32, #tpu.memory_space<vmem>>
      %dma_start3A_370 = arith.constant 0 : i32
      %dma_start3A_371 = tpu.memref_slice %arg2[%squeeze3A_358, %dma_start3A_370] : memref<1000000x64xf32, #tpu.memory_space<hbm>> -> memref<1x64xf32, #tpu.memory_space<hbm>>
      %dma_start3A_372 = arith.constant 0 : i32
      %dma_start3A_373 = arith.constant 0 : i32
      %dma_start3A_374 = tpu.memref_slice %arg7[%dma_start3A_363, %dma_start3A_372, %dma_start3A_373] : memref<7x128x64xf32, #tpu.memory_space<vmem>> -> memref<1x128x64xf32, #tpu.memory_space<vmem>>
      %dma_start3A_375 = tpu.memref_squeeze %dma_start3A_374 : memref<1x128x64xf32, #tpu.memory_space<vmem>> -> memref<128x64xf32, #tpu.memory_space<vmem>>
      %dma_start3A_376 = arith.constant 0 : i32
      %dma_start3A_377 = tpu.memref_slice %dma_start3A_375[%add3A_362, %dma_start3A_376] : memref<128x64xf32, #tpu.memory_space<vmem>> -> memref<1x64xf32, #tpu.memory_space<vmem>>
      %dma_start3A_378 = arith.constant 0 : i32
      %dma_start3A_379 = tpu.memref_slice %arg2[%squeeze3A_358, %dma_start3A_378] : memref<1000000x64xf32, #tpu.memory_space<hbm>> -> memref<1x64xf32, #tpu.memory_space<hbm>>
      tpu.enqueue_dma source(%dma_start3A_379 : memref<1x64xf32, #tpu.memory_space<hbm>>) target(%dma_start3A_377 : memref<1x64xf32, #tpu.memory_space<vmem>>) target_semaphore(%arg8 : memref<!tpu.dma_semaphore, #tpu.memory_space<semaphore_mem>>)
      %slice3A_380 = vector.extract_strided_slice %get3A_152 {offsets = [10], sizes = [1], strides = [1]} : vector<16xi32> to vector<1xi32>
      %squeeze3A_381 = vector.extract %slice3A_380[0] : i32 from vector<1xi32>
      %mul3A_382 = arith.constant 16 : i32
      %mul3A_383 = arith.muli %scan3A_146, %mul3A_382 : i32
      %add3A_384 = arith.constant 10 : i32
      %add3A_385 = arith.addi %mul3A_383, %add3A_384 : i32
      %dma_start3A_386 = arith.constant 0 : i32
      %dma_start3A_387 = arith.constant 0 : i32
      %dma_start3A_388 = arith.constant 0 : i32
      %dma_start3A_389 = tpu.memref_slice %arg7[%dma_start3A_386, %dma_start3A_387, %dma_start3A_388] : memref<7x128x64xf32, #tpu.memory_space<vmem>> -> memref<1x128x64xf32, #tpu.memory_space<vmem>>
      %dma_start3A_390 = tpu.memref_squeeze %dma_start3A_389 : memref<1x128x64xf32, #tpu.memory_space<vmem>> -> memref<128x64xf32, #tpu.memory_space<vmem>>
      %dma_start3A_391 = arith.constant 0 : i32
      %dma_start3A_392 = tpu.memref_slice %dma_start3A_390[%add3A_385, %dma_start3A_391] : memref<128x64xf32, #tpu.memory_space<vmem>> -> memref<1x64xf32, #tpu.memory_space<vmem>>
      %dma_start3A_393 = arith.constant 0 : i32
      %dma_start3A_394 = tpu.memref_slice %arg2[%squeeze3A_381, %dma_start3A_393] : memref<1000000x64xf32, #tpu.memory_space<hbm>> -> memref<1x64xf32, #tpu.memory_space<hbm>>
      %dma_start3A_395 = arith.constant 0 : i32
      %dma_start3A_396 = arith.constant 0 : i32
      %dma_start3A_397 = tpu.memref_slice %arg7[%dma_start3A_386, %dma_start3A_395, %dma_start3A_396] : memref<7x128x64xf32, #tpu.memory_space<vmem>> -> memref<1x128x64xf32, #tpu.memory_space<vmem>>
      %dma_start3A_398 = tpu.memref_squeeze %dma_start3A_397 : memref<1x128x64xf32, #tpu.memory_space<vmem>> -> memref<128x64xf32, #tpu.memory_space<vmem>>
      %dma_start3A_399 = arith.constant 0 : i32
      %dma_start3A_400 = tpu.memref_slice %dma_start3A_398[%add3A_385, %dma_start3A_399] : memref<128x64xf32, #tpu.memory_space<vmem>> -> memref<1x64xf32, #tpu.memory_space<vmem>>
      %dma_start3A_401 = arith.constant 0 : i32
      %dma_start3A_402 = tpu.memref_slice %arg2[%squeeze3A_381, %dma_start3A_401] : memref<1000000x64xf32, #tpu.memory_space<hbm>> -> memref<1x64xf32, #tpu.memory_space<hbm>>
      tpu.enqueue_dma source(%dma_start3A_402 : memref<1x64xf32, #tpu.memory_space<hbm>>) target(%dma_start3A_400 : memref<1x64xf32, #tpu.memory_space<vmem>>) target_semaphore(%arg8 : memref<!tpu.dma_semaphore, #tpu.memory_space<semaphore_mem>>)
      %slice3A_403 = vector.extract_strided_slice %get3A_152 {offsets = [11], sizes = [1], strides = [1]} : vector<16xi32> to vector<1xi32>
      %squeeze3A_404 = vector.extract %slice3A_403[0] : i32 from vector<1xi32>
      %mul3A_405 = arith.constant 16 : i32
      %mul3A_406 = arith.muli %scan3A_146, %mul3A_405 : i32
      %add3A_407 = arith.constant 11 : i32
      %add3A_408 = arith.addi %mul3A_406, %add3A_407 : i32
      %dma_start3A_409 = arith.constant 0 : i32
      %dma_start3A_410 = arith.constant 0 : i32
      %dma_start3A_411 = arith.constant 0 : i32
      %dma_start3A_412 = tpu.memref_slice %arg7[%dma_start3A_409, %dma_start3A_410, %dma_start3A_411] : memref<7x128x64xf32, #tpu.memory_space<vmem>> -> memref<1x128x64xf32, #tpu.memory_space<vmem>>
      %dma_start3A_413 = tpu.memref_squeeze %dma_start3A_412 : memref<1x128x64xf32, #tpu.memory_space<vmem>> -> memref<128x64xf32, #tpu.memory_space<vmem>>
      %dma_start3A_414 = arith.constant 0 : i32
      %dma_start3A_415 = tpu.memref_slice %dma_start3A_413[%add3A_408, %dma_start3A_414] : memref<128x64xf32, #tpu.memory_space<vmem>> -> memref<1x64xf32, #tpu.memory_space<vmem>>
      %dma_start3A_416 = arith.constant 0 : i32
      %dma_start3A_417 = tpu.memref_slice %arg2[%squeeze3A_404, %dma_start3A_416] : memref<1000000x64xf32, #tpu.memory_space<hbm>> -> memref<1x64xf32, #tpu.memory_space<hbm>>
      %dma_start3A_418 = arith.constant 0 : i32
      %dma_start3A_419 = arith.constant 0 : i32
      %dma_start3A_420 = tpu.memref_slice %arg7[%dma_start3A_409, %dma_start3A_418, %dma_start3A_419] : memref<7x128x64xf32, #tpu.memory_space<vmem>> -> memref<1x128x64xf32, #tpu.memory_space<vmem>>
      %dma_start3A_421 = tpu.memref_squeeze %dma_start3A_420 : memref<1x128x64xf32, #tpu.memory_space<vmem>> -> memref<128x64xf32, #tpu.memory_space<vmem>>
      %dma_start3A_422 = arith.constant 0 : i32
      %dma_start3A_423 = tpu.memref_slice %dma_start3A_421[%add3A_408, %dma_start3A_422] : memref<128x64xf32, #tpu.memory_space<vmem>> -> memref<1x64xf32, #tpu.memory_space<vmem>>
      %dma_start3A_424 = arith.constant 0 : i32
      %dma_start3A_425 = tpu.memref_slice %arg2[%squeeze3A_404, %dma_start3A_424] : memref<1000000x64xf32, #tpu.memory_space<hbm>> -> memref<1x64xf32, #tpu.memory_space<hbm>>
      tpu.enqueue_dma source(%dma_start3A_425 : memref<1x64xf32, #tpu.memory_space<hbm>>) target(%dma_start3A_423 : memref<1x64xf32, #tpu.memory_space<vmem>>) target_semaphore(%arg8 : memref<!tpu.dma_semaphore, #tpu.memory_space<semaphore_mem>>)
      %slice3A_426 = vector.extract_strided_slice %get3A_152 {offsets = [12], sizes = [1], strides = [1]} : vector<16xi32> to vector<1xi32>
      %squeeze3A_427 = vector.extract %slice3A_426[0] : i32 from vector<1xi32>
      %mul3A_428 = arith.constant 16 : i32
      %mul3A_429 = arith.muli %scan3A_146, %mul3A_428 : i32
      %add3A_430 = arith.constant 12 : i32
      %add3A_431 = arith.addi %mul3A_429, %add3A_430 : i32
      %dma_start3A_432 = arith.constant 0 : i32
      %dma_start3A_433 = arith.constant 0 : i32
      %dma_start3A_434 = arith.constant 0 : i32
      %dma_start3A_435 = tpu.memref_slice %arg7[%dma_start3A_432, %dma_start3A_433, %dma_start3A_434] : memref<7x128x64xf32, #tpu.memory_space<vmem>> -> memref<1x128x64xf32, #tpu.memory_space<vmem>>
      %dma_start3A_436 = tpu.memref_squeeze %dma_start3A_435 : memref<1x128x64xf32, #tpu.memory_space<vmem>> -> memref<128x64xf32, #tpu.memory_space<vmem>>
      %dma_start3A_437 = arith.constant 0 : i32
      %dma_start3A_438 = tpu.memref_slice %dma_start3A_436[%add3A_431, %dma_start3A_437] : memref<128x64xf32, #tpu.memory_space<vmem>> -> memref<1x64xf32, #tpu.memory_space<vmem>>
      %dma_start3A_439 = arith.constant 0 : i32
      %dma_start3A_440 = tpu.memref_slice %arg2[%squeeze3A_427, %dma_start3A_439] : memref<1000000x64xf32, #tpu.memory_space<hbm>> -> memref<1x64xf32, #tpu.memory_space<hbm>>
      %dma_start3A_441 = arith.constant 0 : i32
      %dma_start3A_442 = arith.constant 0 : i32
      %dma_start3A_443 = tpu.memref_slice %arg7[%dma_start3A_432, %dma_start3A_441, %dma_start3A_442] : memref<7x128x64xf32, #tpu.memory_space<vmem>> -> memref<1x128x64xf32, #tpu.memory_space<vmem>>
      %dma_start3A_444 = tpu.memref_squeeze %dma_start3A_443 : memref<1x128x64xf32, #tpu.memory_space<vmem>> -> memref<128x64xf32, #tpu.memory_space<vmem>>
      %dma_start3A_445 = arith.constant 0 : i32
      %dma_start3A_446 = tpu.memref_slice %dma_start3A_444[%add3A_431, %dma_start3A_445] : memref<128x64xf32, #tpu.memory_space<vmem>> -> memref<1x64xf32, #tpu.memory_space<vmem>>
      %dma_start3A_447 = arith.constant 0 : i32
      %dma_start3A_448 = tpu.memref_slice %arg2[%squeeze3A_427, %dma_start3A_447] : memref<1000000x64xf32, #tpu.memory_space<hbm>> -> memref<1x64xf32, #tpu.memory_space<hbm>>
      tpu.enqueue_dma source(%dma_start3A_448 : memref<1x64xf32, #tpu.memory_space<hbm>>) target(%dma_start3A_446 : memref<1x64xf32, #tpu.memory_space<vmem>>) target_semaphore(%arg8 : memref<!tpu.dma_semaphore, #tpu.memory_space<semaphore_mem>>)
      %slice3A_449 = vector.extract_strided_slice %get3A_152 {offsets = [13], sizes = [1], strides = [1]} : vector<16xi32> to vector<1xi32>
      %squeeze3A_450 = vector.extract %slice3A_449[0] : i32 from vector<1xi32>
      %mul3A_451 = arith.constant 16 : i32
      %mul3A_452 = arith.muli %scan3A_146, %mul3A_451 : i32
      %add3A_453 = arith.constant 13 : i32
      %add3A_454 = arith.addi %mul3A_452, %add3A_453 : i32
      %dma_start3A_455 = arith.constant 0 : i32
      %dma_start3A_456 = arith.constant 0 : i32
      %dma_start3A_457 = arith.constant 0 : i32
      %dma_start3A_458 = tpu.memref_slice %arg7[%dma_start3A_455, %dma_start3A_456, %dma_start3A_457] : memref<7x128x64xf32, #tpu.memory_space<vmem>> -> memref<1x128x64xf32, #tpu.memory_space<vmem>>
      %dma_start3A_459 = tpu.memref_squeeze %dma_start3A_458 : memref<1x128x64xf32, #tpu.memory_space<vmem>> -> memref<128x64xf32, #tpu.memory_space<vmem>>
      %dma_start3A_460 = arith.constant 0 : i32
      %dma_start3A_461 = tpu.memref_slice %dma_start3A_459[%add3A_454, %dma_start3A_460] : memref<128x64xf32, #tpu.memory_space<vmem>> -> memref<1x64xf32, #tpu.memory_space<vmem>>
      %dma_start3A_462 = arith.constant 0 : i32
      %dma_start3A_463 = tpu.memref_slice %arg2[%squeeze3A_450, %dma_start3A_462] : memref<1000000x64xf32, #tpu.memory_space<hbm>> -> memref<1x64xf32, #tpu.memory_space<hbm>>
      %dma_start3A_464 = arith.constant 0 : i32
      %dma_start3A_465 = arith.constant 0 : i32
      %dma_start3A_466 = tpu.memref_slice %arg7[%dma_start3A_455, %dma_start3A_464, %dma_start3A_465] : memref<7x128x64xf32, #tpu.memory_space<vmem>> -> memref<1x128x64xf32, #tpu.memory_space<vmem>>
      %dma_start3A_467 = tpu.memref_squeeze %dma_start3A_466 : memref<1x128x64xf32, #tpu.memory_space<vmem>> -> memref<128x64xf32, #tpu.memory_space<vmem>>
      %dma_start3A_468 = arith.constant 0 : i32
      %dma_start3A_469 = tpu.memref_slice %dma_start3A_467[%add3A_454, %dma_start3A_468] : memref<128x64xf32, #tpu.memory_space<vmem>> -> memref<1x64xf32, #tpu.memory_space<vmem>>
      %dma_start3A_470 = arith.constant 0 : i32
      %dma_start3A_471 = tpu.memref_slice %arg2[%squeeze3A_450, %dma_start3A_470] : memref<1000000x64xf32, #tpu.memory_space<hbm>> -> memref<1x64xf32, #tpu.memory_space<hbm>>
      tpu.enqueue_dma source(%dma_start3A_471 : memref<1x64xf32, #tpu.memory_space<hbm>>) target(%dma_start3A_469 : memref<1x64xf32, #tpu.memory_space<vmem>>) target_semaphore(%arg8 : memref<!tpu.dma_semaphore, #tpu.memory_space<semaphore_mem>>)
      %slice3A_472 = vector.extract_strided_slice %get3A_152 {offsets = [14], sizes = [1], strides = [1]} : vector<16xi32> to vector<1xi32>
      %squeeze3A_473 = vector.extract %slice3A_472[0] : i32 from vector<1xi32>
      %mul3A_474 = arith.constant 16 : i32
      %mul3A_475 = arith.muli %scan3A_146, %mul3A_474 : i32
      %add3A_476 = arith.constant 14 : i32
      %add3A_477 = arith.addi %mul3A_475, %add3A_476 : i32
      %dma_start3A_478 = arith.constant 0 : i32
      %dma_start3A_479 = arith.constant 0 : i32
      %dma_start3A_480 = arith.constant 0 : i32
      %dma_start3A_481 = tpu.memref_slice %arg7[%dma_start3A_478, %dma_start3A_479, %dma_start3A_480] : memref<7x128x64xf32, #tpu.memory_space<vmem>> -> memref<1x128x64xf32, #tpu.memory_space<vmem>>
      %dma_start3A_482 = tpu.memref_squeeze %dma_start3A_481 : memref<1x128x64xf32, #tpu.memory_space<vmem>> -> memref<128x64xf32, #tpu.memory_space<vmem>>
      %dma_start3A_483 = arith.constant 0 : i32
      %dma_start3A_484 = tpu.memref_slice %dma_start3A_482[%add3A_477, %dma_start3A_483] : memref<128x64xf32, #tpu.memory_space<vmem>> -> memref<1x64xf32, #tpu.memory_space<vmem>>
      %dma_start3A_485 = arith.constant 0 : i32
      %dma_start3A_486 = tpu.memref_slice %arg2[%squeeze3A_473, %dma_start3A_485] : memref<1000000x64xf32, #tpu.memory_space<hbm>> -> memref<1x64xf32, #tpu.memory_space<hbm>>
      %dma_start3A_487 = arith.constant 0 : i32
      %dma_start3A_488 = arith.constant 0 : i32
      %dma_start3A_489 = tpu.memref_slice %arg7[%dma_start3A_478, %dma_start3A_487, %dma_start3A_488] : memref<7x128x64xf32, #tpu.memory_space<vmem>> -> memref<1x128x64xf32, #tpu.memory_space<vmem>>
      %dma_start3A_490 = tpu.memref_squeeze %dma_start3A_489 : memref<1x128x64xf32, #tpu.memory_space<vmem>> -> memref<128x64xf32, #tpu.memory_space<vmem>>
      %dma_start3A_491 = arith.constant 0 : i32
      %dma_start3A_492 = tpu.memref_slice %dma_start3A_490[%add3A_477, %dma_start3A_491] : memref<128x64xf32, #tpu.memory_space<vmem>> -> memref<1x64xf32, #tpu.memory_space<vmem>>
      %dma_start3A_493 = arith.constant 0 : i32
      %dma_start3A_494 = tpu.memref_slice %arg2[%squeeze3A_473, %dma_start3A_493] : memref<1000000x64xf32, #tpu.memory_space<hbm>> -> memref<1x64xf32, #tpu.memory_space<hbm>>
      tpu.enqueue_dma source(%dma_start3A_494 : memref<1x64xf32, #tpu.memory_space<hbm>>) target(%dma_start3A_492 : memref<1x64xf32, #tpu.memory_space<vmem>>) target_semaphore(%arg8 : memref<!tpu.dma_semaphore, #tpu.memory_space<semaphore_mem>>)
      %slice3A_495 = vector.extract_strided_slice %get3A_152 {offsets = [15], sizes = [1], strides = [1]} : vector<16xi32> to vector<1xi32>
      %squeeze3A_496 = vector.extract %slice3A_495[0] : i32 from vector<1xi32>
      %mul3A_497 = arith.constant 16 : i32
      %mul3A_498 = arith.muli %scan3A_146, %mul3A_497 : i32
      %add3A_499 = arith.constant 15 : i32
      %add3A_500 = arith.addi %mul3A_498, %add3A_499 : i32
      %dma_start3A_501 = arith.constant 0 : i32
      %dma_start3A_502 = arith.constant 0 : i32
      %dma_start3A_503 = arith.constant 0 : i32
      %dma_start3A_504 = tpu.memref_slice %arg7[%dma_start3A_501, %dma_start3A_502, %dma_start3A_503] : memref<7x128x64xf32, #tpu.memory_space<vmem>> -> memref<1x128x64xf32, #tpu.memory_space<vmem>>
      %dma_start3A_505 = tpu.memref_squeeze %dma_start3A_504 : memref<1x128x64xf32, #tpu.memory_space<vmem>> -> memref<128x64xf32, #tpu.memory_space<vmem>>
      %dma_start3A_506 = arith.constant 0 : i32
      %dma_start3A_507 = tpu.memref_slice %dma_start3A_505[%add3A_500, %dma_start3A_506] : memref<128x64xf32, #tpu.memory_space<vmem>> -> memref<1x64xf32, #tpu.memory_space<vmem>>
      %dma_start3A_508 = arith.constant 0 : i32
      %dma_start3A_509 = tpu.memref_slice %arg2[%squeeze3A_496, %dma_start3A_508] : memref<1000000x64xf32, #tpu.memory_space<hbm>> -> memref<1x64xf32, #tpu.memory_space<hbm>>
      %dma_start3A_510 = arith.constant 0 : i32
      %dma_start3A_511 = arith.constant 0 : i32
      %dma_start3A_512 = tpu.memref_slice %arg7[%dma_start3A_501, %dma_start3A_510, %dma_start3A_511] : memref<7x128x64xf32, #tpu.memory_space<vmem>> -> memref<1x128x64xf32, #tpu.memory_space<vmem>>
      %dma_start3A_513 = tpu.memref_squeeze %dma_start3A_512 : memref<1x128x64xf32, #tpu.memory_space<vmem>> -> memref<128x64xf32, #tpu.memory_space<vmem>>
      %dma_start3A_514 = arith.constant 0 : i32
      %dma_start3A_515 = tpu.memref_slice %dma_start3A_513[%add3A_500, %dma_start3A_514] : memref<128x64xf32, #tpu.memory_space<vmem>> -> memref<1x64xf32, #tpu.memory_space<vmem>>
      %dma_start3A_516 = arith.constant 0 : i32
      %dma_start3A_517 = tpu.memref_slice %arg2[%squeeze3A_496, %dma_start3A_516] : memref<1000000x64xf32, #tpu.memory_space<hbm>> -> memref<1x64xf32, #tpu.memory_space<hbm>>
      tpu.enqueue_dma source(%dma_start3A_517 : memref<1x64xf32, #tpu.memory_space<hbm>>) target(%dma_start3A_515 : memref<1x64xf32, #tpu.memory_space<vmem>>) target_semaphore(%arg8 : memref<!tpu.dma_semaphore, #tpu.memory_space<semaphore_mem>>)
    }
    %scan3A_5 = arith.constant 8 : i32
    %scan3A_6 = arith.constant 0 : i32
    %scan3A_7 = arith.constant 0 : i32
    %scan3A_8 = arith.constant 8 : i32
    %scan3A_9 = arith.addi %scan3A_7, %scan3A_8 : i32
    %scan3A_10 = arith.constant 1 : i32
    scf.for %scan3A_146 = %scan3A_7 to %scan3A_9 step %scan3A_10  : i32 {
      %mul3A_147 = arith.constant 16 : i32
      %mul3A_148 = arith.muli %scan3A_146, %mul3A_147 : i32
      %get3A = arith.constant 1 : i32
      %get3A_149 = arith.index_cast %get3A : i32 to index
      %get3A_150 = arith.index_cast %mul3A_148 : i32 to index
      %get3A_151 = tpu.vector_load %arg6[%get3A_149, %get3A_150] {strides = array<i32>} : memref<7x128xi32, #tpu.memory_space<vmem>>, vector<1x16xi32>,
      %get3A_152 = vector.shape_cast %get3A_151 : vector<1x16xi32> to vector<16xi32>
      %slice3A = vector.extract_strided_slice %get3A_152 {offsets = [0], sizes = [1], strides = [1]} : vector<16xi32> to vector<1xi32>
      %squeeze3A = vector.extract %slice3A[0] : i32 from vector<1xi32>
      %mul3A_153 = arith.constant 16 : i32
      %mul3A_154 = arith.muli %scan3A_146, %mul3A_153 : i32
      %add3A_155 = arith.constant 0 : i32
      %add3A_156 = arith.addi %mul3A_154, %add3A_155 : i32
      %dma_start3A = arith.constant 1 : i32
      %dma_start3A_157 = arith.constant 0 : i32
      %dma_start3A_158 = arith.constant 0 : i32
      %dma_start3A_159 = tpu.memref_slice %arg7[%dma_start3A, %dma_start3A_157, %dma_start3A_158] : memref<7x128x64xf32, #tpu.memory_space<vmem>> -> memref<1x128x64xf32, #tpu.memory_space<vmem>>
      %dma_start3A_160 = tpu.memref_squeeze %dma_start3A_159 : memref<1x128x64xf32, #tpu.memory_space<vmem>> -> memref<128x64xf32, #tpu.memory_space<vmem>>
      %dma_start3A_161 = arith.constant 0 : i32
      %dma_start3A_162 = tpu.memref_slice %dma_start3A_160[%add3A_156, %dma_start3A_161] : memref<128x64xf32, #tpu.memory_space<vmem>> -> memref<1x64xf32, #tpu.memory_space<vmem>>
      %dma_start3A_163 = arith.constant 0 : i32
      %dma_start3A_164 = tpu.memref_slice %arg3[%squeeze3A, %dma_start3A_163] : memref<1000000x64xf32, #tpu.memory_space<hbm>> -> memref<1x64xf32, #tpu.memory_space<hbm>>
      %dma_start3A_165 = arith.constant 0 : i32
      %dma_start3A_166 = arith.constant 0 : i32
      %dma_start3A_167 = tpu.memref_slice %arg7[%dma_start3A, %dma_start3A_165, %dma_start3A_166] : memref<7x128x64xf32, #tpu.memory_space<vmem>> -> memref<1x128x64xf32, #tpu.memory_space<vmem>>
      %dma_start3A_168 = tpu.memref_squeeze %dma_start3A_167 : memref<1x128x64xf32, #tpu.memory_space<vmem>> -> memref<128x64xf32, #tpu.memory_space<vmem>>
      %dma_start3A_169 = arith.constant 0 : i32
      %dma_start3A_170 = tpu.memref_slice %dma_start3A_168[%add3A_156, %dma_start3A_169] : memref<128x64xf32, #tpu.memory_space<vmem>> -> memref<1x64xf32, #tpu.memory_space<vmem>>
      %dma_start3A_171 = arith.constant 0 : i32
      %dma_start3A_172 = tpu.memref_slice %arg3[%squeeze3A, %dma_start3A_171] : memref<1000000x64xf32, #tpu.memory_space<hbm>> -> memref<1x64xf32, #tpu.memory_space<hbm>>
      tpu.enqueue_dma source(%dma_start3A_172 : memref<1x64xf32, #tpu.memory_space<hbm>>) target(%dma_start3A_170 : memref<1x64xf32, #tpu.memory_space<vmem>>) target_semaphore(%arg8 : memref<!tpu.dma_semaphore, #tpu.memory_space<semaphore_mem>>)
      %slice3A_173 = vector.extract_strided_slice %get3A_152 {offsets = [1], sizes = [1], strides = [1]} : vector<16xi32> to vector<1xi32>
      %squeeze3A_174 = vector.extract %slice3A_173[0] : i32 from vector<1xi32>
      %mul3A_175 = arith.constant 16 : i32
      %mul3A_176 = arith.muli %scan3A_146, %mul3A_175 : i32
      %add3A_177 = arith.constant 1 : i32
      %add3A_178 = arith.addi %mul3A_176, %add3A_177 : i32
      %dma_start3A_179 = arith.constant 1 : i32
      %dma_start3A_180 = arith.constant 0 : i32
      %dma_start3A_181 = arith.constant 0 : i32
      %dma_start3A_182 = tpu.memref_slice %arg7[%dma_start3A_179, %dma_start3A_180, %dma_start3A_181] : memref<7x128x64xf32, #tpu.memory_space<vmem>> -> memref<1x128x64xf32, #tpu.memory_space<vmem>>
      %dma_start3A_183 = tpu.memref_squeeze %dma_start3A_182 : memref<1x128x64xf32, #tpu.memory_space<vmem>> -> memref<128x64xf32, #tpu.memory_space<vmem>>
      %dma_start3A_184 = arith.constant 0 : i32
      %dma_start3A_185 = tpu.memref_slice %dma_start3A_183[%add3A_178, %dma_start3A_184] : memref<128x64xf32, #tpu.memory_space<vmem>> -> memref<1x64xf32, #tpu.memory_space<vmem>>
      %dma_start3A_186 = arith.constant 0 : i32
      %dma_start3A_187 = tpu.memref_slice %arg3[%squeeze3A_174, %dma_start3A_186] : memref<1000000x64xf32, #tpu.memory_space<hbm>> -> memref<1x64xf32, #tpu.memory_space<hbm>>
      %dma_start3A_188 = arith.constant 0 : i32
      %dma_start3A_189 = arith.constant 0 : i32
      %dma_start3A_190 = tpu.memref_slice %arg7[%dma_start3A_179, %dma_start3A_188, %dma_start3A_189] : memref<7x128x64xf32, #tpu.memory_space<vmem>> -> memref<1x128x64xf32, #tpu.memory_space<vmem>>
      %dma_start3A_191 = tpu.memref_squeeze %dma_start3A_190 : memref<1x128x64xf32, #tpu.memory_space<vmem>> -> memref<128x64xf32, #tpu.memory_space<vmem>>
      %dma_start3A_192 = arith.constant 0 : i32
      %dma_start3A_193 = tpu.memref_slice %dma_start3A_191[%add3A_178, %dma_start3A_192] : memref<128x64xf32, #tpu.memory_space<vmem>> -> memref<1x64xf32, #tpu.memory_space<vmem>>
      %dma_start3A_194 = arith.constant 0 : i32
      %dma_start3A_195 = tpu.memref_slice %arg3[%squeeze3A_174, %dma_start3A_194] : memref<1000000x64xf32, #tpu.memory_space<hbm>> -> memref<1x64xf32, #tpu.memory_space<hbm>>
      tpu.enqueue_dma source(%dma_start3A_195 : memref<1x64xf32, #tpu.memory_space<hbm>>) target(%dma_start3A_193 : memref<1x64xf32, #tpu.memory_space<vmem>>) target_semaphore(%arg8 : memref<!tpu.dma_semaphore, #tpu.memory_space<semaphore_mem>>)
      %slice3A_196 = vector.extract_strided_slice %get3A_152 {offsets = [2], sizes = [1], strides = [1]} : vector<16xi32> to vector<1xi32>
      %squeeze3A_197 = vector.extract %slice3A_196[0] : i32 from vector<1xi32>
      %mul3A_198 = arith.constant 16 : i32
      %mul3A_199 = arith.muli %scan3A_146, %mul3A_198 : i32
      %add3A_200 = arith.constant 2 : i32
      %add3A_201 = arith.addi %mul3A_199, %add3A_200 : i32
      %dma_start3A_202 = arith.constant 1 : i32
      %dma_start3A_203 = arith.constant 0 : i32
      %dma_start3A_204 = arith.constant 0 : i32
      %dma_start3A_205 = tpu.memref_slice %arg7[%dma_start3A_202, %dma_start3A_203, %dma_start3A_204] : memref<7x128x64xf32, #tpu.memory_space<vmem>> -> memref<1x128x64xf32, #tpu.memory_space<vmem>>
      %dma_start3A_206 = tpu.memref_squeeze %dma_start3A_205 : memref<1x128x64xf32, #tpu.memory_space<vmem>> -> memref<128x64xf32, #tpu.memory_space<vmem>>
      %dma_start3A_207 = arith.constant 0 : i32
      %dma_start3A_208 = tpu.memref_slice %dma_start3A_206[%add3A_201, %dma_start3A_207] : memref<128x64xf32, #tpu.memory_space<vmem>> -> memref<1x64xf32, #tpu.memory_space<vmem>>
      %dma_start3A_209 = arith.constant 0 : i32
      %dma_start3A_210 = tpu.memref_slice %arg3[%squeeze3A_197, %dma_start3A_209] : memref<1000000x64xf32, #tpu.memory_space<hbm>> -> memref<1x64xf32, #tpu.memory_space<hbm>>
      %dma_start3A_211 = arith.constant 0 : i32
      %dma_start3A_212 = arith.constant 0 : i32
      %dma_start3A_213 = tpu.memref_slice %arg7[%dma_start3A_202, %dma_start3A_211, %dma_start3A_212] : memref<7x128x64xf32, #tpu.memory_space<vmem>> -> memref<1x128x64xf32, #tpu.memory_space<vmem>>
      %dma_start3A_214 = tpu.memref_squeeze %dma_start3A_213 : memref<1x128x64xf32, #tpu.memory_space<vmem>> -> memref<128x64xf32, #tpu.memory_space<vmem>>
      %dma_start3A_215 = arith.constant 0 : i32
      %dma_start3A_216 = tpu.memref_slice %dma_start3A_214[%add3A_201, %dma_start3A_215] : memref<128x64xf32, #tpu.memory_space<vmem>> -> memref<1x64xf32, #tpu.memory_space<vmem>>
      %dma_start3A_217 = arith.constant 0 : i32
      %dma_start3A_218 = tpu.memref_slice %arg3[%squeeze3A_197, %dma_start3A_217] : memref<1000000x64xf32, #tpu.memory_space<hbm>> -> memref<1x64xf32, #tpu.memory_space<hbm>>
      tpu.enqueue_dma source(%dma_start3A_218 : memref<1x64xf32, #tpu.memory_space<hbm>>) target(%dma_start3A_216 : memref<1x64xf32, #tpu.memory_space<vmem>>) target_semaphore(%arg8 : memref<!tpu.dma_semaphore, #tpu.memory_space<semaphore_mem>>)
      %slice3A_219 = vector.extract_strided_slice %get3A_152 {offsets = [3], sizes = [1], strides = [1]} : vector<16xi32> to vector<1xi32>
      %squeeze3A_220 = vector.extract %slice3A_219[0] : i32 from vector<1xi32>
      %mul3A_221 = arith.constant 16 : i32
      %mul3A_222 = arith.muli %scan3A_146, %mul3A_221 : i32
      %add3A_223 = arith.constant 3 : i32
      %add3A_224 = arith.addi %mul3A_222, %add3A_223 : i32
      %dma_start3A_225 = arith.constant 1 : i32
      %dma_start3A_226 = arith.constant 0 : i32
      %dma_start3A_227 = arith.constant 0 : i32
      %dma_start3A_228 = tpu.memref_slice %arg7[%dma_start3A_225, %dma_start3A_226, %dma_start3A_227] : memref<7x128x64xf32, #tpu.memory_space<vmem>> -> memref<1x128x64xf32, #tpu.memory_space<vmem>>
      %dma_start3A_229 = tpu.memref_squeeze %dma_start3A_228 : memref<1x128x64xf32, #tpu.memory_space<vmem>> -> memref<128x64xf32, #tpu.memory_space<vmem>>
      %dma_start3A_230 = arith.constant 0 : i32
      %dma_start3A_231 = tpu.memref_slice %dma_start3A_229[%add3A_224, %dma_start3A_230] : memref<128x64xf32, #tpu.memory_space<vmem>> -> memref<1x64xf32, #tpu.memory_space<vmem>>
      %dma_start3A_232 = arith.constant 0 : i32
      %dma_start3A_233 = tpu.memref_slice %arg3[%squeeze3A_220, %dma_start3A_232] : memref<1000000x64xf32, #tpu.memory_space<hbm>> -> memref<1x64xf32, #tpu.memory_space<hbm>>
      %dma_start3A_234 = arith.constant 0 : i32
      %dma_start3A_235 = arith.constant 0 : i32
      %dma_start3A_236 = tpu.memref_slice %arg7[%dma_start3A_225, %dma_start3A_234, %dma_start3A_235] : memref<7x128x64xf32, #tpu.memory_space<vmem>> -> memref<1x128x64xf32, #tpu.memory_space<vmem>>
      %dma_start3A_237 = tpu.memref_squeeze %dma_start3A_236 : memref<1x128x64xf32, #tpu.memory_space<vmem>> -> memref<128x64xf32, #tpu.memory_space<vmem>>
      %dma_start3A_238 = arith.constant 0 : i32
      %dma_start3A_239 = tpu.memref_slice %dma_start3A_237[%add3A_224, %dma_start3A_238] : memref<128x64xf32, #tpu.memory_space<vmem>> -> memref<1x64xf32, #tpu.memory_space<vmem>>
      %dma_start3A_240 = arith.constant 0 : i32
      %dma_start3A_241 = tpu.memref_slice %arg3[%squeeze3A_220, %dma_start3A_240] : memref<1000000x64xf32, #tpu.memory_space<hbm>> -> memref<1x64xf32, #tpu.memory_space<hbm>>
      tpu.enqueue_dma source(%dma_start3A_241 : memref<1x64xf32, #tpu.memory_space<hbm>>) target(%dma_start3A_239 : memref<1x64xf32, #tpu.memory_space<vmem>>) target_semaphore(%arg8 : memref<!tpu.dma_semaphore, #tpu.memory_space<semaphore_mem>>)
      %slice3A_242 = vector.extract_strided_slice %get3A_152 {offsets = [4], sizes = [1], strides = [1]} : vector<16xi32> to vector<1xi32>
      %squeeze3A_243 = vector.extract %slice3A_242[0] : i32 from vector<1xi32>
      %mul3A_244 = arith.constant 16 : i32
      %mul3A_245 = arith.muli %scan3A_146, %mul3A_244 : i32
      %add3A_246 = arith.constant 4 : i32
      %add3A_247 = arith.addi %mul3A_245, %add3A_246 : i32
      %dma_start3A_248 = arith.constant 1 : i32
      %dma_start3A_249 = arith.constant 0 : i32
      %dma_start3A_250 = arith.constant 0 : i32
      %dma_start3A_251 = tpu.memref_slice %arg7[%dma_start3A_248, %dma_start3A_249, %dma_start3A_250] : memref<7x128x64xf32, #tpu.memory_space<vmem>> -> memref<1x128x64xf32, #tpu.memory_space<vmem>>
      %dma_start3A_252 = tpu.memref_squeeze %dma_start3A_251 : memref<1x128x64xf32, #tpu.memory_space<vmem>> -> memref<128x64xf32, #tpu.memory_space<vmem>>
      %dma_start3A_253 = arith.constant 0 : i32
      %dma_start3A_254 = tpu.memref_slice %dma_start3A_252[%add3A_247, %dma_start3A_253] : memref<128x64xf32, #tpu.memory_space<vmem>> -> memref<1x64xf32, #tpu.memory_space<vmem>>
      %dma_start3A_255 = arith.constant 0 : i32
      %dma_start3A_256 = tpu.memref_slice %arg3[%squeeze3A_243, %dma_start3A_255] : memref<1000000x64xf32, #tpu.memory_space<hbm>> -> memref<1x64xf32, #tpu.memory_space<hbm>>
      %dma_start3A_257 = arith.constant 0 : i32
      %dma_start3A_258 = arith.constant 0 : i32
      %dma_start3A_259 = tpu.memref_slice %arg7[%dma_start3A_248, %dma_start3A_257, %dma_start3A_258] : memref<7x128x64xf32, #tpu.memory_space<vmem>> -> memref<1x128x64xf32, #tpu.memory_space<vmem>>
      %dma_start3A_260 = tpu.memref_squeeze %dma_start3A_259 : memref<1x128x64xf32, #tpu.memory_space<vmem>> -> memref<128x64xf32, #tpu.memory_space<vmem>>
      %dma_start3A_261 = arith.constant 0 : i32
      %dma_start3A_262 = tpu.memref_slice %dma_start3A_260[%add3A_247, %dma_start3A_261] : memref<128x64xf32, #tpu.memory_space<vmem>> -> memref<1x64xf32, #tpu.memory_space<vmem>>
      %dma_start3A_263 = arith.constant 0 : i32
      %dma_start3A_264 = tpu.memref_slice %arg3[%squeeze3A_243, %dma_start3A_263] : memref<1000000x64xf32, #tpu.memory_space<hbm>> -> memref<1x64xf32, #tpu.memory_space<hbm>>
      tpu.enqueue_dma source(%dma_start3A_264 : memref<1x64xf32, #tpu.memory_space<hbm>>) target(%dma_start3A_262 : memref<1x64xf32, #tpu.memory_space<vmem>>) target_semaphore(%arg8 : memref<!tpu.dma_semaphore, #tpu.memory_space<semaphore_mem>>)
      %slice3A_265 = vector.extract_strided_slice %get3A_152 {offsets = [5], sizes = [1], strides = [1]} : vector<16xi32> to vector<1xi32>
      %squeeze3A_266 = vector.extract %slice3A_265[0] : i32 from vector<1xi32>
      %mul3A_267 = arith.constant 16 : i32
      %mul3A_268 = arith.muli %scan3A_146, %mul3A_267 : i32
      %add3A_269 = arith.constant 5 : i32
      %add3A_270 = arith.addi %mul3A_268, %add3A_269 : i32
      %dma_start3A_271 = arith.constant 1 : i32
      %dma_start3A_272 = arith.constant 0 : i32
      %dma_start3A_273 = arith.constant 0 : i32
      %dma_start3A_274 = tpu.memref_slice %arg7[%dma_start3A_271, %dma_start3A_272, %dma_start3A_273] : memref<7x128x64xf32, #tpu.memory_space<vmem>> -> memref<1x128x64xf32, #tpu.memory_space<vmem>>
      %dma_start3A_275 = tpu.memref_squeeze %dma_start3A_274 : memref<1x128x64xf32, #tpu.memory_space<vmem>> -> memref<128x64xf32, #tpu.memory_space<vmem>>
      %dma_start3A_276 = arith.constant 0 : i32
      %dma_start3A_277 = tpu.memref_slice %dma_start3A_275[%add3A_270, %dma_start3A_276] : memref<128x64xf32, #tpu.memory_space<vmem>> -> memref<1x64xf32, #tpu.memory_space<vmem>>
      %dma_start3A_278 = arith.constant 0 : i32
      %dma_start3A_279 = tpu.memref_slice %arg3[%squeeze3A_266, %dma_start3A_278] : memref<1000000x64xf32, #tpu.memory_space<hbm>> -> memref<1x64xf32, #tpu.memory_space<hbm>>
      %dma_start3A_280 = arith.constant 0 : i32
      %dma_start3A_281 = arith.constant 0 : i32
      %dma_start3A_282 = tpu.memref_slice %arg7[%dma_start3A_271, %dma_start3A_280, %dma_start3A_281] : memref<7x128x64xf32, #tpu.memory_space<vmem>> -> memref<1x128x64xf32, #tpu.memory_space<vmem>>
      %dma_start3A_283 = tpu.memref_squeeze %dma_start3A_282 : memref<1x128x64xf32, #tpu.memory_space<vmem>> -> memref<128x64xf32, #tpu.memory_space<vmem>>
      %dma_start3A_284 = arith.constant 0 : i32
      %dma_start3A_285 = tpu.memref_slice %dma_start3A_283[%add3A_270, %dma_start3A_284] : memref<128x64xf32, #tpu.memory_space<vmem>> -> memref<1x64xf32, #tpu.memory_space<vmem>>
      %dma_start3A_286 = arith.constant 0 : i32
      %dma_start3A_287 = tpu.memref_slice %arg3[%squeeze3A_266, %dma_start3A_286] : memref<1000000x64xf32, #tpu.memory_space<hbm>> -> memref<1x64xf32, #tpu.memory_space<hbm>>
      tpu.enqueue_dma source(%dma_start3A_287 : memref<1x64xf32, #tpu.memory_space<hbm>>) target(%dma_start3A_285 : memref<1x64xf32, #tpu.memory_space<vmem>>) target_semaphore(%arg8 : memref<!tpu.dma_semaphore, #tpu.memory_space<semaphore_mem>>)
      %slice3A_288 = vector.extract_strided_slice %get3A_152 {offsets = [6], sizes = [1], strides = [1]} : vector<16xi32> to vector<1xi32>
      %squeeze3A_289 = vector.extract %slice3A_288[0] : i32 from vector<1xi32>
      %mul3A_290 = arith.constant 16 : i32
      %mul3A_291 = arith.muli %scan3A_146, %mul3A_290 : i32
      %add3A_292 = arith.constant 6 : i32
      %add3A_293 = arith.addi %mul3A_291, %add3A_292 : i32
      %dma_start3A_294 = arith.constant 1 : i32
      %dma_start3A_295 = arith.constant 0 : i32
      %dma_start3A_296 = arith.constant 0 : i32
      %dma_start3A_297 = tpu.memref_slice %arg7[%dma_start3A_294, %dma_start3A_295, %dma_start3A_296] : memref<7x128x64xf32, #tpu.memory_space<vmem>> -> memref<1x128x64xf32, #tpu.memory_space<vmem>>
      %dma_start3A_298 = tpu.memref_squeeze %dma_start3A_297 : memref<1x128x64xf32, #tpu.memory_space<vmem>> -> memref<128x64xf32, #tpu.memory_space<vmem>>
      %dma_start3A_299 = arith.constant 0 : i32
      %dma_start3A_300 = tpu.memref_slice %dma_start3A_298[%add3A_293, %dma_start3A_299] : memref<128x64xf32, #tpu.memory_space<vmem>> -> memref<1x64xf32, #tpu.memory_space<vmem>>
      %dma_start3A_301 = arith.constant 0 : i32
      %dma_start3A_302 = tpu.memref_slice %arg3[%squeeze3A_289, %dma_start3A_301] : memref<1000000x64xf32, #tpu.memory_space<hbm>> -> memref<1x64xf32, #tpu.memory_space<hbm>>
      %dma_start3A_303 = arith.constant 0 : i32
      %dma_start3A_304 = arith.constant 0 : i32
      %dma_start3A_305 = tpu.memref_slice %arg7[%dma_start3A_294, %dma_start3A_303, %dma_start3A_304] : memref<7x128x64xf32, #tpu.memory_space<vmem>> -> memref<1x128x64xf32, #tpu.memory_space<vmem>>
      %dma_start3A_306 = tpu.memref_squeeze %dma_start3A_305 : memref<1x128x64xf32, #tpu.memory_space<vmem>> -> memref<128x64xf32, #tpu.memory_space<vmem>>
      %dma_start3A_307 = arith.constant 0 : i32
      %dma_start3A_308 = tpu.memref_slice %dma_start3A_306[%add3A_293, %dma_start3A_307] : memref<128x64xf32, #tpu.memory_space<vmem>> -> memref<1x64xf32, #tpu.memory_space<vmem>>
      %dma_start3A_309 = arith.constant 0 : i32
      %dma_start3A_310 = tpu.memref_slice %arg3[%squeeze3A_289, %dma_start3A_309] : memref<1000000x64xf32, #tpu.memory_space<hbm>> -> memref<1x64xf32, #tpu.memory_space<hbm>>
      tpu.enqueue_dma source(%dma_start3A_310 : memref<1x64xf32, #tpu.memory_space<hbm>>) target(%dma_start3A_308 : memref<1x64xf32, #tpu.memory_space<vmem>>) target_semaphore(%arg8 : memref<!tpu.dma_semaphore, #tpu.memory_space<semaphore_mem>>)
      %slice3A_311 = vector.extract_strided_slice %get3A_152 {offsets = [7], sizes = [1], strides = [1]} : vector<16xi32> to vector<1xi32>
      %squeeze3A_312 = vector.extract %slice3A_311[0] : i32 from vector<1xi32>
      %mul3A_313 = arith.constant 16 : i32
      %mul3A_314 = arith.muli %scan3A_146, %mul3A_313 : i32
      %add3A_315 = arith.constant 7 : i32
      %add3A_316 = arith.addi %mul3A_314, %add3A_315 : i32
      %dma_start3A_317 = arith.constant 1 : i32
      %dma_start3A_318 = arith.constant 0 : i32
      %dma_start3A_319 = arith.constant 0 : i32
      %dma_start3A_320 = tpu.memref_slice %arg7[%dma_start3A_317, %dma_start3A_318, %dma_start3A_319] : memref<7x128x64xf32, #tpu.memory_space<vmem>> -> memref<1x128x64xf32, #tpu.memory_space<vmem>>
      %dma_start3A_321 = tpu.memref_squeeze %dma_start3A_320 : memref<1x128x64xf32, #tpu.memory_space<vmem>> -> memref<128x64xf32, #tpu.memory_space<vmem>>
      %dma_start3A_322 = arith.constant 0 : i32
      %dma_start3A_323 = tpu.memref_slice %dma_start3A_321[%add3A_316, %dma_start3A_322] : memref<128x64xf32, #tpu.memory_space<vmem>> -> memref<1x64xf32, #tpu.memory_space<vmem>>
      %dma_start3A_324 = arith.constant 0 : i32
      %dma_start3A_325 = tpu.memref_slice %arg3[%squeeze3A_312, %dma_start3A_324] : memref<1000000x64xf32, #tpu.memory_space<hbm>> -> memref<1x64xf32, #tpu.memory_space<hbm>>
      %dma_start3A_326 = arith.constant 0 : i32
      %dma_start3A_327 = arith.constant 0 : i32
      %dma_start3A_328 = tpu.memref_slice %arg7[%dma_start3A_317, %dma_start3A_326, %dma_start3A_327] : memref<7x128x64xf32, #tpu.memory_space<vmem>> -> memref<1x128x64xf32, #tpu.memory_space<vmem>>
      %dma_start3A_329 = tpu.memref_squeeze %dma_start3A_328 : memref<1x128x64xf32, #tpu.memory_space<vmem>> -> memref<128x64xf32, #tpu.memory_space<vmem>>
      %dma_start3A_330 = arith.constant 0 : i32
      %dma_start3A_331 = tpu.memref_slice %dma_start3A_329[%add3A_316, %dma_start3A_330] : memref<128x64xf32, #tpu.memory_space<vmem>> -> memref<1x64xf32, #tpu.memory_space<vmem>>
      %dma_start3A_332 = arith.constant 0 : i32
      %dma_start3A_333 = tpu.memref_slice %arg3[%squeeze3A_312, %dma_start3A_332] : memref<1000000x64xf32, #tpu.memory_space<hbm>> -> memref<1x64xf32, #tpu.memory_space<hbm>>
      tpu.enqueue_dma source(%dma_start3A_333 : memref<1x64xf32, #tpu.memory_space<hbm>>) target(%dma_start3A_331 : memref<1x64xf32, #tpu.memory_space<vmem>>) target_semaphore(%arg8 : memref<!tpu.dma_semaphore, #tpu.memory_space<semaphore_mem>>)
      %slice3A_334 = vector.extract_strided_slice %get3A_152 {offsets = [8], sizes = [1], strides = [1]} : vector<16xi32> to vector<1xi32>
      %squeeze3A_335 = vector.extract %slice3A_334[0] : i32 from vector<1xi32>
      %mul3A_336 = arith.constant 16 : i32
      %mul3A_337 = arith.muli %scan3A_146, %mul3A_336 : i32
      %add3A_338 = arith.constant 8 : i32
      %add3A_339 = arith.addi %mul3A_337, %add3A_338 : i32
      %dma_start3A_340 = arith.constant 1 : i32
      %dma_start3A_341 = arith.constant 0 : i32
      %dma_start3A_342 = arith.constant 0 : i32
      %dma_start3A_343 = tpu.memref_slice %arg7[%dma_start3A_340, %dma_start3A_341, %dma_start3A_342] : memref<7x128x64xf32, #tpu.memory_space<vmem>> -> memref<1x128x64xf32, #tpu.memory_space<vmem>>
      %dma_start3A_344 = tpu.memref_squeeze %dma_start3A_343 : memref<1x128x64xf32, #tpu.memory_space<vmem>> -> memref<128x64xf32, #tpu.memory_space<vmem>>
      %dma_start3A_345 = arith.constant 0 : i32
      %dma_start3A_346 = tpu.memref_slice %dma_start3A_344[%add3A_339, %dma_start3A_345] : memref<128x64xf32, #tpu.memory_space<vmem>> -> memref<1x64xf32, #tpu.memory_space<vmem>>
      %dma_start3A_347 = arith.constant 0 : i32
      %dma_start3A_348 = tpu.memref_slice %arg3[%squeeze3A_335, %dma_start3A_347] : memref<1000000x64xf32, #tpu.memory_space<hbm>> -> memref<1x64xf32, #tpu.memory_space<hbm>>
      %dma_start3A_349 = arith.constant 0 : i32
      %dma_start3A_350 = arith.constant 0 : i32
      %dma_start3A_351 = tpu.memref_slice %arg7[%dma_start3A_340, %dma_start3A_349, %dma_start3A_350] : memref<7x128x64xf32, #tpu.memory_space<vmem>> -> memref<1x128x64xf32, #tpu.memory_space<vmem>>
      %dma_start3A_352 = tpu.memref_squeeze %dma_start3A_351 : memref<1x128x64xf32, #tpu.memory_space<vmem>> -> memref<128x64xf32, #tpu.memory_space<vmem>>
      %dma_start3A_353 = arith.constant 0 : i32
      %dma_start3A_354 = tpu.memref_slice %dma_start3A_352[%add3A_339, %dma_start3A_353] : memref<128x64xf32, #tpu.memory_space<vmem>> -> memref<1x64xf32, #tpu.memory_space<vmem>>
      %dma_start3A_355 = arith.constant 0 : i32
      %dma_start3A_356 = tpu.memref_slice %arg3[%squeeze3A_335, %dma_start3A_355] : memref<1000000x64xf32, #tpu.memory_space<hbm>> -> memref<1x64xf32, #tpu.memory_space<hbm>>
      tpu.enqueue_dma source(%dma_start3A_356 : memref<1x64xf32, #tpu.memory_space<hbm>>) target(%dma_start3A_354 : memref<1x64xf32, #tpu.memory_space<vmem>>) target_semaphore(%arg8 : memref<!tpu.dma_semaphore, #tpu.memory_space<semaphore_mem>>)
      %slice3A_357 = vector.extract_strided_slice %get3A_152 {offsets = [9], sizes = [1], strides = [1]} : vector<16xi32> to vector<1xi32>
      %squeeze3A_358 = vector.extract %slice3A_357[0] : i32 from vector<1xi32>
      %mul3A_359 = arith.constant 16 : i32
      %mul3A_360 = arith.muli %scan3A_146, %mul3A_359 : i32
      %add3A_361 = arith.constant 9 : i32
      %add3A_362 = arith.addi %mul3A_360, %add3A_361 : i32
      %dma_start3A_363 = arith.constant 1 : i32
      %dma_start3A_364 = arith.constant 0 : i32
      %dma_start3A_365 = arith.constant 0 : i32
      %dma_start3A_366 = tpu.memref_slice %arg7[%dma_start3A_363, %dma_start3A_364, %dma_start3A_365] : memref<7x128x64xf32, #tpu.memory_space<vmem>> -> memref<1x128x64xf32, #tpu.memory_space<vmem>>
      %dma_start3A_367 = tpu.memref_squeeze %dma_start3A_366 : memref<1x128x64xf32, #tpu.memory_space<vmem>> -> memref<128x64xf32, #tpu.memory_space<vmem>>
      %dma_start3A_368 = arith.constant 0 : i32
      %dma_start3A_369 = tpu.memref_slice %dma_start3A_367[%add3A_362, %dma_start3A_368] : memref<128x64xf32, #tpu.memory_space<vmem>> -> memref<1x64xf32, #tpu.memory_space<vmem>>
      %dma_start3A_370 = arith.constant 0 : i32
      %dma_start3A_371 = tpu.memref_slice %arg3[%squeeze3A_358, %dma_start3A_370] : memref<1000000x64xf32, #tpu.memory_space<hbm>> -> memref<1x64xf32, #tpu.memory_space<hbm>>
      %dma_start3A_372 = arith.constant 0 : i32
      %dma_start3A_373 = arith.constant 0 : i32
      %dma_start3A_374 = tpu.memref_slice %arg7[%dma_start3A_363, %dma_start3A_372, %dma_start3A_373] : memref<7x128x64xf32, #tpu.memory_space<vmem>> -> memref<1x128x64xf32, #tpu.memory_space<vmem>>
      %dma_start3A_375 = tpu.memref_squeeze %dma_start3A_374 : memref<1x128x64xf32, #tpu.memory_space<vmem>> -> memref<128x64xf32, #tpu.memory_space<vmem>>
      %dma_start3A_376 = arith.constant 0 : i32
      %dma_start3A_377 = tpu.memref_slice %dma_start3A_375[%add3A_362, %dma_start3A_376] : memref<128x64xf32, #tpu.memory_space<vmem>> -> memref<1x64xf32, #tpu.memory_space<vmem>>
      %dma_start3A_378 = arith.constant 0 : i32
      %dma_start3A_379 = tpu.memref_slice %arg3[%squeeze3A_358, %dma_start3A_378] : memref<1000000x64xf32, #tpu.memory_space<hbm>> -> memref<1x64xf32, #tpu.memory_space<hbm>>
      tpu.enqueue_dma source(%dma_start3A_379 : memref<1x64xf32, #tpu.memory_space<hbm>>) target(%dma_start3A_377 : memref<1x64xf32, #tpu.memory_space<vmem>>) target_semaphore(%arg8 : memref<!tpu.dma_semaphore, #tpu.memory_space<semaphore_mem>>)
      %slice3A_380 = vector.extract_strided_slice %get3A_152 {offsets = [10], sizes = [1], strides = [1]} : vector<16xi32> to vector<1xi32>
      %squeeze3A_381 = vector.extract %slice3A_380[0] : i32 from vector<1xi32>
      %mul3A_382 = arith.constant 16 : i32
      %mul3A_383 = arith.muli %scan3A_146, %mul3A_382 : i32
      %add3A_384 = arith.constant 10 : i32
      %add3A_385 = arith.addi %mul3A_383, %add3A_384 : i32
      %dma_start3A_386 = arith.constant 1 : i32
      %dma_start3A_387 = arith.constant 0 : i32
      %dma_start3A_388 = arith.constant 0 : i32
      %dma_start3A_389 = tpu.memref_slice %arg7[%dma_start3A_386, %dma_start3A_387, %dma_start3A_388] : memref<7x128x64xf32, #tpu.memory_space<vmem>> -> memref<1x128x64xf32, #tpu.memory_space<vmem>>
      %dma_start3A_390 = tpu.memref_squeeze %dma_start3A_389 : memref<1x128x64xf32, #tpu.memory_space<vmem>> -> memref<128x64xf32, #tpu.memory_space<vmem>>
      %dma_start3A_391 = arith.constant 0 : i32
      %dma_start3A_392 = tpu.memref_slice %dma_start3A_390[%add3A_385, %dma_start3A_391] : memref<128x64xf32, #tpu.memory_space<vmem>> -> memref<1x64xf32, #tpu.memory_space<vmem>>
      %dma_start3A_393 = arith.constant 0 : i32
      %dma_start3A_394 = tpu.memref_slice %arg3[%squeeze3A_381, %dma_start3A_393] : memref<1000000x64xf32, #tpu.memory_space<hbm>> -> memref<1x64xf32, #tpu.memory_space<hbm>>
      %dma_start3A_395 = arith.constant 0 : i32
      %dma_start3A_396 = arith.constant 0 : i32
      %dma_start3A_397 = tpu.memref_slice %arg7[%dma_start3A_386, %dma_start3A_395, %dma_start3A_396] : memref<7x128x64xf32, #tpu.memory_space<vmem>> -> memref<1x128x64xf32, #tpu.memory_space<vmem>>
      %dma_start3A_398 = tpu.memref_squeeze %dma_start3A_397 : memref<1x128x64xf32, #tpu.memory_space<vmem>> -> memref<128x64xf32, #tpu.memory_space<vmem>>
      %dma_start3A_399 = arith.constant 0 : i32
      %dma_start3A_400 = tpu.memref_slice %dma_start3A_398[%add3A_385, %dma_start3A_399] : memref<128x64xf32, #tpu.memory_space<vmem>> -> memref<1x64xf32, #tpu.memory_space<vmem>>
      %dma_start3A_401 = arith.constant 0 : i32
      %dma_start3A_402 = tpu.memref_slice %arg3[%squeeze3A_381, %dma_start3A_401] : memref<1000000x64xf32, #tpu.memory_space<hbm>> -> memref<1x64xf32, #tpu.memory_space<hbm>>
      tpu.enqueue_dma source(%dma_start3A_402 : memref<1x64xf32, #tpu.memory_space<hbm>>) target(%dma_start3A_400 : memref<1x64xf32, #tpu.memory_space<vmem>>) target_semaphore(%arg8 : memref<!tpu.dma_semaphore, #tpu.memory_space<semaphore_mem>>)
      %slice3A_403 = vector.extract_strided_slice %get3A_152 {offsets = [11], sizes = [1], strides = [1]} : vector<16xi32> to vector<1xi32>
      %squeeze3A_404 = vector.extract %slice3A_403[0] : i32 from vector<1xi32>
      %mul3A_405 = arith.constant 16 : i32
      %mul3A_406 = arith.muli %scan3A_146, %mul3A_405 : i32
      %add3A_407 = arith.constant 11 : i32
      %add3A_408 = arith.addi %mul3A_406, %add3A_407 : i32
      %dma_start3A_409 = arith.constant 1 : i32
      %dma_start3A_410 = arith.constant 0 : i32
      %dma_start3A_411 = arith.constant 0 : i32
      %dma_start3A_412 = tpu.memref_slice %arg7[%dma_start3A_409, %dma_start3A_410, %dma_start3A_411] : memref<7x128x64xf32, #tpu.memory_space<vmem>> -> memref<1x128x64xf32, #tpu.memory_space<vmem>>
      %dma_start3A_413 = tpu.memref_squeeze %dma_start3A_412 : memref<1x128x64xf32, #tpu.memory_space<vmem>> -> memref<128x64xf32, #tpu.memory_space<vmem>>
      %dma_start3A_414 = arith.constant 0 : i32
      %dma_start3A_415 = tpu.memref_slice %dma_start3A_413[%add3A_408, %dma_start3A_414] : memref<128x64xf32, #tpu.memory_space<vmem>> -> memref<1x64xf32, #tpu.memory_space<vmem>>
      %dma_start3A_416 = arith.constant 0 : i32
      %dma_start3A_417 = tpu.memref_slice %arg3[%squeeze3A_404, %dma_start3A_416] : memref<1000000x64xf32, #tpu.memory_space<hbm>> -> memref<1x64xf32, #tpu.memory_space<hbm>>
      %dma_start3A_418 = arith.constant 0 : i32
      %dma_start3A_419 = arith.constant 0 : i32
      %dma_start3A_420 = tpu.memref_slice %arg7[%dma_start3A_409, %dma_start3A_418, %dma_start3A_419] : memref<7x128x64xf32, #tpu.memory_space<vmem>> -> memref<1x128x64xf32, #tpu.memory_space<vmem>>
      %dma_start3A_421 = tpu.memref_squeeze %dma_start3A_420 : memref<1x128x64xf32, #tpu.memory_space<vmem>> -> memref<128x64xf32, #tpu.memory_space<vmem>>
      %dma_start3A_422 = arith.constant 0 : i32
      %dma_start3A_423 = tpu.memref_slice %dma_start3A_421[%add3A_408, %dma_start3A_422] : memref<128x64xf32, #tpu.memory_space<vmem>> -> memref<1x64xf32, #tpu.memory_space<vmem>>
      %dma_start3A_424 = arith.constant 0 : i32
      %dma_start3A_425 = tpu.memref_slice %arg3[%squeeze3A_404, %dma_start3A_424] : memref<1000000x64xf32, #tpu.memory_space<hbm>> -> memref<1x64xf32, #tpu.memory_space<hbm>>
      tpu.enqueue_dma source(%dma_start3A_425 : memref<1x64xf32, #tpu.memory_space<hbm>>) target(%dma_start3A_423 : memref<1x64xf32, #tpu.memory_space<vmem>>) target_semaphore(%arg8 : memref<!tpu.dma_semaphore, #tpu.memory_space<semaphore_mem>>)
      %slice3A_426 = vector.extract_strided_slice %get3A_152 {offsets = [12], sizes = [1], strides = [1]} : vector<16xi32> to vector<1xi32>
      %squeeze3A_427 = vector.extract %slice3A_426[0] : i32 from vector<1xi32>
      %mul3A_428 = arith.constant 16 : i32
      %mul3A_429 = arith.muli %scan3A_146, %mul3A_428 : i32
      %add3A_430 = arith.constant 12 : i32
      %add3A_431 = arith.addi %mul3A_429, %add3A_430 : i32
      %dma_start3A_432 = arith.constant 1 : i32
      %dma_start3A_433 = arith.constant 0 : i32
      %dma_start3A_434 = arith.constant 0 : i32
      %dma_start3A_435 = tpu.memref_slice %arg7[%dma_start3A_432, %dma_start3A_433, %dma_start3A_434] : memref<7x128x64xf32, #tpu.memory_space<vmem>> -> memref<1x128x64xf32, #tpu.memory_space<vmem>>
      %dma_start3A_436 = tpu.memref_squeeze %dma_start3A_435 : memref<1x128x64xf32, #tpu.memory_space<vmem>> -> memref<128x64xf32, #tpu.memory_space<vmem>>
      %dma_start3A_437 = arith.constant 0 : i32
      %dma_start3A_438 = tpu.memref_slice %dma_start3A_436[%add3A_431, %dma_start3A_437] : memref<128x64xf32, #tpu.memory_space<vmem>> -> memref<1x64xf32, #tpu.memory_space<vmem>>
      %dma_start3A_439 = arith.constant 0 : i32
      %dma_start3A_440 = tpu.memref_slice %arg3[%squeeze3A_427, %dma_start3A_439] : memref<1000000x64xf32, #tpu.memory_space<hbm>> -> memref<1x64xf32, #tpu.memory_space<hbm>>
      %dma_start3A_441 = arith.constant 0 : i32
      %dma_start3A_442 = arith.constant 0 : i32
      %dma_start3A_443 = tpu.memref_slice %arg7[%dma_start3A_432, %dma_start3A_441, %dma_start3A_442] : memref<7x128x64xf32, #tpu.memory_space<vmem>> -> memref<1x128x64xf32, #tpu.memory_space<vmem>>
      %dma_start3A_444 = tpu.memref_squeeze %dma_start3A_443 : memref<1x128x64xf32, #tpu.memory_space<vmem>> -> memref<128x64xf32, #tpu.memory_space<vmem>>
      %dma_start3A_445 = arith.constant 0 : i32
      %dma_start3A_446 = tpu.memref_slice %dma_start3A_444[%add3A_431, %dma_start3A_445] : memref<128x64xf32, #tpu.memory_space<vmem>> -> memref<1x64xf32, #tpu.memory_space<vmem>>
      %dma_start3A_447 = arith.constant 0 : i32
      %dma_start3A_448 = tpu.memref_slice %arg3[%squeeze3A_427, %dma_start3A_447] : memref<1000000x64xf32, #tpu.memory_space<hbm>> -> memref<1x64xf32, #tpu.memory_space<hbm>>
      tpu.enqueue_dma source(%dma_start3A_448 : memref<1x64xf32, #tpu.memory_space<hbm>>) target(%dma_start3A_446 : memref<1x64xf32, #tpu.memory_space<vmem>>) target_semaphore(%arg8 : memref<!tpu.dma_semaphore, #tpu.memory_space<semaphore_mem>>)
      %slice3A_449 = vector.extract_strided_slice %get3A_152 {offsets = [13], sizes = [1], strides = [1]} : vector<16xi32> to vector<1xi32>
      %squeeze3A_450 = vector.extract %slice3A_449[0] : i32 from vector<1xi32>
      %mul3A_451 = arith.constant 16 : i32
      %mul3A_452 = arith.muli %scan3A_146, %mul3A_451 : i32
      %add3A_453 = arith.constant 13 : i32
      %add3A_454 = arith.addi %mul3A_452, %add3A_453 : i32
      %dma_start3A_455 = arith.constant 1 : i32
      %dma_start3A_456 = arith.constant 0 : i32
      %dma_start3A_457 = arith.constant 0 : i32
      %dma_start3A_458 = tpu.memref_slice %arg7[%dma_start3A_455, %dma_start3A_456, %dma_start3A_457] : memref<7x128x64xf32, #tpu.memory_space<vmem>> -> memref<1x128x64xf32, #tpu.memory_space<vmem>>
      %dma_start3A_459 = tpu.memref_squeeze %dma_start3A_458 : memref<1x128x64xf32, #tpu.memory_space<vmem>> -> memref<128x64xf32, #tpu.memory_space<vmem>>
      %dma_start3A_460 = arith.constant 0 : i32
      %dma_start3A_461 = tpu.memref_slice %dma_start3A_459[%add3A_454, %dma_start3A_460] : memref<128x64xf32, #tpu.memory_space<vmem>> -> memref<1x64xf32, #tpu.memory_space<vmem>>
      %dma_start3A_462 = arith.constant 0 : i32
      %dma_start3A_463 = tpu.memref_slice %arg3[%squeeze3A_450, %dma_start3A_462] : memref<1000000x64xf32, #tpu.memory_space<hbm>> -> memref<1x64xf32, #tpu.memory_space<hbm>>
      %dma_start3A_464 = arith.constant 0 : i32
      %dma_start3A_465 = arith.constant 0 : i32
      %dma_start3A_466 = tpu.memref_slice %arg7[%dma_start3A_455, %dma_start3A_464, %dma_start3A_465] : memref<7x128x64xf32, #tpu.memory_space<vmem>> -> memref<1x128x64xf32, #tpu.memory_space<vmem>>
      %dma_start3A_467 = tpu.memref_squeeze %dma_start3A_466 : memref<1x128x64xf32, #tpu.memory_space<vmem>> -> memref<128x64xf32, #tpu.memory_space<vmem>>
      %dma_start3A_468 = arith.constant 0 : i32
      %dma_start3A_469 = tpu.memref_slice %dma_start3A_467[%add3A_454, %dma_start3A_468] : memref<128x64xf32, #tpu.memory_space<vmem>> -> memref<1x64xf32, #tpu.memory_space<vmem>>
      %dma_start3A_470 = arith.constant 0 : i32
      %dma_start3A_471 = tpu.memref_slice %arg3[%squeeze3A_450, %dma_start3A_470] : memref<1000000x64xf32, #tpu.memory_space<hbm>> -> memref<1x64xf32, #tpu.memory_space<hbm>>
      tpu.enqueue_dma source(%dma_start3A_471 : memref<1x64xf32, #tpu.memory_space<hbm>>) target(%dma_start3A_469 : memref<1x64xf32, #tpu.memory_space<vmem>>) target_semaphore(%arg8 : memref<!tpu.dma_semaphore, #tpu.memory_space<semaphore_mem>>)
      %slice3A_472 = vector.extract_strided_slice %get3A_152 {offsets = [14], sizes = [1], strides = [1]} : vector<16xi32> to vector<1xi32>
      %squeeze3A_473 = vector.extract %slice3A_472[0] : i32 from vector<1xi32>
      %mul3A_474 = arith.constant 16 : i32
      %mul3A_475 = arith.muli %scan3A_146, %mul3A_474 : i32
      %add3A_476 = arith.constant 14 : i32
      %add3A_477 = arith.addi %mul3A_475, %add3A_476 : i32
      %dma_start3A_478 = arith.constant 1 : i32
      %dma_start3A_479 = arith.constant 0 : i32
      %dma_start3A_480 = arith.constant 0 : i32
      %dma_start3A_481 = tpu.memref_slice %arg7[%dma_start3A_478, %dma_start3A_479, %dma_start3A_480] : memref<7x128x64xf32, #tpu.memory_space<vmem>> -> memref<1x128x64xf32, #tpu.memory_space<vmem>>
      %dma_start3A_482 = tpu.memref_squeeze %dma_start3A_481 : memref<1x128x64xf32, #tpu.memory_space<vmem>> -> memref<128x64xf32, #tpu.memory_space<vmem>>
      %dma_start3A_483 = arith.constant 0 : i32
      %dma_start3A_484 = tpu.memref_slice %dma_start3A_482[%add3A_477, %dma_start3A_483] : memref<128x64xf32, #tpu.memory_space<vmem>> -> memref<1x64xf32, #tpu.memory_space<vmem>>
      %dma_start3A_485 = arith.constant 0 : i32
      %dma_start3A_486 = tpu.memref_slice %arg3[%squeeze3A_473, %dma_start3A_485] : memref<1000000x64xf32, #tpu.memory_space<hbm>> -> memref<1x64xf32, #tpu.memory_space<hbm>>
      %dma_start3A_487 = arith.constant 0 : i32
      %dma_start3A_488 = arith.constant 0 : i32
      %dma_start3A_489 = tpu.memref_slice %arg7[%dma_start3A_478, %dma_start3A_487, %dma_start3A_488] : memref<7x128x64xf32, #tpu.memory_space<vmem>> -> memref<1x128x64xf32, #tpu.memory_space<vmem>>
      %dma_start3A_490 = tpu.memref_squeeze %dma_start3A_489 : memref<1x128x64xf32, #tpu.memory_space<vmem>> -> memref<128x64xf32, #tpu.memory_space<vmem>>
      %dma_start3A_491 = arith.constant 0 : i32
      %dma_start3A_492 = tpu.memref_slice %dma_start3A_490[%add3A_477, %dma_start3A_491] : memref<128x64xf32, #tpu.memory_space<vmem>> -> memref<1x64xf32, #tpu.memory_space<vmem>>
      %dma_start3A_493 = arith.constant 0 : i32
      %dma_start3A_494 = tpu.memref_slice %arg3[%squeeze3A_473, %dma_start3A_493] : memref<1000000x64xf32, #tpu.memory_space<hbm>> -> memref<1x64xf32, #tpu.memory_space<hbm>>
      tpu.enqueue_dma source(%dma_start3A_494 : memref<1x64xf32, #tpu.memory_space<hbm>>) target(%dma_start3A_492 : memref<1x64xf32, #tpu.memory_space<vmem>>) target_semaphore(%arg8 : memref<!tpu.dma_semaphore, #tpu.memory_space<semaphore_mem>>)
      %slice3A_495 = vector.extract_strided_slice %get3A_152 {offsets = [15], sizes = [1], strides = [1]} : vector<16xi32> to vector<1xi32>
      %squeeze3A_496 = vector.extract %slice3A_495[0] : i32 from vector<1xi32>
      %mul3A_497 = arith.constant 16 : i32
      %mul3A_498 = arith.muli %scan3A_146, %mul3A_497 : i32
      %add3A_499 = arith.constant 15 : i32
      %add3A_500 = arith.addi %mul3A_498, %add3A_499 : i32
      %dma_start3A_501 = arith.constant 1 : i32
      %dma_start3A_502 = arith.constant 0 : i32
      %dma_start3A_503 = arith.constant 0 : i32
      %dma_start3A_504 = tpu.memref_slice %arg7[%dma_start3A_501, %dma_start3A_502, %dma_start3A_503] : memref<7x128x64xf32, #tpu.memory_space<vmem>> -> memref<1x128x64xf32, #tpu.memory_space<vmem>>
      %dma_start3A_505 = tpu.memref_squeeze %dma_start3A_504 : memref<1x128x64xf32, #tpu.memory_space<vmem>> -> memref<128x64xf32, #tpu.memory_space<vmem>>
      %dma_start3A_506 = arith.constant 0 : i32
      %dma_start3A_507 = tpu.memref_slice %dma_start3A_505[%add3A_500, %dma_start3A_506] : memref<128x64xf32, #tpu.memory_space<vmem>> -> memref<1x64xf32, #tpu.memory_space<vmem>>
      %dma_start3A_508 = arith.constant 0 : i32
      %dma_start3A_509 = tpu.memref_slice %arg3[%squeeze3A_496, %dma_start3A_508] : memref<1000000x64xf32, #tpu.memory_space<hbm>> -> memref<1x64xf32, #tpu.memory_space<hbm>>
      %dma_start3A_510 = arith.constant 0 : i32
      %dma_start3A_511 = arith.constant 0 : i32
      %dma_start3A_512 = tpu.memref_slice %arg7[%dma_start3A_501, %dma_start3A_510, %dma_start3A_511] : memref<7x128x64xf32, #tpu.memory_space<vmem>> -> memref<1x128x64xf32, #tpu.memory_space<vmem>>
      %dma_start3A_513 = tpu.memref_squeeze %dma_start3A_512 : memref<1x128x64xf32, #tpu.memory_space<vmem>> -> memref<128x64xf32, #tpu.memory_space<vmem>>
      %dma_start3A_514 = arith.constant 0 : i32
      %dma_start3A_515 = tpu.memref_slice %dma_start3A_513[%add3A_500, %dma_start3A_514] : memref<128x64xf32, #tpu.memory_space<vmem>> -> memref<1x64xf32, #tpu.memory_space<vmem>>
      %dma_start3A_516 = arith.constant 0 : i32
      %dma_start3A_517 = tpu.memref_slice %arg3[%squeeze3A_496, %dma_start3A_516] : memref<1000000x64xf32, #tpu.memory_space<hbm>> -> memref<1x64xf32, #tpu.memory_space<hbm>>
      tpu.enqueue_dma source(%dma_start3A_517 : memref<1x64xf32, #tpu.memory_space<hbm>>) target(%dma_start3A_515 : memref<1x64xf32, #tpu.memory_space<vmem>>) target_semaphore(%arg8 : memref<!tpu.dma_semaphore, #tpu.memory_space<semaphore_mem>>)
    }
    %scan3A_11 = arith.constant 8 : i32
    %scan3A_12 = arith.constant 0 : i32
    %scan3A_13 = arith.constant 0 : i32
    %scan3A_14 = arith.constant 8 : i32
    %scan3A_15 = arith.addi %scan3A_13, %scan3A_14 : i32
    %scan3A_16 = arith.constant 1 : i32
    scf.for %scan3A_146 = %scan3A_13 to %scan3A_15 step %scan3A_16  : i32 {
      %mul3A_147 = arith.constant 16 : i32
      %mul3A_148 = arith.muli %scan3A_146, %mul3A_147 : i32
      %get3A = arith.constant 2 : i32
      %get3A_149 = arith.index_cast %get3A : i32 to index
      %get3A_150 = arith.index_cast %mul3A_148 : i32 to index
      %get3A_151 = tpu.vector_load %arg6[%get3A_149, %get3A_150] {strides = array<i32>} : memref<7x128xi32, #tpu.memory_space<vmem>>, vector<1x16xi32>,
      %get3A_152 = vector.shape_cast %get3A_151 : vector<1x16xi32> to vector<16xi32>
      %slice3A = vector.extract_strided_slice %get3A_152 {offsets = [0], sizes = [1], strides = [1]} : vector<16xi32> to vector<1xi32>
      %squeeze3A = vector.extract %slice3A[0] : i32 from vector<1xi32>
      %mul3A_153 = arith.constant 16 : i32
      %mul3A_154 = arith.muli %scan3A_146, %mul3A_153 : i32
      %add3A_155 = arith.constant 0 : i32
      %add3A_156 = arith.addi %mul3A_154, %add3A_155 : i32
      %dma_start3A = arith.constant 2 : i32
      %dma_start3A_157 = arith.constant 0 : i32
      %dma_start3A_158 = arith.constant 0 : i32
      %dma_start3A_159 = tpu.memref_slice %arg7[%dma_start3A, %dma_start3A_157, %dma_start3A_158] : memref<7x128x64xf32, #tpu.memory_space<vmem>> -> memref<1x128x64xf32, #tpu.memory_space<vmem>>
      %dma_start3A_160 = tpu.memref_squeeze %dma_start3A_159 : memref<1x128x64xf32, #tpu.memory_space<vmem>> -> memref<128x64xf32, #tpu.memory_space<vmem>>
      %dma_start3A_161 = arith.constant 0 : i32
      %dma_start3A_162 = tpu.memref_slice %dma_start3A_160[%add3A_156, %dma_start3A_161] : memref<128x64xf32, #tpu.memory_space<vmem>> -> memref<1x64xf32, #tpu.memory_space<vmem>>
      %dma_start3A_163 = arith.constant 0 : i32
      %dma_start3A_164 = tpu.memref_slice %arg3[%squeeze3A, %dma_start3A_163] : memref<1000000x64xf32, #tpu.memory_space<hbm>> -> memref<1x64xf32, #tpu.memory_space<hbm>>
      %dma_start3A_165 = arith.constant 0 : i32
      %dma_start3A_166 = arith.constant 0 : i32
      %dma_start3A_167 = tpu.memref_slice %arg7[%dma_start3A, %dma_start3A_165, %dma_start3A_166] : memref<7x128x64xf32, #tpu.memory_space<vmem>> -> memref<1x128x64xf32, #tpu.memory_space<vmem>>
      %dma_start3A_168 = tpu.memref_squeeze %dma_start3A_167 : memref<1x128x64xf32, #tpu.memory_space<vmem>> -> memref<128x64xf32, #tpu.memory_space<vmem>>
      %dma_start3A_169 = arith.constant 0 : i32
      %dma_start3A_170 = tpu.memref_slice %dma_start3A_168[%add3A_156, %dma_start3A_169] : memref<128x64xf32, #tpu.memory_space<vmem>> -> memref<1x64xf32, #tpu.memory_space<vmem>>
      %dma_start3A_171 = arith.constant 0 : i32
      %dma_start3A_172 = tpu.memref_slice %arg3[%squeeze3A, %dma_start3A_171] : memref<1000000x64xf32, #tpu.memory_space<hbm>> -> memref<1x64xf32, #tpu.memory_space<hbm>>
      tpu.enqueue_dma source(%dma_start3A_172 : memref<1x64xf32, #tpu.memory_space<hbm>>) target(%dma_start3A_170 : memref<1x64xf32, #tpu.memory_space<vmem>>) target_semaphore(%arg8 : memref<!tpu.dma_semaphore, #tpu.memory_space<semaphore_mem>>)
      %slice3A_173 = vector.extract_strided_slice %get3A_152 {offsets = [1], sizes = [1], strides = [1]} : vector<16xi32> to vector<1xi32>
      %squeeze3A_174 = vector.extract %slice3A_173[0] : i32 from vector<1xi32>
      %mul3A_175 = arith.constant 16 : i32
      %mul3A_176 = arith.muli %scan3A_146, %mul3A_175 : i32
      %add3A_177 = arith.constant 1 : i32
      %add3A_178 = arith.addi %mul3A_176, %add3A_177 : i32
      %dma_start3A_179 = arith.constant 2 : i32
      %dma_start3A_180 = arith.constant 0 : i32
      %dma_start3A_181 = arith.constant 0 : i32
      %dma_start3A_182 = tpu.memref_slice %arg7[%dma_start3A_179, %dma_start3A_180, %dma_start3A_181] : memref<7x128x64xf32, #tpu.memory_space<vmem>> -> memref<1x128x64xf32, #tpu.memory_space<vmem>>
      %dma_start3A_183 = tpu.memref_squeeze %dma_start3A_182 : memref<1x128x64xf32, #tpu.memory_space<vmem>> -> memref<128x64xf32, #tpu.memory_space<vmem>>
      %dma_start3A_184 = arith.constant 0 : i32
      %dma_start3A_185 = tpu.memref_slice %dma_start3A_183[%add3A_178, %dma_start3A_184] : memref<128x64xf32, #tpu.memory_space<vmem>> -> memref<1x64xf32, #tpu.memory_space<vmem>>
      %dma_start3A_186 = arith.constant 0 : i32
      %dma_start3A_187 = tpu.memref_slice %arg3[%squeeze3A_174, %dma_start3A_186] : memref<1000000x64xf32, #tpu.memory_space<hbm>> -> memref<1x64xf32, #tpu.memory_space<hbm>>
      %dma_start3A_188 = arith.constant 0 : i32
      %dma_start3A_189 = arith.constant 0 : i32
      %dma_start3A_190 = tpu.memref_slice %arg7[%dma_start3A_179, %dma_start3A_188, %dma_start3A_189] : memref<7x128x64xf32, #tpu.memory_space<vmem>> -> memref<1x128x64xf32, #tpu.memory_space<vmem>>
      %dma_start3A_191 = tpu.memref_squeeze %dma_start3A_190 : memref<1x128x64xf32, #tpu.memory_space<vmem>> -> memref<128x64xf32, #tpu.memory_space<vmem>>
      %dma_start3A_192 = arith.constant 0 : i32
      %dma_start3A_193 = tpu.memref_slice %dma_start3A_191[%add3A_178, %dma_start3A_192] : memref<128x64xf32, #tpu.memory_space<vmem>> -> memref<1x64xf32, #tpu.memory_space<vmem>>
      %dma_start3A_194 = arith.constant 0 : i32
      %dma_start3A_195 = tpu.memref_slice %arg3[%squeeze3A_174, %dma_start3A_194] : memref<1000000x64xf32, #tpu.memory_space<hbm>> -> memref<1x64xf32, #tpu.memory_space<hbm>>
      tpu.enqueue_dma source(%dma_start3A_195 : memref<1x64xf32, #tpu.memory_space<hbm>>) target(%dma_start3A_193 : memref<1x64xf32, #tpu.memory_space<vmem>>) target_semaphore(%arg8 : memref<!tpu.dma_semaphore, #tpu.memory_space<semaphore_mem>>)
      %slice3A_196 = vector.extract_strided_slice %get3A_152 {offsets = [2], sizes = [1], strides = [1]} : vector<16xi32> to vector<1xi32>
      %squeeze3A_197 = vector.extract %slice3A_196[0] : i32 from vector<1xi32>
      %mul3A_198 = arith.constant 16 : i32
      %mul3A_199 = arith.muli %scan3A_146, %mul3A_198 : i32
      %add3A_200 = arith.constant 2 : i32
      %add3A_201 = arith.addi %mul3A_199, %add3A_200 : i32
      %dma_start3A_202 = arith.constant 2 : i32
      %dma_start3A_203 = arith.constant 0 : i32
      %dma_start3A_204 = arith.constant 0 : i32
      %dma_start3A_205 = tpu.memref_slice %arg7[%dma_start3A_202, %dma_start3A_203, %dma_start3A_204] : memref<7x128x64xf32, #tpu.memory_space<vmem>> -> memref<1x128x64xf32, #tpu.memory_space<vmem>>
      %dma_start3A_206 = tpu.memref_squeeze %dma_start3A_205 : memref<1x128x64xf32, #tpu.memory_space<vmem>> -> memref<128x64xf32, #tpu.memory_space<vmem>>
      %dma_start3A_207 = arith.constant 0 : i32
      %dma_start3A_208 = tpu.memref_slice %dma_start3A_206[%add3A_201, %dma_start3A_207] : memref<128x64xf32, #tpu.memory_space<vmem>> -> memref<1x64xf32, #tpu.memory_space<vmem>>
      %dma_start3A_209 = arith.constant 0 : i32
      %dma_start3A_210 = tpu.memref_slice %arg3[%squeeze3A_197, %dma_start3A_209] : memref<1000000x64xf32, #tpu.memory_space<hbm>> -> memref<1x64xf32, #tpu.memory_space<hbm>>
      %dma_start3A_211 = arith.constant 0 : i32
      %dma_start3A_212 = arith.constant 0 : i32
      %dma_start3A_213 = tpu.memref_slice %arg7[%dma_start3A_202, %dma_start3A_211, %dma_start3A_212] : memref<7x128x64xf32, #tpu.memory_space<vmem>> -> memref<1x128x64xf32, #tpu.memory_space<vmem>>
      %dma_start3A_214 = tpu.memref_squeeze %dma_start3A_213 : memref<1x128x64xf32, #tpu.memory_space<vmem>> -> memref<128x64xf32, #tpu.memory_space<vmem>>
      %dma_start3A_215 = arith.constant 0 : i32
      %dma_start3A_216 = tpu.memref_slice %dma_start3A_214[%add3A_201, %dma_start3A_215] : memref<128x64xf32, #tpu.memory_space<vmem>> -> memref<1x64xf32, #tpu.memory_space<vmem>>
      %dma_start3A_217 = arith.constant 0 : i32
      %dma_start3A_218 = tpu.memref_slice %arg3[%squeeze3A_197, %dma_start3A_217] : memref<1000000x64xf32, #tpu.memory_space<hbm>> -> memref<1x64xf32, #tpu.memory_space<hbm>>
      tpu.enqueue_dma source(%dma_start3A_218 : memref<1x64xf32, #tpu.memory_space<hbm>>) target(%dma_start3A_216 : memref<1x64xf32, #tpu.memory_space<vmem>>) target_semaphore(%arg8 : memref<!tpu.dma_semaphore, #tpu.memory_space<semaphore_mem>>)
      %slice3A_219 = vector.extract_strided_slice %get3A_152 {offsets = [3], sizes = [1], strides = [1]} : vector<16xi32> to vector<1xi32>
      %squeeze3A_220 = vector.extract %slice3A_219[0] : i32 from vector<1xi32>
      %mul3A_221 = arith.constant 16 : i32
      %mul3A_222 = arith.muli %scan3A_146, %mul3A_221 : i32
      %add3A_223 = arith.constant 3 : i32
      %add3A_224 = arith.addi %mul3A_222, %add3A_223 : i32
      %dma_start3A_225 = arith.constant 2 : i32
      %dma_start3A_226 = arith.constant 0 : i32
      %dma_start3A_227 = arith.constant 0 : i32
      %dma_start3A_228 = tpu.memref_slice %arg7[%dma_start3A_225, %dma_start3A_226, %dma_start3A_227] : memref<7x128x64xf32, #tpu.memory_space<vmem>> -> memref<1x128x64xf32, #tpu.memory_space<vmem>>
      %dma_start3A_229 = tpu.memref_squeeze %dma_start3A_228 : memref<1x128x64xf32, #tpu.memory_space<vmem>> -> memref<128x64xf32, #tpu.memory_space<vmem>>
      %dma_start3A_230 = arith.constant 0 : i32
      %dma_start3A_231 = tpu.memref_slice %dma_start3A_229[%add3A_224, %dma_start3A_230] : memref<128x64xf32, #tpu.memory_space<vmem>> -> memref<1x64xf32, #tpu.memory_space<vmem>>
      %dma_start3A_232 = arith.constant 0 : i32
      %dma_start3A_233 = tpu.memref_slice %arg3[%squeeze3A_220, %dma_start3A_232] : memref<1000000x64xf32, #tpu.memory_space<hbm>> -> memref<1x64xf32, #tpu.memory_space<hbm>>
      %dma_start3A_234 = arith.constant 0 : i32
      %dma_start3A_235 = arith.constant 0 : i32
      %dma_start3A_236 = tpu.memref_slice %arg7[%dma_start3A_225, %dma_start3A_234, %dma_start3A_235] : memref<7x128x64xf32, #tpu.memory_space<vmem>> -> memref<1x128x64xf32, #tpu.memory_space<vmem>>
      %dma_start3A_237 = tpu.memref_squeeze %dma_start3A_236 : memref<1x128x64xf32, #tpu.memory_space<vmem>> -> memref<128x64xf32, #tpu.memory_space<vmem>>
      %dma_start3A_238 = arith.constant 0 : i32
      %dma_start3A_239 = tpu.memref_slice %dma_start3A_237[%add3A_224, %dma_start3A_238] : memref<128x64xf32, #tpu.memory_space<vmem>> -> memref<1x64xf32, #tpu.memory_space<vmem>>
      %dma_start3A_240 = arith.constant 0 : i32
      %dma_start3A_241 = tpu.memref_slice %arg3[%squeeze3A_220, %dma_start3A_240] : memref<1000000x64xf32, #tpu.memory_space<hbm>> -> memref<1x64xf32, #tpu.memory_space<hbm>>
      tpu.enqueue_dma source(%dma_start3A_241 : memref<1x64xf32, #tpu.memory_space<hbm>>) target(%dma_start3A_239 : memref<1x64xf32, #tpu.memory_space<vmem>>) target_semaphore(%arg8 : memref<!tpu.dma_semaphore, #tpu.memory_space<semaphore_mem>>)
      %slice3A_242 = vector.extract_strided_slice %get3A_152 {offsets = [4], sizes = [1], strides = [1]} : vector<16xi32> to vector<1xi32>
      %squeeze3A_243 = vector.extract %slice3A_242[0] : i32 from vector<1xi32>
      %mul3A_244 = arith.constant 16 : i32
      %mul3A_245 = arith.muli %scan3A_146, %mul3A_244 : i32
      %add3A_246 = arith.constant 4 : i32
      %add3A_247 = arith.addi %mul3A_245, %add3A_246 : i32
      %dma_start3A_248 = arith.constant 2 : i32
      %dma_start3A_249 = arith.constant 0 : i32
      %dma_start3A_250 = arith.constant 0 : i32
      %dma_start3A_251 = tpu.memref_slice %arg7[%dma_start3A_248, %dma_start3A_249, %dma_start3A_250] : memref<7x128x64xf32, #tpu.memory_space<vmem>> -> memref<1x128x64xf32, #tpu.memory_space<vmem>>
      %dma_start3A_252 = tpu.memref_squeeze %dma_start3A_251 : memref<1x128x64xf32, #tpu.memory_space<vmem>> -> memref<128x64xf32, #tpu.memory_space<vmem>>
      %dma_start3A_253 = arith.constant 0 : i32
      %dma_start3A_254 = tpu.memref_slice %dma_start3A_252[%add3A_247, %dma_start3A_253] : memref<128x64xf32, #tpu.memory_space<vmem>> -> memref<1x64xf32, #tpu.memory_space<vmem>>
      %dma_start3A_255 = arith.constant 0 : i32
      %dma_start3A_256 = tpu.memref_slice %arg3[%squeeze3A_243, %dma_start3A_255] : memref<1000000x64xf32, #tpu.memory_space<hbm>> -> memref<1x64xf32, #tpu.memory_space<hbm>>
      %dma_start3A_257 = arith.constant 0 : i32
      %dma_start3A_258 = arith.constant 0 : i32
      %dma_start3A_259 = tpu.memref_slice %arg7[%dma_start3A_248, %dma_start3A_257, %dma_start3A_258] : memref<7x128x64xf32, #tpu.memory_space<vmem>> -> memref<1x128x64xf32, #tpu.memory_space<vmem>>
      %dma_start3A_260 = tpu.memref_squeeze %dma_start3A_259 : memref<1x128x64xf32, #tpu.memory_space<vmem>> -> memref<128x64xf32, #tpu.memory_space<vmem>>
      %dma_start3A_261 = arith.constant 0 : i32
      %dma_start3A_262 = tpu.memref_slice %dma_start3A_260[%add3A_247, %dma_start3A_261] : memref<128x64xf32, #tpu.memory_space<vmem>> -> memref<1x64xf32, #tpu.memory_space<vmem>>
      %dma_start3A_263 = arith.constant 0 : i32
      %dma_start3A_264 = tpu.memref_slice %arg3[%squeeze3A_243, %dma_start3A_263] : memref<1000000x64xf32, #tpu.memory_space<hbm>> -> memref<1x64xf32, #tpu.memory_space<hbm>>
      tpu.enqueue_dma source(%dma_start3A_264 : memref<1x64xf32, #tpu.memory_space<hbm>>) target(%dma_start3A_262 : memref<1x64xf32, #tpu.memory_space<vmem>>) target_semaphore(%arg8 : memref<!tpu.dma_semaphore, #tpu.memory_space<semaphore_mem>>)
      %slice3A_265 = vector.extract_strided_slice %get3A_152 {offsets = [5], sizes = [1], strides = [1]} : vector<16xi32> to vector<1xi32>
      %squeeze3A_266 = vector.extract %slice3A_265[0] : i32 from vector<1xi32>
      %mul3A_267 = arith.constant 16 : i32
      %mul3A_268 = arith.muli %scan3A_146, %mul3A_267 : i32
      %add3A_269 = arith.constant 5 : i32
      %add3A_270 = arith.addi %mul3A_268, %add3A_269 : i32
      %dma_start3A_271 = arith.constant 2 : i32
      %dma_start3A_272 = arith.constant 0 : i32
      %dma_start3A_273 = arith.constant 0 : i32
      %dma_start3A_274 = tpu.memref_slice %arg7[%dma_start3A_271, %dma_start3A_272, %dma_start3A_273] : memref<7x128x64xf32, #tpu.memory_space<vmem>> -> memref<1x128x64xf32, #tpu.memory_space<vmem>>
      %dma_start3A_275 = tpu.memref_squeeze %dma_start3A_274 : memref<1x128x64xf32, #tpu.memory_space<vmem>> -> memref<128x64xf32, #tpu.memory_space<vmem>>
      %dma_start3A_276 = arith.constant 0 : i32
      %dma_start3A_277 = tpu.memref_slice %dma_start3A_275[%add3A_270, %dma_start3A_276] : memref<128x64xf32, #tpu.memory_space<vmem>> -> memref<1x64xf32, #tpu.memory_space<vmem>>
      %dma_start3A_278 = arith.constant 0 : i32
      %dma_start3A_279 = tpu.memref_slice %arg3[%squeeze3A_266, %dma_start3A_278] : memref<1000000x64xf32, #tpu.memory_space<hbm>> -> memref<1x64xf32, #tpu.memory_space<hbm>>
      %dma_start3A_280 = arith.constant 0 : i32
      %dma_start3A_281 = arith.constant 0 : i32
      %dma_start3A_282 = tpu.memref_slice %arg7[%dma_start3A_271, %dma_start3A_280, %dma_start3A_281] : memref<7x128x64xf32, #tpu.memory_space<vmem>> -> memref<1x128x64xf32, #tpu.memory_space<vmem>>
      %dma_start3A_283 = tpu.memref_squeeze %dma_start3A_282 : memref<1x128x64xf32, #tpu.memory_space<vmem>> -> memref<128x64xf32, #tpu.memory_space<vmem>>
      %dma_start3A_284 = arith.constant 0 : i32
      %dma_start3A_285 = tpu.memref_slice %dma_start3A_283[%add3A_270, %dma_start3A_284] : memref<128x64xf32, #tpu.memory_space<vmem>> -> memref<1x64xf32, #tpu.memory_space<vmem>>
      %dma_start3A_286 = arith.constant 0 : i32
      %dma_start3A_287 = tpu.memref_slice %arg3[%squeeze3A_266, %dma_start3A_286] : memref<1000000x64xf32, #tpu.memory_space<hbm>> -> memref<1x64xf32, #tpu.memory_space<hbm>>
      tpu.enqueue_dma source(%dma_start3A_287 : memref<1x64xf32, #tpu.memory_space<hbm>>) target(%dma_start3A_285 : memref<1x64xf32, #tpu.memory_space<vmem>>) target_semaphore(%arg8 : memref<!tpu.dma_semaphore, #tpu.memory_space<semaphore_mem>>)
      %slice3A_288 = vector.extract_strided_slice %get3A_152 {offsets = [6], sizes = [1], strides = [1]} : vector<16xi32> to vector<1xi32>
      %squeeze3A_289 = vector.extract %slice3A_288[0] : i32 from vector<1xi32>
      %mul3A_290 = arith.constant 16 : i32
      %mul3A_291 = arith.muli %scan3A_146, %mul3A_290 : i32
      %add3A_292 = arith.constant 6 : i32
      %add3A_293 = arith.addi %mul3A_291, %add3A_292 : i32
      %dma_start3A_294 = arith.constant 2 : i32
      %dma_start3A_295 = arith.constant 0 : i32
      %dma_start3A_296 = arith.constant 0 : i32
      %dma_start3A_297 = tpu.memref_slice %arg7[%dma_start3A_294, %dma_start3A_295, %dma_start3A_296] : memref<7x128x64xf32, #tpu.memory_space<vmem>> -> memref<1x128x64xf32, #tpu.memory_space<vmem>>
      %dma_start3A_298 = tpu.memref_squeeze %dma_start3A_297 : memref<1x128x64xf32, #tpu.memory_space<vmem>> -> memref<128x64xf32, #tpu.memory_space<vmem>>
      %dma_start3A_299 = arith.constant 0 : i32
      %dma_start3A_300 = tpu.memref_slice %dma_start3A_298[%add3A_293, %dma_start3A_299] : memref<128x64xf32, #tpu.memory_space<vmem>> -> memref<1x64xf32, #tpu.memory_space<vmem>>
      %dma_start3A_301 = arith.constant 0 : i32
      %dma_start3A_302 = tpu.memref_slice %arg3[%squeeze3A_289, %dma_start3A_301] : memref<1000000x64xf32, #tpu.memory_space<hbm>> -> memref<1x64xf32, #tpu.memory_space<hbm>>
      %dma_start3A_303 = arith.constant 0 : i32
      %dma_start3A_304 = arith.constant 0 : i32
      %dma_start3A_305 = tpu.memref_slice %arg7[%dma_start3A_294, %dma_start3A_303, %dma_start3A_304] : memref<7x128x64xf32, #tpu.memory_space<vmem>> -> memref<1x128x64xf32, #tpu.memory_space<vmem>>
      %dma_start3A_306 = tpu.memref_squeeze %dma_start3A_305 : memref<1x128x64xf32, #tpu.memory_space<vmem>> -> memref<128x64xf32, #tpu.memory_space<vmem>>
      %dma_start3A_307 = arith.constant 0 : i32
      %dma_start3A_308 = tpu.memref_slice %dma_start3A_306[%add3A_293, %dma_start3A_307] : memref<128x64xf32, #tpu.memory_space<vmem>> -> memref<1x64xf32, #tpu.memory_space<vmem>>
      %dma_start3A_309 = arith.constant 0 : i32
      %dma_start3A_310 = tpu.memref_slice %arg3[%squeeze3A_289, %dma_start3A_309] : memref<1000000x64xf32, #tpu.memory_space<hbm>> -> memref<1x64xf32, #tpu.memory_space<hbm>>
      tpu.enqueue_dma source(%dma_start3A_310 : memref<1x64xf32, #tpu.memory_space<hbm>>) target(%dma_start3A_308 : memref<1x64xf32, #tpu.memory_space<vmem>>) target_semaphore(%arg8 : memref<!tpu.dma_semaphore, #tpu.memory_space<semaphore_mem>>)
      %slice3A_311 = vector.extract_strided_slice %get3A_152 {offsets = [7], sizes = [1], strides = [1]} : vector<16xi32> to vector<1xi32>
      %squeeze3A_312 = vector.extract %slice3A_311[0] : i32 from vector<1xi32>
      %mul3A_313 = arith.constant 16 : i32
      %mul3A_314 = arith.muli %scan3A_146, %mul3A_313 : i32
      %add3A_315 = arith.constant 7 : i32
      %add3A_316 = arith.addi %mul3A_314, %add3A_315 : i32
      %dma_start3A_317 = arith.constant 2 : i32
      %dma_start3A_318 = arith.constant 0 : i32
      %dma_start3A_319 = arith.constant 0 : i32
      %dma_start3A_320 = tpu.memref_slice %arg7[%dma_start3A_317, %dma_start3A_318, %dma_start3A_319] : memref<7x128x64xf32, #tpu.memory_space<vmem>> -> memref<1x128x64xf32, #tpu.memory_space<vmem>>
      %dma_start3A_321 = tpu.memref_squeeze %dma_start3A_320 : memref<1x128x64xf32, #tpu.memory_space<vmem>> -> memref<128x64xf32, #tpu.memory_space<vmem>>
      %dma_start3A_322 = arith.constant 0 : i32
      %dma_start3A_323 = tpu.memref_slice %dma_start3A_321[%add3A_316, %dma_start3A_322] : memref<128x64xf32, #tpu.memory_space<vmem>> -> memref<1x64xf32, #tpu.memory_space<vmem>>
      %dma_start3A_324 = arith.constant 0 : i32
      %dma_start3A_325 = tpu.memref_slice %arg3[%squeeze3A_312, %dma_start3A_324] : memref<1000000x64xf32, #tpu.memory_space<hbm>> -> memref<1x64xf32, #tpu.memory_space<hbm>>
      %dma_start3A_326 = arith.constant 0 : i32
      %dma_start3A_327 = arith.constant 0 : i32
      %dma_start3A_328 = tpu.memref_slice %arg7[%dma_start3A_317, %dma_start3A_326, %dma_start3A_327] : memref<7x128x64xf32, #tpu.memory_space<vmem>> -> memref<1x128x64xf32, #tpu.memory_space<vmem>>
      %dma_start3A_329 = tpu.memref_squeeze %dma_start3A_328 : memref<1x128x64xf32, #tpu.memory_space<vmem>> -> memref<128x64xf32, #tpu.memory_space<vmem>>
      %dma_start3A_330 = arith.constant 0 : i32
      %dma_start3A_331 = tpu.memref_slice %dma_start3A_329[%add3A_316, %dma_start3A_330] : memref<128x64xf32, #tpu.memory_space<vmem>> -> memref<1x64xf32, #tpu.memory_space<vmem>>
      %dma_start3A_332 = arith.constant 0 : i32
      %dma_start3A_333 = tpu.memref_slice %arg3[%squeeze3A_312, %dma_start3A_332] : memref<1000000x64xf32, #tpu.memory_space<hbm>> -> memref<1x64xf32, #tpu.memory_space<hbm>>
      tpu.enqueue_dma source(%dma_start3A_333 : memref<1x64xf32, #tpu.memory_space<hbm>>) target(%dma_start3A_331 : memref<1x64xf32, #tpu.memory_space<vmem>>) target_semaphore(%arg8 : memref<!tpu.dma_semaphore, #tpu.memory_space<semaphore_mem>>)
      %slice3A_334 = vector.extract_strided_slice %get3A_152 {offsets = [8], sizes = [1], strides = [1]} : vector<16xi32> to vector<1xi32>
      %squeeze3A_335 = vector.extract %slice3A_334[0] : i32 from vector<1xi32>
      %mul3A_336 = arith.constant 16 : i32
      %mul3A_337 = arith.muli %scan3A_146, %mul3A_336 : i32
      %add3A_338 = arith.constant 8 : i32
      %add3A_339 = arith.addi %mul3A_337, %add3A_338 : i32
      %dma_start3A_340 = arith.constant 2 : i32
      %dma_start3A_341 = arith.constant 0 : i32
      %dma_start3A_342 = arith.constant 0 : i32
      %dma_start3A_343 = tpu.memref_slice %arg7[%dma_start3A_340, %dma_start3A_341, %dma_start3A_342] : memref<7x128x64xf32, #tpu.memory_space<vmem>> -> memref<1x128x64xf32, #tpu.memory_space<vmem>>
      %dma_start3A_344 = tpu.memref_squeeze %dma_start3A_343 : memref<1x128x64xf32, #tpu.memory_space<vmem>> -> memref<128x64xf32, #tpu.memory_space<vmem>>
      %dma_start3A_345 = arith.constant 0 : i32
      %dma_start3A_346 = tpu.memref_slice %dma_start3A_344[%add3A_339, %dma_start3A_345] : memref<128x64xf32, #tpu.memory_space<vmem>> -> memref<1x64xf32, #tpu.memory_space<vmem>>
      %dma_start3A_347 = arith.constant 0 : i32
      %dma_start3A_348 = tpu.memref_slice %arg3[%squeeze3A_335, %dma_start3A_347] : memref<1000000x64xf32, #tpu.memory_space<hbm>> -> memref<1x64xf32, #tpu.memory_space<hbm>>
      %dma_start3A_349 = arith.constant 0 : i32
      %dma_start3A_350 = arith.constant 0 : i32
      %dma_start3A_351 = tpu.memref_slice %arg7[%dma_start3A_340, %dma_start3A_349, %dma_start3A_350] : memref<7x128x64xf32, #tpu.memory_space<vmem>> -> memref<1x128x64xf32, #tpu.memory_space<vmem>>
      %dma_start3A_352 = tpu.memref_squeeze %dma_start3A_351 : memref<1x128x64xf32, #tpu.memory_space<vmem>> -> memref<128x64xf32, #tpu.memory_space<vmem>>
      %dma_start3A_353 = arith.constant 0 : i32
      %dma_start3A_354 = tpu.memref_slice %dma_start3A_352[%add3A_339, %dma_start3A_353] : memref<128x64xf32, #tpu.memory_space<vmem>> -> memref<1x64xf32, #tpu.memory_space<vmem>>
      %dma_start3A_355 = arith.constant 0 : i32
      %dma_start3A_356 = tpu.memref_slice %arg3[%squeeze3A_335, %dma_start3A_355] : memref<1000000x64xf32, #tpu.memory_space<hbm>> -> memref<1x64xf32, #tpu.memory_space<hbm>>
      tpu.enqueue_dma source(%dma_start3A_356 : memref<1x64xf32, #tpu.memory_space<hbm>>) target(%dma_start3A_354 : memref<1x64xf32, #tpu.memory_space<vmem>>) target_semaphore(%arg8 : memref<!tpu.dma_semaphore, #tpu.memory_space<semaphore_mem>>)
      %slice3A_357 = vector.extract_strided_slice %get3A_152 {offsets = [9], sizes = [1], strides = [1]} : vector<16xi32> to vector<1xi32>
      %squeeze3A_358 = vector.extract %slice3A_357[0] : i32 from vector<1xi32>
      %mul3A_359 = arith.constant 16 : i32
      %mul3A_360 = arith.muli %scan3A_146, %mul3A_359 : i32
      %add3A_361 = arith.constant 9 : i32
      %add3A_362 = arith.addi %mul3A_360, %add3A_361 : i32
      %dma_start3A_363 = arith.constant 2 : i32
      %dma_start3A_364 = arith.constant 0 : i32
      %dma_start3A_365 = arith.constant 0 : i32
      %dma_start3A_366 = tpu.memref_slice %arg7[%dma_start3A_363, %dma_start3A_364, %dma_start3A_365] : memref<7x128x64xf32, #tpu.memory_space<vmem>> -> memref<1x128x64xf32, #tpu.memory_space<vmem>>
      %dma_start3A_367 = tpu.memref_squeeze %dma_start3A_366 : memref<1x128x64xf32, #tpu.memory_space<vmem>> -> memref<128x64xf32, #tpu.memory_space<vmem>>
      %dma_start3A_368 = arith.constant 0 : i32
      %dma_start3A_369 = tpu.memref_slice %dma_start3A_367[%add3A_362, %dma_start3A_368] : memref<128x64xf32, #tpu.memory_space<vmem>> -> memref<1x64xf32, #tpu.memory_space<vmem>>
      %dma_start3A_370 = arith.constant 0 : i32
      %dma_start3A_371 = tpu.memref_slice %arg3[%squeeze3A_358, %dma_start3A_370] : memref<1000000x64xf32, #tpu.memory_space<hbm>> -> memref<1x64xf32, #tpu.memory_space<hbm>>
      %dma_start3A_372 = arith.constant 0 : i32
      %dma_start3A_373 = arith.constant 0 : i32
      %dma_start3A_374 = tpu.memref_slice %arg7[%dma_start3A_363, %dma_start3A_372, %dma_start3A_373] : memref<7x128x64xf32, #tpu.memory_space<vmem>> -> memref<1x128x64xf32, #tpu.memory_space<vmem>>
      %dma_start3A_375 = tpu.memref_squeeze %dma_start3A_374 : memref<1x128x64xf32, #tpu.memory_space<vmem>> -> memref<128x64xf32, #tpu.memory_space<vmem>>
      %dma_start3A_376 = arith.constant 0 : i32
      %dma_start3A_377 = tpu.memref_slice %dma_start3A_375[%add3A_362, %dma_start3A_376] : memref<128x64xf32, #tpu.memory_space<vmem>> -> memref<1x64xf32, #tpu.memory_space<vmem>>
      %dma_start3A_378 = arith.constant 0 : i32
      %dma_start3A_379 = tpu.memref_slice %arg3[%squeeze3A_358, %dma_start3A_378] : memref<1000000x64xf32, #tpu.memory_space<hbm>> -> memref<1x64xf32, #tpu.memory_space<hbm>>
      tpu.enqueue_dma source(%dma_start3A_379 : memref<1x64xf32, #tpu.memory_space<hbm>>) target(%dma_start3A_377 : memref<1x64xf32, #tpu.memory_space<vmem>>) target_semaphore(%arg8 : memref<!tpu.dma_semaphore, #tpu.memory_space<semaphore_mem>>)
      %slice3A_380 = vector.extract_strided_slice %get3A_152 {offsets = [10], sizes = [1], strides = [1]} : vector<16xi32> to vector<1xi32>
      %squeeze3A_381 = vector.extract %slice3A_380[0] : i32 from vector<1xi32>
      %mul3A_382 = arith.constant 16 : i32
      %mul3A_383 = arith.muli %scan3A_146, %mul3A_382 : i32
      %add3A_384 = arith.constant 10 : i32
      %add3A_385 = arith.addi %mul3A_383, %add3A_384 : i32
      %dma_start3A_386 = arith.constant 2 : i32
      %dma_start3A_387 = arith.constant 0 : i32
      %dma_start3A_388 = arith.constant 0 : i32
      %dma_start3A_389 = tpu.memref_slice %arg7[%dma_start3A_386, %dma_start3A_387, %dma_start3A_388] : memref<7x128x64xf32, #tpu.memory_space<vmem>> -> memref<1x128x64xf32, #tpu.memory_space<vmem>>
      %dma_start3A_390 = tpu.memref_squeeze %dma_start3A_389 : memref<1x128x64xf32, #tpu.memory_space<vmem>> -> memref<128x64xf32, #tpu.memory_space<vmem>>
      %dma_start3A_391 = arith.constant 0 : i32
      %dma_start3A_392 = tpu.memref_slice %dma_start3A_390[%add3A_385, %dma_start3A_391] : memref<128x64xf32, #tpu.memory_space<vmem>> -> memref<1x64xf32, #tpu.memory_space<vmem>>
      %dma_start3A_393 = arith.constant 0 : i32
      %dma_start3A_394 = tpu.memref_slice %arg3[%squeeze3A_381, %dma_start3A_393] : memref<1000000x64xf32, #tpu.memory_space<hbm>> -> memref<1x64xf32, #tpu.memory_space<hbm>>
      %dma_start3A_395 = arith.constant 0 : i32
      %dma_start3A_396 = arith.constant 0 : i32
      %dma_start3A_397 = tpu.memref_slice %arg7[%dma_start3A_386, %dma_start3A_395, %dma_start3A_396] : memref<7x128x64xf32, #tpu.memory_space<vmem>> -> memref<1x128x64xf32, #tpu.memory_space<vmem>>
      %dma_start3A_398 = tpu.memref_squeeze %dma_start3A_397 : memref<1x128x64xf32, #tpu.memory_space<vmem>> -> memref<128x64xf32, #tpu.memory_space<vmem>>
      %dma_start3A_399 = arith.constant 0 : i32
      %dma_start3A_400 = tpu.memref_slice %dma_start3A_398[%add3A_385, %dma_start3A_399] : memref<128x64xf32, #tpu.memory_space<vmem>> -> memref<1x64xf32, #tpu.memory_space<vmem>>
      %dma_start3A_401 = arith.constant 0 : i32
      %dma_start3A_402 = tpu.memref_slice %arg3[%squeeze3A_381, %dma_start3A_401] : memref<1000000x64xf32, #tpu.memory_space<hbm>> -> memref<1x64xf32, #tpu.memory_space<hbm>>
      tpu.enqueue_dma source(%dma_start3A_402 : memref<1x64xf32, #tpu.memory_space<hbm>>) target(%dma_start3A_400 : memref<1x64xf32, #tpu.memory_space<vmem>>) target_semaphore(%arg8 : memref<!tpu.dma_semaphore, #tpu.memory_space<semaphore_mem>>)
      %slice3A_403 = vector.extract_strided_slice %get3A_152 {offsets = [11], sizes = [1], strides = [1]} : vector<16xi32> to vector<1xi32>
      %squeeze3A_404 = vector.extract %slice3A_403[0] : i32 from vector<1xi32>
      %mul3A_405 = arith.constant 16 : i32
      %mul3A_406 = arith.muli %scan3A_146, %mul3A_405 : i32
      %add3A_407 = arith.constant 11 : i32
      %add3A_408 = arith.addi %mul3A_406, %add3A_407 : i32
      %dma_start3A_409 = arith.constant 2 : i32
      %dma_start3A_410 = arith.constant 0 : i32
      %dma_start3A_411 = arith.constant 0 : i32
      %dma_start3A_412 = tpu.memref_slice %arg7[%dma_start3A_409, %dma_start3A_410, %dma_start3A_411] : memref<7x128x64xf32, #tpu.memory_space<vmem>> -> memref<1x128x64xf32, #tpu.memory_space<vmem>>
      %dma_start3A_413 = tpu.memref_squeeze %dma_start3A_412 : memref<1x128x64xf32, #tpu.memory_space<vmem>> -> memref<128x64xf32, #tpu.memory_space<vmem>>
      %dma_start3A_414 = arith.constant 0 : i32
      %dma_start3A_415 = tpu.memref_slice %dma_start3A_413[%add3A_408, %dma_start3A_414] : memref<128x64xf32, #tpu.memory_space<vmem>> -> memref<1x64xf32, #tpu.memory_space<vmem>>
      %dma_start3A_416 = arith.constant 0 : i32
      %dma_start3A_417 = tpu.memref_slice %arg3[%squeeze3A_404, %dma_start3A_416] : memref<1000000x64xf32, #tpu.memory_space<hbm>> -> memref<1x64xf32, #tpu.memory_space<hbm>>
      %dma_start3A_418 = arith.constant 0 : i32
      %dma_start3A_419 = arith.constant 0 : i32
      %dma_start3A_420 = tpu.memref_slice %arg7[%dma_start3A_409, %dma_start3A_418, %dma_start3A_419] : memref<7x128x64xf32, #tpu.memory_space<vmem>> -> memref<1x128x64xf32, #tpu.memory_space<vmem>>
      %dma_start3A_421 = tpu.memref_squeeze %dma_start3A_420 : memref<1x128x64xf32, #tpu.memory_space<vmem>> -> memref<128x64xf32, #tpu.memory_space<vmem>>
      %dma_start3A_422 = arith.constant 0 : i32
      %dma_start3A_423 = tpu.memref_slice %dma_start3A_421[%add3A_408, %dma_start3A_422] : memref<128x64xf32, #tpu.memory_space<vmem>> -> memref<1x64xf32, #tpu.memory_space<vmem>>
      %dma_start3A_424 = arith.constant 0 : i32
      %dma_start3A_425 = tpu.memref_slice %arg3[%squeeze3A_404, %dma_start3A_424] : memref<1000000x64xf32, #tpu.memory_space<hbm>> -> memref<1x64xf32, #tpu.memory_space<hbm>>
      tpu.enqueue_dma source(%dma_start3A_425 : memref<1x64xf32, #tpu.memory_space<hbm>>) target(%dma_start3A_423 : memref<1x64xf32, #tpu.memory_space<vmem>>) target_semaphore(%arg8 : memref<!tpu.dma_semaphore, #tpu.memory_space<semaphore_mem>>)
      %slice3A_426 = vector.extract_strided_slice %get3A_152 {offsets = [12], sizes = [1], strides = [1]} : vector<16xi32> to vector<1xi32>
      %squeeze3A_427 = vector.extract %slice3A_426[0] : i32 from vector<1xi32>
      %mul3A_428 = arith.constant 16 : i32
      %mul3A_429 = arith.muli %scan3A_146, %mul3A_428 : i32
      %add3A_430 = arith.constant 12 : i32
      %add3A_431 = arith.addi %mul3A_429, %add3A_430 : i32
      %dma_start3A_432 = arith.constant 2 : i32
      %dma_start3A_433 = arith.constant 0 : i32
      %dma_start3A_434 = arith.constant 0 : i32
      %dma_start3A_435 = tpu.memref_slice %arg7[%dma_start3A_432, %dma_start3A_433, %dma_start3A_434] : memref<7x128x64xf32, #tpu.memory_space<vmem>> -> memref<1x128x64xf32, #tpu.memory_space<vmem>>
      %dma_start3A_436 = tpu.memref_squeeze %dma_start3A_435 : memref<1x128x64xf32, #tpu.memory_space<vmem>> -> memref<128x64xf32, #tpu.memory_space<vmem>>
      %dma_start3A_437 = arith.constant 0 : i32
      %dma_start3A_438 = tpu.memref_slice %dma_start3A_436[%add3A_431, %dma_start3A_437] : memref<128x64xf32, #tpu.memory_space<vmem>> -> memref<1x64xf32, #tpu.memory_space<vmem>>
      %dma_start3A_439 = arith.constant 0 : i32
      %dma_start3A_440 = tpu.memref_slice %arg3[%squeeze3A_427, %dma_start3A_439] : memref<1000000x64xf32, #tpu.memory_space<hbm>> -> memref<1x64xf32, #tpu.memory_space<hbm>>
      %dma_start3A_441 = arith.constant 0 : i32
      %dma_start3A_442 = arith.constant 0 : i32
      %dma_start3A_443 = tpu.memref_slice %arg7[%dma_start3A_432, %dma_start3A_441, %dma_start3A_442] : memref<7x128x64xf32, #tpu.memory_space<vmem>> -> memref<1x128x64xf32, #tpu.memory_space<vmem>>
      %dma_start3A_444 = tpu.memref_squeeze %dma_start3A_443 : memref<1x128x64xf32, #tpu.memory_space<vmem>> -> memref<128x64xf32, #tpu.memory_space<vmem>>
      %dma_start3A_445 = arith.constant 0 : i32
      %dma_start3A_446 = tpu.memref_slice %dma_start3A_444[%add3A_431, %dma_start3A_445] : memref<128x64xf32, #tpu.memory_space<vmem>> -> memref<1x64xf32, #tpu.memory_space<vmem>>
      %dma_start3A_447 = arith.constant 0 : i32
      %dma_start3A_448 = tpu.memref_slice %arg3[%squeeze3A_427, %dma_start3A_447] : memref<1000000x64xf32, #tpu.memory_space<hbm>> -> memref<1x64xf32, #tpu.memory_space<hbm>>
      tpu.enqueue_dma source(%dma_start3A_448 : memref<1x64xf32, #tpu.memory_space<hbm>>) target(%dma_start3A_446 : memref<1x64xf32, #tpu.memory_space<vmem>>) target_semaphore(%arg8 : memref<!tpu.dma_semaphore, #tpu.memory_space<semaphore_mem>>)
      %slice3A_449 = vector.extract_strided_slice %get3A_152 {offsets = [13], sizes = [1], strides = [1]} : vector<16xi32> to vector<1xi32>
      %squeeze3A_450 = vector.extract %slice3A_449[0] : i32 from vector<1xi32>
      %mul3A_451 = arith.constant 16 : i32
      %mul3A_452 = arith.muli %scan3A_146, %mul3A_451 : i32
      %add3A_453 = arith.constant 13 : i32
      %add3A_454 = arith.addi %mul3A_452, %add3A_453 : i32
      %dma_start3A_455 = arith.constant 2 : i32
      %dma_start3A_456 = arith.constant 0 : i32
      %dma_start3A_457 = arith.constant 0 : i32
      %dma_start3A_458 = tpu.memref_slice %arg7[%dma_start3A_455, %dma_start3A_456, %dma_start3A_457] : memref<7x128x64xf32, #tpu.memory_space<vmem>> -> memref<1x128x64xf32, #tpu.memory_space<vmem>>
      %dma_start3A_459 = tpu.memref_squeeze %dma_start3A_458 : memref<1x128x64xf32, #tpu.memory_space<vmem>> -> memref<128x64xf32, #tpu.memory_space<vmem>>
      %dma_start3A_460 = arith.constant 0 : i32
      %dma_start3A_461 = tpu.memref_slice %dma_start3A_459[%add3A_454, %dma_start3A_460] : memref<128x64xf32, #tpu.memory_space<vmem>> -> memref<1x64xf32, #tpu.memory_space<vmem>>
      %dma_start3A_462 = arith.constant 0 : i32
      %dma_start3A_463 = tpu.memref_slice %arg3[%squeeze3A_450, %dma_start3A_462] : memref<1000000x64xf32, #tpu.memory_space<hbm>> -> memref<1x64xf32, #tpu.memory_space<hbm>>
      %dma_start3A_464 = arith.constant 0 : i32
      %dma_start3A_465 = arith.constant 0 : i32
      %dma_start3A_466 = tpu.memref_slice %arg7[%dma_start3A_455, %dma_start3A_464, %dma_start3A_465] : memref<7x128x64xf32, #tpu.memory_space<vmem>> -> memref<1x128x64xf32, #tpu.memory_space<vmem>>
      %dma_start3A_467 = tpu.memref_squeeze %dma_start3A_466 : memref<1x128x64xf32, #tpu.memory_space<vmem>> -> memref<128x64xf32, #tpu.memory_space<vmem>>
      %dma_start3A_468 = arith.constant 0 : i32
      %dma_start3A_469 = tpu.memref_slice %dma_start3A_467[%add3A_454, %dma_start3A_468] : memref<128x64xf32, #tpu.memory_space<vmem>> -> memref<1x64xf32, #tpu.memory_space<vmem>>
      %dma_start3A_470 = arith.constant 0 : i32
      %dma_start3A_471 = tpu.memref_slice %arg3[%squeeze3A_450, %dma_start3A_470] : memref<1000000x64xf32, #tpu.memory_space<hbm>> -> memref<1x64xf32, #tpu.memory_space<hbm>>
      tpu.enqueue_dma source(%dma_start3A_471 : memref<1x64xf32, #tpu.memory_space<hbm>>) target(%dma_start3A_469 : memref<1x64xf32, #tpu.memory_space<vmem>>) target_semaphore(%arg8 : memref<!tpu.dma_semaphore, #tpu.memory_space<semaphore_mem>>)
      %slice3A_472 = vector.extract_strided_slice %get3A_152 {offsets = [14], sizes = [1], strides = [1]} : vector<16xi32> to vector<1xi32>
      %squeeze3A_473 = vector.extract %slice3A_472[0] : i32 from vector<1xi32>
      %mul3A_474 = arith.constant 16 : i32
      %mul3A_475 = arith.muli %scan3A_146, %mul3A_474 : i32
      %add3A_476 = arith.constant 14 : i32
      %add3A_477 = arith.addi %mul3A_475, %add3A_476 : i32
      %dma_start3A_478 = arith.constant 2 : i32
      %dma_start3A_479 = arith.constant 0 : i32
      %dma_start3A_480 = arith.constant 0 : i32
      %dma_start3A_481 = tpu.memref_slice %arg7[%dma_start3A_478, %dma_start3A_479, %dma_start3A_480] : memref<7x128x64xf32, #tpu.memory_space<vmem>> -> memref<1x128x64xf32, #tpu.memory_space<vmem>>
      %dma_start3A_482 = tpu.memref_squeeze %dma_start3A_481 : memref<1x128x64xf32, #tpu.memory_space<vmem>> -> memref<128x64xf32, #tpu.memory_space<vmem>>
      %dma_start3A_483 = arith.constant 0 : i32
      %dma_start3A_484 = tpu.memref_slice %dma_start3A_482[%add3A_477, %dma_start3A_483] : memref<128x64xf32, #tpu.memory_space<vmem>> -> memref<1x64xf32, #tpu.memory_space<vmem>>
      %dma_start3A_485 = arith.constant 0 : i32
      %dma_start3A_486 = tpu.memref_slice %arg3[%squeeze3A_473, %dma_start3A_485] : memref<1000000x64xf32, #tpu.memory_space<hbm>> -> memref<1x64xf32, #tpu.memory_space<hbm>>
      %dma_start3A_487 = arith.constant 0 : i32
      %dma_start3A_488 = arith.constant 0 : i32
      %dma_start3A_489 = tpu.memref_slice %arg7[%dma_start3A_478, %dma_start3A_487, %dma_start3A_488] : memref<7x128x64xf32, #tpu.memory_space<vmem>> -> memref<1x128x64xf32, #tpu.memory_space<vmem>>
      %dma_start3A_490 = tpu.memref_squeeze %dma_start3A_489 : memref<1x128x64xf32, #tpu.memory_space<vmem>> -> memref<128x64xf32, #tpu.memory_space<vmem>>
      %dma_start3A_491 = arith.constant 0 : i32
      %dma_start3A_492 = tpu.memref_slice %dma_start3A_490[%add3A_477, %dma_start3A_491] : memref<128x64xf32, #tpu.memory_space<vmem>> -> memref<1x64xf32, #tpu.memory_space<vmem>>
      %dma_start3A_493 = arith.constant 0 : i32
      %dma_start3A_494 = tpu.memref_slice %arg3[%squeeze3A_473, %dma_start3A_493] : memref<1000000x64xf32, #tpu.memory_space<hbm>> -> memref<1x64xf32, #tpu.memory_space<hbm>>
      tpu.enqueue_dma source(%dma_start3A_494 : memref<1x64xf32, #tpu.memory_space<hbm>>) target(%dma_start3A_492 : memref<1x64xf32, #tpu.memory_space<vmem>>) target_semaphore(%arg8 : memref<!tpu.dma_semaphore, #tpu.memory_space<semaphore_mem>>)
      %slice3A_495 = vector.extract_strided_slice %get3A_152 {offsets = [15], sizes = [1], strides = [1]} : vector<16xi32> to vector<1xi32>
      %squeeze3A_496 = vector.extract %slice3A_495[0] : i32 from vector<1xi32>
      %mul3A_497 = arith.constant 16 : i32
      %mul3A_498 = arith.muli %scan3A_146, %mul3A_497 : i32
      %add3A_499 = arith.constant 15 : i32
      %add3A_500 = arith.addi %mul3A_498, %add3A_499 : i32
      %dma_start3A_501 = arith.constant 2 : i32
      %dma_start3A_502 = arith.constant 0 : i32
      %dma_start3A_503 = arith.constant 0 : i32
      %dma_start3A_504 = tpu.memref_slice %arg7[%dma_start3A_501, %dma_start3A_502, %dma_start3A_503] : memref<7x128x64xf32, #tpu.memory_space<vmem>> -> memref<1x128x64xf32, #tpu.memory_space<vmem>>
      %dma_start3A_505 = tpu.memref_squeeze %dma_start3A_504 : memref<1x128x64xf32, #tpu.memory_space<vmem>> -> memref<128x64xf32, #tpu.memory_space<vmem>>
      %dma_start3A_506 = arith.constant 0 : i32
      %dma_start3A_507 = tpu.memref_slice %dma_start3A_505[%add3A_500, %dma_start3A_506] : memref<128x64xf32, #tpu.memory_space<vmem>> -> memref<1x64xf32, #tpu.memory_space<vmem>>
      %dma_start3A_508 = arith.constant 0 : i32
      %dma_start3A_509 = tpu.memref_slice %arg3[%squeeze3A_496, %dma_start3A_508] : memref<1000000x64xf32, #tpu.memory_space<hbm>> -> memref<1x64xf32, #tpu.memory_space<hbm>>
      %dma_start3A_510 = arith.constant 0 : i32
      %dma_start3A_511 = arith.constant 0 : i32
      %dma_start3A_512 = tpu.memref_slice %arg7[%dma_start3A_501, %dma_start3A_510, %dma_start3A_511] : memref<7x128x64xf32, #tpu.memory_space<vmem>> -> memref<1x128x64xf32, #tpu.memory_space<vmem>>
      %dma_start3A_513 = tpu.memref_squeeze %dma_start3A_512 : memref<1x128x64xf32, #tpu.memory_space<vmem>> -> memref<128x64xf32, #tpu.memory_space<vmem>>
      %dma_start3A_514 = arith.constant 0 : i32
      %dma_start3A_515 = tpu.memref_slice %dma_start3A_513[%add3A_500, %dma_start3A_514] : memref<128x64xf32, #tpu.memory_space<vmem>> -> memref<1x64xf32, #tpu.memory_space<vmem>>
      %dma_start3A_516 = arith.constant 0 : i32
      %dma_start3A_517 = tpu.memref_slice %arg3[%squeeze3A_496, %dma_start3A_516] : memref<1000000x64xf32, #tpu.memory_space<hbm>> -> memref<1x64xf32, #tpu.memory_space<hbm>>
      tpu.enqueue_dma source(%dma_start3A_517 : memref<1x64xf32, #tpu.memory_space<hbm>>) target(%dma_start3A_515 : memref<1x64xf32, #tpu.memory_space<vmem>>) target_semaphore(%arg8 : memref<!tpu.dma_semaphore, #tpu.memory_space<semaphore_mem>>)
    }
    %scan3A_17 = arith.constant 8 : i32
    %scan3A_18 = arith.constant 0 : i32
    %scan3A_19 = arith.constant 0 : i32
    %scan3A_20 = arith.constant 8 : i32
    %scan3A_21 = arith.addi %scan3A_19, %scan3A_20 : i32
    %scan3A_22 = arith.constant 1 : i32
    scf.for %scan3A_146 = %scan3A_19 to %scan3A_21 step %scan3A_22  : i32 {
      %mul3A_147 = arith.constant 16 : i32
      %mul3A_148 = arith.muli %scan3A_146, %mul3A_147 : i32
      %get3A = arith.constant 3 : i32
      %get3A_149 = arith.index_cast %get3A : i32 to index
      %get3A_150 = arith.index_cast %mul3A_148 : i32 to index
      %get3A_151 = tpu.vector_load %arg6[%get3A_149, %get3A_150] {strides = array<i32>} : memref<7x128xi32, #tpu.memory_space<vmem>>, vector<1x16xi32>,
      %get3A_152 = vector.shape_cast %get3A_151 : vector<1x16xi32> to vector<16xi32>
      %slice3A = vector.extract_strided_slice %get3A_152 {offsets = [0], sizes = [1], strides = [1]} : vector<16xi32> to vector<1xi32>
      %squeeze3A = vector.extract %slice3A[0] : i32 from vector<1xi32>
      %mul3A_153 = arith.constant 16 : i32
      %mul3A_154 = arith.muli %scan3A_146, %mul3A_153 : i32
      %add3A_155 = arith.constant 0 : i32
      %add3A_156 = arith.addi %mul3A_154, %add3A_155 : i32
      %dma_start3A = arith.constant 3 : i32
      %dma_start3A_157 = arith.constant 0 : i32
      %dma_start3A_158 = arith.constant 0 : i32
      %dma_start3A_159 = tpu.memref_slice %arg7[%dma_start3A, %dma_start3A_157, %dma_start3A_158] : memref<7x128x64xf32, #tpu.memory_space<vmem>> -> memref<1x128x64xf32, #tpu.memory_space<vmem>>
      %dma_start3A_160 = tpu.memref_squeeze %dma_start3A_159 : memref<1x128x64xf32, #tpu.memory_space<vmem>> -> memref<128x64xf32, #tpu.memory_space<vmem>>
      %dma_start3A_161 = arith.constant 0 : i32
      %dma_start3A_162 = tpu.memref_slice %dma_start3A_160[%add3A_156, %dma_start3A_161] : memref<128x64xf32, #tpu.memory_space<vmem>> -> memref<1x64xf32, #tpu.memory_space<vmem>>
      %dma_start3A_163 = arith.constant 0 : i32
      %dma_start3A_164 = tpu.memref_slice %arg3[%squeeze3A, %dma_start3A_163] : memref<1000000x64xf32, #tpu.memory_space<hbm>> -> memref<1x64xf32, #tpu.memory_space<hbm>>
      %dma_start3A_165 = arith.constant 0 : i32
      %dma_start3A_166 = arith.constant 0 : i32
      %dma_start3A_167 = tpu.memref_slice %arg7[%dma_start3A, %dma_start3A_165, %dma_start3A_166] : memref<7x128x64xf32, #tpu.memory_space<vmem>> -> memref<1x128x64xf32, #tpu.memory_space<vmem>>
      %dma_start3A_168 = tpu.memref_squeeze %dma_start3A_167 : memref<1x128x64xf32, #tpu.memory_space<vmem>> -> memref<128x64xf32, #tpu.memory_space<vmem>>
      %dma_start3A_169 = arith.constant 0 : i32
      %dma_start3A_170 = tpu.memref_slice %dma_start3A_168[%add3A_156, %dma_start3A_169] : memref<128x64xf32, #tpu.memory_space<vmem>> -> memref<1x64xf32, #tpu.memory_space<vmem>>
      %dma_start3A_171 = arith.constant 0 : i32
      %dma_start3A_172 = tpu.memref_slice %arg3[%squeeze3A, %dma_start3A_171] : memref<1000000x64xf32, #tpu.memory_space<hbm>> -> memref<1x64xf32, #tpu.memory_space<hbm>>
      tpu.enqueue_dma source(%dma_start3A_172 : memref<1x64xf32, #tpu.memory_space<hbm>>) target(%dma_start3A_170 : memref<1x64xf32, #tpu.memory_space<vmem>>) target_semaphore(%arg8 : memref<!tpu.dma_semaphore, #tpu.memory_space<semaphore_mem>>)
      %slice3A_173 = vector.extract_strided_slice %get3A_152 {offsets = [1], sizes = [1], strides = [1]} : vector<16xi32> to vector<1xi32>
      %squeeze3A_174 = vector.extract %slice3A_173[0] : i32 from vector<1xi32>
      %mul3A_175 = arith.constant 16 : i32
      %mul3A_176 = arith.muli %scan3A_146, %mul3A_175 : i32
      %add3A_177 = arith.constant 1 : i32
      %add3A_178 = arith.addi %mul3A_176, %add3A_177 : i32
      %dma_start3A_179 = arith.constant 3 : i32
      %dma_start3A_180 = arith.constant 0 : i32
      %dma_start3A_181 = arith.constant 0 : i32
      %dma_start3A_182 = tpu.memref_slice %arg7[%dma_start3A_179, %dma_start3A_180, %dma_start3A_181] : memref<7x128x64xf32, #tpu.memory_space<vmem>> -> memref<1x128x64xf32, #tpu.memory_space<vmem>>
      %dma_start3A_183 = tpu.memref_squeeze %dma_start3A_182 : memref<1x128x64xf32, #tpu.memory_space<vmem>> -> memref<128x64xf32, #tpu.memory_space<vmem>>
      %dma_start3A_184 = arith.constant 0 : i32
      %dma_start3A_185 = tpu.memref_slice %dma_start3A_183[%add3A_178, %dma_start3A_184] : memref<128x64xf32, #tpu.memory_space<vmem>> -> memref<1x64xf32, #tpu.memory_space<vmem>>
      %dma_start3A_186 = arith.constant 0 : i32
      %dma_start3A_187 = tpu.memref_slice %arg3[%squeeze3A_174, %dma_start3A_186] : memref<1000000x64xf32, #tpu.memory_space<hbm>> -> memref<1x64xf32, #tpu.memory_space<hbm>>
      %dma_start3A_188 = arith.constant 0 : i32
      %dma_start3A_189 = arith.constant 0 : i32
      %dma_start3A_190 = tpu.memref_slice %arg7[%dma_start3A_179, %dma_start3A_188, %dma_start3A_189] : memref<7x128x64xf32, #tpu.memory_space<vmem>> -> memref<1x128x64xf32, #tpu.memory_space<vmem>>
      %dma_start3A_191 = tpu.memref_squeeze %dma_start3A_190 : memref<1x128x64xf32, #tpu.memory_space<vmem>> -> memref<128x64xf32, #tpu.memory_space<vmem>>
      %dma_start3A_192 = arith.constant 0 : i32
      %dma_start3A_193 = tpu.memref_slice %dma_start3A_191[%add3A_178, %dma_start3A_192] : memref<128x64xf32, #tpu.memory_space<vmem>> -> memref<1x64xf32, #tpu.memory_space<vmem>>
      %dma_start3A_194 = arith.constant 0 : i32
      %dma_start3A_195 = tpu.memref_slice %arg3[%squeeze3A_174, %dma_start3A_194] : memref<1000000x64xf32, #tpu.memory_space<hbm>> -> memref<1x64xf32, #tpu.memory_space<hbm>>
      tpu.enqueue_dma source(%dma_start3A_195 : memref<1x64xf32, #tpu.memory_space<hbm>>) target(%dma_start3A_193 : memref<1x64xf32, #tpu.memory_space<vmem>>) target_semaphore(%arg8 : memref<!tpu.dma_semaphore, #tpu.memory_space<semaphore_mem>>)
      %slice3A_196 = vector.extract_strided_slice %get3A_152 {offsets = [2], sizes = [1], strides = [1]} : vector<16xi32> to vector<1xi32>
      %squeeze3A_197 = vector.extract %slice3A_196[0] : i32 from vector<1xi32>
      %mul3A_198 = arith.constant 16 : i32
      %mul3A_199 = arith.muli %scan3A_146, %mul3A_198 : i32
      %add3A_200 = arith.constant 2 : i32
      %add3A_201 = arith.addi %mul3A_199, %add3A_200 : i32
      %dma_start3A_202 = arith.constant 3 : i32
      %dma_start3A_203 = arith.constant 0 : i32
      %dma_start3A_204 = arith.constant 0 : i32
      %dma_start3A_205 = tpu.memref_slice %arg7[%dma_start3A_202, %dma_start3A_203, %dma_start3A_204] : memref<7x128x64xf32, #tpu.memory_space<vmem>> -> memref<1x128x64xf32, #tpu.memory_space<vmem>>
      %dma_start3A_206 = tpu.memref_squeeze %dma_start3A_205 : memref<1x128x64xf32, #tpu.memory_space<vmem>> -> memref<128x64xf32, #tpu.memory_space<vmem>>
      %dma_start3A_207 = arith.constant 0 : i32
      %dma_start3A_208 = tpu.memref_slice %dma_start3A_206[%add3A_201, %dma_start3A_207] : memref<128x64xf32, #tpu.memory_space<vmem>> -> memref<1x64xf32, #tpu.memory_space<vmem>>
      %dma_start3A_209 = arith.constant 0 : i32
      %dma_start3A_210 = tpu.memref_slice %arg3[%squeeze3A_197, %dma_start3A_209] : memref<1000000x64xf32, #tpu.memory_space<hbm>> -> memref<1x64xf32, #tpu.memory_space<hbm>>
      %dma_start3A_211 = arith.constant 0 : i32
      %dma_start3A_212 = arith.constant 0 : i32
      %dma_start3A_213 = tpu.memref_slice %arg7[%dma_start3A_202, %dma_start3A_211, %dma_start3A_212] : memref<7x128x64xf32, #tpu.memory_space<vmem>> -> memref<1x128x64xf32, #tpu.memory_space<vmem>>
      %dma_start3A_214 = tpu.memref_squeeze %dma_start3A_213 : memref<1x128x64xf32, #tpu.memory_space<vmem>> -> memref<128x64xf32, #tpu.memory_space<vmem>>
      %dma_start3A_215 = arith.constant 0 : i32
      %dma_start3A_216 = tpu.memref_slice %dma_start3A_214[%add3A_201, %dma_start3A_215] : memref<128x64xf32, #tpu.memory_space<vmem>> -> memref<1x64xf32, #tpu.memory_space<vmem>>
      %dma_start3A_217 = arith.constant 0 : i32
      %dma_start3A_218 = tpu.memref_slice %arg3[%squeeze3A_197, %dma_start3A_217] : memref<1000000x64xf32, #tpu.memory_space<hbm>> -> memref<1x64xf32, #tpu.memory_space<hbm>>
      tpu.enqueue_dma source(%dma_start3A_218 : memref<1x64xf32, #tpu.memory_space<hbm>>) target(%dma_start3A_216 : memref<1x64xf32, #tpu.memory_space<vmem>>) target_semaphore(%arg8 : memref<!tpu.dma_semaphore, #tpu.memory_space<semaphore_mem>>)
      %slice3A_219 = vector.extract_strided_slice %get3A_152 {offsets = [3], sizes = [1], strides = [1]} : vector<16xi32> to vector<1xi32>
      %squeeze3A_220 = vector.extract %slice3A_219[0] : i32 from vector<1xi32>
      %mul3A_221 = arith.constant 16 : i32
      %mul3A_222 = arith.muli %scan3A_146, %mul3A_221 : i32
      %add3A_223 = arith.constant 3 : i32
      %add3A_224 = arith.addi %mul3A_222, %add3A_223 : i32
      %dma_start3A_225 = arith.constant 3 : i32
      %dma_start3A_226 = arith.constant 0 : i32
      %dma_start3A_227 = arith.constant 0 : i32
      %dma_start3A_228 = tpu.memref_slice %arg7[%dma_start3A_225, %dma_start3A_226, %dma_start3A_227] : memref<7x128x64xf32, #tpu.memory_space<vmem>> -> memref<1x128x64xf32, #tpu.memory_space<vmem>>
      %dma_start3A_229 = tpu.memref_squeeze %dma_start3A_228 : memref<1x128x64xf32, #tpu.memory_space<vmem>> -> memref<128x64xf32, #tpu.memory_space<vmem>>
      %dma_start3A_230 = arith.constant 0 : i32
      %dma_start3A_231 = tpu.memref_slice %dma_start3A_229[%add3A_224, %dma_start3A_230] : memref<128x64xf32, #tpu.memory_space<vmem>> -> memref<1x64xf32, #tpu.memory_space<vmem>>
      %dma_start3A_232 = arith.constant 0 : i32
      %dma_start3A_233 = tpu.memref_slice %arg3[%squeeze3A_220, %dma_start3A_232] : memref<1000000x64xf32, #tpu.memory_space<hbm>> -> memref<1x64xf32, #tpu.memory_space<hbm>>
      %dma_start3A_234 = arith.constant 0 : i32
      %dma_start3A_235 = arith.constant 0 : i32
      %dma_start3A_236 = tpu.memref_slice %arg7[%dma_start3A_225, %dma_start3A_234, %dma_start3A_235] : memref<7x128x64xf32, #tpu.memory_space<vmem>> -> memref<1x128x64xf32, #tpu.memory_space<vmem>>
      %dma_start3A_237 = tpu.memref_squeeze %dma_start3A_236 : memref<1x128x64xf32, #tpu.memory_space<vmem>> -> memref<128x64xf32, #tpu.memory_space<vmem>>
      %dma_start3A_238 = arith.constant 0 : i32
      %dma_start3A_239 = tpu.memref_slice %dma_start3A_237[%add3A_224, %dma_start3A_238] : memref<128x64xf32, #tpu.memory_space<vmem>> -> memref<1x64xf32, #tpu.memory_space<vmem>>
      %dma_start3A_240 = arith.constant 0 : i32
      %dma_start3A_241 = tpu.memref_slice %arg3[%squeeze3A_220, %dma_start3A_240] : memref<1000000x64xf32, #tpu.memory_space<hbm>> -> memref<1x64xf32, #tpu.memory_space<hbm>>
      tpu.enqueue_dma source(%dma_start3A_241 : memref<1x64xf32, #tpu.memory_space<hbm>>) target(%dma_start3A_239 : memref<1x64xf32, #tpu.memory_space<vmem>>) target_semaphore(%arg8 : memref<!tpu.dma_semaphore, #tpu.memory_space<semaphore_mem>>)
      %slice3A_242 = vector.extract_strided_slice %get3A_152 {offsets = [4], sizes = [1], strides = [1]} : vector<16xi32> to vector<1xi32>
      %squeeze3A_243 = vector.extract %slice3A_242[0] : i32 from vector<1xi32>
      %mul3A_244 = arith.constant 16 : i32
      %mul3A_245 = arith.muli %scan3A_146, %mul3A_244 : i32
      %add3A_246 = arith.constant 4 : i32
      %add3A_247 = arith.addi %mul3A_245, %add3A_246 : i32
      %dma_start3A_248 = arith.constant 3 : i32
      %dma_start3A_249 = arith.constant 0 : i32
      %dma_start3A_250 = arith.constant 0 : i32
      %dma_start3A_251 = tpu.memref_slice %arg7[%dma_start3A_248, %dma_start3A_249, %dma_start3A_250] : memref<7x128x64xf32, #tpu.memory_space<vmem>> -> memref<1x128x64xf32, #tpu.memory_space<vmem>>
      %dma_start3A_252 = tpu.memref_squeeze %dma_start3A_251 : memref<1x128x64xf32, #tpu.memory_space<vmem>> -> memref<128x64xf32, #tpu.memory_space<vmem>>
      %dma_start3A_253 = arith.constant 0 : i32
      %dma_start3A_254 = tpu.memref_slice %dma_start3A_252[%add3A_247, %dma_start3A_253] : memref<128x64xf32, #tpu.memory_space<vmem>> -> memref<1x64xf32, #tpu.memory_space<vmem>>
      %dma_start3A_255 = arith.constant 0 : i32
      %dma_start3A_256 = tpu.memref_slice %arg3[%squeeze3A_243, %dma_start3A_255] : memref<1000000x64xf32, #tpu.memory_space<hbm>> -> memref<1x64xf32, #tpu.memory_space<hbm>>
      %dma_start3A_257 = arith.constant 0 : i32
      %dma_start3A_258 = arith.constant 0 : i32
      %dma_start3A_259 = tpu.memref_slice %arg7[%dma_start3A_248, %dma_start3A_257, %dma_start3A_258] : memref<7x128x64xf32, #tpu.memory_space<vmem>> -> memref<1x128x64xf32, #tpu.memory_space<vmem>>
      %dma_start3A_260 = tpu.memref_squeeze %dma_start3A_259 : memref<1x128x64xf32, #tpu.memory_space<vmem>> -> memref<128x64xf32, #tpu.memory_space<vmem>>
      %dma_start3A_261 = arith.constant 0 : i32
      %dma_start3A_262 = tpu.memref_slice %dma_start3A_260[%add3A_247, %dma_start3A_261] : memref<128x64xf32, #tpu.memory_space<vmem>> -> memref<1x64xf32, #tpu.memory_space<vmem>>
      %dma_start3A_263 = arith.constant 0 : i32
      %dma_start3A_264 = tpu.memref_slice %arg3[%squeeze3A_243, %dma_start3A_263] : memref<1000000x64xf32, #tpu.memory_space<hbm>> -> memref<1x64xf32, #tpu.memory_space<hbm>>
      tpu.enqueue_dma source(%dma_start3A_264 : memref<1x64xf32, #tpu.memory_space<hbm>>) target(%dma_start3A_262 : memref<1x64xf32, #tpu.memory_space<vmem>>) target_semaphore(%arg8 : memref<!tpu.dma_semaphore, #tpu.memory_space<semaphore_mem>>)
      %slice3A_265 = vector.extract_strided_slice %get3A_152 {offsets = [5], sizes = [1], strides = [1]} : vector<16xi32> to vector<1xi32>
      %squeeze3A_266 = vector.extract %slice3A_265[0] : i32 from vector<1xi32>
      %mul3A_267 = arith.constant 16 : i32
      %mul3A_268 = arith.muli %scan3A_146, %mul3A_267 : i32
      %add3A_269 = arith.constant 5 : i32
      %add3A_270 = arith.addi %mul3A_268, %add3A_269 : i32
      %dma_start3A_271 = arith.constant 3 : i32
      %dma_start3A_272 = arith.constant 0 : i32
      %dma_start3A_273 = arith.constant 0 : i32
      %dma_start3A_274 = tpu.memref_slice %arg7[%dma_start3A_271, %dma_start3A_272, %dma_start3A_273] : memref<7x128x64xf32, #tpu.memory_space<vmem>> -> memref<1x128x64xf32, #tpu.memory_space<vmem>>
      %dma_start3A_275 = tpu.memref_squeeze %dma_start3A_274 : memref<1x128x64xf32, #tpu.memory_space<vmem>> -> memref<128x64xf32, #tpu.memory_space<vmem>>
      %dma_start3A_276 = arith.constant 0 : i32
      %dma_start3A_277 = tpu.memref_slice %dma_start3A_275[%add3A_270, %dma_start3A_276] : memref<128x64xf32, #tpu.memory_space<vmem>> -> memref<1x64xf32, #tpu.memory_space<vmem>>
      %dma_start3A_278 = arith.constant 0 : i32
      %dma_start3A_279 = tpu.memref_slice %arg3[%squeeze3A_266, %dma_start3A_278] : memref<1000000x64xf32, #tpu.memory_space<hbm>> -> memref<1x64xf32, #tpu.memory_space<hbm>>
      %dma_start3A_280 = arith.constant 0 : i32
      %dma_start3A_281 = arith.constant 0 : i32
      %dma_start3A_282 = tpu.memref_slice %arg7[%dma_start3A_271, %dma_start3A_280, %dma_start3A_281] : memref<7x128x64xf32, #tpu.memory_space<vmem>> -> memref<1x128x64xf32, #tpu.memory_space<vmem>>
      %dma_start3A_283 = tpu.memref_squeeze %dma_start3A_282 : memref<1x128x64xf32, #tpu.memory_space<vmem>> -> memref<128x64xf32, #tpu.memory_space<vmem>>
      %dma_start3A_284 = arith.constant 0 : i32
      %dma_start3A_285 = tpu.memref_slice %dma_start3A_283[%add3A_270, %dma_start3A_284] : memref<128x64xf32, #tpu.memory_space<vmem>> -> memref<1x64xf32, #tpu.memory_space<vmem>>
      %dma_start3A_286 = arith.constant 0 : i32
      %dma_start3A_287 = tpu.memref_slice %arg3[%squeeze3A_266, %dma_start3A_286] : memref<1000000x64xf32, #tpu.memory_space<hbm>> -> memref<1x64xf32, #tpu.memory_space<hbm>>
      tpu.enqueue_dma source(%dma_start3A_287 : memref<1x64xf32, #tpu.memory_space<hbm>>) target(%dma_start3A_285 : memref<1x64xf32, #tpu.memory_space<vmem>>) target_semaphore(%arg8 : memref<!tpu.dma_semaphore, #tpu.memory_space<semaphore_mem>>)
      %slice3A_288 = vector.extract_strided_slice %get3A_152 {offsets = [6], sizes = [1], strides = [1]} : vector<16xi32> to vector<1xi32>
      %squeeze3A_289 = vector.extract %slice3A_288[0] : i32 from vector<1xi32>
      %mul3A_290 = arith.constant 16 : i32
      %mul3A_291 = arith.muli %scan3A_146, %mul3A_290 : i32
      %add3A_292 = arith.constant 6 : i32
      %add3A_293 = arith.addi %mul3A_291, %add3A_292 : i32
      %dma_start3A_294 = arith.constant 3 : i32
      %dma_start3A_295 = arith.constant 0 : i32
      %dma_start3A_296 = arith.constant 0 : i32
      %dma_start3A_297 = tpu.memref_slice %arg7[%dma_start3A_294, %dma_start3A_295, %dma_start3A_296] : memref<7x128x64xf32, #tpu.memory_space<vmem>> -> memref<1x128x64xf32, #tpu.memory_space<vmem>>
      %dma_start3A_298 = tpu.memref_squeeze %dma_start3A_297 : memref<1x128x64xf32, #tpu.memory_space<vmem>> -> memref<128x64xf32, #tpu.memory_space<vmem>>
      %dma_start3A_299 = arith.constant 0 : i32
      %dma_start3A_300 = tpu.memref_slice %dma_start3A_298[%add3A_293, %dma_start3A_299] : memref<128x64xf32, #tpu.memory_space<vmem>> -> memref<1x64xf32, #tpu.memory_space<vmem>>
      %dma_start3A_301 = arith.constant 0 : i32
      %dma_start3A_302 = tpu.memref_slice %arg3[%squeeze3A_289, %dma_start3A_301] : memref<1000000x64xf32, #tpu.memory_space<hbm>> -> memref<1x64xf32, #tpu.memory_space<hbm>>
      %dma_start3A_303 = arith.constant 0 : i32
      %dma_start3A_304 = arith.constant 0 : i32
      %dma_start3A_305 = tpu.memref_slice %arg7[%dma_start3A_294, %dma_start3A_303, %dma_start3A_304] : memref<7x128x64xf32, #tpu.memory_space<vmem>> -> memref<1x128x64xf32, #tpu.memory_space<vmem>>
      %dma_start3A_306 = tpu.memref_squeeze %dma_start3A_305 : memref<1x128x64xf32, #tpu.memory_space<vmem>> -> memref<128x64xf32, #tpu.memory_space<vmem>>
      %dma_start3A_307 = arith.constant 0 : i32
      %dma_start3A_308 = tpu.memref_slice %dma_start3A_306[%add3A_293, %dma_start3A_307] : memref<128x64xf32, #tpu.memory_space<vmem>> -> memref<1x64xf32, #tpu.memory_space<vmem>>
      %dma_start3A_309 = arith.constant 0 : i32
      %dma_start3A_310 = tpu.memref_slice %arg3[%squeeze3A_289, %dma_start3A_309] : memref<1000000x64xf32, #tpu.memory_space<hbm>> -> memref<1x64xf32, #tpu.memory_space<hbm>>
      tpu.enqueue_dma source(%dma_start3A_310 : memref<1x64xf32, #tpu.memory_space<hbm>>) target(%dma_start3A_308 : memref<1x64xf32, #tpu.memory_space<vmem>>) target_semaphore(%arg8 : memref<!tpu.dma_semaphore, #tpu.memory_space<semaphore_mem>>)
      %slice3A_311 = vector.extract_strided_slice %get3A_152 {offsets = [7], sizes = [1], strides = [1]} : vector<16xi32> to vector<1xi32>
      %squeeze3A_312 = vector.extract %slice3A_311[0] : i32 from vector<1xi32>
      %mul3A_313 = arith.constant 16 : i32
      %mul3A_314 = arith.muli %scan3A_146, %mul3A_313 : i32
      %add3A_315 = arith.constant 7 : i32
      %add3A_316 = arith.addi %mul3A_314, %add3A_315 : i32
      %dma_start3A_317 = arith.constant 3 : i32
      %dma_start3A_318 = arith.constant 0 : i32
      %dma_start3A_319 = arith.constant 0 : i32
      %dma_start3A_320 = tpu.memref_slice %arg7[%dma_start3A_317, %dma_start3A_318, %dma_start3A_319] : memref<7x128x64xf32, #tpu.memory_space<vmem>> -> memref<1x128x64xf32, #tpu.memory_space<vmem>>
      %dma_start3A_321 = tpu.memref_squeeze %dma_start3A_320 : memref<1x128x64xf32, #tpu.memory_space<vmem>> -> memref<128x64xf32, #tpu.memory_space<vmem>>
      %dma_start3A_322 = arith.constant 0 : i32
      %dma_start3A_323 = tpu.memref_slice %dma_start3A_321[%add3A_316, %dma_start3A_322] : memref<128x64xf32, #tpu.memory_space<vmem>> -> memref<1x64xf32, #tpu.memory_space<vmem>>
      %dma_start3A_324 = arith.constant 0 : i32
      %dma_start3A_325 = tpu.memref_slice %arg3[%squeeze3A_312, %dma_start3A_324] : memref<1000000x64xf32, #tpu.memory_space<hbm>> -> memref<1x64xf32, #tpu.memory_space<hbm>>
      %dma_start3A_326 = arith.constant 0 : i32
      %dma_start3A_327 = arith.constant 0 : i32
      %dma_start3A_328 = tpu.memref_slice %arg7[%dma_start3A_317, %dma_start3A_326, %dma_start3A_327] : memref<7x128x64xf32, #tpu.memory_space<vmem>> -> memref<1x128x64xf32, #tpu.memory_space<vmem>>
      %dma_start3A_329 = tpu.memref_squeeze %dma_start3A_328 : memref<1x128x64xf32, #tpu.memory_space<vmem>> -> memref<128x64xf32, #tpu.memory_space<vmem>>
      %dma_start3A_330 = arith.constant 0 : i32
      %dma_start3A_331 = tpu.memref_slice %dma_start3A_329[%add3A_316, %dma_start3A_330] : memref<128x64xf32, #tpu.memory_space<vmem>> -> memref<1x64xf32, #tpu.memory_space<vmem>>
      %dma_start3A_332 = arith.constant 0 : i32
      %dma_start3A_333 = tpu.memref_slice %arg3[%squeeze3A_312, %dma_start3A_332] : memref<1000000x64xf32, #tpu.memory_space<hbm>> -> memref<1x64xf32, #tpu.memory_space<hbm>>
      tpu.enqueue_dma source(%dma_start3A_333 : memref<1x64xf32, #tpu.memory_space<hbm>>) target(%dma_start3A_331 : memref<1x64xf32, #tpu.memory_space<vmem>>) target_semaphore(%arg8 : memref<!tpu.dma_semaphore, #tpu.memory_space<semaphore_mem>>)
      %slice3A_334 = vector.extract_strided_slice %get3A_152 {offsets = [8], sizes = [1], strides = [1]} : vector<16xi32> to vector<1xi32>
      %squeeze3A_335 = vector.extract %slice3A_334[0] : i32 from vector<1xi32>
      %mul3A_336 = arith.constant 16 : i32
      %mul3A_337 = arith.muli %scan3A_146, %mul3A_336 : i32
      %add3A_338 = arith.constant 8 : i32
      %add3A_339 = arith.addi %mul3A_337, %add3A_338 : i32
      %dma_start3A_340 = arith.constant 3 : i32
      %dma_start3A_341 = arith.constant 0 : i32
      %dma_start3A_342 = arith.constant 0 : i32
      %dma_start3A_343 = tpu.memref_slice %arg7[%dma_start3A_340, %dma_start3A_341, %dma_start3A_342] : memref<7x128x64xf32, #tpu.memory_space<vmem>> -> memref<1x128x64xf32, #tpu.memory_space<vmem>>
      %dma_start3A_344 = tpu.memref_squeeze %dma_start3A_343 : memref<1x128x64xf32, #tpu.memory_space<vmem>> -> memref<128x64xf32, #tpu.memory_space<vmem>>
      %dma_start3A_345 = arith.constant 0 : i32
      %dma_start3A_346 = tpu.memref_slice %dma_start3A_344[%add3A_339, %dma_start3A_345] : memref<128x64xf32, #tpu.memory_space<vmem>> -> memref<1x64xf32, #tpu.memory_space<vmem>>
      %dma_start3A_347 = arith.constant 0 : i32
      %dma_start3A_348 = tpu.memref_slice %arg3[%squeeze3A_335, %dma_start3A_347] : memref<1000000x64xf32, #tpu.memory_space<hbm>> -> memref<1x64xf32, #tpu.memory_space<hbm>>
      %dma_start3A_349 = arith.constant 0 : i32
      %dma_start3A_350 = arith.constant 0 : i32
      %dma_start3A_351 = tpu.memref_slice %arg7[%dma_start3A_340, %dma_start3A_349, %dma_start3A_350] : memref<7x128x64xf32, #tpu.memory_space<vmem>> -> memref<1x128x64xf32, #tpu.memory_space<vmem>>
      %dma_start3A_352 = tpu.memref_squeeze %dma_start3A_351 : memref<1x128x64xf32, #tpu.memory_space<vmem>> -> memref<128x64xf32, #tpu.memory_space<vmem>>
      %dma_start3A_353 = arith.constant 0 : i32
      %dma_start3A_354 = tpu.memref_slice %dma_start3A_352[%add3A_339, %dma_start3A_353] : memref<128x64xf32, #tpu.memory_space<vmem>> -> memref<1x64xf32, #tpu.memory_space<vmem>>
      %dma_start3A_355 = arith.constant 0 : i32
      %dma_start3A_356 = tpu.memref_slice %arg3[%squeeze3A_335, %dma_start3A_355] : memref<1000000x64xf32, #tpu.memory_space<hbm>> -> memref<1x64xf32, #tpu.memory_space<hbm>>
      tpu.enqueue_dma source(%dma_start3A_356 : memref<1x64xf32, #tpu.memory_space<hbm>>) target(%dma_start3A_354 : memref<1x64xf32, #tpu.memory_space<vmem>>) target_semaphore(%arg8 : memref<!tpu.dma_semaphore, #tpu.memory_space<semaphore_mem>>)
      %slice3A_357 = vector.extract_strided_slice %get3A_152 {offsets = [9], sizes = [1], strides = [1]} : vector<16xi32> to vector<1xi32>
      %squeeze3A_358 = vector.extract %slice3A_357[0] : i32 from vector<1xi32>
      %mul3A_359 = arith.constant 16 : i32
      %mul3A_360 = arith.muli %scan3A_146, %mul3A_359 : i32
      %add3A_361 = arith.constant 9 : i32
      %add3A_362 = arith.addi %mul3A_360, %add3A_361 : i32
      %dma_start3A_363 = arith.constant 3 : i32
      %dma_start3A_364 = arith.constant 0 : i32
      %dma_start3A_365 = arith.constant 0 : i32
      %dma_start3A_366 = tpu.memref_slice %arg7[%dma_start3A_363, %dma_start3A_364, %dma_start3A_365] : memref<7x128x64xf32, #tpu.memory_space<vmem>> -> memref<1x128x64xf32, #tpu.memory_space<vmem>>
      %dma_start3A_367 = tpu.memref_squeeze %dma_start3A_366 : memref<1x128x64xf32, #tpu.memory_space<vmem>> -> memref<128x64xf32, #tpu.memory_space<vmem>>
      %dma_start3A_368 = arith.constant 0 : i32
      %dma_start3A_369 = tpu.memref_slice %dma_start3A_367[%add3A_362, %dma_start3A_368] : memref<128x64xf32, #tpu.memory_space<vmem>> -> memref<1x64xf32, #tpu.memory_space<vmem>>
      %dma_start3A_370 = arith.constant 0 : i32
      %dma_start3A_371 = tpu.memref_slice %arg3[%squeeze3A_358, %dma_start3A_370] : memref<1000000x64xf32, #tpu.memory_space<hbm>> -> memref<1x64xf32, #tpu.memory_space<hbm>>
      %dma_start3A_372 = arith.constant 0 : i32
      %dma_start3A_373 = arith.constant 0 : i32
      %dma_start3A_374 = tpu.memref_slice %arg7[%dma_start3A_363, %dma_start3A_372, %dma_start3A_373] : memref<7x128x64xf32, #tpu.memory_space<vmem>> -> memref<1x128x64xf32, #tpu.memory_space<vmem>>
      %dma_start3A_375 = tpu.memref_squeeze %dma_start3A_374 : memref<1x128x64xf32, #tpu.memory_space<vmem>> -> memref<128x64xf32, #tpu.memory_space<vmem>>
      %dma_start3A_376 = arith.constant 0 : i32
      %dma_start3A_377 = tpu.memref_slice %dma_start3A_375[%add3A_362, %dma_start3A_376] : memref<128x64xf32, #tpu.memory_space<vmem>> -> memref<1x64xf32, #tpu.memory_space<vmem>>
      %dma_start3A_378 = arith.constant 0 : i32
      %dma_start3A_379 = tpu.memref_slice %arg3[%squeeze3A_358, %dma_start3A_378] : memref<1000000x64xf32, #tpu.memory_space<hbm>> -> memref<1x64xf32, #tpu.memory_space<hbm>>
      tpu.enqueue_dma source(%dma_start3A_379 : memref<1x64xf32, #tpu.memory_space<hbm>>) target(%dma_start3A_377 : memref<1x64xf32, #tpu.memory_space<vmem>>) target_semaphore(%arg8 : memref<!tpu.dma_semaphore, #tpu.memory_space<semaphore_mem>>)
      %slice3A_380 = vector.extract_strided_slice %get3A_152 {offsets = [10], sizes = [1], strides = [1]} : vector<16xi32> to vector<1xi32>
      %squeeze3A_381 = vector.extract %slice3A_380[0] : i32 from vector<1xi32>
      %mul3A_382 = arith.constant 16 : i32
      %mul3A_383 = arith.muli %scan3A_146, %mul3A_382 : i32
      %add3A_384 = arith.constant 10 : i32
      %add3A_385 = arith.addi %mul3A_383, %add3A_384 : i32
      %dma_start3A_386 = arith.constant 3 : i32
      %dma_start3A_387 = arith.constant 0 : i32
      %dma_start3A_388 = arith.constant 0 : i32
      %dma_start3A_389 = tpu.memref_slice %arg7[%dma_start3A_386, %dma_start3A_387, %dma_start3A_388] : memref<7x128x64xf32, #tpu.memory_space<vmem>> -> memref<1x128x64xf32, #tpu.memory_space<vmem>>
      %dma_start3A_390 = tpu.memref_squeeze %dma_start3A_389 : memref<1x128x64xf32, #tpu.memory_space<vmem>> -> memref<128x64xf32, #tpu.memory_space<vmem>>
      %dma_start3A_391 = arith.constant 0 : i32
      %dma_start3A_392 = tpu.memref_slice %dma_start3A_390[%add3A_385, %dma_start3A_391] : memref<128x64xf32, #tpu.memory_space<vmem>> -> memref<1x64xf32, #tpu.memory_space<vmem>>
      %dma_start3A_393 = arith.constant 0 : i32
      %dma_start3A_394 = tpu.memref_slice %arg3[%squeeze3A_381, %dma_start3A_393] : memref<1000000x64xf32, #tpu.memory_space<hbm>> -> memref<1x64xf32, #tpu.memory_space<hbm>>
      %dma_start3A_395 = arith.constant 0 : i32
      %dma_start3A_396 = arith.constant 0 : i32
      %dma_start3A_397 = tpu.memref_slice %arg7[%dma_start3A_386, %dma_start3A_395, %dma_start3A_396] : memref<7x128x64xf32, #tpu.memory_space<vmem>> -> memref<1x128x64xf32, #tpu.memory_space<vmem>>
      %dma_start3A_398 = tpu.memref_squeeze %dma_start3A_397 : memref<1x128x64xf32, #tpu.memory_space<vmem>> -> memref<128x64xf32, #tpu.memory_space<vmem>>
      %dma_start3A_399 = arith.constant 0 : i32
      %dma_start3A_400 = tpu.memref_slice %dma_start3A_398[%add3A_385, %dma_start3A_399] : memref<128x64xf32, #tpu.memory_space<vmem>> -> memref<1x64xf32, #tpu.memory_space<vmem>>
      %dma_start3A_401 = arith.constant 0 : i32
      %dma_start3A_402 = tpu.memref_slice %arg3[%squeeze3A_381, %dma_start3A_401] : memref<1000000x64xf32, #tpu.memory_space<hbm>> -> memref<1x64xf32, #tpu.memory_space<hbm>>
      tpu.enqueue_dma source(%dma_start3A_402 : memref<1x64xf32, #tpu.memory_space<hbm>>) target(%dma_start3A_400 : memref<1x64xf32, #tpu.memory_space<vmem>>) target_semaphore(%arg8 : memref<!tpu.dma_semaphore, #tpu.memory_space<semaphore_mem>>)
      %slice3A_403 = vector.extract_strided_slice %get3A_152 {offsets = [11], sizes = [1], strides = [1]} : vector<16xi32> to vector<1xi32>
      %squeeze3A_404 = vector.extract %slice3A_403[0] : i32 from vector<1xi32>
      %mul3A_405 = arith.constant 16 : i32
      %mul3A_406 = arith.muli %scan3A_146, %mul3A_405 : i32
      %add3A_407 = arith.constant 11 : i32
      %add3A_408 = arith.addi %mul3A_406, %add3A_407 : i32
      %dma_start3A_409 = arith.constant 3 : i32
      %dma_start3A_410 = arith.constant 0 : i32
      %dma_start3A_411 = arith.constant 0 : i32
      %dma_start3A_412 = tpu.memref_slice %arg7[%dma_start3A_409, %dma_start3A_410, %dma_start3A_411] : memref<7x128x64xf32, #tpu.memory_space<vmem>> -> memref<1x128x64xf32, #tpu.memory_space<vmem>>
      %dma_start3A_413 = tpu.memref_squeeze %dma_start3A_412 : memref<1x128x64xf32, #tpu.memory_space<vmem>> -> memref<128x64xf32, #tpu.memory_space<vmem>>
      %dma_start3A_414 = arith.constant 0 : i32
      %dma_start3A_415 = tpu.memref_slice %dma_start3A_413[%add3A_408, %dma_start3A_414] : memref<128x64xf32, #tpu.memory_space<vmem>> -> memref<1x64xf32, #tpu.memory_space<vmem>>
      %dma_start3A_416 = arith.constant 0 : i32
      %dma_start3A_417 = tpu.memref_slice %arg3[%squeeze3A_404, %dma_start3A_416] : memref<1000000x64xf32, #tpu.memory_space<hbm>> -> memref<1x64xf32, #tpu.memory_space<hbm>>
      %dma_start3A_418 = arith.constant 0 : i32
      %dma_start3A_419 = arith.constant 0 : i32
      %dma_start3A_420 = tpu.memref_slice %arg7[%dma_start3A_409, %dma_start3A_418, %dma_start3A_419] : memref<7x128x64xf32, #tpu.memory_space<vmem>> -> memref<1x128x64xf32, #tpu.memory_space<vmem>>
      %dma_start3A_421 = tpu.memref_squeeze %dma_start3A_420 : memref<1x128x64xf32, #tpu.memory_space<vmem>> -> memref<128x64xf32, #tpu.memory_space<vmem>>
      %dma_start3A_422 = arith.constant 0 : i32
      %dma_start3A_423 = tpu.memref_slice %dma_start3A_421[%add3A_408, %dma_start3A_422] : memref<128x64xf32, #tpu.memory_space<vmem>> -> memref<1x64xf32, #tpu.memory_space<vmem>>
      %dma_start3A_424 = arith.constant 0 : i32
      %dma_start3A_425 = tpu.memref_slice %arg3[%squeeze3A_404, %dma_start3A_424] : memref<1000000x64xf32, #tpu.memory_space<hbm>> -> memref<1x64xf32, #tpu.memory_space<hbm>>
      tpu.enqueue_dma source(%dma_start3A_425 : memref<1x64xf32, #tpu.memory_space<hbm>>) target(%dma_start3A_423 : memref<1x64xf32, #tpu.memory_space<vmem>>) target_semaphore(%arg8 : memref<!tpu.dma_semaphore, #tpu.memory_space<semaphore_mem>>)
      %slice3A_426 = vector.extract_strided_slice %get3A_152 {offsets = [12], sizes = [1], strides = [1]} : vector<16xi32> to vector<1xi32>
      %squeeze3A_427 = vector.extract %slice3A_426[0] : i32 from vector<1xi32>
      %mul3A_428 = arith.constant 16 : i32
      %mul3A_429 = arith.muli %scan3A_146, %mul3A_428 : i32
      %add3A_430 = arith.constant 12 : i32
      %add3A_431 = arith.addi %mul3A_429, %add3A_430 : i32
      %dma_start3A_432 = arith.constant 3 : i32
      %dma_start3A_433 = arith.constant 0 : i32
      %dma_start3A_434 = arith.constant 0 : i32
      %dma_start3A_435 = tpu.memref_slice %arg7[%dma_start3A_432, %dma_start3A_433, %dma_start3A_434] : memref<7x128x64xf32, #tpu.memory_space<vmem>> -> memref<1x128x64xf32, #tpu.memory_space<vmem>>
      %dma_start3A_436 = tpu.memref_squeeze %dma_start3A_435 : memref<1x128x64xf32, #tpu.memory_space<vmem>> -> memref<128x64xf32, #tpu.memory_space<vmem>>
      %dma_start3A_437 = arith.constant 0 : i32
      %dma_start3A_438 = tpu.memref_slice %dma_start3A_436[%add3A_431, %dma_start3A_437] : memref<128x64xf32, #tpu.memory_space<vmem>> -> memref<1x64xf32, #tpu.memory_space<vmem>>
      %dma_start3A_439 = arith.constant 0 : i32
      %dma_start3A_440 = tpu.memref_slice %arg3[%squeeze3A_427, %dma_start3A_439] : memref<1000000x64xf32, #tpu.memory_space<hbm>> -> memref<1x64xf32, #tpu.memory_space<hbm>>
      %dma_start3A_441 = arith.constant 0 : i32
      %dma_start3A_442 = arith.constant 0 : i32
      %dma_start3A_443 = tpu.memref_slice %arg7[%dma_start3A_432, %dma_start3A_441, %dma_start3A_442] : memref<7x128x64xf32, #tpu.memory_space<vmem>> -> memref<1x128x64xf32, #tpu.memory_space<vmem>>
      %dma_start3A_444 = tpu.memref_squeeze %dma_start3A_443 : memref<1x128x64xf32, #tpu.memory_space<vmem>> -> memref<128x64xf32, #tpu.memory_space<vmem>>
      %dma_start3A_445 = arith.constant 0 : i32
      %dma_start3A_446 = tpu.memref_slice %dma_start3A_444[%add3A_431, %dma_start3A_445] : memref<128x64xf32, #tpu.memory_space<vmem>> -> memref<1x64xf32, #tpu.memory_space<vmem>>
      %dma_start3A_447 = arith.constant 0 : i32
      %dma_start3A_448 = tpu.memref_slice %arg3[%squeeze3A_427, %dma_start3A_447] : memref<1000000x64xf32, #tpu.memory_space<hbm>> -> memref<1x64xf32, #tpu.memory_space<hbm>>
      tpu.enqueue_dma source(%dma_start3A_448 : memref<1x64xf32, #tpu.memory_space<hbm>>) target(%dma_start3A_446 : memref<1x64xf32, #tpu.memory_space<vmem>>) target_semaphore(%arg8 : memref<!tpu.dma_semaphore, #tpu.memory_space<semaphore_mem>>)
      %slice3A_449 = vector.extract_strided_slice %get3A_152 {offsets = [13], sizes = [1], strides = [1]} : vector<16xi32> to vector<1xi32>
      %squeeze3A_450 = vector.extract %slice3A_449[0] : i32 from vector<1xi32>
      %mul3A_451 = arith.constant 16 : i32
      %mul3A_452 = arith.muli %scan3A_146, %mul3A_451 : i32
      %add3A_453 = arith.constant 13 : i32
      %add3A_454 = arith.addi %mul3A_452, %add3A_453 : i32
      %dma_start3A_455 = arith.constant 3 : i32
      %dma_start3A_456 = arith.constant 0 : i32
      %dma_start3A_457 = arith.constant 0 : i32
      %dma_start3A_458 = tpu.memref_slice %arg7[%dma_start3A_455, %dma_start3A_456, %dma_start3A_457] : memref<7x128x64xf32, #tpu.memory_space<vmem>> -> memref<1x128x64xf32, #tpu.memory_space<vmem>>
      %dma_start3A_459 = tpu.memref_squeeze %dma_start3A_458 : memref<1x128x64xf32, #tpu.memory_space<vmem>> -> memref<128x64xf32, #tpu.memory_space<vmem>>
      %dma_start3A_460 = arith.constant 0 : i32
      %dma_start3A_461 = tpu.memref_slice %dma_start3A_459[%add3A_454, %dma_start3A_460] : memref<128x64xf32, #tpu.memory_space<vmem>> -> memref<1x64xf32, #tpu.memory_space<vmem>>
      %dma_start3A_462 = arith.constant 0 : i32
      %dma_start3A_463 = tpu.memref_slice %arg3[%squeeze3A_450, %dma_start3A_462] : memref<1000000x64xf32, #tpu.memory_space<hbm>> -> memref<1x64xf32, #tpu.memory_space<hbm>>
      %dma_start3A_464 = arith.constant 0 : i32
      %dma_start3A_465 = arith.constant 0 : i32
      %dma_start3A_466 = tpu.memref_slice %arg7[%dma_start3A_455, %dma_start3A_464, %dma_start3A_465] : memref<7x128x64xf32, #tpu.memory_space<vmem>> -> memref<1x128x64xf32, #tpu.memory_space<vmem>>
      %dma_start3A_467 = tpu.memref_squeeze %dma_start3A_466 : memref<1x128x64xf32, #tpu.memory_space<vmem>> -> memref<128x64xf32, #tpu.memory_space<vmem>>
      %dma_start3A_468 = arith.constant 0 : i32
      %dma_start3A_469 = tpu.memref_slice %dma_start3A_467[%add3A_454, %dma_start3A_468] : memref<128x64xf32, #tpu.memory_space<vmem>> -> memref<1x64xf32, #tpu.memory_space<vmem>>
      %dma_start3A_470 = arith.constant 0 : i32
      %dma_start3A_471 = tpu.memref_slice %arg3[%squeeze3A_450, %dma_start3A_470] : memref<1000000x64xf32, #tpu.memory_space<hbm>> -> memref<1x64xf32, #tpu.memory_space<hbm>>
      tpu.enqueue_dma source(%dma_start3A_471 : memref<1x64xf32, #tpu.memory_space<hbm>>) target(%dma_start3A_469 : memref<1x64xf32, #tpu.memory_space<vmem>>) target_semaphore(%arg8 : memref<!tpu.dma_semaphore, #tpu.memory_space<semaphore_mem>>)
      %slice3A_472 = vector.extract_strided_slice %get3A_152 {offsets = [14], sizes = [1], strides = [1]} : vector<16xi32> to vector<1xi32>
      %squeeze3A_473 = vector.extract %slice3A_472[0] : i32 from vector<1xi32>
      %mul3A_474 = arith.constant 16 : i32
      %mul3A_475 = arith.muli %scan3A_146, %mul3A_474 : i32
      %add3A_476 = arith.constant 14 : i32
      %add3A_477 = arith.addi %mul3A_475, %add3A_476 : i32
      %dma_start3A_478 = arith.constant 3 : i32
      %dma_start3A_479 = arith.constant 0 : i32
      %dma_start3A_480 = arith.constant 0 : i32
      %dma_start3A_481 = tpu.memref_slice %arg7[%dma_start3A_478, %dma_start3A_479, %dma_start3A_480] : memref<7x128x64xf32, #tpu.memory_space<vmem>> -> memref<1x128x64xf32, #tpu.memory_space<vmem>>
      %dma_start3A_482 = tpu.memref_squeeze %dma_start3A_481 : memref<1x128x64xf32, #tpu.memory_space<vmem>> -> memref<128x64xf32, #tpu.memory_space<vmem>>
      %dma_start3A_483 = arith.constant 0 : i32
      %dma_start3A_484 = tpu.memref_slice %dma_start3A_482[%add3A_477, %dma_start3A_483] : memref<128x64xf32, #tpu.memory_space<vmem>> -> memref<1x64xf32, #tpu.memory_space<vmem>>
      %dma_start3A_485 = arith.constant 0 : i32
      %dma_start3A_486 = tpu.memref_slice %arg3[%squeeze3A_473, %dma_start3A_485] : memref<1000000x64xf32, #tpu.memory_space<hbm>> -> memref<1x64xf32, #tpu.memory_space<hbm>>
      %dma_start3A_487 = arith.constant 0 : i32
      %dma_start3A_488 = arith.constant 0 : i32
      %dma_start3A_489 = tpu.memref_slice %arg7[%dma_start3A_478, %dma_start3A_487, %dma_start3A_488] : memref<7x128x64xf32, #tpu.memory_space<vmem>> -> memref<1x128x64xf32, #tpu.memory_space<vmem>>
      %dma_start3A_490 = tpu.memref_squeeze %dma_start3A_489 : memref<1x128x64xf32, #tpu.memory_space<vmem>> -> memref<128x64xf32, #tpu.memory_space<vmem>>
      %dma_start3A_491 = arith.constant 0 : i32
      %dma_start3A_492 = tpu.memref_slice %dma_start3A_490[%add3A_477, %dma_start3A_491] : memref<128x64xf32, #tpu.memory_space<vmem>> -> memref<1x64xf32, #tpu.memory_space<vmem>>
      %dma_start3A_493 = arith.constant 0 : i32
      %dma_start3A_494 = tpu.memref_slice %arg3[%squeeze3A_473, %dma_start3A_493] : memref<1000000x64xf32, #tpu.memory_space<hbm>> -> memref<1x64xf32, #tpu.memory_space<hbm>>
      tpu.enqueue_dma source(%dma_start3A_494 : memref<1x64xf32, #tpu.memory_space<hbm>>) target(%dma_start3A_492 : memref<1x64xf32, #tpu.memory_space<vmem>>) target_semaphore(%arg8 : memref<!tpu.dma_semaphore, #tpu.memory_space<semaphore_mem>>)
      %slice3A_495 = vector.extract_strided_slice %get3A_152 {offsets = [15], sizes = [1], strides = [1]} : vector<16xi32> to vector<1xi32>
      %squeeze3A_496 = vector.extract %slice3A_495[0] : i32 from vector<1xi32>
      %mul3A_497 = arith.constant 16 : i32
      %mul3A_498 = arith.muli %scan3A_146, %mul3A_497 : i32
      %add3A_499 = arith.constant 15 : i32
      %add3A_500 = arith.addi %mul3A_498, %add3A_499 : i32
      %dma_start3A_501 = arith.constant 3 : i32
      %dma_start3A_502 = arith.constant 0 : i32
      %dma_start3A_503 = arith.constant 0 : i32
      %dma_start3A_504 = tpu.memref_slice %arg7[%dma_start3A_501, %dma_start3A_502, %dma_start3A_503] : memref<7x128x64xf32, #tpu.memory_space<vmem>> -> memref<1x128x64xf32, #tpu.memory_space<vmem>>
      %dma_start3A_505 = tpu.memref_squeeze %dma_start3A_504 : memref<1x128x64xf32, #tpu.memory_space<vmem>> -> memref<128x64xf32, #tpu.memory_space<vmem>>
      %dma_start3A_506 = arith.constant 0 : i32
      %dma_start3A_507 = tpu.memref_slice %dma_start3A_505[%add3A_500, %dma_start3A_506] : memref<128x64xf32, #tpu.memory_space<vmem>> -> memref<1x64xf32, #tpu.memory_space<vmem>>
      %dma_start3A_508 = arith.constant 0 : i32
      %dma_start3A_509 = tpu.memref_slice %arg3[%squeeze3A_496, %dma_start3A_508] : memref<1000000x64xf32, #tpu.memory_space<hbm>> -> memref<1x64xf32, #tpu.memory_space<hbm>>
      %dma_start3A_510 = arith.constant 0 : i32
      %dma_start3A_511 = arith.constant 0 : i32
      %dma_start3A_512 = tpu.memref_slice %arg7[%dma_start3A_501, %dma_start3A_510, %dma_start3A_511] : memref<7x128x64xf32, #tpu.memory_space<vmem>> -> memref<1x128x64xf32, #tpu.memory_space<vmem>>
      %dma_start3A_513 = tpu.memref_squeeze %dma_start3A_512 : memref<1x128x64xf32, #tpu.memory_space<vmem>> -> memref<128x64xf32, #tpu.memory_space<vmem>>
      %dma_start3A_514 = arith.constant 0 : i32
      %dma_start3A_515 = tpu.memref_slice %dma_start3A_513[%add3A_500, %dma_start3A_514] : memref<128x64xf32, #tpu.memory_space<vmem>> -> memref<1x64xf32, #tpu.memory_space<vmem>>
      %dma_start3A_516 = arith.constant 0 : i32
      %dma_start3A_517 = tpu.memref_slice %arg3[%squeeze3A_496, %dma_start3A_516] : memref<1000000x64xf32, #tpu.memory_space<hbm>> -> memref<1x64xf32, #tpu.memory_space<hbm>>
      tpu.enqueue_dma source(%dma_start3A_517 : memref<1x64xf32, #tpu.memory_space<hbm>>) target(%dma_start3A_515 : memref<1x64xf32, #tpu.memory_space<vmem>>) target_semaphore(%arg8 : memref<!tpu.dma_semaphore, #tpu.memory_space<semaphore_mem>>)
    }
    %scan3A_23 = arith.constant 8 : i32
    %scan3A_24 = arith.constant 0 : i32
    %scan3A_25 = arith.constant 0 : i32
    %scan3A_26 = arith.constant 8 : i32
    %scan3A_27 = arith.addi %scan3A_25, %scan3A_26 : i32
    %scan3A_28 = arith.constant 1 : i32
    scf.for %scan3A_146 = %scan3A_25 to %scan3A_27 step %scan3A_28  : i32 {
      %mul3A_147 = arith.constant 16 : i32
      %mul3A_148 = arith.muli %scan3A_146, %mul3A_147 : i32
      %get3A = arith.constant 4 : i32
      %get3A_149 = arith.index_cast %get3A : i32 to index
      %get3A_150 = arith.index_cast %mul3A_148 : i32 to index
      %get3A_151 = tpu.vector_load %arg6[%get3A_149, %get3A_150] {strides = array<i32>} : memref<7x128xi32, #tpu.memory_space<vmem>>, vector<1x16xi32>,
      %get3A_152 = vector.shape_cast %get3A_151 : vector<1x16xi32> to vector<16xi32>
      %slice3A = vector.extract_strided_slice %get3A_152 {offsets = [0], sizes = [1], strides = [1]} : vector<16xi32> to vector<1xi32>
      %squeeze3A = vector.extract %slice3A[0] : i32 from vector<1xi32>
      %mul3A_153 = arith.constant 16 : i32
      %mul3A_154 = arith.muli %scan3A_146, %mul3A_153 : i32
      %add3A_155 = arith.constant 0 : i32
      %add3A_156 = arith.addi %mul3A_154, %add3A_155 : i32
      %dma_start3A = arith.constant 4 : i32
      %dma_start3A_157 = arith.constant 0 : i32
      %dma_start3A_158 = arith.constant 0 : i32
      %dma_start3A_159 = tpu.memref_slice %arg7[%dma_start3A, %dma_start3A_157, %dma_start3A_158] : memref<7x128x64xf32, #tpu.memory_space<vmem>> -> memref<1x128x64xf32, #tpu.memory_space<vmem>>
      %dma_start3A_160 = tpu.memref_squeeze %dma_start3A_159 : memref<1x128x64xf32, #tpu.memory_space<vmem>> -> memref<128x64xf32, #tpu.memory_space<vmem>>
      %dma_start3A_161 = arith.constant 0 : i32
      %dma_start3A_162 = tpu.memref_slice %dma_start3A_160[%add3A_156, %dma_start3A_161] : memref<128x64xf32, #tpu.memory_space<vmem>> -> memref<1x64xf32, #tpu.memory_space<vmem>>
      %dma_start3A_163 = arith.constant 0 : i32
      %dma_start3A_164 = tpu.memref_slice %arg3[%squeeze3A, %dma_start3A_163] : memref<1000000x64xf32, #tpu.memory_space<hbm>> -> memref<1x64xf32, #tpu.memory_space<hbm>>
      %dma_start3A_165 = arith.constant 0 : i32
      %dma_start3A_166 = arith.constant 0 : i32
      %dma_start3A_167 = tpu.memref_slice %arg7[%dma_start3A, %dma_start3A_165, %dma_start3A_166] : memref<7x128x64xf32, #tpu.memory_space<vmem>> -> memref<1x128x64xf32, #tpu.memory_space<vmem>>
      %dma_start3A_168 = tpu.memref_squeeze %dma_start3A_167 : memref<1x128x64xf32, #tpu.memory_space<vmem>> -> memref<128x64xf32, #tpu.memory_space<vmem>>
      %dma_start3A_169 = arith.constant 0 : i32
      %dma_start3A_170 = tpu.memref_slice %dma_start3A_168[%add3A_156, %dma_start3A_169] : memref<128x64xf32, #tpu.memory_space<vmem>> -> memref<1x64xf32, #tpu.memory_space<vmem>>
      %dma_start3A_171 = arith.constant 0 : i32
      %dma_start3A_172 = tpu.memref_slice %arg3[%squeeze3A, %dma_start3A_171] : memref<1000000x64xf32, #tpu.memory_space<hbm>> -> memref<1x64xf32, #tpu.memory_space<hbm>>
      tpu.enqueue_dma source(%dma_start3A_172 : memref<1x64xf32, #tpu.memory_space<hbm>>) target(%dma_start3A_170 : memref<1x64xf32, #tpu.memory_space<vmem>>) target_semaphore(%arg8 : memref<!tpu.dma_semaphore, #tpu.memory_space<semaphore_mem>>)
      %slice3A_173 = vector.extract_strided_slice %get3A_152 {offsets = [1], sizes = [1], strides = [1]} : vector<16xi32> to vector<1xi32>
      %squeeze3A_174 = vector.extract %slice3A_173[0] : i32 from vector<1xi32>
      %mul3A_175 = arith.constant 16 : i32
      %mul3A_176 = arith.muli %scan3A_146, %mul3A_175 : i32
      %add3A_177 = arith.constant 1 : i32
      %add3A_178 = arith.addi %mul3A_176, %add3A_177 : i32
      %dma_start3A_179 = arith.constant 4 : i32
      %dma_start3A_180 = arith.constant 0 : i32
      %dma_start3A_181 = arith.constant 0 : i32
      %dma_start3A_182 = tpu.memref_slice %arg7[%dma_start3A_179, %dma_start3A_180, %dma_start3A_181] : memref<7x128x64xf32, #tpu.memory_space<vmem>> -> memref<1x128x64xf32, #tpu.memory_space<vmem>>
      %dma_start3A_183 = tpu.memref_squeeze %dma_start3A_182 : memref<1x128x64xf32, #tpu.memory_space<vmem>> -> memref<128x64xf32, #tpu.memory_space<vmem>>
      %dma_start3A_184 = arith.constant 0 : i32
      %dma_start3A_185 = tpu.memref_slice %dma_start3A_183[%add3A_178, %dma_start3A_184] : memref<128x64xf32, #tpu.memory_space<vmem>> -> memref<1x64xf32, #tpu.memory_space<vmem>>
      %dma_start3A_186 = arith.constant 0 : i32
      %dma_start3A_187 = tpu.memref_slice %arg3[%squeeze3A_174, %dma_start3A_186] : memref<1000000x64xf32, #tpu.memory_space<hbm>> -> memref<1x64xf32, #tpu.memory_space<hbm>>
      %dma_start3A_188 = arith.constant 0 : i32
      %dma_start3A_189 = arith.constant 0 : i32
      %dma_start3A_190 = tpu.memref_slice %arg7[%dma_start3A_179, %dma_start3A_188, %dma_start3A_189] : memref<7x128x64xf32, #tpu.memory_space<vmem>> -> memref<1x128x64xf32, #tpu.memory_space<vmem>>
      %dma_start3A_191 = tpu.memref_squeeze %dma_start3A_190 : memref<1x128x64xf32, #tpu.memory_space<vmem>> -> memref<128x64xf32, #tpu.memory_space<vmem>>
      %dma_start3A_192 = arith.constant 0 : i32
      %dma_start3A_193 = tpu.memref_slice %dma_start3A_191[%add3A_178, %dma_start3A_192] : memref<128x64xf32, #tpu.memory_space<vmem>> -> memref<1x64xf32, #tpu.memory_space<vmem>>
      %dma_start3A_194 = arith.constant 0 : i32
      %dma_start3A_195 = tpu.memref_slice %arg3[%squeeze3A_174, %dma_start3A_194] : memref<1000000x64xf32, #tpu.memory_space<hbm>> -> memref<1x64xf32, #tpu.memory_space<hbm>>
      tpu.enqueue_dma source(%dma_start3A_195 : memref<1x64xf32, #tpu.memory_space<hbm>>) target(%dma_start3A_193 : memref<1x64xf32, #tpu.memory_space<vmem>>) target_semaphore(%arg8 : memref<!tpu.dma_semaphore, #tpu.memory_space<semaphore_mem>>)
      %slice3A_196 = vector.extract_strided_slice %get3A_152 {offsets = [2], sizes = [1], strides = [1]} : vector<16xi32> to vector<1xi32>
      %squeeze3A_197 = vector.extract %slice3A_196[0] : i32 from vector<1xi32>
      %mul3A_198 = arith.constant 16 : i32
      %mul3A_199 = arith.muli %scan3A_146, %mul3A_198 : i32
      %add3A_200 = arith.constant 2 : i32
      %add3A_201 = arith.addi %mul3A_199, %add3A_200 : i32
      %dma_start3A_202 = arith.constant 4 : i32
      %dma_start3A_203 = arith.constant 0 : i32
      %dma_start3A_204 = arith.constant 0 : i32
      %dma_start3A_205 = tpu.memref_slice %arg7[%dma_start3A_202, %dma_start3A_203, %dma_start3A_204] : memref<7x128x64xf32, #tpu.memory_space<vmem>> -> memref<1x128x64xf32, #tpu.memory_space<vmem>>
      %dma_start3A_206 = tpu.memref_squeeze %dma_start3A_205 : memref<1x128x64xf32, #tpu.memory_space<vmem>> -> memref<128x64xf32, #tpu.memory_space<vmem>>
      %dma_start3A_207 = arith.constant 0 : i32
      %dma_start3A_208 = tpu.memref_slice %dma_start3A_206[%add3A_201, %dma_start3A_207] : memref<128x64xf32, #tpu.memory_space<vmem>> -> memref<1x64xf32, #tpu.memory_space<vmem>>
      %dma_start3A_209 = arith.constant 0 : i32
      %dma_start3A_210 = tpu.memref_slice %arg3[%squeeze3A_197, %dma_start3A_209] : memref<1000000x64xf32, #tpu.memory_space<hbm>> -> memref<1x64xf32, #tpu.memory_space<hbm>>
      %dma_start3A_211 = arith.constant 0 : i32
      %dma_start3A_212 = arith.constant 0 : i32
      %dma_start3A_213 = tpu.memref_slice %arg7[%dma_start3A_202, %dma_start3A_211, %dma_start3A_212] : memref<7x128x64xf32, #tpu.memory_space<vmem>> -> memref<1x128x64xf32, #tpu.memory_space<vmem>>
      %dma_start3A_214 = tpu.memref_squeeze %dma_start3A_213 : memref<1x128x64xf32, #tpu.memory_space<vmem>> -> memref<128x64xf32, #tpu.memory_space<vmem>>
      %dma_start3A_215 = arith.constant 0 : i32
      %dma_start3A_216 = tpu.memref_slice %dma_start3A_214[%add3A_201, %dma_start3A_215] : memref<128x64xf32, #tpu.memory_space<vmem>> -> memref<1x64xf32, #tpu.memory_space<vmem>>
      %dma_start3A_217 = arith.constant 0 : i32
      %dma_start3A_218 = tpu.memref_slice %arg3[%squeeze3A_197, %dma_start3A_217] : memref<1000000x64xf32, #tpu.memory_space<hbm>> -> memref<1x64xf32, #tpu.memory_space<hbm>>
      tpu.enqueue_dma source(%dma_start3A_218 : memref<1x64xf32, #tpu.memory_space<hbm>>) target(%dma_start3A_216 : memref<1x64xf32, #tpu.memory_space<vmem>>) target_semaphore(%arg8 : memref<!tpu.dma_semaphore, #tpu.memory_space<semaphore_mem>>)
      %slice3A_219 = vector.extract_strided_slice %get3A_152 {offsets = [3], sizes = [1], strides = [1]} : vector<16xi32> to vector<1xi32>
      %squeeze3A_220 = vector.extract %slice3A_219[0] : i32 from vector<1xi32>
      %mul3A_221 = arith.constant 16 : i32
      %mul3A_222 = arith.muli %scan3A_146, %mul3A_221 : i32
      %add3A_223 = arith.constant 3 : i32
      %add3A_224 = arith.addi %mul3A_222, %add3A_223 : i32
      %dma_start3A_225 = arith.constant 4 : i32
      %dma_start3A_226 = arith.constant 0 : i32
      %dma_start3A_227 = arith.constant 0 : i32
      %dma_start3A_228 = tpu.memref_slice %arg7[%dma_start3A_225, %dma_start3A_226, %dma_start3A_227] : memref<7x128x64xf32, #tpu.memory_space<vmem>> -> memref<1x128x64xf32, #tpu.memory_space<vmem>>
      %dma_start3A_229 = tpu.memref_squeeze %dma_start3A_228 : memref<1x128x64xf32, #tpu.memory_space<vmem>> -> memref<128x64xf32, #tpu.memory_space<vmem>>
      %dma_start3A_230 = arith.constant 0 : i32
      %dma_start3A_231 = tpu.memref_slice %dma_start3A_229[%add3A_224, %dma_start3A_230] : memref<128x64xf32, #tpu.memory_space<vmem>> -> memref<1x64xf32, #tpu.memory_space<vmem>>
      %dma_start3A_232 = arith.constant 0 : i32
      %dma_start3A_233 = tpu.memref_slice %arg3[%squeeze3A_220, %dma_start3A_232] : memref<1000000x64xf32, #tpu.memory_space<hbm>> -> memref<1x64xf32, #tpu.memory_space<hbm>>
      %dma_start3A_234 = arith.constant 0 : i32
      %dma_start3A_235 = arith.constant 0 : i32
      %dma_start3A_236 = tpu.memref_slice %arg7[%dma_start3A_225, %dma_start3A_234, %dma_start3A_235] : memref<7x128x64xf32, #tpu.memory_space<vmem>> -> memref<1x128x64xf32, #tpu.memory_space<vmem>>
      %dma_start3A_237 = tpu.memref_squeeze %dma_start3A_236 : memref<1x128x64xf32, #tpu.memory_space<vmem>> -> memref<128x64xf32, #tpu.memory_space<vmem>>
      %dma_start3A_238 = arith.constant 0 : i32
      %dma_start3A_239 = tpu.memref_slice %dma_start3A_237[%add3A_224, %dma_start3A_238] : memref<128x64xf32, #tpu.memory_space<vmem>> -> memref<1x64xf32, #tpu.memory_space<vmem>>
      %dma_start3A_240 = arith.constant 0 : i32
      %dma_start3A_241 = tpu.memref_slice %arg3[%squeeze3A_220, %dma_start3A_240] : memref<1000000x64xf32, #tpu.memory_space<hbm>> -> memref<1x64xf32, #tpu.memory_space<hbm>>
      tpu.enqueue_dma source(%dma_start3A_241 : memref<1x64xf32, #tpu.memory_space<hbm>>) target(%dma_start3A_239 : memref<1x64xf32, #tpu.memory_space<vmem>>) target_semaphore(%arg8 : memref<!tpu.dma_semaphore, #tpu.memory_space<semaphore_mem>>)
      %slice3A_242 = vector.extract_strided_slice %get3A_152 {offsets = [4], sizes = [1], strides = [1]} : vector<16xi32> to vector<1xi32>
      %squeeze3A_243 = vector.extract %slice3A_242[0] : i32 from vector<1xi32>
      %mul3A_244 = arith.constant 16 : i32
      %mul3A_245 = arith.muli %scan3A_146, %mul3A_244 : i32
      %add3A_246 = arith.constant 4 : i32
      %add3A_247 = arith.addi %mul3A_245, %add3A_246 : i32
      %dma_start3A_248 = arith.constant 4 : i32
      %dma_start3A_249 = arith.constant 0 : i32
      %dma_start3A_250 = arith.constant 0 : i32
      %dma_start3A_251 = tpu.memref_slice %arg7[%dma_start3A_248, %dma_start3A_249, %dma_start3A_250] : memref<7x128x64xf32, #tpu.memory_space<vmem>> -> memref<1x128x64xf32, #tpu.memory_space<vmem>>
      %dma_start3A_252 = tpu.memref_squeeze %dma_start3A_251 : memref<1x128x64xf32, #tpu.memory_space<vmem>> -> memref<128x64xf32, #tpu.memory_space<vmem>>
      %dma_start3A_253 = arith.constant 0 : i32
      %dma_start3A_254 = tpu.memref_slice %dma_start3A_252[%add3A_247, %dma_start3A_253] : memref<128x64xf32, #tpu.memory_space<vmem>> -> memref<1x64xf32, #tpu.memory_space<vmem>>
      %dma_start3A_255 = arith.constant 0 : i32
      %dma_start3A_256 = tpu.memref_slice %arg3[%squeeze3A_243, %dma_start3A_255] : memref<1000000x64xf32, #tpu.memory_space<hbm>> -> memref<1x64xf32, #tpu.memory_space<hbm>>
      %dma_start3A_257 = arith.constant 0 : i32
      %dma_start3A_258 = arith.constant 0 : i32
      %dma_start3A_259 = tpu.memref_slice %arg7[%dma_start3A_248, %dma_start3A_257, %dma_start3A_258] : memref<7x128x64xf32, #tpu.memory_space<vmem>> -> memref<1x128x64xf32, #tpu.memory_space<vmem>>
      %dma_start3A_260 = tpu.memref_squeeze %dma_start3A_259 : memref<1x128x64xf32, #tpu.memory_space<vmem>> -> memref<128x64xf32, #tpu.memory_space<vmem>>
      %dma_start3A_261 = arith.constant 0 : i32
      %dma_start3A_262 = tpu.memref_slice %dma_start3A_260[%add3A_247, %dma_start3A_261] : memref<128x64xf32, #tpu.memory_space<vmem>> -> memref<1x64xf32, #tpu.memory_space<vmem>>
      %dma_start3A_263 = arith.constant 0 : i32
      %dma_start3A_264 = tpu.memref_slice %arg3[%squeeze3A_243, %dma_start3A_263] : memref<1000000x64xf32, #tpu.memory_space<hbm>> -> memref<1x64xf32, #tpu.memory_space<hbm>>
      tpu.enqueue_dma source(%dma_start3A_264 : memref<1x64xf32, #tpu.memory_space<hbm>>) target(%dma_start3A_262 : memref<1x64xf32, #tpu.memory_space<vmem>>) target_semaphore(%arg8 : memref<!tpu.dma_semaphore, #tpu.memory_space<semaphore_mem>>)
      %slice3A_265 = vector.extract_strided_slice %get3A_152 {offsets = [5], sizes = [1], strides = [1]} : vector<16xi32> to vector<1xi32>
      %squeeze3A_266 = vector.extract %slice3A_265[0] : i32 from vector<1xi32>
      %mul3A_267 = arith.constant 16 : i32
      %mul3A_268 = arith.muli %scan3A_146, %mul3A_267 : i32
      %add3A_269 = arith.constant 5 : i32
      %add3A_270 = arith.addi %mul3A_268, %add3A_269 : i32
      %dma_start3A_271 = arith.constant 4 : i32
      %dma_start3A_272 = arith.constant 0 : i32
      %dma_start3A_273 = arith.constant 0 : i32
      %dma_start3A_274 = tpu.memref_slice %arg7[%dma_start3A_271, %dma_start3A_272, %dma_start3A_273] : memref<7x128x64xf32, #tpu.memory_space<vmem>> -> memref<1x128x64xf32, #tpu.memory_space<vmem>>
      %dma_start3A_275 = tpu.memref_squeeze %dma_start3A_274 : memref<1x128x64xf32, #tpu.memory_space<vmem>> -> memref<128x64xf32, #tpu.memory_space<vmem>>
      %dma_start3A_276 = arith.constant 0 : i32
      %dma_start3A_277 = tpu.memref_slice %dma_start3A_275[%add3A_270, %dma_start3A_276] : memref<128x64xf32, #tpu.memory_space<vmem>> -> memref<1x64xf32, #tpu.memory_space<vmem>>
      %dma_start3A_278 = arith.constant 0 : i32
      %dma_start3A_279 = tpu.memref_slice %arg3[%squeeze3A_266, %dma_start3A_278] : memref<1000000x64xf32, #tpu.memory_space<hbm>> -> memref<1x64xf32, #tpu.memory_space<hbm>>
      %dma_start3A_280 = arith.constant 0 : i32
      %dma_start3A_281 = arith.constant 0 : i32
      %dma_start3A_282 = tpu.memref_slice %arg7[%dma_start3A_271, %dma_start3A_280, %dma_start3A_281] : memref<7x128x64xf32, #tpu.memory_space<vmem>> -> memref<1x128x64xf32, #tpu.memory_space<vmem>>
      %dma_start3A_283 = tpu.memref_squeeze %dma_start3A_282 : memref<1x128x64xf32, #tpu.memory_space<vmem>> -> memref<128x64xf32, #tpu.memory_space<vmem>>
      %dma_start3A_284 = arith.constant 0 : i32
      %dma_start3A_285 = tpu.memref_slice %dma_start3A_283[%add3A_270, %dma_start3A_284] : memref<128x64xf32, #tpu.memory_space<vmem>> -> memref<1x64xf32, #tpu.memory_space<vmem>>
      %dma_start3A_286 = arith.constant 0 : i32
      %dma_start3A_287 = tpu.memref_slice %arg3[%squeeze3A_266, %dma_start3A_286] : memref<1000000x64xf32, #tpu.memory_space<hbm>> -> memref<1x64xf32, #tpu.memory_space<hbm>>
      tpu.enqueue_dma source(%dma_start3A_287 : memref<1x64xf32, #tpu.memory_space<hbm>>) target(%dma_start3A_285 : memref<1x64xf32, #tpu.memory_space<vmem>>) target_semaphore(%arg8 : memref<!tpu.dma_semaphore, #tpu.memory_space<semaphore_mem>>)
      %slice3A_288 = vector.extract_strided_slice %get3A_152 {offsets = [6], sizes = [1], strides = [1]} : vector<16xi32> to vector<1xi32>
      %squeeze3A_289 = vector.extract %slice3A_288[0] : i32 from vector<1xi32>
      %mul3A_290 = arith.constant 16 : i32
      %mul3A_291 = arith.muli %scan3A_146, %mul3A_290 : i32
      %add3A_292 = arith.constant 6 : i32
      %add3A_293 = arith.addi %mul3A_291, %add3A_292 : i32
      %dma_start3A_294 = arith.constant 4 : i32
      %dma_start3A_295 = arith.constant 0 : i32
      %dma_start3A_296 = arith.constant 0 : i32
      %dma_start3A_297 = tpu.memref_slice %arg7[%dma_start3A_294, %dma_start3A_295, %dma_start3A_296] : memref<7x128x64xf32, #tpu.memory_space<vmem>> -> memref<1x128x64xf32, #tpu.memory_space<vmem>>
      %dma_start3A_298 = tpu.memref_squeeze %dma_start3A_297 : memref<1x128x64xf32, #tpu.memory_space<vmem>> -> memref<128x64xf32, #tpu.memory_space<vmem>>
      %dma_start3A_299 = arith.constant 0 : i32
      %dma_start3A_300 = tpu.memref_slice %dma_start3A_298[%add3A_293, %dma_start3A_299] : memref<128x64xf32, #tpu.memory_space<vmem>> -> memref<1x64xf32, #tpu.memory_space<vmem>>
      %dma_start3A_301 = arith.constant 0 : i32
      %dma_start3A_302 = tpu.memref_slice %arg3[%squeeze3A_289, %dma_start3A_301] : memref<1000000x64xf32, #tpu.memory_space<hbm>> -> memref<1x64xf32, #tpu.memory_space<hbm>>
      %dma_start3A_303 = arith.constant 0 : i32
      %dma_start3A_304 = arith.constant 0 : i32
      %dma_start3A_305 = tpu.memref_slice %arg7[%dma_start3A_294, %dma_start3A_303, %dma_start3A_304] : memref<7x128x64xf32, #tpu.memory_space<vmem>> -> memref<1x128x64xf32, #tpu.memory_space<vmem>>
      %dma_start3A_306 = tpu.memref_squeeze %dma_start3A_305 : memref<1x128x64xf32, #tpu.memory_space<vmem>> -> memref<128x64xf32, #tpu.memory_space<vmem>>
      %dma_start3A_307 = arith.constant 0 : i32
      %dma_start3A_308 = tpu.memref_slice %dma_start3A_306[%add3A_293, %dma_start3A_307] : memref<128x64xf32, #tpu.memory_space<vmem>> -> memref<1x64xf32, #tpu.memory_space<vmem>>
      %dma_start3A_309 = arith.constant 0 : i32
      %dma_start3A_310 = tpu.memref_slice %arg3[%squeeze3A_289, %dma_start3A_309] : memref<1000000x64xf32, #tpu.memory_space<hbm>> -> memref<1x64xf32, #tpu.memory_space<hbm>>
      tpu.enqueue_dma source(%dma_start3A_310 : memref<1x64xf32, #tpu.memory_space<hbm>>) target(%dma_start3A_308 : memref<1x64xf32, #tpu.memory_space<vmem>>) target_semaphore(%arg8 : memref<!tpu.dma_semaphore, #tpu.memory_space<semaphore_mem>>)
      %slice3A_311 = vector.extract_strided_slice %get3A_152 {offsets = [7], sizes = [1], strides = [1]} : vector<16xi32> to vector<1xi32>
      %squeeze3A_312 = vector.extract %slice3A_311[0] : i32 from vector<1xi32>
      %mul3A_313 = arith.constant 16 : i32
      %mul3A_314 = arith.muli %scan3A_146, %mul3A_313 : i32
      %add3A_315 = arith.constant 7 : i32
      %add3A_316 = arith.addi %mul3A_314, %add3A_315 : i32
      %dma_start3A_317 = arith.constant 4 : i32
      %dma_start3A_318 = arith.constant 0 : i32
      %dma_start3A_319 = arith.constant 0 : i32
      %dma_start3A_320 = tpu.memref_slice %arg7[%dma_start3A_317, %dma_start3A_318, %dma_start3A_319] : memref<7x128x64xf32, #tpu.memory_space<vmem>> -> memref<1x128x64xf32, #tpu.memory_space<vmem>>
      %dma_start3A_321 = tpu.memref_squeeze %dma_start3A_320 : memref<1x128x64xf32, #tpu.memory_space<vmem>> -> memref<128x64xf32, #tpu.memory_space<vmem>>
      %dma_start3A_322 = arith.constant 0 : i32
      %dma_start3A_323 = tpu.memref_slice %dma_start3A_321[%add3A_316, %dma_start3A_322] : memref<128x64xf32, #tpu.memory_space<vmem>> -> memref<1x64xf32, #tpu.memory_space<vmem>>
      %dma_start3A_324 = arith.constant 0 : i32
      %dma_start3A_325 = tpu.memref_slice %arg3[%squeeze3A_312, %dma_start3A_324] : memref<1000000x64xf32, #tpu.memory_space<hbm>> -> memref<1x64xf32, #tpu.memory_space<hbm>>
      %dma_start3A_326 = arith.constant 0 : i32
      %dma_start3A_327 = arith.constant 0 : i32
      %dma_start3A_328 = tpu.memref_slice %arg7[%dma_start3A_317, %dma_start3A_326, %dma_start3A_327] : memref<7x128x64xf32, #tpu.memory_space<vmem>> -> memref<1x128x64xf32, #tpu.memory_space<vmem>>
      %dma_start3A_329 = tpu.memref_squeeze %dma_start3A_328 : memref<1x128x64xf32, #tpu.memory_space<vmem>> -> memref<128x64xf32, #tpu.memory_space<vmem>>
      %dma_start3A_330 = arith.constant 0 : i32
      %dma_start3A_331 = tpu.memref_slice %dma_start3A_329[%add3A_316, %dma_start3A_330] : memref<128x64xf32, #tpu.memory_space<vmem>> -> memref<1x64xf32, #tpu.memory_space<vmem>>
      %dma_start3A_332 = arith.constant 0 : i32
      %dma_start3A_333 = tpu.memref_slice %arg3[%squeeze3A_312, %dma_start3A_332] : memref<1000000x64xf32, #tpu.memory_space<hbm>> -> memref<1x64xf32, #tpu.memory_space<hbm>>
      tpu.enqueue_dma source(%dma_start3A_333 : memref<1x64xf32, #tpu.memory_space<hbm>>) target(%dma_start3A_331 : memref<1x64xf32, #tpu.memory_space<vmem>>) target_semaphore(%arg8 : memref<!tpu.dma_semaphore, #tpu.memory_space<semaphore_mem>>)
      %slice3A_334 = vector.extract_strided_slice %get3A_152 {offsets = [8], sizes = [1], strides = [1]} : vector<16xi32> to vector<1xi32>
      %squeeze3A_335 = vector.extract %slice3A_334[0] : i32 from vector<1xi32>
      %mul3A_336 = arith.constant 16 : i32
      %mul3A_337 = arith.muli %scan3A_146, %mul3A_336 : i32
      %add3A_338 = arith.constant 8 : i32
      %add3A_339 = arith.addi %mul3A_337, %add3A_338 : i32
      %dma_start3A_340 = arith.constant 4 : i32
      %dma_start3A_341 = arith.constant 0 : i32
      %dma_start3A_342 = arith.constant 0 : i32
      %dma_start3A_343 = tpu.memref_slice %arg7[%dma_start3A_340, %dma_start3A_341, %dma_start3A_342] : memref<7x128x64xf32, #tpu.memory_space<vmem>> -> memref<1x128x64xf32, #tpu.memory_space<vmem>>
      %dma_start3A_344 = tpu.memref_squeeze %dma_start3A_343 : memref<1x128x64xf32, #tpu.memory_space<vmem>> -> memref<128x64xf32, #tpu.memory_space<vmem>>
      %dma_start3A_345 = arith.constant 0 : i32
      %dma_start3A_346 = tpu.memref_slice %dma_start3A_344[%add3A_339, %dma_start3A_345] : memref<128x64xf32, #tpu.memory_space<vmem>> -> memref<1x64xf32, #tpu.memory_space<vmem>>
      %dma_start3A_347 = arith.constant 0 : i32
      %dma_start3A_348 = tpu.memref_slice %arg3[%squeeze3A_335, %dma_start3A_347] : memref<1000000x64xf32, #tpu.memory_space<hbm>> -> memref<1x64xf32, #tpu.memory_space<hbm>>
      %dma_start3A_349 = arith.constant 0 : i32
      %dma_start3A_350 = arith.constant 0 : i32
      %dma_start3A_351 = tpu.memref_slice %arg7[%dma_start3A_340, %dma_start3A_349, %dma_start3A_350] : memref<7x128x64xf32, #tpu.memory_space<vmem>> -> memref<1x128x64xf32, #tpu.memory_space<vmem>>
      %dma_start3A_352 = tpu.memref_squeeze %dma_start3A_351 : memref<1x128x64xf32, #tpu.memory_space<vmem>> -> memref<128x64xf32, #tpu.memory_space<vmem>>
      %dma_start3A_353 = arith.constant 0 : i32
      %dma_start3A_354 = tpu.memref_slice %dma_start3A_352[%add3A_339, %dma_start3A_353] : memref<128x64xf32, #tpu.memory_space<vmem>> -> memref<1x64xf32, #tpu.memory_space<vmem>>
      %dma_start3A_355 = arith.constant 0 : i32
      %dma_start3A_356 = tpu.memref_slice %arg3[%squeeze3A_335, %dma_start3A_355] : memref<1000000x64xf32, #tpu.memory_space<hbm>> -> memref<1x64xf32, #tpu.memory_space<hbm>>
      tpu.enqueue_dma source(%dma_start3A_356 : memref<1x64xf32, #tpu.memory_space<hbm>>) target(%dma_start3A_354 : memref<1x64xf32, #tpu.memory_space<vmem>>) target_semaphore(%arg8 : memref<!tpu.dma_semaphore, #tpu.memory_space<semaphore_mem>>)
      %slice3A_357 = vector.extract_strided_slice %get3A_152 {offsets = [9], sizes = [1], strides = [1]} : vector<16xi32> to vector<1xi32>
      %squeeze3A_358 = vector.extract %slice3A_357[0] : i32 from vector<1xi32>
      %mul3A_359 = arith.constant 16 : i32
      %mul3A_360 = arith.muli %scan3A_146, %mul3A_359 : i32
      %add3A_361 = arith.constant 9 : i32
      %add3A_362 = arith.addi %mul3A_360, %add3A_361 : i32
      %dma_start3A_363 = arith.constant 4 : i32
      %dma_start3A_364 = arith.constant 0 : i32
      %dma_start3A_365 = arith.constant 0 : i32
      %dma_start3A_366 = tpu.memref_slice %arg7[%dma_start3A_363, %dma_start3A_364, %dma_start3A_365] : memref<7x128x64xf32, #tpu.memory_space<vmem>> -> memref<1x128x64xf32, #tpu.memory_space<vmem>>
      %dma_start3A_367 = tpu.memref_squeeze %dma_start3A_366 : memref<1x128x64xf32, #tpu.memory_space<vmem>> -> memref<128x64xf32, #tpu.memory_space<vmem>>
      %dma_start3A_368 = arith.constant 0 : i32
      %dma_start3A_369 = tpu.memref_slice %dma_start3A_367[%add3A_362, %dma_start3A_368] : memref<128x64xf32, #tpu.memory_space<vmem>> -> memref<1x64xf32, #tpu.memory_space<vmem>>
      %dma_start3A_370 = arith.constant 0 : i32
      %dma_start3A_371 = tpu.memref_slice %arg3[%squeeze3A_358, %dma_start3A_370] : memref<1000000x64xf32, #tpu.memory_space<hbm>> -> memref<1x64xf32, #tpu.memory_space<hbm>>
      %dma_start3A_372 = arith.constant 0 : i32
      %dma_start3A_373 = arith.constant 0 : i32
      %dma_start3A_374 = tpu.memref_slice %arg7[%dma_start3A_363, %dma_start3A_372, %dma_start3A_373] : memref<7x128x64xf32, #tpu.memory_space<vmem>> -> memref<1x128x64xf32, #tpu.memory_space<vmem>>
      %dma_start3A_375 = tpu.memref_squeeze %dma_start3A_374 : memref<1x128x64xf32, #tpu.memory_space<vmem>> -> memref<128x64xf32, #tpu.memory_space<vmem>>
      %dma_start3A_376 = arith.constant 0 : i32
      %dma_start3A_377 = tpu.memref_slice %dma_start3A_375[%add3A_362, %dma_start3A_376] : memref<128x64xf32, #tpu.memory_space<vmem>> -> memref<1x64xf32, #tpu.memory_space<vmem>>
      %dma_start3A_378 = arith.constant 0 : i32
      %dma_start3A_379 = tpu.memref_slice %arg3[%squeeze3A_358, %dma_start3A_378] : memref<1000000x64xf32, #tpu.memory_space<hbm>> -> memref<1x64xf32, #tpu.memory_space<hbm>>
      tpu.enqueue_dma source(%dma_start3A_379 : memref<1x64xf32, #tpu.memory_space<hbm>>) target(%dma_start3A_377 : memref<1x64xf32, #tpu.memory_space<vmem>>) target_semaphore(%arg8 : memref<!tpu.dma_semaphore, #tpu.memory_space<semaphore_mem>>)
      %slice3A_380 = vector.extract_strided_slice %get3A_152 {offsets = [10], sizes = [1], strides = [1]} : vector<16xi32> to vector<1xi32>
      %squeeze3A_381 = vector.extract %slice3A_380[0] : i32 from vector<1xi32>
      %mul3A_382 = arith.constant 16 : i32
      %mul3A_383 = arith.muli %scan3A_146, %mul3A_382 : i32
      %add3A_384 = arith.constant 10 : i32
      %add3A_385 = arith.addi %mul3A_383, %add3A_384 : i32
      %dma_start3A_386 = arith.constant 4 : i32
      %dma_start3A_387 = arith.constant 0 : i32
      %dma_start3A_388 = arith.constant 0 : i32
      %dma_start3A_389 = tpu.memref_slice %arg7[%dma_start3A_386, %dma_start3A_387, %dma_start3A_388] : memref<7x128x64xf32, #tpu.memory_space<vmem>> -> memref<1x128x64xf32, #tpu.memory_space<vmem>>
      %dma_start3A_390 = tpu.memref_squeeze %dma_start3A_389 : memref<1x128x64xf32, #tpu.memory_space<vmem>> -> memref<128x64xf32, #tpu.memory_space<vmem>>
      %dma_start3A_391 = arith.constant 0 : i32
      %dma_start3A_392 = tpu.memref_slice %dma_start3A_390[%add3A_385, %dma_start3A_391] : memref<128x64xf32, #tpu.memory_space<vmem>> -> memref<1x64xf32, #tpu.memory_space<vmem>>
      %dma_start3A_393 = arith.constant 0 : i32
      %dma_start3A_394 = tpu.memref_slice %arg3[%squeeze3A_381, %dma_start3A_393] : memref<1000000x64xf32, #tpu.memory_space<hbm>> -> memref<1x64xf32, #tpu.memory_space<hbm>>
      %dma_start3A_395 = arith.constant 0 : i32
      %dma_start3A_396 = arith.constant 0 : i32
      %dma_start3A_397 = tpu.memref_slice %arg7[%dma_start3A_386, %dma_start3A_395, %dma_start3A_396] : memref<7x128x64xf32, #tpu.memory_space<vmem>> -> memref<1x128x64xf32, #tpu.memory_space<vmem>>
      %dma_start3A_398 = tpu.memref_squeeze %dma_start3A_397 : memref<1x128x64xf32, #tpu.memory_space<vmem>> -> memref<128x64xf32, #tpu.memory_space<vmem>>
      %dma_start3A_399 = arith.constant 0 : i32
      %dma_start3A_400 = tpu.memref_slice %dma_start3A_398[%add3A_385, %dma_start3A_399] : memref<128x64xf32, #tpu.memory_space<vmem>> -> memref<1x64xf32, #tpu.memory_space<vmem>>
      %dma_start3A_401 = arith.constant 0 : i32
      %dma_start3A_402 = tpu.memref_slice %arg3[%squeeze3A_381, %dma_start3A_401] : memref<1000000x64xf32, #tpu.memory_space<hbm>> -> memref<1x64xf32, #tpu.memory_space<hbm>>
      tpu.enqueue_dma source(%dma_start3A_402 : memref<1x64xf32, #tpu.memory_space<hbm>>) target(%dma_start3A_400 : memref<1x64xf32, #tpu.memory_space<vmem>>) target_semaphore(%arg8 : memref<!tpu.dma_semaphore, #tpu.memory_space<semaphore_mem>>)
      %slice3A_403 = vector.extract_strided_slice %get3A_152 {offsets = [11], sizes = [1], strides = [1]} : vector<16xi32> to vector<1xi32>
      %squeeze3A_404 = vector.extract %slice3A_403[0] : i32 from vector<1xi32>
      %mul3A_405 = arith.constant 16 : i32
      %mul3A_406 = arith.muli %scan3A_146, %mul3A_405 : i32
      %add3A_407 = arith.constant 11 : i32
      %add3A_408 = arith.addi %mul3A_406, %add3A_407 : i32
      %dma_start3A_409 = arith.constant 4 : i32
      %dma_start3A_410 = arith.constant 0 : i32
      %dma_start3A_411 = arith.constant 0 : i32
      %dma_start3A_412 = tpu.memref_slice %arg7[%dma_start3A_409, %dma_start3A_410, %dma_start3A_411] : memref<7x128x64xf32, #tpu.memory_space<vmem>> -> memref<1x128x64xf32, #tpu.memory_space<vmem>>
      %dma_start3A_413 = tpu.memref_squeeze %dma_start3A_412 : memref<1x128x64xf32, #tpu.memory_space<vmem>> -> memref<128x64xf32, #tpu.memory_space<vmem>>
      %dma_start3A_414 = arith.constant 0 : i32
      %dma_start3A_415 = tpu.memref_slice %dma_start3A_413[%add3A_408, %dma_start3A_414] : memref<128x64xf32, #tpu.memory_space<vmem>> -> memref<1x64xf32, #tpu.memory_space<vmem>>
      %dma_start3A_416 = arith.constant 0 : i32
      %dma_start3A_417 = tpu.memref_slice %arg3[%squeeze3A_404, %dma_start3A_416] : memref<1000000x64xf32, #tpu.memory_space<hbm>> -> memref<1x64xf32, #tpu.memory_space<hbm>>
      %dma_start3A_418 = arith.constant 0 : i32
      %dma_start3A_419 = arith.constant 0 : i32
      %dma_start3A_420 = tpu.memref_slice %arg7[%dma_start3A_409, %dma_start3A_418, %dma_start3A_419] : memref<7x128x64xf32, #tpu.memory_space<vmem>> -> memref<1x128x64xf32, #tpu.memory_space<vmem>>
      %dma_start3A_421 = tpu.memref_squeeze %dma_start3A_420 : memref<1x128x64xf32, #tpu.memory_space<vmem>> -> memref<128x64xf32, #tpu.memory_space<vmem>>
      %dma_start3A_422 = arith.constant 0 : i32
      %dma_start3A_423 = tpu.memref_slice %dma_start3A_421[%add3A_408, %dma_start3A_422] : memref<128x64xf32, #tpu.memory_space<vmem>> -> memref<1x64xf32, #tpu.memory_space<vmem>>
      %dma_start3A_424 = arith.constant 0 : i32
      %dma_start3A_425 = tpu.memref_slice %arg3[%squeeze3A_404, %dma_start3A_424] : memref<1000000x64xf32, #tpu.memory_space<hbm>> -> memref<1x64xf32, #tpu.memory_space<hbm>>
      tpu.enqueue_dma source(%dma_start3A_425 : memref<1x64xf32, #tpu.memory_space<hbm>>) target(%dma_start3A_423 : memref<1x64xf32, #tpu.memory_space<vmem>>) target_semaphore(%arg8 : memref<!tpu.dma_semaphore, #tpu.memory_space<semaphore_mem>>)
      %slice3A_426 = vector.extract_strided_slice %get3A_152 {offsets = [12], sizes = [1], strides = [1]} : vector<16xi32> to vector<1xi32>
      %squeeze3A_427 = vector.extract %slice3A_426[0] : i32 from vector<1xi32>
      %mul3A_428 = arith.constant 16 : i32
      %mul3A_429 = arith.muli %scan3A_146, %mul3A_428 : i32
      %add3A_430 = arith.constant 12 : i32
      %add3A_431 = arith.addi %mul3A_429, %add3A_430 : i32
      %dma_start3A_432 = arith.constant 4 : i32
      %dma_start3A_433 = arith.constant 0 : i32
      %dma_start3A_434 = arith.constant 0 : i32
      %dma_start3A_435 = tpu.memref_slice %arg7[%dma_start3A_432, %dma_start3A_433, %dma_start3A_434] : memref<7x128x64xf32, #tpu.memory_space<vmem>> -> memref<1x128x64xf32, #tpu.memory_space<vmem>>
      %dma_start3A_436 = tpu.memref_squeeze %dma_start3A_435 : memref<1x128x64xf32, #tpu.memory_space<vmem>> -> memref<128x64xf32, #tpu.memory_space<vmem>>
      %dma_start3A_437 = arith.constant 0 : i32
      %dma_start3A_438 = tpu.memref_slice %dma_start3A_436[%add3A_431, %dma_start3A_437] : memref<128x64xf32, #tpu.memory_space<vmem>> -> memref<1x64xf32, #tpu.memory_space<vmem>>
      %dma_start3A_439 = arith.constant 0 : i32
      %dma_start3A_440 = tpu.memref_slice %arg3[%squeeze3A_427, %dma_start3A_439] : memref<1000000x64xf32, #tpu.memory_space<hbm>> -> memref<1x64xf32, #tpu.memory_space<hbm>>
      %dma_start3A_441 = arith.constant 0 : i32
      %dma_start3A_442 = arith.constant 0 : i32
      %dma_start3A_443 = tpu.memref_slice %arg7[%dma_start3A_432, %dma_start3A_441, %dma_start3A_442] : memref<7x128x64xf32, #tpu.memory_space<vmem>> -> memref<1x128x64xf32, #tpu.memory_space<vmem>>
      %dma_start3A_444 = tpu.memref_squeeze %dma_start3A_443 : memref<1x128x64xf32, #tpu.memory_space<vmem>> -> memref<128x64xf32, #tpu.memory_space<vmem>>
      %dma_start3A_445 = arith.constant 0 : i32
      %dma_start3A_446 = tpu.memref_slice %dma_start3A_444[%add3A_431, %dma_start3A_445] : memref<128x64xf32, #tpu.memory_space<vmem>> -> memref<1x64xf32, #tpu.memory_space<vmem>>
      %dma_start3A_447 = arith.constant 0 : i32
      %dma_start3A_448 = tpu.memref_slice %arg3[%squeeze3A_427, %dma_start3A_447] : memref<1000000x64xf32, #tpu.memory_space<hbm>> -> memref<1x64xf32, #tpu.memory_space<hbm>>
      tpu.enqueue_dma source(%dma_start3A_448 : memref<1x64xf32, #tpu.memory_space<hbm>>) target(%dma_start3A_446 : memref<1x64xf32, #tpu.memory_space<vmem>>) target_semaphore(%arg8 : memref<!tpu.dma_semaphore, #tpu.memory_space<semaphore_mem>>)
      %slice3A_449 = vector.extract_strided_slice %get3A_152 {offsets = [13], sizes = [1], strides = [1]} : vector<16xi32> to vector<1xi32>
      %squeeze3A_450 = vector.extract %slice3A_449[0] : i32 from vector<1xi32>
      %mul3A_451 = arith.constant 16 : i32
      %mul3A_452 = arith.muli %scan3A_146, %mul3A_451 : i32
      %add3A_453 = arith.constant 13 : i32
      %add3A_454 = arith.addi %mul3A_452, %add3A_453 : i32
      %dma_start3A_455 = arith.constant 4 : i32
      %dma_start3A_456 = arith.constant 0 : i32
      %dma_start3A_457 = arith.constant 0 : i32
      %dma_start3A_458 = tpu.memref_slice %arg7[%dma_start3A_455, %dma_start3A_456, %dma_start3A_457] : memref<7x128x64xf32, #tpu.memory_space<vmem>> -> memref<1x128x64xf32, #tpu.memory_space<vmem>>
      %dma_start3A_459 = tpu.memref_squeeze %dma_start3A_458 : memref<1x128x64xf32, #tpu.memory_space<vmem>> -> memref<128x64xf32, #tpu.memory_space<vmem>>
      %dma_start3A_460 = arith.constant 0 : i32
      %dma_start3A_461 = tpu.memref_slice %dma_start3A_459[%add3A_454, %dma_start3A_460] : memref<128x64xf32, #tpu.memory_space<vmem>> -> memref<1x64xf32, #tpu.memory_space<vmem>>
      %dma_start3A_462 = arith.constant 0 : i32
      %dma_start3A_463 = tpu.memref_slice %arg3[%squeeze3A_450, %dma_start3A_462] : memref<1000000x64xf32, #tpu.memory_space<hbm>> -> memref<1x64xf32, #tpu.memory_space<hbm>>
      %dma_start3A_464 = arith.constant 0 : i32
      %dma_start3A_465 = arith.constant 0 : i32
      %dma_start3A_466 = tpu.memref_slice %arg7[%dma_start3A_455, %dma_start3A_464, %dma_start3A_465] : memref<7x128x64xf32, #tpu.memory_space<vmem>> -> memref<1x128x64xf32, #tpu.memory_space<vmem>>
      %dma_start3A_467 = tpu.memref_squeeze %dma_start3A_466 : memref<1x128x64xf32, #tpu.memory_space<vmem>> -> memref<128x64xf32, #tpu.memory_space<vmem>>
      %dma_start3A_468 = arith.constant 0 : i32
      %dma_start3A_469 = tpu.memref_slice %dma_start3A_467[%add3A_454, %dma_start3A_468] : memref<128x64xf32, #tpu.memory_space<vmem>> -> memref<1x64xf32, #tpu.memory_space<vmem>>
      %dma_start3A_470 = arith.constant 0 : i32
      %dma_start3A_471 = tpu.memref_slice %arg3[%squeeze3A_450, %dma_start3A_470] : memref<1000000x64xf32, #tpu.memory_space<hbm>> -> memref<1x64xf32, #tpu.memory_space<hbm>>
      tpu.enqueue_dma source(%dma_start3A_471 : memref<1x64xf32, #tpu.memory_space<hbm>>) target(%dma_start3A_469 : memref<1x64xf32, #tpu.memory_space<vmem>>) target_semaphore(%arg8 : memref<!tpu.dma_semaphore, #tpu.memory_space<semaphore_mem>>)
      %slice3A_472 = vector.extract_strided_slice %get3A_152 {offsets = [14], sizes = [1], strides = [1]} : vector<16xi32> to vector<1xi32>
      %squeeze3A_473 = vector.extract %slice3A_472[0] : i32 from vector<1xi32>
      %mul3A_474 = arith.constant 16 : i32
      %mul3A_475 = arith.muli %scan3A_146, %mul3A_474 : i32
      %add3A_476 = arith.constant 14 : i32
      %add3A_477 = arith.addi %mul3A_475, %add3A_476 : i32
      %dma_start3A_478 = arith.constant 4 : i32
      %dma_start3A_479 = arith.constant 0 : i32
      %dma_start3A_480 = arith.constant 0 : i32
      %dma_start3A_481 = tpu.memref_slice %arg7[%dma_start3A_478, %dma_start3A_479, %dma_start3A_480] : memref<7x128x64xf32, #tpu.memory_space<vmem>> -> memref<1x128x64xf32, #tpu.memory_space<vmem>>
      %dma_start3A_482 = tpu.memref_squeeze %dma_start3A_481 : memref<1x128x64xf32, #tpu.memory_space<vmem>> -> memref<128x64xf32, #tpu.memory_space<vmem>>
      %dma_start3A_483 = arith.constant 0 : i32
      %dma_start3A_484 = tpu.memref_slice %dma_start3A_482[%add3A_477, %dma_start3A_483] : memref<128x64xf32, #tpu.memory_space<vmem>> -> memref<1x64xf32, #tpu.memory_space<vmem>>
      %dma_start3A_485 = arith.constant 0 : i32
      %dma_start3A_486 = tpu.memref_slice %arg3[%squeeze3A_473, %dma_start3A_485] : memref<1000000x64xf32, #tpu.memory_space<hbm>> -> memref<1x64xf32, #tpu.memory_space<hbm>>
      %dma_start3A_487 = arith.constant 0 : i32
      %dma_start3A_488 = arith.constant 0 : i32
      %dma_start3A_489 = tpu.memref_slice %arg7[%dma_start3A_478, %dma_start3A_487, %dma_start3A_488] : memref<7x128x64xf32, #tpu.memory_space<vmem>> -> memref<1x128x64xf32, #tpu.memory_space<vmem>>
      %dma_start3A_490 = tpu.memref_squeeze %dma_start3A_489 : memref<1x128x64xf32, #tpu.memory_space<vmem>> -> memref<128x64xf32, #tpu.memory_space<vmem>>
      %dma_start3A_491 = arith.constant 0 : i32
      %dma_start3A_492 = tpu.memref_slice %dma_start3A_490[%add3A_477, %dma_start3A_491] : memref<128x64xf32, #tpu.memory_space<vmem>> -> memref<1x64xf32, #tpu.memory_space<vmem>>
      %dma_start3A_493 = arith.constant 0 : i32
      %dma_start3A_494 = tpu.memref_slice %arg3[%squeeze3A_473, %dma_start3A_493] : memref<1000000x64xf32, #tpu.memory_space<hbm>> -> memref<1x64xf32, #tpu.memory_space<hbm>>
      tpu.enqueue_dma source(%dma_start3A_494 : memref<1x64xf32, #tpu.memory_space<hbm>>) target(%dma_start3A_492 : memref<1x64xf32, #tpu.memory_space<vmem>>) target_semaphore(%arg8 : memref<!tpu.dma_semaphore, #tpu.memory_space<semaphore_mem>>)
      %slice3A_495 = vector.extract_strided_slice %get3A_152 {offsets = [15], sizes = [1], strides = [1]} : vector<16xi32> to vector<1xi32>
      %squeeze3A_496 = vector.extract %slice3A_495[0] : i32 from vector<1xi32>
      %mul3A_497 = arith.constant 16 : i32
      %mul3A_498 = arith.muli %scan3A_146, %mul3A_497 : i32
      %add3A_499 = arith.constant 15 : i32
      %add3A_500 = arith.addi %mul3A_498, %add3A_499 : i32
      %dma_start3A_501 = arith.constant 4 : i32
      %dma_start3A_502 = arith.constant 0 : i32
      %dma_start3A_503 = arith.constant 0 : i32
      %dma_start3A_504 = tpu.memref_slice %arg7[%dma_start3A_501, %dma_start3A_502, %dma_start3A_503] : memref<7x128x64xf32, #tpu.memory_space<vmem>> -> memref<1x128x64xf32, #tpu.memory_space<vmem>>
      %dma_start3A_505 = tpu.memref_squeeze %dma_start3A_504 : memref<1x128x64xf32, #tpu.memory_space<vmem>> -> memref<128x64xf32, #tpu.memory_space<vmem>>
      %dma_start3A_506 = arith.constant 0 : i32
      %dma_start3A_507 = tpu.memref_slice %dma_start3A_505[%add3A_500, %dma_start3A_506] : memref<128x64xf32, #tpu.memory_space<vmem>> -> memref<1x64xf32, #tpu.memory_space<vmem>>
      %dma_start3A_508 = arith.constant 0 : i32
      %dma_start3A_509 = tpu.memref_slice %arg3[%squeeze3A_496, %dma_start3A_508] : memref<1000000x64xf32, #tpu.memory_space<hbm>> -> memref<1x64xf32, #tpu.memory_space<hbm>>
      %dma_start3A_510 = arith.constant 0 : i32
      %dma_start3A_511 = arith.constant 0 : i32
      %dma_start3A_512 = tpu.memref_slice %arg7[%dma_start3A_501, %dma_start3A_510, %dma_start3A_511] : memref<7x128x64xf32, #tpu.memory_space<vmem>> -> memref<1x128x64xf32, #tpu.memory_space<vmem>>
      %dma_start3A_513 = tpu.memref_squeeze %dma_start3A_512 : memref<1x128x64xf32, #tpu.memory_space<vmem>> -> memref<128x64xf32, #tpu.memory_space<vmem>>
      %dma_start3A_514 = arith.constant 0 : i32
      %dma_start3A_515 = tpu.memref_slice %dma_start3A_513[%add3A_500, %dma_start3A_514] : memref<128x64xf32, #tpu.memory_space<vmem>> -> memref<1x64xf32, #tpu.memory_space<vmem>>
      %dma_start3A_516 = arith.constant 0 : i32
      %dma_start3A_517 = tpu.memref_slice %arg3[%squeeze3A_496, %dma_start3A_516] : memref<1000000x64xf32, #tpu.memory_space<hbm>> -> memref<1x64xf32, #tpu.memory_space<hbm>>
      tpu.enqueue_dma source(%dma_start3A_517 : memref<1x64xf32, #tpu.memory_space<hbm>>) target(%dma_start3A_515 : memref<1x64xf32, #tpu.memory_space<vmem>>) target_semaphore(%arg8 : memref<!tpu.dma_semaphore, #tpu.memory_space<semaphore_mem>>)
    }
    %scan3A_29 = arith.constant 8 : i32
    %scan3A_30 = arith.constant 0 : i32
    %scan3A_31 = arith.constant 0 : i32
    %scan3A_32 = arith.constant 8 : i32
    %scan3A_33 = arith.addi %scan3A_31, %scan3A_32 : i32
    %scan3A_34 = arith.constant 1 : i32
    scf.for %scan3A_146 = %scan3A_31 to %scan3A_33 step %scan3A_34  : i32 {
      %mul3A_147 = arith.constant 16 : i32
      %mul3A_148 = arith.muli %scan3A_146, %mul3A_147 : i32
      %get3A = arith.constant 5 : i32
      %get3A_149 = arith.index_cast %get3A : i32 to index
      %get3A_150 = arith.index_cast %mul3A_148 : i32 to index
      %get3A_151 = tpu.vector_load %arg6[%get3A_149, %get3A_150] {strides = array<i32>} : memref<7x128xi32, #tpu.memory_space<vmem>>, vector<1x16xi32>,
      %get3A_152 = vector.shape_cast %get3A_151 : vector<1x16xi32> to vector<16xi32>
      %slice3A = vector.extract_strided_slice %get3A_152 {offsets = [0], sizes = [1], strides = [1]} : vector<16xi32> to vector<1xi32>
      %squeeze3A = vector.extract %slice3A[0] : i32 from vector<1xi32>
      %mul3A_153 = arith.constant 16 : i32
      %mul3A_154 = arith.muli %scan3A_146, %mul3A_153 : i32
      %add3A_155 = arith.constant 0 : i32
      %add3A_156 = arith.addi %mul3A_154, %add3A_155 : i32
      %dma_start3A = arith.constant 5 : i32
      %dma_start3A_157 = arith.constant 0 : i32
      %dma_start3A_158 = arith.constant 0 : i32
      %dma_start3A_159 = tpu.memref_slice %arg7[%dma_start3A, %dma_start3A_157, %dma_start3A_158] : memref<7x128x64xf32, #tpu.memory_space<vmem>> -> memref<1x128x64xf32, #tpu.memory_space<vmem>>
      %dma_start3A_160 = tpu.memref_squeeze %dma_start3A_159 : memref<1x128x64xf32, #tpu.memory_space<vmem>> -> memref<128x64xf32, #tpu.memory_space<vmem>>
      %dma_start3A_161 = arith.constant 0 : i32
      %dma_start3A_162 = tpu.memref_slice %dma_start3A_160[%add3A_156, %dma_start3A_161] : memref<128x64xf32, #tpu.memory_space<vmem>> -> memref<1x64xf32, #tpu.memory_space<vmem>>
      %dma_start3A_163 = arith.constant 0 : i32
      %dma_start3A_164 = tpu.memref_slice %arg3[%squeeze3A, %dma_start3A_163] : memref<1000000x64xf32, #tpu.memory_space<hbm>> -> memref<1x64xf32, #tpu.memory_space<hbm>>
      %dma_start3A_165 = arith.constant 0 : i32
      %dma_start3A_166 = arith.constant 0 : i32
      %dma_start3A_167 = tpu.memref_slice %arg7[%dma_start3A, %dma_start3A_165, %dma_start3A_166] : memref<7x128x64xf32, #tpu.memory_space<vmem>> -> memref<1x128x64xf32, #tpu.memory_space<vmem>>
      %dma_start3A_168 = tpu.memref_squeeze %dma_start3A_167 : memref<1x128x64xf32, #tpu.memory_space<vmem>> -> memref<128x64xf32, #tpu.memory_space<vmem>>
      %dma_start3A_169 = arith.constant 0 : i32
      %dma_start3A_170 = tpu.memref_slice %dma_start3A_168[%add3A_156, %dma_start3A_169] : memref<128x64xf32, #tpu.memory_space<vmem>> -> memref<1x64xf32, #tpu.memory_space<vmem>>
      %dma_start3A_171 = arith.constant 0 : i32
      %dma_start3A_172 = tpu.memref_slice %arg3[%squeeze3A, %dma_start3A_171] : memref<1000000x64xf32, #tpu.memory_space<hbm>> -> memref<1x64xf32, #tpu.memory_space<hbm>>
      tpu.enqueue_dma source(%dma_start3A_172 : memref<1x64xf32, #tpu.memory_space<hbm>>) target(%dma_start3A_170 : memref<1x64xf32, #tpu.memory_space<vmem>>) target_semaphore(%arg8 : memref<!tpu.dma_semaphore, #tpu.memory_space<semaphore_mem>>)
      %slice3A_173 = vector.extract_strided_slice %get3A_152 {offsets = [1], sizes = [1], strides = [1]} : vector<16xi32> to vector<1xi32>
      %squeeze3A_174 = vector.extract %slice3A_173[0] : i32 from vector<1xi32>
      %mul3A_175 = arith.constant 16 : i32
      %mul3A_176 = arith.muli %scan3A_146, %mul3A_175 : i32
      %add3A_177 = arith.constant 1 : i32
      %add3A_178 = arith.addi %mul3A_176, %add3A_177 : i32
      %dma_start3A_179 = arith.constant 5 : i32
      %dma_start3A_180 = arith.constant 0 : i32
      %dma_start3A_181 = arith.constant 0 : i32
      %dma_start3A_182 = tpu.memref_slice %arg7[%dma_start3A_179, %dma_start3A_180, %dma_start3A_181] : memref<7x128x64xf32, #tpu.memory_space<vmem>> -> memref<1x128x64xf32, #tpu.memory_space<vmem>>
      %dma_start3A_183 = tpu.memref_squeeze %dma_start3A_182 : memref<1x128x64xf32, #tpu.memory_space<vmem>> -> memref<128x64xf32, #tpu.memory_space<vmem>>
      %dma_start3A_184 = arith.constant 0 : i32
      %dma_start3A_185 = tpu.memref_slice %dma_start3A_183[%add3A_178, %dma_start3A_184] : memref<128x64xf32, #tpu.memory_space<vmem>> -> memref<1x64xf32, #tpu.memory_space<vmem>>
      %dma_start3A_186 = arith.constant 0 : i32
      %dma_start3A_187 = tpu.memref_slice %arg3[%squeeze3A_174, %dma_start3A_186] : memref<1000000x64xf32, #tpu.memory_space<hbm>> -> memref<1x64xf32, #tpu.memory_space<hbm>>
      %dma_start3A_188 = arith.constant 0 : i32
      %dma_start3A_189 = arith.constant 0 : i32
      %dma_start3A_190 = tpu.memref_slice %arg7[%dma_start3A_179, %dma_start3A_188, %dma_start3A_189] : memref<7x128x64xf32, #tpu.memory_space<vmem>> -> memref<1x128x64xf32, #tpu.memory_space<vmem>>
      %dma_start3A_191 = tpu.memref_squeeze %dma_start3A_190 : memref<1x128x64xf32, #tpu.memory_space<vmem>> -> memref<128x64xf32, #tpu.memory_space<vmem>>
      %dma_start3A_192 = arith.constant 0 : i32
      %dma_start3A_193 = tpu.memref_slice %dma_start3A_191[%add3A_178, %dma_start3A_192] : memref<128x64xf32, #tpu.memory_space<vmem>> -> memref<1x64xf32, #tpu.memory_space<vmem>>
      %dma_start3A_194 = arith.constant 0 : i32
      %dma_start3A_195 = tpu.memref_slice %arg3[%squeeze3A_174, %dma_start3A_194] : memref<1000000x64xf32, #tpu.memory_space<hbm>> -> memref<1x64xf32, #tpu.memory_space<hbm>>
      tpu.enqueue_dma source(%dma_start3A_195 : memref<1x64xf32, #tpu.memory_space<hbm>>) target(%dma_start3A_193 : memref<1x64xf32, #tpu.memory_space<vmem>>) target_semaphore(%arg8 : memref<!tpu.dma_semaphore, #tpu.memory_space<semaphore_mem>>)
      %slice3A_196 = vector.extract_strided_slice %get3A_152 {offsets = [2], sizes = [1], strides = [1]} : vector<16xi32> to vector<1xi32>
      %squeeze3A_197 = vector.extract %slice3A_196[0] : i32 from vector<1xi32>
      %mul3A_198 = arith.constant 16 : i32
      %mul3A_199 = arith.muli %scan3A_146, %mul3A_198 : i32
      %add3A_200 = arith.constant 2 : i32
      %add3A_201 = arith.addi %mul3A_199, %add3A_200 : i32
      %dma_start3A_202 = arith.constant 5 : i32
      %dma_start3A_203 = arith.constant 0 : i32
      %dma_start3A_204 = arith.constant 0 : i32
      %dma_start3A_205 = tpu.memref_slice %arg7[%dma_start3A_202, %dma_start3A_203, %dma_start3A_204] : memref<7x128x64xf32, #tpu.memory_space<vmem>> -> memref<1x128x64xf32, #tpu.memory_space<vmem>>
      %dma_start3A_206 = tpu.memref_squeeze %dma_start3A_205 : memref<1x128x64xf32, #tpu.memory_space<vmem>> -> memref<128x64xf32, #tpu.memory_space<vmem>>
      %dma_start3A_207 = arith.constant 0 : i32
      %dma_start3A_208 = tpu.memref_slice %dma_start3A_206[%add3A_201, %dma_start3A_207] : memref<128x64xf32, #tpu.memory_space<vmem>> -> memref<1x64xf32, #tpu.memory_space<vmem>>
      %dma_start3A_209 = arith.constant 0 : i32
      %dma_start3A_210 = tpu.memref_slice %arg3[%squeeze3A_197, %dma_start3A_209] : memref<1000000x64xf32, #tpu.memory_space<hbm>> -> memref<1x64xf32, #tpu.memory_space<hbm>>
      %dma_start3A_211 = arith.constant 0 : i32
      %dma_start3A_212 = arith.constant 0 : i32
      %dma_start3A_213 = tpu.memref_slice %arg7[%dma_start3A_202, %dma_start3A_211, %dma_start3A_212] : memref<7x128x64xf32, #tpu.memory_space<vmem>> -> memref<1x128x64xf32, #tpu.memory_space<vmem>>
      %dma_start3A_214 = tpu.memref_squeeze %dma_start3A_213 : memref<1x128x64xf32, #tpu.memory_space<vmem>> -> memref<128x64xf32, #tpu.memory_space<vmem>>
      %dma_start3A_215 = arith.constant 0 : i32
      %dma_start3A_216 = tpu.memref_slice %dma_start3A_214[%add3A_201, %dma_start3A_215] : memref<128x64xf32, #tpu.memory_space<vmem>> -> memref<1x64xf32, #tpu.memory_space<vmem>>
      %dma_start3A_217 = arith.constant 0 : i32
      %dma_start3A_218 = tpu.memref_slice %arg3[%squeeze3A_197, %dma_start3A_217] : memref<1000000x64xf32, #tpu.memory_space<hbm>> -> memref<1x64xf32, #tpu.memory_space<hbm>>
      tpu.enqueue_dma source(%dma_start3A_218 : memref<1x64xf32, #tpu.memory_space<hbm>>) target(%dma_start3A_216 : memref<1x64xf32, #tpu.memory_space<vmem>>) target_semaphore(%arg8 : memref<!tpu.dma_semaphore, #tpu.memory_space<semaphore_mem>>)
      %slice3A_219 = vector.extract_strided_slice %get3A_152 {offsets = [3], sizes = [1], strides = [1]} : vector<16xi32> to vector<1xi32>
      %squeeze3A_220 = vector.extract %slice3A_219[0] : i32 from vector<1xi32>
      %mul3A_221 = arith.constant 16 : i32
      %mul3A_222 = arith.muli %scan3A_146, %mul3A_221 : i32
      %add3A_223 = arith.constant 3 : i32
      %add3A_224 = arith.addi %mul3A_222, %add3A_223 : i32
      %dma_start3A_225 = arith.constant 5 : i32
      %dma_start3A_226 = arith.constant 0 : i32
      %dma_start3A_227 = arith.constant 0 : i32
      %dma_start3A_228 = tpu.memref_slice %arg7[%dma_start3A_225, %dma_start3A_226, %dma_start3A_227] : memref<7x128x64xf32, #tpu.memory_space<vmem>> -> memref<1x128x64xf32, #tpu.memory_space<vmem>>
      %dma_start3A_229 = tpu.memref_squeeze %dma_start3A_228 : memref<1x128x64xf32, #tpu.memory_space<vmem>> -> memref<128x64xf32, #tpu.memory_space<vmem>>
      %dma_start3A_230 = arith.constant 0 : i32
      %dma_start3A_231 = tpu.memref_slice %dma_start3A_229[%add3A_224, %dma_start3A_230] : memref<128x64xf32, #tpu.memory_space<vmem>> -> memref<1x64xf32, #tpu.memory_space<vmem>>
      %dma_start3A_232 = arith.constant 0 : i32
      %dma_start3A_233 = tpu.memref_slice %arg3[%squeeze3A_220, %dma_start3A_232] : memref<1000000x64xf32, #tpu.memory_space<hbm>> -> memref<1x64xf32, #tpu.memory_space<hbm>>
      %dma_start3A_234 = arith.constant 0 : i32
      %dma_start3A_235 = arith.constant 0 : i32
      %dma_start3A_236 = tpu.memref_slice %arg7[%dma_start3A_225, %dma_start3A_234, %dma_start3A_235] : memref<7x128x64xf32, #tpu.memory_space<vmem>> -> memref<1x128x64xf32, #tpu.memory_space<vmem>>
      %dma_start3A_237 = tpu.memref_squeeze %dma_start3A_236 : memref<1x128x64xf32, #tpu.memory_space<vmem>> -> memref<128x64xf32, #tpu.memory_space<vmem>>
      %dma_start3A_238 = arith.constant 0 : i32
      %dma_start3A_239 = tpu.memref_slice %dma_start3A_237[%add3A_224, %dma_start3A_238] : memref<128x64xf32, #tpu.memory_space<vmem>> -> memref<1x64xf32, #tpu.memory_space<vmem>>
      %dma_start3A_240 = arith.constant 0 : i32
      %dma_start3A_241 = tpu.memref_slice %arg3[%squeeze3A_220, %dma_start3A_240] : memref<1000000x64xf32, #tpu.memory_space<hbm>> -> memref<1x64xf32, #tpu.memory_space<hbm>>
      tpu.enqueue_dma source(%dma_start3A_241 : memref<1x64xf32, #tpu.memory_space<hbm>>) target(%dma_start3A_239 : memref<1x64xf32, #tpu.memory_space<vmem>>) target_semaphore(%arg8 : memref<!tpu.dma_semaphore, #tpu.memory_space<semaphore_mem>>)
      %slice3A_242 = vector.extract_strided_slice %get3A_152 {offsets = [4], sizes = [1], strides = [1]} : vector<16xi32> to vector<1xi32>
      %squeeze3A_243 = vector.extract %slice3A_242[0] : i32 from vector<1xi32>
      %mul3A_244 = arith.constant 16 : i32
      %mul3A_245 = arith.muli %scan3A_146, %mul3A_244 : i32
      %add3A_246 = arith.constant 4 : i32
      %add3A_247 = arith.addi %mul3A_245, %add3A_246 : i32
      %dma_start3A_248 = arith.constant 5 : i32
      %dma_start3A_249 = arith.constant 0 : i32
      %dma_start3A_250 = arith.constant 0 : i32
      %dma_start3A_251 = tpu.memref_slice %arg7[%dma_start3A_248, %dma_start3A_249, %dma_start3A_250] : memref<7x128x64xf32, #tpu.memory_space<vmem>> -> memref<1x128x64xf32, #tpu.memory_space<vmem>>
      %dma_start3A_252 = tpu.memref_squeeze %dma_start3A_251 : memref<1x128x64xf32, #tpu.memory_space<vmem>> -> memref<128x64xf32, #tpu.memory_space<vmem>>
      %dma_start3A_253 = arith.constant 0 : i32
      %dma_start3A_254 = tpu.memref_slice %dma_start3A_252[%add3A_247, %dma_start3A_253] : memref<128x64xf32, #tpu.memory_space<vmem>> -> memref<1x64xf32, #tpu.memory_space<vmem>>
      %dma_start3A_255 = arith.constant 0 : i32
      %dma_start3A_256 = tpu.memref_slice %arg3[%squeeze3A_243, %dma_start3A_255] : memref<1000000x64xf32, #tpu.memory_space<hbm>> -> memref<1x64xf32, #tpu.memory_space<hbm>>
      %dma_start3A_257 = arith.constant 0 : i32
      %dma_start3A_258 = arith.constant 0 : i32
      %dma_start3A_259 = tpu.memref_slice %arg7[%dma_start3A_248, %dma_start3A_257, %dma_start3A_258] : memref<7x128x64xf32, #tpu.memory_space<vmem>> -> memref<1x128x64xf32, #tpu.memory_space<vmem>>
      %dma_start3A_260 = tpu.memref_squeeze %dma_start3A_259 : memref<1x128x64xf32, #tpu.memory_space<vmem>> -> memref<128x64xf32, #tpu.memory_space<vmem>>
      %dma_start3A_261 = arith.constant 0 : i32
      %dma_start3A_262 = tpu.memref_slice %dma_start3A_260[%add3A_247, %dma_start3A_261] : memref<128x64xf32, #tpu.memory_space<vmem>> -> memref<1x64xf32, #tpu.memory_space<vmem>>
      %dma_start3A_263 = arith.constant 0 : i32
      %dma_start3A_264 = tpu.memref_slice %arg3[%squeeze3A_243, %dma_start3A_263] : memref<1000000x64xf32, #tpu.memory_space<hbm>> -> memref<1x64xf32, #tpu.memory_space<hbm>>
      tpu.enqueue_dma source(%dma_start3A_264 : memref<1x64xf32, #tpu.memory_space<hbm>>) target(%dma_start3A_262 : memref<1x64xf32, #tpu.memory_space<vmem>>) target_semaphore(%arg8 : memref<!tpu.dma_semaphore, #tpu.memory_space<semaphore_mem>>)
      %slice3A_265 = vector.extract_strided_slice %get3A_152 {offsets = [5], sizes = [1], strides = [1]} : vector<16xi32> to vector<1xi32>
      %squeeze3A_266 = vector.extract %slice3A_265[0] : i32 from vector<1xi32>
      %mul3A_267 = arith.constant 16 : i32
      %mul3A_268 = arith.muli %scan3A_146, %mul3A_267 : i32
      %add3A_269 = arith.constant 5 : i32
      %add3A_270 = arith.addi %mul3A_268, %add3A_269 : i32
      %dma_start3A_271 = arith.constant 5 : i32
      %dma_start3A_272 = arith.constant 0 : i32
      %dma_start3A_273 = arith.constant 0 : i32
      %dma_start3A_274 = tpu.memref_slice %arg7[%dma_start3A_271, %dma_start3A_272, %dma_start3A_273] : memref<7x128x64xf32, #tpu.memory_space<vmem>> -> memref<1x128x64xf32, #tpu.memory_space<vmem>>
      %dma_start3A_275 = tpu.memref_squeeze %dma_start3A_274 : memref<1x128x64xf32, #tpu.memory_space<vmem>> -> memref<128x64xf32, #tpu.memory_space<vmem>>
      %dma_start3A_276 = arith.constant 0 : i32
      %dma_start3A_277 = tpu.memref_slice %dma_start3A_275[%add3A_270, %dma_start3A_276] : memref<128x64xf32, #tpu.memory_space<vmem>> -> memref<1x64xf32, #tpu.memory_space<vmem>>
      %dma_start3A_278 = arith.constant 0 : i32
      %dma_start3A_279 = tpu.memref_slice %arg3[%squeeze3A_266, %dma_start3A_278] : memref<1000000x64xf32, #tpu.memory_space<hbm>> -> memref<1x64xf32, #tpu.memory_space<hbm>>
      %dma_start3A_280 = arith.constant 0 : i32
      %dma_start3A_281 = arith.constant 0 : i32
      %dma_start3A_282 = tpu.memref_slice %arg7[%dma_start3A_271, %dma_start3A_280, %dma_start3A_281] : memref<7x128x64xf32, #tpu.memory_space<vmem>> -> memref<1x128x64xf32, #tpu.memory_space<vmem>>
      %dma_start3A_283 = tpu.memref_squeeze %dma_start3A_282 : memref<1x128x64xf32, #tpu.memory_space<vmem>> -> memref<128x64xf32, #tpu.memory_space<vmem>>
      %dma_start3A_284 = arith.constant 0 : i32
      %dma_start3A_285 = tpu.memref_slice %dma_start3A_283[%add3A_270, %dma_start3A_284] : memref<128x64xf32, #tpu.memory_space<vmem>> -> memref<1x64xf32, #tpu.memory_space<vmem>>
      %dma_start3A_286 = arith.constant 0 : i32
      %dma_start3A_287 = tpu.memref_slice %arg3[%squeeze3A_266, %dma_start3A_286] : memref<1000000x64xf32, #tpu.memory_space<hbm>> -> memref<1x64xf32, #tpu.memory_space<hbm>>
      tpu.enqueue_dma source(%dma_start3A_287 : memref<1x64xf32, #tpu.memory_space<hbm>>) target(%dma_start3A_285 : memref<1x64xf32, #tpu.memory_space<vmem>>) target_semaphore(%arg8 : memref<!tpu.dma_semaphore, #tpu.memory_space<semaphore_mem>>)
      %slice3A_288 = vector.extract_strided_slice %get3A_152 {offsets = [6], sizes = [1], strides = [1]} : vector<16xi32> to vector<1xi32>
      %squeeze3A_289 = vector.extract %slice3A_288[0] : i32 from vector<1xi32>
      %mul3A_290 = arith.constant 16 : i32
      %mul3A_291 = arith.muli %scan3A_146, %mul3A_290 : i32
      %add3A_292 = arith.constant 6 : i32
      %add3A_293 = arith.addi %mul3A_291, %add3A_292 : i32
      %dma_start3A_294 = arith.constant 5 : i32
      %dma_start3A_295 = arith.constant 0 : i32
      %dma_start3A_296 = arith.constant 0 : i32
      %dma_start3A_297 = tpu.memref_slice %arg7[%dma_start3A_294, %dma_start3A_295, %dma_start3A_296] : memref<7x128x64xf32, #tpu.memory_space<vmem>> -> memref<1x128x64xf32, #tpu.memory_space<vmem>>
      %dma_start3A_298 = tpu.memref_squeeze %dma_start3A_297 : memref<1x128x64xf32, #tpu.memory_space<vmem>> -> memref<128x64xf32, #tpu.memory_space<vmem>>
      %dma_start3A_299 = arith.constant 0 : i32
      %dma_start3A_300 = tpu.memref_slice %dma_start3A_298[%add3A_293, %dma_start3A_299] : memref<128x64xf32, #tpu.memory_space<vmem>> -> memref<1x64xf32, #tpu.memory_space<vmem>>
      %dma_start3A_301 = arith.constant 0 : i32
      %dma_start3A_302 = tpu.memref_slice %arg3[%squeeze3A_289, %dma_start3A_301] : memref<1000000x64xf32, #tpu.memory_space<hbm>> -> memref<1x64xf32, #tpu.memory_space<hbm>>
      %dma_start3A_303 = arith.constant 0 : i32
      %dma_start3A_304 = arith.constant 0 : i32
      %dma_start3A_305 = tpu.memref_slice %arg7[%dma_start3A_294, %dma_start3A_303, %dma_start3A_304] : memref<7x128x64xf32, #tpu.memory_space<vmem>> -> memref<1x128x64xf32, #tpu.memory_space<vmem>>
      %dma_start3A_306 = tpu.memref_squeeze %dma_start3A_305 : memref<1x128x64xf32, #tpu.memory_space<vmem>> -> memref<128x64xf32, #tpu.memory_space<vmem>>
      %dma_start3A_307 = arith.constant 0 : i32
      %dma_start3A_308 = tpu.memref_slice %dma_start3A_306[%add3A_293, %dma_start3A_307] : memref<128x64xf32, #tpu.memory_space<vmem>> -> memref<1x64xf32, #tpu.memory_space<vmem>>
      %dma_start3A_309 = arith.constant 0 : i32
      %dma_start3A_310 = tpu.memref_slice %arg3[%squeeze3A_289, %dma_start3A_309] : memref<1000000x64xf32, #tpu.memory_space<hbm>> -> memref<1x64xf32, #tpu.memory_space<hbm>>
      tpu.enqueue_dma source(%dma_start3A_310 : memref<1x64xf32, #tpu.memory_space<hbm>>) target(%dma_start3A_308 : memref<1x64xf32, #tpu.memory_space<vmem>>) target_semaphore(%arg8 : memref<!tpu.dma_semaphore, #tpu.memory_space<semaphore_mem>>)
      %slice3A_311 = vector.extract_strided_slice %get3A_152 {offsets = [7], sizes = [1], strides = [1]} : vector<16xi32> to vector<1xi32>
      %squeeze3A_312 = vector.extract %slice3A_311[0] : i32 from vector<1xi32>
      %mul3A_313 = arith.constant 16 : i32
      %mul3A_314 = arith.muli %scan3A_146, %mul3A_313 : i32
      %add3A_315 = arith.constant 7 : i32
      %add3A_316 = arith.addi %mul3A_314, %add3A_315 : i32
      %dma_start3A_317 = arith.constant 5 : i32
      %dma_start3A_318 = arith.constant 0 : i32
      %dma_start3A_319 = arith.constant 0 : i32
      %dma_start3A_320 = tpu.memref_slice %arg7[%dma_start3A_317, %dma_start3A_318, %dma_start3A_319] : memref<7x128x64xf32, #tpu.memory_space<vmem>> -> memref<1x128x64xf32, #tpu.memory_space<vmem>>
      %dma_start3A_321 = tpu.memref_squeeze %dma_start3A_320 : memref<1x128x64xf32, #tpu.memory_space<vmem>> -> memref<128x64xf32, #tpu.memory_space<vmem>>
      %dma_start3A_322 = arith.constant 0 : i32
      %dma_start3A_323 = tpu.memref_slice %dma_start3A_321[%add3A_316, %dma_start3A_322] : memref<128x64xf32, #tpu.memory_space<vmem>> -> memref<1x64xf32, #tpu.memory_space<vmem>>
      %dma_start3A_324 = arith.constant 0 : i32
      %dma_start3A_325 = tpu.memref_slice %arg3[%squeeze3A_312, %dma_start3A_324] : memref<1000000x64xf32, #tpu.memory_space<hbm>> -> memref<1x64xf32, #tpu.memory_space<hbm>>
      %dma_start3A_326 = arith.constant 0 : i32
      %dma_start3A_327 = arith.constant 0 : i32
      %dma_start3A_328 = tpu.memref_slice %arg7[%dma_start3A_317, %dma_start3A_326, %dma_start3A_327] : memref<7x128x64xf32, #tpu.memory_space<vmem>> -> memref<1x128x64xf32, #tpu.memory_space<vmem>>
      %dma_start3A_329 = tpu.memref_squeeze %dma_start3A_328 : memref<1x128x64xf32, #tpu.memory_space<vmem>> -> memref<128x64xf32, #tpu.memory_space<vmem>>
      %dma_start3A_330 = arith.constant 0 : i32
      %dma_start3A_331 = tpu.memref_slice %dma_start3A_329[%add3A_316, %dma_start3A_330] : memref<128x64xf32, #tpu.memory_space<vmem>> -> memref<1x64xf32, #tpu.memory_space<vmem>>
      %dma_start3A_332 = arith.constant 0 : i32
      %dma_start3A_333 = tpu.memref_slice %arg3[%squeeze3A_312, %dma_start3A_332] : memref<1000000x64xf32, #tpu.memory_space<hbm>> -> memref<1x64xf32, #tpu.memory_space<hbm>>
      tpu.enqueue_dma source(%dma_start3A_333 : memref<1x64xf32, #tpu.memory_space<hbm>>) target(%dma_start3A_331 : memref<1x64xf32, #tpu.memory_space<vmem>>) target_semaphore(%arg8 : memref<!tpu.dma_semaphore, #tpu.memory_space<semaphore_mem>>)
      %slice3A_334 = vector.extract_strided_slice %get3A_152 {offsets = [8], sizes = [1], strides = [1]} : vector<16xi32> to vector<1xi32>
      %squeeze3A_335 = vector.extract %slice3A_334[0] : i32 from vector<1xi32>
      %mul3A_336 = arith.constant 16 : i32
      %mul3A_337 = arith.muli %scan3A_146, %mul3A_336 : i32
      %add3A_338 = arith.constant 8 : i32
      %add3A_339 = arith.addi %mul3A_337, %add3A_338 : i32
      %dma_start3A_340 = arith.constant 5 : i32
      %dma_start3A_341 = arith.constant 0 : i32
      %dma_start3A_342 = arith.constant 0 : i32
      %dma_start3A_343 = tpu.memref_slice %arg7[%dma_start3A_340, %dma_start3A_341, %dma_start3A_342] : memref<7x128x64xf32, #tpu.memory_space<vmem>> -> memref<1x128x64xf32, #tpu.memory_space<vmem>>
      %dma_start3A_344 = tpu.memref_squeeze %dma_start3A_343 : memref<1x128x64xf32, #tpu.memory_space<vmem>> -> memref<128x64xf32, #tpu.memory_space<vmem>>
      %dma_start3A_345 = arith.constant 0 : i32
      %dma_start3A_346 = tpu.memref_slice %dma_start3A_344[%add3A_339, %dma_start3A_345] : memref<128x64xf32, #tpu.memory_space<vmem>> -> memref<1x64xf32, #tpu.memory_space<vmem>>
      %dma_start3A_347 = arith.constant 0 : i32
      %dma_start3A_348 = tpu.memref_slice %arg3[%squeeze3A_335, %dma_start3A_347] : memref<1000000x64xf32, #tpu.memory_space<hbm>> -> memref<1x64xf32, #tpu.memory_space<hbm>>
      %dma_start3A_349 = arith.constant 0 : i32
      %dma_start3A_350 = arith.constant 0 : i32
      %dma_start3A_351 = tpu.memref_slice %arg7[%dma_start3A_340, %dma_start3A_349, %dma_start3A_350] : memref<7x128x64xf32, #tpu.memory_space<vmem>> -> memref<1x128x64xf32, #tpu.memory_space<vmem>>
      %dma_start3A_352 = tpu.memref_squeeze %dma_start3A_351 : memref<1x128x64xf32, #tpu.memory_space<vmem>> -> memref<128x64xf32, #tpu.memory_space<vmem>>
      %dma_start3A_353 = arith.constant 0 : i32
      %dma_start3A_354 = tpu.memref_slice %dma_start3A_352[%add3A_339, %dma_start3A_353] : memref<128x64xf32, #tpu.memory_space<vmem>> -> memref<1x64xf32, #tpu.memory_space<vmem>>
      %dma_start3A_355 = arith.constant 0 : i32
      %dma_start3A_356 = tpu.memref_slice %arg3[%squeeze3A_335, %dma_start3A_355] : memref<1000000x64xf32, #tpu.memory_space<hbm>> -> memref<1x64xf32, #tpu.memory_space<hbm>>
      tpu.enqueue_dma source(%dma_start3A_356 : memref<1x64xf32, #tpu.memory_space<hbm>>) target(%dma_start3A_354 : memref<1x64xf32, #tpu.memory_space<vmem>>) target_semaphore(%arg8 : memref<!tpu.dma_semaphore, #tpu.memory_space<semaphore_mem>>)
      %slice3A_357 = vector.extract_strided_slice %get3A_152 {offsets = [9], sizes = [1], strides = [1]} : vector<16xi32> to vector<1xi32>
      %squeeze3A_358 = vector.extract %slice3A_357[0] : i32 from vector<1xi32>
      %mul3A_359 = arith.constant 16 : i32
      %mul3A_360 = arith.muli %scan3A_146, %mul3A_359 : i32
      %add3A_361 = arith.constant 9 : i32
      %add3A_362 = arith.addi %mul3A_360, %add3A_361 : i32
      %dma_start3A_363 = arith.constant 5 : i32
      %dma_start3A_364 = arith.constant 0 : i32
      %dma_start3A_365 = arith.constant 0 : i32
      %dma_start3A_366 = tpu.memref_slice %arg7[%dma_start3A_363, %dma_start3A_364, %dma_start3A_365] : memref<7x128x64xf32, #tpu.memory_space<vmem>> -> memref<1x128x64xf32, #tpu.memory_space<vmem>>
      %dma_start3A_367 = tpu.memref_squeeze %dma_start3A_366 : memref<1x128x64xf32, #tpu.memory_space<vmem>> -> memref<128x64xf32, #tpu.memory_space<vmem>>
      %dma_start3A_368 = arith.constant 0 : i32
      %dma_start3A_369 = tpu.memref_slice %dma_start3A_367[%add3A_362, %dma_start3A_368] : memref<128x64xf32, #tpu.memory_space<vmem>> -> memref<1x64xf32, #tpu.memory_space<vmem>>
      %dma_start3A_370 = arith.constant 0 : i32
      %dma_start3A_371 = tpu.memref_slice %arg3[%squeeze3A_358, %dma_start3A_370] : memref<1000000x64xf32, #tpu.memory_space<hbm>> -> memref<1x64xf32, #tpu.memory_space<hbm>>
      %dma_start3A_372 = arith.constant 0 : i32
      %dma_start3A_373 = arith.constant 0 : i32
      %dma_start3A_374 = tpu.memref_slice %arg7[%dma_start3A_363, %dma_start3A_372, %dma_start3A_373] : memref<7x128x64xf32, #tpu.memory_space<vmem>> -> memref<1x128x64xf32, #tpu.memory_space<vmem>>
      %dma_start3A_375 = tpu.memref_squeeze %dma_start3A_374 : memref<1x128x64xf32, #tpu.memory_space<vmem>> -> memref<128x64xf32, #tpu.memory_space<vmem>>
      %dma_start3A_376 = arith.constant 0 : i32
      %dma_start3A_377 = tpu.memref_slice %dma_start3A_375[%add3A_362, %dma_start3A_376] : memref<128x64xf32, #tpu.memory_space<vmem>> -> memref<1x64xf32, #tpu.memory_space<vmem>>
      %dma_start3A_378 = arith.constant 0 : i32
      %dma_start3A_379 = tpu.memref_slice %arg3[%squeeze3A_358, %dma_start3A_378] : memref<1000000x64xf32, #tpu.memory_space<hbm>> -> memref<1x64xf32, #tpu.memory_space<hbm>>
      tpu.enqueue_dma source(%dma_start3A_379 : memref<1x64xf32, #tpu.memory_space<hbm>>) target(%dma_start3A_377 : memref<1x64xf32, #tpu.memory_space<vmem>>) target_semaphore(%arg8 : memref<!tpu.dma_semaphore, #tpu.memory_space<semaphore_mem>>)
      %slice3A_380 = vector.extract_strided_slice %get3A_152 {offsets = [10], sizes = [1], strides = [1]} : vector<16xi32> to vector<1xi32>
      %squeeze3A_381 = vector.extract %slice3A_380[0] : i32 from vector<1xi32>
      %mul3A_382 = arith.constant 16 : i32
      %mul3A_383 = arith.muli %scan3A_146, %mul3A_382 : i32
      %add3A_384 = arith.constant 10 : i32
      %add3A_385 = arith.addi %mul3A_383, %add3A_384 : i32
      %dma_start3A_386 = arith.constant 5 : i32
      %dma_start3A_387 = arith.constant 0 : i32
      %dma_start3A_388 = arith.constant 0 : i32
      %dma_start3A_389 = tpu.memref_slice %arg7[%dma_start3A_386, %dma_start3A_387, %dma_start3A_388] : memref<7x128x64xf32, #tpu.memory_space<vmem>> -> memref<1x128x64xf32, #tpu.memory_space<vmem>>
      %dma_start3A_390 = tpu.memref_squeeze %dma_start3A_389 : memref<1x128x64xf32, #tpu.memory_space<vmem>> -> memref<128x64xf32, #tpu.memory_space<vmem>>
      %dma_start3A_391 = arith.constant 0 : i32
      %dma_start3A_392 = tpu.memref_slice %dma_start3A_390[%add3A_385, %dma_start3A_391] : memref<128x64xf32, #tpu.memory_space<vmem>> -> memref<1x64xf32, #tpu.memory_space<vmem>>
      %dma_start3A_393 = arith.constant 0 : i32
      %dma_start3A_394 = tpu.memref_slice %arg3[%squeeze3A_381, %dma_start3A_393] : memref<1000000x64xf32, #tpu.memory_space<hbm>> -> memref<1x64xf32, #tpu.memory_space<hbm>>
      %dma_start3A_395 = arith.constant 0 : i32
      %dma_start3A_396 = arith.constant 0 : i32
      %dma_start3A_397 = tpu.memref_slice %arg7[%dma_start3A_386, %dma_start3A_395, %dma_start3A_396] : memref<7x128x64xf32, #tpu.memory_space<vmem>> -> memref<1x128x64xf32, #tpu.memory_space<vmem>>
      %dma_start3A_398 = tpu.memref_squeeze %dma_start3A_397 : memref<1x128x64xf32, #tpu.memory_space<vmem>> -> memref<128x64xf32, #tpu.memory_space<vmem>>
      %dma_start3A_399 = arith.constant 0 : i32
      %dma_start3A_400 = tpu.memref_slice %dma_start3A_398[%add3A_385, %dma_start3A_399] : memref<128x64xf32, #tpu.memory_space<vmem>> -> memref<1x64xf32, #tpu.memory_space<vmem>>
      %dma_start3A_401 = arith.constant 0 : i32
      %dma_start3A_402 = tpu.memref_slice %arg3[%squeeze3A_381, %dma_start3A_401] : memref<1000000x64xf32, #tpu.memory_space<hbm>> -> memref<1x64xf32, #tpu.memory_space<hbm>>
      tpu.enqueue_dma source(%dma_start3A_402 : memref<1x64xf32, #tpu.memory_space<hbm>>) target(%dma_start3A_400 : memref<1x64xf32, #tpu.memory_space<vmem>>) target_semaphore(%arg8 : memref<!tpu.dma_semaphore, #tpu.memory_space<semaphore_mem>>)
      %slice3A_403 = vector.extract_strided_slice %get3A_152 {offsets = [11], sizes = [1], strides = [1]} : vector<16xi32> to vector<1xi32>
      %squeeze3A_404 = vector.extract %slice3A_403[0] : i32 from vector<1xi32>
      %mul3A_405 = arith.constant 16 : i32
      %mul3A_406 = arith.muli %scan3A_146, %mul3A_405 : i32
      %add3A_407 = arith.constant 11 : i32
      %add3A_408 = arith.addi %mul3A_406, %add3A_407 : i32
      %dma_start3A_409 = arith.constant 5 : i32
      %dma_start3A_410 = arith.constant 0 : i32
      %dma_start3A_411 = arith.constant 0 : i32
      %dma_start3A_412 = tpu.memref_slice %arg7[%dma_start3A_409, %dma_start3A_410, %dma_start3A_411] : memref<7x128x64xf32, #tpu.memory_space<vmem>> -> memref<1x128x64xf32, #tpu.memory_space<vmem>>
      %dma_start3A_413 = tpu.memref_squeeze %dma_start3A_412 : memref<1x128x64xf32, #tpu.memory_space<vmem>> -> memref<128x64xf32, #tpu.memory_space<vmem>>
      %dma_start3A_414 = arith.constant 0 : i32
      %dma_start3A_415 = tpu.memref_slice %dma_start3A_413[%add3A_408, %dma_start3A_414] : memref<128x64xf32, #tpu.memory_space<vmem>> -> memref<1x64xf32, #tpu.memory_space<vmem>>
      %dma_start3A_416 = arith.constant 0 : i32
      %dma_start3A_417 = tpu.memref_slice %arg3[%squeeze3A_404, %dma_start3A_416] : memref<1000000x64xf32, #tpu.memory_space<hbm>> -> memref<1x64xf32, #tpu.memory_space<hbm>>
      %dma_start3A_418 = arith.constant 0 : i32
      %dma_start3A_419 = arith.constant 0 : i32
      %dma_start3A_420 = tpu.memref_slice %arg7[%dma_start3A_409, %dma_start3A_418, %dma_start3A_419] : memref<7x128x64xf32, #tpu.memory_space<vmem>> -> memref<1x128x64xf32, #tpu.memory_space<vmem>>
      %dma_start3A_421 = tpu.memref_squeeze %dma_start3A_420 : memref<1x128x64xf32, #tpu.memory_space<vmem>> -> memref<128x64xf32, #tpu.memory_space<vmem>>
      %dma_start3A_422 = arith.constant 0 : i32
      %dma_start3A_423 = tpu.memref_slice %dma_start3A_421[%add3A_408, %dma_start3A_422] : memref<128x64xf32, #tpu.memory_space<vmem>> -> memref<1x64xf32, #tpu.memory_space<vmem>>
      %dma_start3A_424 = arith.constant 0 : i32
      %dma_start3A_425 = tpu.memref_slice %arg3[%squeeze3A_404, %dma_start3A_424] : memref<1000000x64xf32, #tpu.memory_space<hbm>> -> memref<1x64xf32, #tpu.memory_space<hbm>>
      tpu.enqueue_dma source(%dma_start3A_425 : memref<1x64xf32, #tpu.memory_space<hbm>>) target(%dma_start3A_423 : memref<1x64xf32, #tpu.memory_space<vmem>>) target_semaphore(%arg8 : memref<!tpu.dma_semaphore, #tpu.memory_space<semaphore_mem>>)
      %slice3A_426 = vector.extract_strided_slice %get3A_152 {offsets = [12], sizes = [1], strides = [1]} : vector<16xi32> to vector<1xi32>
      %squeeze3A_427 = vector.extract %slice3A_426[0] : i32 from vector<1xi32>
      %mul3A_428 = arith.constant 16 : i32
      %mul3A_429 = arith.muli %scan3A_146, %mul3A_428 : i32
      %add3A_430 = arith.constant 12 : i32
      %add3A_431 = arith.addi %mul3A_429, %add3A_430 : i32
      %dma_start3A_432 = arith.constant 5 : i32
      %dma_start3A_433 = arith.constant 0 : i32
      %dma_start3A_434 = arith.constant 0 : i32
      %dma_start3A_435 = tpu.memref_slice %arg7[%dma_start3A_432, %dma_start3A_433, %dma_start3A_434] : memref<7x128x64xf32, #tpu.memory_space<vmem>> -> memref<1x128x64xf32, #tpu.memory_space<vmem>>
      %dma_start3A_436 = tpu.memref_squeeze %dma_start3A_435 : memref<1x128x64xf32, #tpu.memory_space<vmem>> -> memref<128x64xf32, #tpu.memory_space<vmem>>
      %dma_start3A_437 = arith.constant 0 : i32
      %dma_start3A_438 = tpu.memref_slice %dma_start3A_436[%add3A_431, %dma_start3A_437] : memref<128x64xf32, #tpu.memory_space<vmem>> -> memref<1x64xf32, #tpu.memory_space<vmem>>
      %dma_start3A_439 = arith.constant 0 : i32
      %dma_start3A_440 = tpu.memref_slice %arg3[%squeeze3A_427, %dma_start3A_439] : memref<1000000x64xf32, #tpu.memory_space<hbm>> -> memref<1x64xf32, #tpu.memory_space<hbm>>
      %dma_start3A_441 = arith.constant 0 : i32
      %dma_start3A_442 = arith.constant 0 : i32
      %dma_start3A_443 = tpu.memref_slice %arg7[%dma_start3A_432, %dma_start3A_441, %dma_start3A_442] : memref<7x128x64xf32, #tpu.memory_space<vmem>> -> memref<1x128x64xf32, #tpu.memory_space<vmem>>
      %dma_start3A_444 = tpu.memref_squeeze %dma_start3A_443 : memref<1x128x64xf32, #tpu.memory_space<vmem>> -> memref<128x64xf32, #tpu.memory_space<vmem>>
      %dma_start3A_445 = arith.constant 0 : i32
      %dma_start3A_446 = tpu.memref_slice %dma_start3A_444[%add3A_431, %dma_start3A_445] : memref<128x64xf32, #tpu.memory_space<vmem>> -> memref<1x64xf32, #tpu.memory_space<vmem>>
      %dma_start3A_447 = arith.constant 0 : i32
      %dma_start3A_448 = tpu.memref_slice %arg3[%squeeze3A_427, %dma_start3A_447] : memref<1000000x64xf32, #tpu.memory_space<hbm>> -> memref<1x64xf32, #tpu.memory_space<hbm>>
      tpu.enqueue_dma source(%dma_start3A_448 : memref<1x64xf32, #tpu.memory_space<hbm>>) target(%dma_start3A_446 : memref<1x64xf32, #tpu.memory_space<vmem>>) target_semaphore(%arg8 : memref<!tpu.dma_semaphore, #tpu.memory_space<semaphore_mem>>)
      %slice3A_449 = vector.extract_strided_slice %get3A_152 {offsets = [13], sizes = [1], strides = [1]} : vector<16xi32> to vector<1xi32>
      %squeeze3A_450 = vector.extract %slice3A_449[0] : i32 from vector<1xi32>
      %mul3A_451 = arith.constant 16 : i32
      %mul3A_452 = arith.muli %scan3A_146, %mul3A_451 : i32
      %add3A_453 = arith.constant 13 : i32
      %add3A_454 = arith.addi %mul3A_452, %add3A_453 : i32
      %dma_start3A_455 = arith.constant 5 : i32
      %dma_start3A_456 = arith.constant 0 : i32
      %dma_start3A_457 = arith.constant 0 : i32
      %dma_start3A_458 = tpu.memref_slice %arg7[%dma_start3A_455, %dma_start3A_456, %dma_start3A_457] : memref<7x128x64xf32, #tpu.memory_space<vmem>> -> memref<1x128x64xf32, #tpu.memory_space<vmem>>
      %dma_start3A_459 = tpu.memref_squeeze %dma_start3A_458 : memref<1x128x64xf32, #tpu.memory_space<vmem>> -> memref<128x64xf32, #tpu.memory_space<vmem>>
      %dma_start3A_460 = arith.constant 0 : i32
      %dma_start3A_461 = tpu.memref_slice %dma_start3A_459[%add3A_454, %dma_start3A_460] : memref<128x64xf32, #tpu.memory_space<vmem>> -> memref<1x64xf32, #tpu.memory_space<vmem>>
      %dma_start3A_462 = arith.constant 0 : i32
      %dma_start3A_463 = tpu.memref_slice %arg3[%squeeze3A_450, %dma_start3A_462] : memref<1000000x64xf32, #tpu.memory_space<hbm>> -> memref<1x64xf32, #tpu.memory_space<hbm>>
      %dma_start3A_464 = arith.constant 0 : i32
      %dma_start3A_465 = arith.constant 0 : i32
      %dma_start3A_466 = tpu.memref_slice %arg7[%dma_start3A_455, %dma_start3A_464, %dma_start3A_465] : memref<7x128x64xf32, #tpu.memory_space<vmem>> -> memref<1x128x64xf32, #tpu.memory_space<vmem>>
      %dma_start3A_467 = tpu.memref_squeeze %dma_start3A_466 : memref<1x128x64xf32, #tpu.memory_space<vmem>> -> memref<128x64xf32, #tpu.memory_space<vmem>>
      %dma_start3A_468 = arith.constant 0 : i32
      %dma_start3A_469 = tpu.memref_slice %dma_start3A_467[%add3A_454, %dma_start3A_468] : memref<128x64xf32, #tpu.memory_space<vmem>> -> memref<1x64xf32, #tpu.memory_space<vmem>>
      %dma_start3A_470 = arith.constant 0 : i32
      %dma_start3A_471 = tpu.memref_slice %arg3[%squeeze3A_450, %dma_start3A_470] : memref<1000000x64xf32, #tpu.memory_space<hbm>> -> memref<1x64xf32, #tpu.memory_space<hbm>>
      tpu.enqueue_dma source(%dma_start3A_471 : memref<1x64xf32, #tpu.memory_space<hbm>>) target(%dma_start3A_469 : memref<1x64xf32, #tpu.memory_space<vmem>>) target_semaphore(%arg8 : memref<!tpu.dma_semaphore, #tpu.memory_space<semaphore_mem>>)
      %slice3A_472 = vector.extract_strided_slice %get3A_152 {offsets = [14], sizes = [1], strides = [1]} : vector<16xi32> to vector<1xi32>
      %squeeze3A_473 = vector.extract %slice3A_472[0] : i32 from vector<1xi32>
      %mul3A_474 = arith.constant 16 : i32
      %mul3A_475 = arith.muli %scan3A_146, %mul3A_474 : i32
      %add3A_476 = arith.constant 14 : i32
      %add3A_477 = arith.addi %mul3A_475, %add3A_476 : i32
      %dma_start3A_478 = arith.constant 5 : i32
      %dma_start3A_479 = arith.constant 0 : i32
      %dma_start3A_480 = arith.constant 0 : i32
      %dma_start3A_481 = tpu.memref_slice %arg7[%dma_start3A_478, %dma_start3A_479, %dma_start3A_480] : memref<7x128x64xf32, #tpu.memory_space<vmem>> -> memref<1x128x64xf32, #tpu.memory_space<vmem>>
      %dma_start3A_482 = tpu.memref_squeeze %dma_start3A_481 : memref<1x128x64xf32, #tpu.memory_space<vmem>> -> memref<128x64xf32, #tpu.memory_space<vmem>>
      %dma_start3A_483 = arith.constant 0 : i32
      %dma_start3A_484 = tpu.memref_slice %dma_start3A_482[%add3A_477, %dma_start3A_483] : memref<128x64xf32, #tpu.memory_space<vmem>> -> memref<1x64xf32, #tpu.memory_space<vmem>>
      %dma_start3A_485 = arith.constant 0 : i32
      %dma_start3A_486 = tpu.memref_slice %arg3[%squeeze3A_473, %dma_start3A_485] : memref<1000000x64xf32, #tpu.memory_space<hbm>> -> memref<1x64xf32, #tpu.memory_space<hbm>>
      %dma_start3A_487 = arith.constant 0 : i32
      %dma_start3A_488 = arith.constant 0 : i32
      %dma_start3A_489 = tpu.memref_slice %arg7[%dma_start3A_478, %dma_start3A_487, %dma_start3A_488] : memref<7x128x64xf32, #tpu.memory_space<vmem>> -> memref<1x128x64xf32, #tpu.memory_space<vmem>>
      %dma_start3A_490 = tpu.memref_squeeze %dma_start3A_489 : memref<1x128x64xf32, #tpu.memory_space<vmem>> -> memref<128x64xf32, #tpu.memory_space<vmem>>
      %dma_start3A_491 = arith.constant 0 : i32
      %dma_start3A_492 = tpu.memref_slice %dma_start3A_490[%add3A_477, %dma_start3A_491] : memref<128x64xf32, #tpu.memory_space<vmem>> -> memref<1x64xf32, #tpu.memory_space<vmem>>
      %dma_start3A_493 = arith.constant 0 : i32
      %dma_start3A_494 = tpu.memref_slice %arg3[%squeeze3A_473, %dma_start3A_493] : memref<1000000x64xf32, #tpu.memory_space<hbm>> -> memref<1x64xf32, #tpu.memory_space<hbm>>
      tpu.enqueue_dma source(%dma_start3A_494 : memref<1x64xf32, #tpu.memory_space<hbm>>) target(%dma_start3A_492 : memref<1x64xf32, #tpu.memory_space<vmem>>) target_semaphore(%arg8 : memref<!tpu.dma_semaphore, #tpu.memory_space<semaphore_mem>>)
      %slice3A_495 = vector.extract_strided_slice %get3A_152 {offsets = [15], sizes = [1], strides = [1]} : vector<16xi32> to vector<1xi32>
      %squeeze3A_496 = vector.extract %slice3A_495[0] : i32 from vector<1xi32>
      %mul3A_497 = arith.constant 16 : i32
      %mul3A_498 = arith.muli %scan3A_146, %mul3A_497 : i32
      %add3A_499 = arith.constant 15 : i32
      %add3A_500 = arith.addi %mul3A_498, %add3A_499 : i32
      %dma_start3A_501 = arith.constant 5 : i32
      %dma_start3A_502 = arith.constant 0 : i32
      %dma_start3A_503 = arith.constant 0 : i32
      %dma_start3A_504 = tpu.memref_slice %arg7[%dma_start3A_501, %dma_start3A_502, %dma_start3A_503] : memref<7x128x64xf32, #tpu.memory_space<vmem>> -> memref<1x128x64xf32, #tpu.memory_space<vmem>>
      %dma_start3A_505 = tpu.memref_squeeze %dma_start3A_504 : memref<1x128x64xf32, #tpu.memory_space<vmem>> -> memref<128x64xf32, #tpu.memory_space<vmem>>
      %dma_start3A_506 = arith.constant 0 : i32
      %dma_start3A_507 = tpu.memref_slice %dma_start3A_505[%add3A_500, %dma_start3A_506] : memref<128x64xf32, #tpu.memory_space<vmem>> -> memref<1x64xf32, #tpu.memory_space<vmem>>
      %dma_start3A_508 = arith.constant 0 : i32
      %dma_start3A_509 = tpu.memref_slice %arg3[%squeeze3A_496, %dma_start3A_508] : memref<1000000x64xf32, #tpu.memory_space<hbm>> -> memref<1x64xf32, #tpu.memory_space<hbm>>
      %dma_start3A_510 = arith.constant 0 : i32
      %dma_start3A_511 = arith.constant 0 : i32
      %dma_start3A_512 = tpu.memref_slice %arg7[%dma_start3A_501, %dma_start3A_510, %dma_start3A_511] : memref<7x128x64xf32, #tpu.memory_space<vmem>> -> memref<1x128x64xf32, #tpu.memory_space<vmem>>
      %dma_start3A_513 = tpu.memref_squeeze %dma_start3A_512 : memref<1x128x64xf32, #tpu.memory_space<vmem>> -> memref<128x64xf32, #tpu.memory_space<vmem>>
      %dma_start3A_514 = arith.constant 0 : i32
      %dma_start3A_515 = tpu.memref_slice %dma_start3A_513[%add3A_500, %dma_start3A_514] : memref<128x64xf32, #tpu.memory_space<vmem>> -> memref<1x64xf32, #tpu.memory_space<vmem>>
      %dma_start3A_516 = arith.constant 0 : i32
      %dma_start3A_517 = tpu.memref_slice %arg3[%squeeze3A_496, %dma_start3A_516] : memref<1000000x64xf32, #tpu.memory_space<hbm>> -> memref<1x64xf32, #tpu.memory_space<hbm>>
      tpu.enqueue_dma source(%dma_start3A_517 : memref<1x64xf32, #tpu.memory_space<hbm>>) target(%dma_start3A_515 : memref<1x64xf32, #tpu.memory_space<vmem>>) target_semaphore(%arg8 : memref<!tpu.dma_semaphore, #tpu.memory_space<semaphore_mem>>)
    }
    %scan3A_35 = arith.constant 8 : i32
    %scan3A_36 = arith.constant 0 : i32
    %scan3A_37 = arith.constant 0 : i32
    %scan3A_38 = arith.constant 8 : i32
    %scan3A_39 = arith.addi %scan3A_37, %scan3A_38 : i32
    %scan3A_40 = arith.constant 1 : i32
    scf.for %scan3A_146 = %scan3A_37 to %scan3A_39 step %scan3A_40  : i32 {
      %mul3A_147 = arith.constant 16 : i32
      %mul3A_148 = arith.muli %scan3A_146, %mul3A_147 : i32
      %get3A = arith.constant 6 : i32
      %get3A_149 = arith.index_cast %get3A : i32 to index
      %get3A_150 = arith.index_cast %mul3A_148 : i32 to index
      %get3A_151 = tpu.vector_load %arg6[%get3A_149, %get3A_150] {strides = array<i32>} : memref<7x128xi32, #tpu.memory_space<vmem>>, vector<1x16xi32>,
      %get3A_152 = vector.shape_cast %get3A_151 : vector<1x16xi32> to vector<16xi32>
      %slice3A = vector.extract_strided_slice %get3A_152 {offsets = [0], sizes = [1], strides = [1]} : vector<16xi32> to vector<1xi32>
      %squeeze3A = vector.extract %slice3A[0] : i32 from vector<1xi32>
      %mul3A_153 = arith.constant 16 : i32
      %mul3A_154 = arith.muli %scan3A_146, %mul3A_153 : i32
      %add3A_155 = arith.constant 0 : i32
      %add3A_156 = arith.addi %mul3A_154, %add3A_155 : i32
      %dma_start3A = arith.constant 6 : i32
      %dma_start3A_157 = arith.constant 0 : i32
      %dma_start3A_158 = arith.constant 0 : i32
      %dma_start3A_159 = tpu.memref_slice %arg7[%dma_start3A, %dma_start3A_157, %dma_start3A_158] : memref<7x128x64xf32, #tpu.memory_space<vmem>> -> memref<1x128x64xf32, #tpu.memory_space<vmem>>
      %dma_start3A_160 = tpu.memref_squeeze %dma_start3A_159 : memref<1x128x64xf32, #tpu.memory_space<vmem>> -> memref<128x64xf32, #tpu.memory_space<vmem>>
      %dma_start3A_161 = arith.constant 0 : i32
      %dma_start3A_162 = tpu.memref_slice %dma_start3A_160[%add3A_156, %dma_start3A_161] : memref<128x64xf32, #tpu.memory_space<vmem>> -> memref<1x64xf32, #tpu.memory_space<vmem>>
      %dma_start3A_163 = arith.constant 0 : i32
      %dma_start3A_164 = tpu.memref_slice %arg3[%squeeze3A, %dma_start3A_163] : memref<1000000x64xf32, #tpu.memory_space<hbm>> -> memref<1x64xf32, #tpu.memory_space<hbm>>
      %dma_start3A_165 = arith.constant 0 : i32
      %dma_start3A_166 = arith.constant 0 : i32
      %dma_start3A_167 = tpu.memref_slice %arg7[%dma_start3A, %dma_start3A_165, %dma_start3A_166] : memref<7x128x64xf32, #tpu.memory_space<vmem>> -> memref<1x128x64xf32, #tpu.memory_space<vmem>>
      %dma_start3A_168 = tpu.memref_squeeze %dma_start3A_167 : memref<1x128x64xf32, #tpu.memory_space<vmem>> -> memref<128x64xf32, #tpu.memory_space<vmem>>
      %dma_start3A_169 = arith.constant 0 : i32
      %dma_start3A_170 = tpu.memref_slice %dma_start3A_168[%add3A_156, %dma_start3A_169] : memref<128x64xf32, #tpu.memory_space<vmem>> -> memref<1x64xf32, #tpu.memory_space<vmem>>
      %dma_start3A_171 = arith.constant 0 : i32
      %dma_start3A_172 = tpu.memref_slice %arg3[%squeeze3A, %dma_start3A_171] : memref<1000000x64xf32, #tpu.memory_space<hbm>> -> memref<1x64xf32, #tpu.memory_space<hbm>>
      tpu.enqueue_dma source(%dma_start3A_172 : memref<1x64xf32, #tpu.memory_space<hbm>>) target(%dma_start3A_170 : memref<1x64xf32, #tpu.memory_space<vmem>>) target_semaphore(%arg8 : memref<!tpu.dma_semaphore, #tpu.memory_space<semaphore_mem>>)
      %slice3A_173 = vector.extract_strided_slice %get3A_152 {offsets = [1], sizes = [1], strides = [1]} : vector<16xi32> to vector<1xi32>
      %squeeze3A_174 = vector.extract %slice3A_173[0] : i32 from vector<1xi32>
      %mul3A_175 = arith.constant 16 : i32
      %mul3A_176 = arith.muli %scan3A_146, %mul3A_175 : i32
      %add3A_177 = arith.constant 1 : i32
      %add3A_178 = arith.addi %mul3A_176, %add3A_177 : i32
      %dma_start3A_179 = arith.constant 6 : i32
      %dma_start3A_180 = arith.constant 0 : i32
      %dma_start3A_181 = arith.constant 0 : i32
      %dma_start3A_182 = tpu.memref_slice %arg7[%dma_start3A_179, %dma_start3A_180, %dma_start3A_181] : memref<7x128x64xf32, #tpu.memory_space<vmem>> -> memref<1x128x64xf32, #tpu.memory_space<vmem>>
      %dma_start3A_183 = tpu.memref_squeeze %dma_start3A_182 : memref<1x128x64xf32, #tpu.memory_space<vmem>> -> memref<128x64xf32, #tpu.memory_space<vmem>>
      %dma_start3A_184 = arith.constant 0 : i32
      %dma_start3A_185 = tpu.memref_slice %dma_start3A_183[%add3A_178, %dma_start3A_184] : memref<128x64xf32, #tpu.memory_space<vmem>> -> memref<1x64xf32, #tpu.memory_space<vmem>>
      %dma_start3A_186 = arith.constant 0 : i32
      %dma_start3A_187 = tpu.memref_slice %arg3[%squeeze3A_174, %dma_start3A_186] : memref<1000000x64xf32, #tpu.memory_space<hbm>> -> memref<1x64xf32, #tpu.memory_space<hbm>>
      %dma_start3A_188 = arith.constant 0 : i32
      %dma_start3A_189 = arith.constant 0 : i32
      %dma_start3A_190 = tpu.memref_slice %arg7[%dma_start3A_179, %dma_start3A_188, %dma_start3A_189] : memref<7x128x64xf32, #tpu.memory_space<vmem>> -> memref<1x128x64xf32, #tpu.memory_space<vmem>>
      %dma_start3A_191 = tpu.memref_squeeze %dma_start3A_190 : memref<1x128x64xf32, #tpu.memory_space<vmem>> -> memref<128x64xf32, #tpu.memory_space<vmem>>
      %dma_start3A_192 = arith.constant 0 : i32
      %dma_start3A_193 = tpu.memref_slice %dma_start3A_191[%add3A_178, %dma_start3A_192] : memref<128x64xf32, #tpu.memory_space<vmem>> -> memref<1x64xf32, #tpu.memory_space<vmem>>
      %dma_start3A_194 = arith.constant 0 : i32
      %dma_start3A_195 = tpu.memref_slice %arg3[%squeeze3A_174, %dma_start3A_194] : memref<1000000x64xf32, #tpu.memory_space<hbm>> -> memref<1x64xf32, #tpu.memory_space<hbm>>
      tpu.enqueue_dma source(%dma_start3A_195 : memref<1x64xf32, #tpu.memory_space<hbm>>) target(%dma_start3A_193 : memref<1x64xf32, #tpu.memory_space<vmem>>) target_semaphore(%arg8 : memref<!tpu.dma_semaphore, #tpu.memory_space<semaphore_mem>>)
      %slice3A_196 = vector.extract_strided_slice %get3A_152 {offsets = [2], sizes = [1], strides = [1]} : vector<16xi32> to vector<1xi32>
      %squeeze3A_197 = vector.extract %slice3A_196[0] : i32 from vector<1xi32>
      %mul3A_198 = arith.constant 16 : i32
      %mul3A_199 = arith.muli %scan3A_146, %mul3A_198 : i32
      %add3A_200 = arith.constant 2 : i32
      %add3A_201 = arith.addi %mul3A_199, %add3A_200 : i32
      %dma_start3A_202 = arith.constant 6 : i32
      %dma_start3A_203 = arith.constant 0 : i32
      %dma_start3A_204 = arith.constant 0 : i32
      %dma_start3A_205 = tpu.memref_slice %arg7[%dma_start3A_202, %dma_start3A_203, %dma_start3A_204] : memref<7x128x64xf32, #tpu.memory_space<vmem>> -> memref<1x128x64xf32, #tpu.memory_space<vmem>>
      %dma_start3A_206 = tpu.memref_squeeze %dma_start3A_205 : memref<1x128x64xf32, #tpu.memory_space<vmem>> -> memref<128x64xf32, #tpu.memory_space<vmem>>
      %dma_start3A_207 = arith.constant 0 : i32
      %dma_start3A_208 = tpu.memref_slice %dma_start3A_206[%add3A_201, %dma_start3A_207] : memref<128x64xf32, #tpu.memory_space<vmem>> -> memref<1x64xf32, #tpu.memory_space<vmem>>
      %dma_start3A_209 = arith.constant 0 : i32
      %dma_start3A_210 = tpu.memref_slice %arg3[%squeeze3A_197, %dma_start3A_209] : memref<1000000x64xf32, #tpu.memory_space<hbm>> -> memref<1x64xf32, #tpu.memory_space<hbm>>
      %dma_start3A_211 = arith.constant 0 : i32
      %dma_start3A_212 = arith.constant 0 : i32
      %dma_start3A_213 = tpu.memref_slice %arg7[%dma_start3A_202, %dma_start3A_211, %dma_start3A_212] : memref<7x128x64xf32, #tpu.memory_space<vmem>> -> memref<1x128x64xf32, #tpu.memory_space<vmem>>
      %dma_start3A_214 = tpu.memref_squeeze %dma_start3A_213 : memref<1x128x64xf32, #tpu.memory_space<vmem>> -> memref<128x64xf32, #tpu.memory_space<vmem>>
      %dma_start3A_215 = arith.constant 0 : i32
      %dma_start3A_216 = tpu.memref_slice %dma_start3A_214[%add3A_201, %dma_start3A_215] : memref<128x64xf32, #tpu.memory_space<vmem>> -> memref<1x64xf32, #tpu.memory_space<vmem>>
      %dma_start3A_217 = arith.constant 0 : i32
      %dma_start3A_218 = tpu.memref_slice %arg3[%squeeze3A_197, %dma_start3A_217] : memref<1000000x64xf32, #tpu.memory_space<hbm>> -> memref<1x64xf32, #tpu.memory_space<hbm>>
      tpu.enqueue_dma source(%dma_start3A_218 : memref<1x64xf32, #tpu.memory_space<hbm>>) target(%dma_start3A_216 : memref<1x64xf32, #tpu.memory_space<vmem>>) target_semaphore(%arg8 : memref<!tpu.dma_semaphore, #tpu.memory_space<semaphore_mem>>)
      %slice3A_219 = vector.extract_strided_slice %get3A_152 {offsets = [3], sizes = [1], strides = [1]} : vector<16xi32> to vector<1xi32>
      %squeeze3A_220 = vector.extract %slice3A_219[0] : i32 from vector<1xi32>
      %mul3A_221 = arith.constant 16 : i32
      %mul3A_222 = arith.muli %scan3A_146, %mul3A_221 : i32
      %add3A_223 = arith.constant 3 : i32
      %add3A_224 = arith.addi %mul3A_222, %add3A_223 : i32
      %dma_start3A_225 = arith.constant 6 : i32
      %dma_start3A_226 = arith.constant 0 : i32
      %dma_start3A_227 = arith.constant 0 : i32
      %dma_start3A_228 = tpu.memref_slice %arg7[%dma_start3A_225, %dma_start3A_226, %dma_start3A_227] : memref<7x128x64xf32, #tpu.memory_space<vmem>> -> memref<1x128x64xf32, #tpu.memory_space<vmem>>
      %dma_start3A_229 = tpu.memref_squeeze %dma_start3A_228 : memref<1x128x64xf32, #tpu.memory_space<vmem>> -> memref<128x64xf32, #tpu.memory_space<vmem>>
      %dma_start3A_230 = arith.constant 0 : i32
      %dma_start3A_231 = tpu.memref_slice %dma_start3A_229[%add3A_224, %dma_start3A_230] : memref<128x64xf32, #tpu.memory_space<vmem>> -> memref<1x64xf32, #tpu.memory_space<vmem>>
      %dma_start3A_232 = arith.constant 0 : i32
      %dma_start3A_233 = tpu.memref_slice %arg3[%squeeze3A_220, %dma_start3A_232] : memref<1000000x64xf32, #tpu.memory_space<hbm>> -> memref<1x64xf32, #tpu.memory_space<hbm>>
      %dma_start3A_234 = arith.constant 0 : i32
      %dma_start3A_235 = arith.constant 0 : i32
      %dma_start3A_236 = tpu.memref_slice %arg7[%dma_start3A_225, %dma_start3A_234, %dma_start3A_235] : memref<7x128x64xf32, #tpu.memory_space<vmem>> -> memref<1x128x64xf32, #tpu.memory_space<vmem>>
      %dma_start3A_237 = tpu.memref_squeeze %dma_start3A_236 : memref<1x128x64xf32, #tpu.memory_space<vmem>> -> memref<128x64xf32, #tpu.memory_space<vmem>>
      %dma_start3A_238 = arith.constant 0 : i32
      %dma_start3A_239 = tpu.memref_slice %dma_start3A_237[%add3A_224, %dma_start3A_238] : memref<128x64xf32, #tpu.memory_space<vmem>> -> memref<1x64xf32, #tpu.memory_space<vmem>>
      %dma_start3A_240 = arith.constant 0 : i32
      %dma_start3A_241 = tpu.memref_slice %arg3[%squeeze3A_220, %dma_start3A_240] : memref<1000000x64xf32, #tpu.memory_space<hbm>> -> memref<1x64xf32, #tpu.memory_space<hbm>>
      tpu.enqueue_dma source(%dma_start3A_241 : memref<1x64xf32, #tpu.memory_space<hbm>>) target(%dma_start3A_239 : memref<1x64xf32, #tpu.memory_space<vmem>>) target_semaphore(%arg8 : memref<!tpu.dma_semaphore, #tpu.memory_space<semaphore_mem>>)
      %slice3A_242 = vector.extract_strided_slice %get3A_152 {offsets = [4], sizes = [1], strides = [1]} : vector<16xi32> to vector<1xi32>
      %squeeze3A_243 = vector.extract %slice3A_242[0] : i32 from vector<1xi32>
      %mul3A_244 = arith.constant 16 : i32
      %mul3A_245 = arith.muli %scan3A_146, %mul3A_244 : i32
      %add3A_246 = arith.constant 4 : i32
      %add3A_247 = arith.addi %mul3A_245, %add3A_246 : i32
      %dma_start3A_248 = arith.constant 6 : i32
      %dma_start3A_249 = arith.constant 0 : i32
      %dma_start3A_250 = arith.constant 0 : i32
      %dma_start3A_251 = tpu.memref_slice %arg7[%dma_start3A_248, %dma_start3A_249, %dma_start3A_250] : memref<7x128x64xf32, #tpu.memory_space<vmem>> -> memref<1x128x64xf32, #tpu.memory_space<vmem>>
      %dma_start3A_252 = tpu.memref_squeeze %dma_start3A_251 : memref<1x128x64xf32, #tpu.memory_space<vmem>> -> memref<128x64xf32, #tpu.memory_space<vmem>>
      %dma_start3A_253 = arith.constant 0 : i32
      %dma_start3A_254 = tpu.memref_slice %dma_start3A_252[%add3A_247, %dma_start3A_253] : memref<128x64xf32, #tpu.memory_space<vmem>> -> memref<1x64xf32, #tpu.memory_space<vmem>>
      %dma_start3A_255 = arith.constant 0 : i32
      %dma_start3A_256 = tpu.memref_slice %arg3[%squeeze3A_243, %dma_start3A_255] : memref<1000000x64xf32, #tpu.memory_space<hbm>> -> memref<1x64xf32, #tpu.memory_space<hbm>>
      %dma_start3A_257 = arith.constant 0 : i32
      %dma_start3A_258 = arith.constant 0 : i32
      %dma_start3A_259 = tpu.memref_slice %arg7[%dma_start3A_248, %dma_start3A_257, %dma_start3A_258] : memref<7x128x64xf32, #tpu.memory_space<vmem>> -> memref<1x128x64xf32, #tpu.memory_space<vmem>>
      %dma_start3A_260 = tpu.memref_squeeze %dma_start3A_259 : memref<1x128x64xf32, #tpu.memory_space<vmem>> -> memref<128x64xf32, #tpu.memory_space<vmem>>
      %dma_start3A_261 = arith.constant 0 : i32
      %dma_start3A_262 = tpu.memref_slice %dma_start3A_260[%add3A_247, %dma_start3A_261] : memref<128x64xf32, #tpu.memory_space<vmem>> -> memref<1x64xf32, #tpu.memory_space<vmem>>
      %dma_start3A_263 = arith.constant 0 : i32
      %dma_start3A_264 = tpu.memref_slice %arg3[%squeeze3A_243, %dma_start3A_263] : memref<1000000x64xf32, #tpu.memory_space<hbm>> -> memref<1x64xf32, #tpu.memory_space<hbm>>
      tpu.enqueue_dma source(%dma_start3A_264 : memref<1x64xf32, #tpu.memory_space<hbm>>) target(%dma_start3A_262 : memref<1x64xf32, #tpu.memory_space<vmem>>) target_semaphore(%arg8 : memref<!tpu.dma_semaphore, #tpu.memory_space<semaphore_mem>>)
      %slice3A_265 = vector.extract_strided_slice %get3A_152 {offsets = [5], sizes = [1], strides = [1]} : vector<16xi32> to vector<1xi32>
      %squeeze3A_266 = vector.extract %slice3A_265[0] : i32 from vector<1xi32>
      %mul3A_267 = arith.constant 16 : i32
      %mul3A_268 = arith.muli %scan3A_146, %mul3A_267 : i32
      %add3A_269 = arith.constant 5 : i32
      %add3A_270 = arith.addi %mul3A_268, %add3A_269 : i32
      %dma_start3A_271 = arith.constant 6 : i32
      %dma_start3A_272 = arith.constant 0 : i32
      %dma_start3A_273 = arith.constant 0 : i32
      %dma_start3A_274 = tpu.memref_slice %arg7[%dma_start3A_271, %dma_start3A_272, %dma_start3A_273] : memref<7x128x64xf32, #tpu.memory_space<vmem>> -> memref<1x128x64xf32, #tpu.memory_space<vmem>>
      %dma_start3A_275 = tpu.memref_squeeze %dma_start3A_274 : memref<1x128x64xf32, #tpu.memory_space<vmem>> -> memref<128x64xf32, #tpu.memory_space<vmem>>
      %dma_start3A_276 = arith.constant 0 : i32
      %dma_start3A_277 = tpu.memref_slice %dma_start3A_275[%add3A_270, %dma_start3A_276] : memref<128x64xf32, #tpu.memory_space<vmem>> -> memref<1x64xf32, #tpu.memory_space<vmem>>
      %dma_start3A_278 = arith.constant 0 : i32
      %dma_start3A_279 = tpu.memref_slice %arg3[%squeeze3A_266, %dma_start3A_278] : memref<1000000x64xf32, #tpu.memory_space<hbm>> -> memref<1x64xf32, #tpu.memory_space<hbm>>
      %dma_start3A_280 = arith.constant 0 : i32
      %dma_start3A_281 = arith.constant 0 : i32
      %dma_start3A_282 = tpu.memref_slice %arg7[%dma_start3A_271, %dma_start3A_280, %dma_start3A_281] : memref<7x128x64xf32, #tpu.memory_space<vmem>> -> memref<1x128x64xf32, #tpu.memory_space<vmem>>
      %dma_start3A_283 = tpu.memref_squeeze %dma_start3A_282 : memref<1x128x64xf32, #tpu.memory_space<vmem>> -> memref<128x64xf32, #tpu.memory_space<vmem>>
      %dma_start3A_284 = arith.constant 0 : i32
      %dma_start3A_285 = tpu.memref_slice %dma_start3A_283[%add3A_270, %dma_start3A_284] : memref<128x64xf32, #tpu.memory_space<vmem>> -> memref<1x64xf32, #tpu.memory_space<vmem>>
      %dma_start3A_286 = arith.constant 0 : i32
      %dma_start3A_287 = tpu.memref_slice %arg3[%squeeze3A_266, %dma_start3A_286] : memref<1000000x64xf32, #tpu.memory_space<hbm>> -> memref<1x64xf32, #tpu.memory_space<hbm>>
      tpu.enqueue_dma source(%dma_start3A_287 : memref<1x64xf32, #tpu.memory_space<hbm>>) target(%dma_start3A_285 : memref<1x64xf32, #tpu.memory_space<vmem>>) target_semaphore(%arg8 : memref<!tpu.dma_semaphore, #tpu.memory_space<semaphore_mem>>)
      %slice3A_288 = vector.extract_strided_slice %get3A_152 {offsets = [6], sizes = [1], strides = [1]} : vector<16xi32> to vector<1xi32>
      %squeeze3A_289 = vector.extract %slice3A_288[0] : i32 from vector<1xi32>
      %mul3A_290 = arith.constant 16 : i32
      %mul3A_291 = arith.muli %scan3A_146, %mul3A_290 : i32
      %add3A_292 = arith.constant 6 : i32
      %add3A_293 = arith.addi %mul3A_291, %add3A_292 : i32
      %dma_start3A_294 = arith.constant 6 : i32
      %dma_start3A_295 = arith.constant 0 : i32
      %dma_start3A_296 = arith.constant 0 : i32
      %dma_start3A_297 = tpu.memref_slice %arg7[%dma_start3A_294, %dma_start3A_295, %dma_start3A_296] : memref<7x128x64xf32, #tpu.memory_space<vmem>> -> memref<1x128x64xf32, #tpu.memory_space<vmem>>
      %dma_start3A_298 = tpu.memref_squeeze %dma_start3A_297 : memref<1x128x64xf32, #tpu.memory_space<vmem>> -> memref<128x64xf32, #tpu.memory_space<vmem>>
      %dma_start3A_299 = arith.constant 0 : i32
      %dma_start3A_300 = tpu.memref_slice %dma_start3A_298[%add3A_293, %dma_start3A_299] : memref<128x64xf32, #tpu.memory_space<vmem>> -> memref<1x64xf32, #tpu.memory_space<vmem>>
      %dma_start3A_301 = arith.constant 0 : i32
      %dma_start3A_302 = tpu.memref_slice %arg3[%squeeze3A_289, %dma_start3A_301] : memref<1000000x64xf32, #tpu.memory_space<hbm>> -> memref<1x64xf32, #tpu.memory_space<hbm>>
      %dma_start3A_303 = arith.constant 0 : i32
      %dma_start3A_304 = arith.constant 0 : i32
      %dma_start3A_305 = tpu.memref_slice %arg7[%dma_start3A_294, %dma_start3A_303, %dma_start3A_304] : memref<7x128x64xf32, #tpu.memory_space<vmem>> -> memref<1x128x64xf32, #tpu.memory_space<vmem>>
      %dma_start3A_306 = tpu.memref_squeeze %dma_start3A_305 : memref<1x128x64xf32, #tpu.memory_space<vmem>> -> memref<128x64xf32, #tpu.memory_space<vmem>>
      %dma_start3A_307 = arith.constant 0 : i32
      %dma_start3A_308 = tpu.memref_slice %dma_start3A_306[%add3A_293, %dma_start3A_307] : memref<128x64xf32, #tpu.memory_space<vmem>> -> memref<1x64xf32, #tpu.memory_space<vmem>>
      %dma_start3A_309 = arith.constant 0 : i32
      %dma_start3A_310 = tpu.memref_slice %arg3[%squeeze3A_289, %dma_start3A_309] : memref<1000000x64xf32, #tpu.memory_space<hbm>> -> memref<1x64xf32, #tpu.memory_space<hbm>>
      tpu.enqueue_dma source(%dma_start3A_310 : memref<1x64xf32, #tpu.memory_space<hbm>>) target(%dma_start3A_308 : memref<1x64xf32, #tpu.memory_space<vmem>>) target_semaphore(%arg8 : memref<!tpu.dma_semaphore, #tpu.memory_space<semaphore_mem>>)
      %slice3A_311 = vector.extract_strided_slice %get3A_152 {offsets = [7], sizes = [1], strides = [1]} : vector<16xi32> to vector<1xi32>
      %squeeze3A_312 = vector.extract %slice3A_311[0] : i32 from vector<1xi32>
      %mul3A_313 = arith.constant 16 : i32
      %mul3A_314 = arith.muli %scan3A_146, %mul3A_313 : i32
      %add3A_315 = arith.constant 7 : i32
      %add3A_316 = arith.addi %mul3A_314, %add3A_315 : i32
      %dma_start3A_317 = arith.constant 6 : i32
      %dma_start3A_318 = arith.constant 0 : i32
      %dma_start3A_319 = arith.constant 0 : i32
      %dma_start3A_320 = tpu.memref_slice %arg7[%dma_start3A_317, %dma_start3A_318, %dma_start3A_319] : memref<7x128x64xf32, #tpu.memory_space<vmem>> -> memref<1x128x64xf32, #tpu.memory_space<vmem>>
      %dma_start3A_321 = tpu.memref_squeeze %dma_start3A_320 : memref<1x128x64xf32, #tpu.memory_space<vmem>> -> memref<128x64xf32, #tpu.memory_space<vmem>>
      %dma_start3A_322 = arith.constant 0 : i32
      %dma_start3A_323 = tpu.memref_slice %dma_start3A_321[%add3A_316, %dma_start3A_322] : memref<128x64xf32, #tpu.memory_space<vmem>> -> memref<1x64xf32, #tpu.memory_space<vmem>>
      %dma_start3A_324 = arith.constant 0 : i32
      %dma_start3A_325 = tpu.memref_slice %arg3[%squeeze3A_312, %dma_start3A_324] : memref<1000000x64xf32, #tpu.memory_space<hbm>> -> memref<1x64xf32, #tpu.memory_space<hbm>>
      %dma_start3A_326 = arith.constant 0 : i32
      %dma_start3A_327 = arith.constant 0 : i32
      %dma_start3A_328 = tpu.memref_slice %arg7[%dma_start3A_317, %dma_start3A_326, %dma_start3A_327] : memref<7x128x64xf32, #tpu.memory_space<vmem>> -> memref<1x128x64xf32, #tpu.memory_space<vmem>>
      %dma_start3A_329 = tpu.memref_squeeze %dma_start3A_328 : memref<1x128x64xf32, #tpu.memory_space<vmem>> -> memref<128x64xf32, #tpu.memory_space<vmem>>
      %dma_start3A_330 = arith.constant 0 : i32
      %dma_start3A_331 = tpu.memref_slice %dma_start3A_329[%add3A_316, %dma_start3A_330] : memref<128x64xf32, #tpu.memory_space<vmem>> -> memref<1x64xf32, #tpu.memory_space<vmem>>
      %dma_start3A_332 = arith.constant 0 : i32
      %dma_start3A_333 = tpu.memref_slice %arg3[%squeeze3A_312, %dma_start3A_332] : memref<1000000x64xf32, #tpu.memory_space<hbm>> -> memref<1x64xf32, #tpu.memory_space<hbm>>
      tpu.enqueue_dma source(%dma_start3A_333 : memref<1x64xf32, #tpu.memory_space<hbm>>) target(%dma_start3A_331 : memref<1x64xf32, #tpu.memory_space<vmem>>) target_semaphore(%arg8 : memref<!tpu.dma_semaphore, #tpu.memory_space<semaphore_mem>>)
      %slice3A_334 = vector.extract_strided_slice %get3A_152 {offsets = [8], sizes = [1], strides = [1]} : vector<16xi32> to vector<1xi32>
      %squeeze3A_335 = vector.extract %slice3A_334[0] : i32 from vector<1xi32>
      %mul3A_336 = arith.constant 16 : i32
      %mul3A_337 = arith.muli %scan3A_146, %mul3A_336 : i32
      %add3A_338 = arith.constant 8 : i32
      %add3A_339 = arith.addi %mul3A_337, %add3A_338 : i32
      %dma_start3A_340 = arith.constant 6 : i32
      %dma_start3A_341 = arith.constant 0 : i32
      %dma_start3A_342 = arith.constant 0 : i32
      %dma_start3A_343 = tpu.memref_slice %arg7[%dma_start3A_340, %dma_start3A_341, %dma_start3A_342] : memref<7x128x64xf32, #tpu.memory_space<vmem>> -> memref<1x128x64xf32, #tpu.memory_space<vmem>>
      %dma_start3A_344 = tpu.memref_squeeze %dma_start3A_343 : memref<1x128x64xf32, #tpu.memory_space<vmem>> -> memref<128x64xf32, #tpu.memory_space<vmem>>
      %dma_start3A_345 = arith.constant 0 : i32
      %dma_start3A_346 = tpu.memref_slice %dma_start3A_344[%add3A_339, %dma_start3A_345] : memref<128x64xf32, #tpu.memory_space<vmem>> -> memref<1x64xf32, #tpu.memory_space<vmem>>
      %dma_start3A_347 = arith.constant 0 : i32
      %dma_start3A_348 = tpu.memref_slice %arg3[%squeeze3A_335, %dma_start3A_347] : memref<1000000x64xf32, #tpu.memory_space<hbm>> -> memref<1x64xf32, #tpu.memory_space<hbm>>
      %dma_start3A_349 = arith.constant 0 : i32
      %dma_start3A_350 = arith.constant 0 : i32
      %dma_start3A_351 = tpu.memref_slice %arg7[%dma_start3A_340, %dma_start3A_349, %dma_start3A_350] : memref<7x128x64xf32, #tpu.memory_space<vmem>> -> memref<1x128x64xf32, #tpu.memory_space<vmem>>
      %dma_start3A_352 = tpu.memref_squeeze %dma_start3A_351 : memref<1x128x64xf32, #tpu.memory_space<vmem>> -> memref<128x64xf32, #tpu.memory_space<vmem>>
      %dma_start3A_353 = arith.constant 0 : i32
      %dma_start3A_354 = tpu.memref_slice %dma_start3A_352[%add3A_339, %dma_start3A_353] : memref<128x64xf32, #tpu.memory_space<vmem>> -> memref<1x64xf32, #tpu.memory_space<vmem>>
      %dma_start3A_355 = arith.constant 0 : i32
      %dma_start3A_356 = tpu.memref_slice %arg3[%squeeze3A_335, %dma_start3A_355] : memref<1000000x64xf32, #tpu.memory_space<hbm>> -> memref<1x64xf32, #tpu.memory_space<hbm>>
      tpu.enqueue_dma source(%dma_start3A_356 : memref<1x64xf32, #tpu.memory_space<hbm>>) target(%dma_start3A_354 : memref<1x64xf32, #tpu.memory_space<vmem>>) target_semaphore(%arg8 : memref<!tpu.dma_semaphore, #tpu.memory_space<semaphore_mem>>)
      %slice3A_357 = vector.extract_strided_slice %get3A_152 {offsets = [9], sizes = [1], strides = [1]} : vector<16xi32> to vector<1xi32>
      %squeeze3A_358 = vector.extract %slice3A_357[0] : i32 from vector<1xi32>
      %mul3A_359 = arith.constant 16 : i32
      %mul3A_360 = arith.muli %scan3A_146, %mul3A_359 : i32
      %add3A_361 = arith.constant 9 : i32
      %add3A_362 = arith.addi %mul3A_360, %add3A_361 : i32
      %dma_start3A_363 = arith.constant 6 : i32
      %dma_start3A_364 = arith.constant 0 : i32
      %dma_start3A_365 = arith.constant 0 : i32
      %dma_start3A_366 = tpu.memref_slice %arg7[%dma_start3A_363, %dma_start3A_364, %dma_start3A_365] : memref<7x128x64xf32, #tpu.memory_space<vmem>> -> memref<1x128x64xf32, #tpu.memory_space<vmem>>
      %dma_start3A_367 = tpu.memref_squeeze %dma_start3A_366 : memref<1x128x64xf32, #tpu.memory_space<vmem>> -> memref<128x64xf32, #tpu.memory_space<vmem>>
      %dma_start3A_368 = arith.constant 0 : i32
      %dma_start3A_369 = tpu.memref_slice %dma_start3A_367[%add3A_362, %dma_start3A_368] : memref<128x64xf32, #tpu.memory_space<vmem>> -> memref<1x64xf32, #tpu.memory_space<vmem>>
      %dma_start3A_370 = arith.constant 0 : i32
      %dma_start3A_371 = tpu.memref_slice %arg3[%squeeze3A_358, %dma_start3A_370] : memref<1000000x64xf32, #tpu.memory_space<hbm>> -> memref<1x64xf32, #tpu.memory_space<hbm>>
      %dma_start3A_372 = arith.constant 0 : i32
      %dma_start3A_373 = arith.constant 0 : i32
      %dma_start3A_374 = tpu.memref_slice %arg7[%dma_start3A_363, %dma_start3A_372, %dma_start3A_373] : memref<7x128x64xf32, #tpu.memory_space<vmem>> -> memref<1x128x64xf32, #tpu.memory_space<vmem>>
      %dma_start3A_375 = tpu.memref_squeeze %dma_start3A_374 : memref<1x128x64xf32, #tpu.memory_space<vmem>> -> memref<128x64xf32, #tpu.memory_space<vmem>>
      %dma_start3A_376 = arith.constant 0 : i32
      %dma_start3A_377 = tpu.memref_slice %dma_start3A_375[%add3A_362, %dma_start3A_376] : memref<128x64xf32, #tpu.memory_space<vmem>> -> memref<1x64xf32, #tpu.memory_space<vmem>>
      %dma_start3A_378 = arith.constant 0 : i32
      %dma_start3A_379 = tpu.memref_slice %arg3[%squeeze3A_358, %dma_start3A_378] : memref<1000000x64xf32, #tpu.memory_space<hbm>> -> memref<1x64xf32, #tpu.memory_space<hbm>>
      tpu.enqueue_dma source(%dma_start3A_379 : memref<1x64xf32, #tpu.memory_space<hbm>>) target(%dma_start3A_377 : memref<1x64xf32, #tpu.memory_space<vmem>>) target_semaphore(%arg8 : memref<!tpu.dma_semaphore, #tpu.memory_space<semaphore_mem>>)
      %slice3A_380 = vector.extract_strided_slice %get3A_152 {offsets = [10], sizes = [1], strides = [1]} : vector<16xi32> to vector<1xi32>
      %squeeze3A_381 = vector.extract %slice3A_380[0] : i32 from vector<1xi32>
      %mul3A_382 = arith.constant 16 : i32
      %mul3A_383 = arith.muli %scan3A_146, %mul3A_382 : i32
      %add3A_384 = arith.constant 10 : i32
      %add3A_385 = arith.addi %mul3A_383, %add3A_384 : i32
      %dma_start3A_386 = arith.constant 6 : i32
      %dma_start3A_387 = arith.constant 0 : i32
      %dma_start3A_388 = arith.constant 0 : i32
      %dma_start3A_389 = tpu.memref_slice %arg7[%dma_start3A_386, %dma_start3A_387, %dma_start3A_388] : memref<7x128x64xf32, #tpu.memory_space<vmem>> -> memref<1x128x64xf32, #tpu.memory_space<vmem>>
      %dma_start3A_390 = tpu.memref_squeeze %dma_start3A_389 : memref<1x128x64xf32, #tpu.memory_space<vmem>> -> memref<128x64xf32, #tpu.memory_space<vmem>>
      %dma_start3A_391 = arith.constant 0 : i32
      %dma_start3A_392 = tpu.memref_slice %dma_start3A_390[%add3A_385, %dma_start3A_391] : memref<128x64xf32, #tpu.memory_space<vmem>> -> memref<1x64xf32, #tpu.memory_space<vmem>>
      %dma_start3A_393 = arith.constant 0 : i32
      %dma_start3A_394 = tpu.memref_slice %arg3[%squeeze3A_381, %dma_start3A_393] : memref<1000000x64xf32, #tpu.memory_space<hbm>> -> memref<1x64xf32, #tpu.memory_space<hbm>>
      %dma_start3A_395 = arith.constant 0 : i32
      %dma_start3A_396 = arith.constant 0 : i32
      %dma_start3A_397 = tpu.memref_slice %arg7[%dma_start3A_386, %dma_start3A_395, %dma_start3A_396] : memref<7x128x64xf32, #tpu.memory_space<vmem>> -> memref<1x128x64xf32, #tpu.memory_space<vmem>>
      %dma_start3A_398 = tpu.memref_squeeze %dma_start3A_397 : memref<1x128x64xf32, #tpu.memory_space<vmem>> -> memref<128x64xf32, #tpu.memory_space<vmem>>
      %dma_start3A_399 = arith.constant 0 : i32
      %dma_start3A_400 = tpu.memref_slice %dma_start3A_398[%add3A_385, %dma_start3A_399] : memref<128x64xf32, #tpu.memory_space<vmem>> -> memref<1x64xf32, #tpu.memory_space<vmem>>
      %dma_start3A_401 = arith.constant 0 : i32
      %dma_start3A_402 = tpu.memref_slice %arg3[%squeeze3A_381, %dma_start3A_401] : memref<1000000x64xf32, #tpu.memory_space<hbm>> -> memref<1x64xf32, #tpu.memory_space<hbm>>
      tpu.enqueue_dma source(%dma_start3A_402 : memref<1x64xf32, #tpu.memory_space<hbm>>) target(%dma_start3A_400 : memref<1x64xf32, #tpu.memory_space<vmem>>) target_semaphore(%arg8 : memref<!tpu.dma_semaphore, #tpu.memory_space<semaphore_mem>>)
      %slice3A_403 = vector.extract_strided_slice %get3A_152 {offsets = [11], sizes = [1], strides = [1]} : vector<16xi32> to vector<1xi32>
      %squeeze3A_404 = vector.extract %slice3A_403[0] : i32 from vector<1xi32>
      %mul3A_405 = arith.constant 16 : i32
      %mul3A_406 = arith.muli %scan3A_146, %mul3A_405 : i32
      %add3A_407 = arith.constant 11 : i32
      %add3A_408 = arith.addi %mul3A_406, %add3A_407 : i32
      %dma_start3A_409 = arith.constant 6 : i32
      %dma_start3A_410 = arith.constant 0 : i32
      %dma_start3A_411 = arith.constant 0 : i32
      %dma_start3A_412 = tpu.memref_slice %arg7[%dma_start3A_409, %dma_start3A_410, %dma_start3A_411] : memref<7x128x64xf32, #tpu.memory_space<vmem>> -> memref<1x128x64xf32, #tpu.memory_space<vmem>>
      %dma_start3A_413 = tpu.memref_squeeze %dma_start3A_412 : memref<1x128x64xf32, #tpu.memory_space<vmem>> -> memref<128x64xf32, #tpu.memory_space<vmem>>
      %dma_start3A_414 = arith.constant 0 : i32
      %dma_start3A_415 = tpu.memref_slice %dma_start3A_413[%add3A_408, %dma_start3A_414] : memref<128x64xf32, #tpu.memory_space<vmem>> -> memref<1x64xf32, #tpu.memory_space<vmem>>
      %dma_start3A_416 = arith.constant 0 : i32
      %dma_start3A_417 = tpu.memref_slice %arg3[%squeeze3A_404, %dma_start3A_416] : memref<1000000x64xf32, #tpu.memory_space<hbm>> -> memref<1x64xf32, #tpu.memory_space<hbm>>
      %dma_start3A_418 = arith.constant 0 : i32
      %dma_start3A_419 = arith.constant 0 : i32
      %dma_start3A_420 = tpu.memref_slice %arg7[%dma_start3A_409, %dma_start3A_418, %dma_start3A_419] : memref<7x128x64xf32, #tpu.memory_space<vmem>> -> memref<1x128x64xf32, #tpu.memory_space<vmem>>
      %dma_start3A_421 = tpu.memref_squeeze %dma_start3A_420 : memref<1x128x64xf32, #tpu.memory_space<vmem>> -> memref<128x64xf32, #tpu.memory_space<vmem>>
      %dma_start3A_422 = arith.constant 0 : i32
      %dma_start3A_423 = tpu.memref_slice %dma_start3A_421[%add3A_408, %dma_start3A_422] : memref<128x64xf32, #tpu.memory_space<vmem>> -> memref<1x64xf32, #tpu.memory_space<vmem>>
      %dma_start3A_424 = arith.constant 0 : i32
      %dma_start3A_425 = tpu.memref_slice %arg3[%squeeze3A_404, %dma_start3A_424] : memref<1000000x64xf32, #tpu.memory_space<hbm>> -> memref<1x64xf32, #tpu.memory_space<hbm>>
      tpu.enqueue_dma source(%dma_start3A_425 : memref<1x64xf32, #tpu.memory_space<hbm>>) target(%dma_start3A_423 : memref<1x64xf32, #tpu.memory_space<vmem>>) target_semaphore(%arg8 : memref<!tpu.dma_semaphore, #tpu.memory_space<semaphore_mem>>)
      %slice3A_426 = vector.extract_strided_slice %get3A_152 {offsets = [12], sizes = [1], strides = [1]} : vector<16xi32> to vector<1xi32>
      %squeeze3A_427 = vector.extract %slice3A_426[0] : i32 from vector<1xi32>
      %mul3A_428 = arith.constant 16 : i32
      %mul3A_429 = arith.muli %scan3A_146, %mul3A_428 : i32
      %add3A_430 = arith.constant 12 : i32
      %add3A_431 = arith.addi %mul3A_429, %add3A_430 : i32
      %dma_start3A_432 = arith.constant 6 : i32
      %dma_start3A_433 = arith.constant 0 : i32
      %dma_start3A_434 = arith.constant 0 : i32
      %dma_start3A_435 = tpu.memref_slice %arg7[%dma_start3A_432, %dma_start3A_433, %dma_start3A_434] : memref<7x128x64xf32, #tpu.memory_space<vmem>> -> memref<1x128x64xf32, #tpu.memory_space<vmem>>
      %dma_start3A_436 = tpu.memref_squeeze %dma_start3A_435 : memref<1x128x64xf32, #tpu.memory_space<vmem>> -> memref<128x64xf32, #tpu.memory_space<vmem>>
      %dma_start3A_437 = arith.constant 0 : i32
      %dma_start3A_438 = tpu.memref_slice %dma_start3A_436[%add3A_431, %dma_start3A_437] : memref<128x64xf32, #tpu.memory_space<vmem>> -> memref<1x64xf32, #tpu.memory_space<vmem>>
      %dma_start3A_439 = arith.constant 0 : i32
      %dma_start3A_440 = tpu.memref_slice %arg3[%squeeze3A_427, %dma_start3A_439] : memref<1000000x64xf32, #tpu.memory_space<hbm>> -> memref<1x64xf32, #tpu.memory_space<hbm>>
      %dma_start3A_441 = arith.constant 0 : i32
      %dma_start3A_442 = arith.constant 0 : i32
      %dma_start3A_443 = tpu.memref_slice %arg7[%dma_start3A_432, %dma_start3A_441, %dma_start3A_442] : memref<7x128x64xf32, #tpu.memory_space<vmem>> -> memref<1x128x64xf32, #tpu.memory_space<vmem>>
      %dma_start3A_444 = tpu.memref_squeeze %dma_start3A_443 : memref<1x128x64xf32, #tpu.memory_space<vmem>> -> memref<128x64xf32, #tpu.memory_space<vmem>>
      %dma_start3A_445 = arith.constant 0 : i32
      %dma_start3A_446 = tpu.memref_slice %dma_start3A_444[%add3A_431, %dma_start3A_445] : memref<128x64xf32, #tpu.memory_space<vmem>> -> memref<1x64xf32, #tpu.memory_space<vmem>>
      %dma_start3A_447 = arith.constant 0 : i32
      %dma_start3A_448 = tpu.memref_slice %arg3[%squeeze3A_427, %dma_start3A_447] : memref<1000000x64xf32, #tpu.memory_space<hbm>> -> memref<1x64xf32, #tpu.memory_space<hbm>>
      tpu.enqueue_dma source(%dma_start3A_448 : memref<1x64xf32, #tpu.memory_space<hbm>>) target(%dma_start3A_446 : memref<1x64xf32, #tpu.memory_space<vmem>>) target_semaphore(%arg8 : memref<!tpu.dma_semaphore, #tpu.memory_space<semaphore_mem>>)
      %slice3A_449 = vector.extract_strided_slice %get3A_152 {offsets = [13], sizes = [1], strides = [1]} : vector<16xi32> to vector<1xi32>
      %squeeze3A_450 = vector.extract %slice3A_449[0] : i32 from vector<1xi32>
      %mul3A_451 = arith.constant 16 : i32
      %mul3A_452 = arith.muli %scan3A_146, %mul3A_451 : i32
      %add3A_453 = arith.constant 13 : i32
      %add3A_454 = arith.addi %mul3A_452, %add3A_453 : i32
      %dma_start3A_455 = arith.constant 6 : i32
      %dma_start3A_456 = arith.constant 0 : i32
      %dma_start3A_457 = arith.constant 0 : i32
      %dma_start3A_458 = tpu.memref_slice %arg7[%dma_start3A_455, %dma_start3A_456, %dma_start3A_457] : memref<7x128x64xf32, #tpu.memory_space<vmem>> -> memref<1x128x64xf32, #tpu.memory_space<vmem>>
      %dma_start3A_459 = tpu.memref_squeeze %dma_start3A_458 : memref<1x128x64xf32, #tpu.memory_space<vmem>> -> memref<128x64xf32, #tpu.memory_space<vmem>>
      %dma_start3A_460 = arith.constant 0 : i32
      %dma_start3A_461 = tpu.memref_slice %dma_start3A_459[%add3A_454, %dma_start3A_460] : memref<128x64xf32, #tpu.memory_space<vmem>> -> memref<1x64xf32, #tpu.memory_space<vmem>>
      %dma_start3A_462 = arith.constant 0 : i32
      %dma_start3A_463 = tpu.memref_slice %arg3[%squeeze3A_450, %dma_start3A_462] : memref<1000000x64xf32, #tpu.memory_space<hbm>> -> memref<1x64xf32, #tpu.memory_space<hbm>>
      %dma_start3A_464 = arith.constant 0 : i32
      %dma_start3A_465 = arith.constant 0 : i32
      %dma_start3A_466 = tpu.memref_slice %arg7[%dma_start3A_455, %dma_start3A_464, %dma_start3A_465] : memref<7x128x64xf32, #tpu.memory_space<vmem>> -> memref<1x128x64xf32, #tpu.memory_space<vmem>>
      %dma_start3A_467 = tpu.memref_squeeze %dma_start3A_466 : memref<1x128x64xf32, #tpu.memory_space<vmem>> -> memref<128x64xf32, #tpu.memory_space<vmem>>
      %dma_start3A_468 = arith.constant 0 : i32
      %dma_start3A_469 = tpu.memref_slice %dma_start3A_467[%add3A_454, %dma_start3A_468] : memref<128x64xf32, #tpu.memory_space<vmem>> -> memref<1x64xf32, #tpu.memory_space<vmem>>
      %dma_start3A_470 = arith.constant 0 : i32
      %dma_start3A_471 = tpu.memref_slice %arg3[%squeeze3A_450, %dma_start3A_470] : memref<1000000x64xf32, #tpu.memory_space<hbm>> -> memref<1x64xf32, #tpu.memory_space<hbm>>
      tpu.enqueue_dma source(%dma_start3A_471 : memref<1x64xf32, #tpu.memory_space<hbm>>) target(%dma_start3A_469 : memref<1x64xf32, #tpu.memory_space<vmem>>) target_semaphore(%arg8 : memref<!tpu.dma_semaphore, #tpu.memory_space<semaphore_mem>>)
      %slice3A_472 = vector.extract_strided_slice %get3A_152 {offsets = [14], sizes = [1], strides = [1]} : vector<16xi32> to vector<1xi32>
      %squeeze3A_473 = vector.extract %slice3A_472[0] : i32 from vector<1xi32>
      %mul3A_474 = arith.constant 16 : i32
      %mul3A_475 = arith.muli %scan3A_146, %mul3A_474 : i32
      %add3A_476 = arith.constant 14 : i32
      %add3A_477 = arith.addi %mul3A_475, %add3A_476 : i32
      %dma_start3A_478 = arith.constant 6 : i32
      %dma_start3A_479 = arith.constant 0 : i32
      %dma_start3A_480 = arith.constant 0 : i32
      %dma_start3A_481 = tpu.memref_slice %arg7[%dma_start3A_478, %dma_start3A_479, %dma_start3A_480] : memref<7x128x64xf32, #tpu.memory_space<vmem>> -> memref<1x128x64xf32, #tpu.memory_space<vmem>>
      %dma_start3A_482 = tpu.memref_squeeze %dma_start3A_481 : memref<1x128x64xf32, #tpu.memory_space<vmem>> -> memref<128x64xf32, #tpu.memory_space<vmem>>
      %dma_start3A_483 = arith.constant 0 : i32
      %dma_start3A_484 = tpu.memref_slice %dma_start3A_482[%add3A_477, %dma_start3A_483] : memref<128x64xf32, #tpu.memory_space<vmem>> -> memref<1x64xf32, #tpu.memory_space<vmem>>
      %dma_start3A_485 = arith.constant 0 : i32
      %dma_start3A_486 = tpu.memref_slice %arg3[%squeeze3A_473, %dma_start3A_485] : memref<1000000x64xf32, #tpu.memory_space<hbm>> -> memref<1x64xf32, #tpu.memory_space<hbm>>
      %dma_start3A_487 = arith.constant 0 : i32
      %dma_start3A_488 = arith.constant 0 : i32
      %dma_start3A_489 = tpu.memref_slice %arg7[%dma_start3A_478, %dma_start3A_487, %dma_start3A_488] : memref<7x128x64xf32, #tpu.memory_space<vmem>> -> memref<1x128x64xf32, #tpu.memory_space<vmem>>
      %dma_start3A_490 = tpu.memref_squeeze %dma_start3A_489 : memref<1x128x64xf32, #tpu.memory_space<vmem>> -> memref<128x64xf32, #tpu.memory_space<vmem>>
      %dma_start3A_491 = arith.constant 0 : i32
      %dma_start3A_492 = tpu.memref_slice %dma_start3A_490[%add3A_477, %dma_start3A_491] : memref<128x64xf32, #tpu.memory_space<vmem>> -> memref<1x64xf32, #tpu.memory_space<vmem>>
      %dma_start3A_493 = arith.constant 0 : i32
      %dma_start3A_494 = tpu.memref_slice %arg3[%squeeze3A_473, %dma_start3A_493] : memref<1000000x64xf32, #tpu.memory_space<hbm>> -> memref<1x64xf32, #tpu.memory_space<hbm>>
      tpu.enqueue_dma source(%dma_start3A_494 : memref<1x64xf32, #tpu.memory_space<hbm>>) target(%dma_start3A_492 : memref<1x64xf32, #tpu.memory_space<vmem>>) target_semaphore(%arg8 : memref<!tpu.dma_semaphore, #tpu.memory_space<semaphore_mem>>)
      %slice3A_495 = vector.extract_strided_slice %get3A_152 {offsets = [15], sizes = [1], strides = [1]} : vector<16xi32> to vector<1xi32>
      %squeeze3A_496 = vector.extract %slice3A_495[0] : i32 from vector<1xi32>
      %mul3A_497 = arith.constant 16 : i32
      %mul3A_498 = arith.muli %scan3A_146, %mul3A_497 : i32
      %add3A_499 = arith.constant 15 : i32
      %add3A_500 = arith.addi %mul3A_498, %add3A_499 : i32
      %dma_start3A_501 = arith.constant 6 : i32
      %dma_start3A_502 = arith.constant 0 : i32
      %dma_start3A_503 = arith.constant 0 : i32
      %dma_start3A_504 = tpu.memref_slice %arg7[%dma_start3A_501, %dma_start3A_502, %dma_start3A_503] : memref<7x128x64xf32, #tpu.memory_space<vmem>> -> memref<1x128x64xf32, #tpu.memory_space<vmem>>
      %dma_start3A_505 = tpu.memref_squeeze %dma_start3A_504 : memref<1x128x64xf32, #tpu.memory_space<vmem>> -> memref<128x64xf32, #tpu.memory_space<vmem>>
      %dma_start3A_506 = arith.constant 0 : i32
      %dma_start3A_507 = tpu.memref_slice %dma_start3A_505[%add3A_500, %dma_start3A_506] : memref<128x64xf32, #tpu.memory_space<vmem>> -> memref<1x64xf32, #tpu.memory_space<vmem>>
      %dma_start3A_508 = arith.constant 0 : i32
      %dma_start3A_509 = tpu.memref_slice %arg3[%squeeze3A_496, %dma_start3A_508] : memref<1000000x64xf32, #tpu.memory_space<hbm>> -> memref<1x64xf32, #tpu.memory_space<hbm>>
      %dma_start3A_510 = arith.constant 0 : i32
      %dma_start3A_511 = arith.constant 0 : i32
      %dma_start3A_512 = tpu.memref_slice %arg7[%dma_start3A_501, %dma_start3A_510, %dma_start3A_511] : memref<7x128x64xf32, #tpu.memory_space<vmem>> -> memref<1x128x64xf32, #tpu.memory_space<vmem>>
      %dma_start3A_513 = tpu.memref_squeeze %dma_start3A_512 : memref<1x128x64xf32, #tpu.memory_space<vmem>> -> memref<128x64xf32, #tpu.memory_space<vmem>>
      %dma_start3A_514 = arith.constant 0 : i32
      %dma_start3A_515 = tpu.memref_slice %dma_start3A_513[%add3A_500, %dma_start3A_514] : memref<128x64xf32, #tpu.memory_space<vmem>> -> memref<1x64xf32, #tpu.memory_space<vmem>>
      %dma_start3A_516 = arith.constant 0 : i32
      %dma_start3A_517 = tpu.memref_slice %arg3[%squeeze3A_496, %dma_start3A_516] : memref<1000000x64xf32, #tpu.memory_space<hbm>> -> memref<1x64xf32, #tpu.memory_space<hbm>>
      tpu.enqueue_dma source(%dma_start3A_517 : memref<1x64xf32, #tpu.memory_space<hbm>>) target(%dma_start3A_515 : memref<1x64xf32, #tpu.memory_space<vmem>>) target_semaphore(%arg8 : memref<!tpu.dma_semaphore, #tpu.memory_space<semaphore_mem>>)
    }
    %scan3A_41 = arith.constant 8 : i32
    %dma_wait3A = arith.constant 0 : i32
    %dma_wait3A_42 = arith.constant 0 : i32
    %dma_wait3A_43 = arith.constant 0 : i32
    %dma_wait3A_44 = tpu.memref_slice %arg7[%dma_wait3A, %dma_wait3A_42, %dma_wait3A_43] : memref<7x128x64xf32, #tpu.memory_space<vmem>> -> memref<1x128x64xf32, #tpu.memory_space<vmem>>
    %dma_wait3A_45 = tpu.memref_squeeze %dma_wait3A_44 : memref<1x128x64xf32, #tpu.memory_space<vmem>> -> memref<128x64xf32, #tpu.memory_space<vmem>>
    %dma_wait3A_46 = arith.constant 0 : i32
    %dma_wait3A_47 = arith.constant 0 : i32
    %dma_wait3A_48 = tpu.memref_slice %arg2[%dma_wait3A_46, %dma_wait3A_47] : memref<1000000x64xf32, #tpu.memory_space<hbm>> -> memref<128x64xf32, #tpu.memory_space<hbm>>
    %dma_wait3A_49 = arith.constant 0 : i32
    %dma_wait3A_50 = arith.constant 0 : i32
    %dma_wait3A_51 = tpu.memref_slice %arg7[%dma_wait3A, %dma_wait3A_49, %dma_wait3A_50] : memref<7x128x64xf32, #tpu.memory_space<vmem>> -> memref<1x128x64xf32, #tpu.memory_space<vmem>>
    %dma_wait3A_52 = tpu.memref_squeeze %dma_wait3A_51 : memref<1x128x64xf32, #tpu.memory_space<vmem>> -> memref<128x64xf32, #tpu.memory_space<vmem>>
    %dma_wait3A_53 = arith.constant 0 : i32
    %dma_wait3A_54 = arith.constant 0 : i32
    %dma_wait3A_55 = tpu.memref_slice %arg2[%dma_wait3A_53, %dma_wait3A_54] : memref<1000000x64xf32, #tpu.memory_space<hbm>> -> memref<128x64xf32, #tpu.memory_space<hbm>>
    tpu.wait_dma2 semaphore(%arg8 : memref<!tpu.dma_semaphore, #tpu.memory_space<semaphore_mem>>) src(%dma_wait3A_55 : memref<128x64xf32, #tpu.memory_space<hbm>>) dst(%dma_wait3A_52 : memref<128x64xf32, #tpu.memory_space<vmem>>)
    %dma_wait3A_56 = arith.constant 1 : i32
    %dma_wait3A_57 = arith.constant 0 : i32
    %dma_wait3A_58 = arith.constant 0 : i32
    %dma_wait3A_59 = tpu.memref_slice %arg7[%dma_wait3A_56, %dma_wait3A_57, %dma_wait3A_58] : memref<7x128x64xf32, #tpu.memory_space<vmem>> -> memref<1x128x64xf32, #tpu.memory_space<vmem>>
    %dma_wait3A_60 = tpu.memref_squeeze %dma_wait3A_59 : memref<1x128x64xf32, #tpu.memory_space<vmem>> -> memref<128x64xf32, #tpu.memory_space<vmem>>
    %dma_wait3A_61 = arith.constant 0 : i32
    %dma_wait3A_62 = arith.constant 0 : i32
    %dma_wait3A_63 = tpu.memref_slice %arg3[%dma_wait3A_61, %dma_wait3A_62] : memref<1000000x64xf32, #tpu.memory_space<hbm>> -> memref<128x64xf32, #tpu.memory_space<hbm>>
    %dma_wait3A_64 = arith.constant 0 : i32
    %dma_wait3A_65 = arith.constant 0 : i32
    %dma_wait3A_66 = tpu.memref_slice %arg7[%dma_wait3A_56, %dma_wait3A_64, %dma_wait3A_65] : memref<7x128x64xf32, #tpu.memory_space<vmem>> -> memref<1x128x64xf32, #tpu.memory_space<vmem>>
    %dma_wait3A_67 = tpu.memref_squeeze %dma_wait3A_66 : memref<1x128x64xf32, #tpu.memory_space<vmem>> -> memref<128x64xf32, #tpu.memory_space<vmem>>
    %dma_wait3A_68 = arith.constant 0 : i32
    %dma_wait3A_69 = arith.constant 0 : i32
    %dma_wait3A_70 = tpu.memref_slice %arg3[%dma_wait3A_68, %dma_wait3A_69] : memref<1000000x64xf32, #tpu.memory_space<hbm>> -> memref<128x64xf32, #tpu.memory_space<hbm>>
    tpu.wait_dma2 semaphore(%arg8 : memref<!tpu.dma_semaphore, #tpu.memory_space<semaphore_mem>>) src(%dma_wait3A_70 : memref<128x64xf32, #tpu.memory_space<hbm>>) dst(%dma_wait3A_67 : memref<128x64xf32, #tpu.memory_space<vmem>>)
    %dma_wait3A_71 = arith.constant 2 : i32
    %dma_wait3A_72 = arith.constant 0 : i32
    %dma_wait3A_73 = arith.constant 0 : i32
    %dma_wait3A_74 = tpu.memref_slice %arg7[%dma_wait3A_71, %dma_wait3A_72, %dma_wait3A_73] : memref<7x128x64xf32, #tpu.memory_space<vmem>> -> memref<1x128x64xf32, #tpu.memory_space<vmem>>
    %dma_wait3A_75 = tpu.memref_squeeze %dma_wait3A_74 : memref<1x128x64xf32, #tpu.memory_space<vmem>> -> memref<128x64xf32, #tpu.memory_space<vmem>>
    %dma_wait3A_76 = arith.constant 0 : i32
    %dma_wait3A_77 = arith.constant 0 : i32
    %dma_wait3A_78 = tpu.memref_slice %arg3[%dma_wait3A_76, %dma_wait3A_77] : memref<1000000x64xf32, #tpu.memory_space<hbm>> -> memref<128x64xf32, #tpu.memory_space<hbm>>
    %dma_wait3A_79 = arith.constant 0 : i32
    %dma_wait3A_80 = arith.constant 0 : i32
    %dma_wait3A_81 = tpu.memref_slice %arg7[%dma_wait3A_71, %dma_wait3A_79, %dma_wait3A_80] : memref<7x128x64xf32, #tpu.memory_space<vmem>> -> memref<1x128x64xf32, #tpu.memory_space<vmem>>
    %dma_wait3A_82 = tpu.memref_squeeze %dma_wait3A_81 : memref<1x128x64xf32, #tpu.memory_space<vmem>> -> memref<128x64xf32, #tpu.memory_space<vmem>>
    %dma_wait3A_83 = arith.constant 0 : i32
    %dma_wait3A_84 = arith.constant 0 : i32
    %dma_wait3A_85 = tpu.memref_slice %arg3[%dma_wait3A_83, %dma_wait3A_84] : memref<1000000x64xf32, #tpu.memory_space<hbm>> -> memref<128x64xf32, #tpu.memory_space<hbm>>
    tpu.wait_dma2 semaphore(%arg8 : memref<!tpu.dma_semaphore, #tpu.memory_space<semaphore_mem>>) src(%dma_wait3A_85 : memref<128x64xf32, #tpu.memory_space<hbm>>) dst(%dma_wait3A_82 : memref<128x64xf32, #tpu.memory_space<vmem>>)
    %dma_wait3A_86 = arith.constant 3 : i32
    %dma_wait3A_87 = arith.constant 0 : i32
    %dma_wait3A_88 = arith.constant 0 : i32
    %dma_wait3A_89 = tpu.memref_slice %arg7[%dma_wait3A_86, %dma_wait3A_87, %dma_wait3A_88] : memref<7x128x64xf32, #tpu.memory_space<vmem>> -> memref<1x128x64xf32, #tpu.memory_space<vmem>>
    %dma_wait3A_90 = tpu.memref_squeeze %dma_wait3A_89 : memref<1x128x64xf32, #tpu.memory_space<vmem>> -> memref<128x64xf32, #tpu.memory_space<vmem>>
    %dma_wait3A_91 = arith.constant 0 : i32
    %dma_wait3A_92 = arith.constant 0 : i32
    %dma_wait3A_93 = tpu.memref_slice %arg3[%dma_wait3A_91, %dma_wait3A_92] : memref<1000000x64xf32, #tpu.memory_space<hbm>> -> memref<128x64xf32, #tpu.memory_space<hbm>>
    %dma_wait3A_94 = arith.constant 0 : i32
    %dma_wait3A_95 = arith.constant 0 : i32
    %dma_wait3A_96 = tpu.memref_slice %arg7[%dma_wait3A_86, %dma_wait3A_94, %dma_wait3A_95] : memref<7x128x64xf32, #tpu.memory_space<vmem>> -> memref<1x128x64xf32, #tpu.memory_space<vmem>>
    %dma_wait3A_97 = tpu.memref_squeeze %dma_wait3A_96 : memref<1x128x64xf32, #tpu.memory_space<vmem>> -> memref<128x64xf32, #tpu.memory_space<vmem>>
    %dma_wait3A_98 = arith.constant 0 : i32
    %dma_wait3A_99 = arith.constant 0 : i32
    %dma_wait3A_100 = tpu.memref_slice %arg3[%dma_wait3A_98, %dma_wait3A_99] : memref<1000000x64xf32, #tpu.memory_space<hbm>> -> memref<128x64xf32, #tpu.memory_space<hbm>>
    tpu.wait_dma2 semaphore(%arg8 : memref<!tpu.dma_semaphore, #tpu.memory_space<semaphore_mem>>) src(%dma_wait3A_100 : memref<128x64xf32, #tpu.memory_space<hbm>>) dst(%dma_wait3A_97 : memref<128x64xf32, #tpu.memory_space<vmem>>)
    %dma_wait3A_101 = arith.constant 4 : i32
    %dma_wait3A_102 = arith.constant 0 : i32
    %dma_wait3A_103 = arith.constant 0 : i32
    %dma_wait3A_104 = tpu.memref_slice %arg7[%dma_wait3A_101, %dma_wait3A_102, %dma_wait3A_103] : memref<7x128x64xf32, #tpu.memory_space<vmem>> -> memref<1x128x64xf32, #tpu.memory_space<vmem>>
    %dma_wait3A_105 = tpu.memref_squeeze %dma_wait3A_104 : memref<1x128x64xf32, #tpu.memory_space<vmem>> -> memref<128x64xf32, #tpu.memory_space<vmem>>
    %dma_wait3A_106 = arith.constant 0 : i32
    %dma_wait3A_107 = arith.constant 0 : i32
    %dma_wait3A_108 = tpu.memref_slice %arg3[%dma_wait3A_106, %dma_wait3A_107] : memref<1000000x64xf32, #tpu.memory_space<hbm>> -> memref<128x64xf32, #tpu.memory_space<hbm>>
    %dma_wait3A_109 = arith.constant 0 : i32
    %dma_wait3A_110 = arith.constant 0 : i32
    %dma_wait3A_111 = tpu.memref_slice %arg7[%dma_wait3A_101, %dma_wait3A_109, %dma_wait3A_110] : memref<7x128x64xf32, #tpu.memory_space<vmem>> -> memref<1x128x64xf32, #tpu.memory_space<vmem>>
    %dma_wait3A_112 = tpu.memref_squeeze %dma_wait3A_111 : memref<1x128x64xf32, #tpu.memory_space<vmem>> -> memref<128x64xf32, #tpu.memory_space<vmem>>
    %dma_wait3A_113 = arith.constant 0 : i32
    %dma_wait3A_114 = arith.constant 0 : i32
    %dma_wait3A_115 = tpu.memref_slice %arg3[%dma_wait3A_113, %dma_wait3A_114] : memref<1000000x64xf32, #tpu.memory_space<hbm>> -> memref<128x64xf32, #tpu.memory_space<hbm>>
    tpu.wait_dma2 semaphore(%arg8 : memref<!tpu.dma_semaphore, #tpu.memory_space<semaphore_mem>>) src(%dma_wait3A_115 : memref<128x64xf32, #tpu.memory_space<hbm>>) dst(%dma_wait3A_112 : memref<128x64xf32, #tpu.memory_space<vmem>>)
    %dma_wait3A_116 = arith.constant 5 : i32
    %dma_wait3A_117 = arith.constant 0 : i32
    %dma_wait3A_118 = arith.constant 0 : i32
    %dma_wait3A_119 = tpu.memref_slice %arg7[%dma_wait3A_116, %dma_wait3A_117, %dma_wait3A_118] : memref<7x128x64xf32, #tpu.memory_space<vmem>> -> memref<1x128x64xf32, #tpu.memory_space<vmem>>
    %dma_wait3A_120 = tpu.memref_squeeze %dma_wait3A_119 : memref<1x128x64xf32, #tpu.memory_space<vmem>> -> memref<128x64xf32, #tpu.memory_space<vmem>>
    %dma_wait3A_121 = arith.constant 0 : i32
    %dma_wait3A_122 = arith.constant 0 : i32
    %dma_wait3A_123 = tpu.memref_slice %arg3[%dma_wait3A_121, %dma_wait3A_122] : memref<1000000x64xf32, #tpu.memory_space<hbm>> -> memref<128x64xf32, #tpu.memory_space<hbm>>
    %dma_wait3A_124 = arith.constant 0 : i32
    %dma_wait3A_125 = arith.constant 0 : i32
    %dma_wait3A_126 = tpu.memref_slice %arg7[%dma_wait3A_116, %dma_wait3A_124, %dma_wait3A_125] : memref<7x128x64xf32, #tpu.memory_space<vmem>> -> memref<1x128x64xf32, #tpu.memory_space<vmem>>
    %dma_wait3A_127 = tpu.memref_squeeze %dma_wait3A_126 : memref<1x128x64xf32, #tpu.memory_space<vmem>> -> memref<128x64xf32, #tpu.memory_space<vmem>>
    %dma_wait3A_128 = arith.constant 0 : i32
    %dma_wait3A_129 = arith.constant 0 : i32
    %dma_wait3A_130 = tpu.memref_slice %arg3[%dma_wait3A_128, %dma_wait3A_129] : memref<1000000x64xf32, #tpu.memory_space<hbm>> -> memref<128x64xf32, #tpu.memory_space<hbm>>
    tpu.wait_dma2 semaphore(%arg8 : memref<!tpu.dma_semaphore, #tpu.memory_space<semaphore_mem>>) src(%dma_wait3A_130 : memref<128x64xf32, #tpu.memory_space<hbm>>) dst(%dma_wait3A_127 : memref<128x64xf32, #tpu.memory_space<vmem>>)
    %dma_wait3A_131 = arith.constant 6 : i32
    %dma_wait3A_132 = arith.constant 0 : i32
    %dma_wait3A_133 = arith.constant 0 : i32
    %dma_wait3A_134 = tpu.memref_slice %arg7[%dma_wait3A_131, %dma_wait3A_132, %dma_wait3A_133] : memref<7x128x64xf32, #tpu.memory_space<vmem>> -> memref<1x128x64xf32, #tpu.memory_space<vmem>>
    %dma_wait3A_135 = tpu.memref_squeeze %dma_wait3A_134 : memref<1x128x64xf32, #tpu.memory_space<vmem>> -> memref<128x64xf32, #tpu.memory_space<vmem>>
    %dma_wait3A_136 = arith.constant 0 : i32
    %dma_wait3A_137 = arith.constant 0 : i32
    %dma_wait3A_138 = tpu.memref_slice %arg3[%dma_wait3A_136, %dma_wait3A_137] : memref<1000000x64xf32, #tpu.memory_space<hbm>> -> memref<128x64xf32, #tpu.memory_space<hbm>>
    %dma_wait3A_139 = arith.constant 0 : i32
    %dma_wait3A_140 = arith.constant 0 : i32
    %dma_wait3A_141 = tpu.memref_slice %arg7[%dma_wait3A_131, %dma_wait3A_139, %dma_wait3A_140] : memref<7x128x64xf32, #tpu.memory_space<vmem>> -> memref<1x128x64xf32, #tpu.memory_space<vmem>>
    %dma_wait3A_142 = tpu.memref_squeeze %dma_wait3A_141 : memref<1x128x64xf32, #tpu.memory_space<vmem>> -> memref<128x64xf32, #tpu.memory_space<vmem>>
    %dma_wait3A_143 = arith.constant 0 : i32
    %dma_wait3A_144 = arith.constant 0 : i32
    %dma_wait3A_145 = tpu.memref_slice %arg3[%dma_wait3A_143, %dma_wait3A_144] : memref<1000000x64xf32, #tpu.memory_space<hbm>> -> memref<128x64xf32, #tpu.memory_space<hbm>>
    tpu.wait_dma2 semaphore(%arg8 : memref<!tpu.dma_semaphore, #tpu.memory_space<semaphore_mem>>) src(%dma_wait3A_145 : memref<128x64xf32, #tpu.memory_space<hbm>>) dst(%dma_wait3A_142 : memref<128x64xf32, #tpu.memory_space<vmem>>)
    "tpu.region"() ({
      %run_scoped3A = tpu.sem_alloc : memref<!tpu.dma_semaphore, #tpu.memory_space<semaphore_mem>>
      %dma_start3A = arith.constant 0 : i32
      %dma_start3A_146 = arith.constant 0 : i32
      %dma_start3A_147 = arith.constant 0 : i32
      %dma_start3A_148 = tpu.memref_slice %arg5[%add3A, %dma_start3A, %dma_start3A_146, %dma_start3A_147] : memref<32x7x128x64xf32, #tpu.memory_space<hbm>> -> memref<1x7x128x64xf32, #tpu.memory_space<hbm>>
      %dma_start3A_149 = tpu.memref_squeeze %dma_start3A_148 : memref<1x7x128x64xf32, #tpu.memory_space<hbm>> -> memref<7x128x64xf32, #tpu.memory_space<hbm>>
      %dma_start3A_150 = arith.constant 0 : i32
      %dma_start3A_151 = arith.constant 0 : i32
      %dma_start3A_152 = arith.constant 0 : i32
      %dma_start3A_153 = tpu.memref_slice %arg5[%add3A, %dma_start3A_150, %dma_start3A_151, %dma_start3A_152] : memref<32x7x128x64xf32, #tpu.memory_space<hbm>> -> memref<1x7x128x64xf32, #tpu.memory_space<hbm>>
      %dma_start3A_154 = tpu.memref_squeeze %dma_start3A_153 : memref<1x7x128x64xf32, #tpu.memory_space<hbm>> -> memref<7x128x64xf32, #tpu.memory_space<hbm>>
      tpu.enqueue_dma source(%arg7 : memref<7x128x64xf32, #tpu.memory_space<vmem>>) target(%dma_start3A_154 : memref<7x128x64xf32, #tpu.memory_space<hbm>>) target_semaphore(%run_scoped3A : memref<!tpu.dma_semaphore, #tpu.memory_space<semaphore_mem>>)
      %dma_wait3A_155 = arith.constant 0 : i32
      %dma_wait3A_156 = arith.constant 0 : i32
      %dma_wait3A_157 = arith.constant 0 : i32
      %dma_wait3A_158 = tpu.memref_slice %arg5[%add3A, %dma_wait3A_155, %dma_wait3A_156, %dma_wait3A_157] : memref<32x7x128x64xf32, #tpu.memory_space<hbm>> -> memref<1x7x128x64xf32, #tpu.memory_space<hbm>>
      %dma_wait3A_159 = tpu.memref_squeeze %dma_wait3A_158 : memref<1x7x128x64xf32, #tpu.memory_space<hbm>> -> memref<7x128x64xf32, #tpu.memory_space<hbm>>
      %dma_wait3A_160 = arith.constant 0 : i32
      %dma_wait3A_161 = arith.constant 0 : i32
      %dma_wait3A_162 = arith.constant 0 : i32
      %dma_wait3A_163 = tpu.memref_slice %arg5[%add3A, %dma_wait3A_160, %dma_wait3A_161, %dma_wait3A_162] : memref<32x7x128x64xf32, #tpu.memory_space<hbm>> -> memref<1x7x128x64xf32, #tpu.memory_space<hbm>>
      %dma_wait3A_164 = tpu.memref_squeeze %dma_wait3A_163 : memref<1x7x128x64xf32, #tpu.memory_space<hbm>> -> memref<7x128x64xf32, #tpu.memory_space<hbm>>
      tpu.wait_dma2 semaphore(%run_scoped3A : memref<!tpu.dma_semaphore, #tpu.memory_space<semaphore_mem>>) src(%arg7 : memref<7x128x64xf32, #tpu.memory_space<vmem>>) dst(%dma_wait3A_164 : memref<7x128x64xf32, #tpu.memory_space<hbm>>)
      tpu.yield
    }) : () -> ()
    return
  }
}

module attributes {stable_mosaic.version = 14 : i64} {
  func.func @body(%arg0: i32, %arg1: memref<896x64xf32, #tpu.memory_space<vmem>>, %arg2: memref<1x64xf32, #tpu.memory_space<vmem>>, %arg3: memref<1xf32, #tpu.memory_space<smem>>, %arg4: memref<1xf32, #tpu.memory_space<smem>>, %arg5: memref<128x1xf32, #tpu.memory_space<vmem>>) attributes {dimension_semantics = [#tpu.dimension_semantics<arbitrary>], iteration_bounds = array<i64: 32>, scalar_prefetch = 0 : i64, scratch_operands = 0 : i64, tpu.core_type = #tpu.core_type<tc>, window_params = [{transform_indices = @transform_0, window_bounds = array<i64: 896, 64>}, {pipeline_mode = #tpu.pipeline_mode<synchronous>, transform_indices = @transform_1, window_bounds = array<i64: 1, 64>}, {transform_indices = @transform_2, window_bounds = array<i64: 1>}, {transform_indices = @transform_3, window_bounds = array<i64: 1>}, {transform_indices = @transform_4, window_bounds = array<i64: 128, 1>}]} {
    %get3A = arith.constant 0 : index
    %get3A_0 = arith.constant 0 : index
    %get3A_1 = vector.load %arg1[%get3A, %get3A_0] : memref<896x64xf32, #tpu.memory_space<vmem>>, vector<128x64xf32>
    %get3A_2 = arith.constant 128 : index
    %get3A_3 = arith.constant 0 : index
    %get3A_4 = vector.load %arg1[%get3A_2, %get3A_3] : memref<896x64xf32, #tpu.memory_space<vmem>>, vector<128x64xf32>
    %mul3A = arith.mulf %get3A_1, %get3A_4 : vector<128x64xf32>
    %reduce_sum3A = arith.constant dense<0.000000e+00> : vector<128xf32>
    %reduce_sum3A_5 = vector.multi_reduction <add>, %mul3A, %reduce_sum3A [1] : vector<128x64xf32> to vector<128xf32>
    %broadcast_in_dim3A = vector.shape_cast %reduce_sum3A_5 : vector<128xf32> to vector<128x1xf32>
    %jit3A = arith.constant -1.000000e+01 : f32
    %jit3A_6 = arith.constant 1.000000e+01 : f32
    %max3A = vector.broadcast %jit3A : f32 to vector<128x1xf32>
    %max3A_7 = arith.maximumf %max3A, %broadcast_in_dim3A : vector<128x1xf32>
    %min3A = vector.broadcast %jit3A_6 : f32 to vector<128x1xf32>
    %min3A_8 = arith.minimumf %min3A, %max3A_7 : vector<128x1xf32>
    %neg3A = arith.constant 0.000000e+00 : f32
    %neg3A_9 = vector.broadcast %neg3A : f32 to vector<128x1xf32>
    %neg3A_10 = arith.subf %neg3A_9, %min3A_8 : vector<128x1xf32>
    %exp3A = math.exp %neg3A_10 : vector<128x1xf32>
    %log1p3A = math.log1p %exp3A : vector<128x1xf32>
    %get3A_11 = arith.constant 256 : index
    %get3A_12 = arith.constant 0 : index
    %get3A_13 = vector.load %arg1[%get3A_11, %get3A_12] : memref<896x64xf32, #tpu.memory_space<vmem>>, vector<128x64xf32>
    %mul3A_14 = arith.mulf %get3A_1, %get3A_13 : vector<128x64xf32>
    %reduce_sum3A_15 = arith.constant dense<0.000000e+00> : vector<128xf32>
    %reduce_sum3A_16 = vector.multi_reduction <add>, %mul3A_14, %reduce_sum3A_15 [1] : vector<128x64xf32> to vector<128xf32>
    %broadcast_in_dim3A_17 = vector.shape_cast %reduce_sum3A_16 : vector<128xf32> to vector<128x1xf32>
    %jit3A_18 = arith.constant -1.000000e+01 : f32
    %jit3A_19 = arith.constant 1.000000e+01 : f32
    %max3A_20 = vector.broadcast %jit3A_18 : f32 to vector<128x1xf32>
    %max3A_21 = arith.maximumf %max3A_20, %broadcast_in_dim3A_17 : vector<128x1xf32>
    %min3A_22 = vector.broadcast %jit3A_19 : f32 to vector<128x1xf32>
    %min3A_23 = arith.minimumf %min3A_22, %max3A_21 : vector<128x1xf32>
    %exp3A_24 = math.exp %min3A_23 : vector<128x1xf32>
    %log1p3A_25 = math.log1p %exp3A_24 : vector<128x1xf32>
    %add3A = arith.addf %log1p3A, %log1p3A_25 : vector<128x1xf32>
    %get3A_26 = arith.constant 384 : index
    %get3A_27 = arith.constant 0 : index
    %get3A_28 = vector.load %arg1[%get3A_26, %get3A_27] : memref<896x64xf32, #tpu.memory_space<vmem>>, vector<128x64xf32>
    %mul3A_29 = arith.mulf %get3A_1, %get3A_28 : vector<128x64xf32>
    %reduce_sum3A_30 = arith.constant dense<0.000000e+00> : vector<128xf32>
    %reduce_sum3A_31 = vector.multi_reduction <add>, %mul3A_29, %reduce_sum3A_30 [1] : vector<128x64xf32> to vector<128xf32>
    %broadcast_in_dim3A_32 = vector.shape_cast %reduce_sum3A_31 : vector<128xf32> to vector<128x1xf32>
    %jit3A_33 = arith.constant -1.000000e+01 : f32
    %jit3A_34 = arith.constant 1.000000e+01 : f32
    %max3A_35 = vector.broadcast %jit3A_33 : f32 to vector<128x1xf32>
    %max3A_36 = arith.maximumf %max3A_35, %broadcast_in_dim3A_32 : vector<128x1xf32>
    %min3A_37 = vector.broadcast %jit3A_34 : f32 to vector<128x1xf32>
    %min3A_38 = arith.minimumf %min3A_37, %max3A_36 : vector<128x1xf32>
    %exp3A_39 = math.exp %min3A_38 : vector<128x1xf32>
    %log1p3A_40 = math.log1p %exp3A_39 : vector<128x1xf32>
    %add3A_41 = arith.addf %add3A, %log1p3A_40 : vector<128x1xf32>
    %get3A_42 = arith.constant 512 : index
    %get3A_43 = arith.constant 0 : index
    %get3A_44 = vector.load %arg1[%get3A_42, %get3A_43] : memref<896x64xf32, #tpu.memory_space<vmem>>, vector<128x64xf32>
    %mul3A_45 = arith.mulf %get3A_1, %get3A_44 : vector<128x64xf32>
    %reduce_sum3A_46 = arith.constant dense<0.000000e+00> : vector<128xf32>
    %reduce_sum3A_47 = vector.multi_reduction <add>, %mul3A_45, %reduce_sum3A_46 [1] : vector<128x64xf32> to vector<128xf32>
    %broadcast_in_dim3A_48 = vector.shape_cast %reduce_sum3A_47 : vector<128xf32> to vector<128x1xf32>
    %jit3A_49 = arith.constant -1.000000e+01 : f32
    %jit3A_50 = arith.constant 1.000000e+01 : f32
    %max3A_51 = vector.broadcast %jit3A_49 : f32 to vector<128x1xf32>
    %max3A_52 = arith.maximumf %max3A_51, %broadcast_in_dim3A_48 : vector<128x1xf32>
    %min3A_53 = vector.broadcast %jit3A_50 : f32 to vector<128x1xf32>
    %min3A_54 = arith.minimumf %min3A_53, %max3A_52 : vector<128x1xf32>
    %exp3A_55 = math.exp %min3A_54 : vector<128x1xf32>
    %log1p3A_56 = math.log1p %exp3A_55 : vector<128x1xf32>
    %add3A_57 = arith.addf %add3A_41, %log1p3A_56 : vector<128x1xf32>
    %get3A_58 = arith.constant 640 : index
    %get3A_59 = arith.constant 0 : index
    %get3A_60 = vector.load %arg1[%get3A_58, %get3A_59] : memref<896x64xf32, #tpu.memory_space<vmem>>, vector<128x64xf32>
    %mul3A_61 = arith.mulf %get3A_1, %get3A_60 : vector<128x64xf32>
    %reduce_sum3A_62 = arith.constant dense<0.000000e+00> : vector<128xf32>
    %reduce_sum3A_63 = vector.multi_reduction <add>, %mul3A_61, %reduce_sum3A_62 [1] : vector<128x64xf32> to vector<128xf32>
    %broadcast_in_dim3A_64 = vector.shape_cast %reduce_sum3A_63 : vector<128xf32> to vector<128x1xf32>
    %jit3A_65 = arith.constant -1.000000e+01 : f32
    %jit3A_66 = arith.constant 1.000000e+01 : f32
    %max3A_67 = vector.broadcast %jit3A_65 : f32 to vector<128x1xf32>
    %max3A_68 = arith.maximumf %max3A_67, %broadcast_in_dim3A_64 : vector<128x1xf32>
    %min3A_69 = vector.broadcast %jit3A_66 : f32 to vector<128x1xf32>
    %min3A_70 = arith.minimumf %min3A_69, %max3A_68 : vector<128x1xf32>
    %exp3A_71 = math.exp %min3A_70 : vector<128x1xf32>
    %log1p3A_72 = math.log1p %exp3A_71 : vector<128x1xf32>
    %add3A_73 = arith.addf %add3A_57, %log1p3A_72 : vector<128x1xf32>
    %get3A_74 = arith.constant 768 : index
    %get3A_75 = arith.constant 0 : index
    %get3A_76 = vector.load %arg1[%get3A_74, %get3A_75] : memref<896x64xf32, #tpu.memory_space<vmem>>, vector<128x64xf32>
    %mul3A_77 = arith.mulf %get3A_1, %get3A_76 : vector<128x64xf32>
    %reduce_sum3A_78 = arith.constant dense<0.000000e+00> : vector<128xf32>
    %reduce_sum3A_79 = vector.multi_reduction <add>, %mul3A_77, %reduce_sum3A_78 [1] : vector<128x64xf32> to vector<128xf32>
    %broadcast_in_dim3A_80 = vector.shape_cast %reduce_sum3A_79 : vector<128xf32> to vector<128x1xf32>
    %jit3A_81 = arith.constant -1.000000e+01 : f32
    %jit3A_82 = arith.constant 1.000000e+01 : f32
    %max3A_83 = vector.broadcast %jit3A_81 : f32 to vector<128x1xf32>
    %max3A_84 = arith.maximumf %max3A_83, %broadcast_in_dim3A_80 : vector<128x1xf32>
    %min3A_85 = vector.broadcast %jit3A_82 : f32 to vector<128x1xf32>
    %min3A_86 = arith.minimumf %min3A_85, %max3A_84 : vector<128x1xf32>
    %exp3A_87 = math.exp %min3A_86 : vector<128x1xf32>
    %log1p3A_88 = math.log1p %exp3A_87 : vector<128x1xf32>
    %add3A_89 = arith.addf %add3A_73, %log1p3A_88 : vector<128x1xf32>
    %reduce_sum3A_90 = vector.shape_cast %add3A_89 : vector<128x1xf32> to vector<1x128x1xf32>
    %reduce_sum3A_91 = arith.constant dense<0.000000e+00> : vector<1xf32>
    %reduce_sum3A_92 = vector.multi_reduction <add>, %reduce_sum3A_90, %reduce_sum3A_91 [1, 2] : vector<1x128x1xf32> to vector<1xf32>
    %reduce_sum3A_93 = vector.shape_cast %reduce_sum3A_92 : vector<1xf32> to vector<1x1x1xf32>
    %reduce_sum3A_94 = vector.extract %reduce_sum3A_93[0, 0, 0] : f32 from vector<1x1x1xf32>
    %eq3A = arith.constant 0 : i32
    %eq3A_95 = arith.cmpi eq, %arg0, %eq3A : i32
    %convert_element_type3A = arith.extui %eq3A_95 : i1 to i32
    %cond3A = arith.constant 0 : i32
    %cond3A_96 = arith.cmpi ne, %convert_element_type3A, %cond3A : i32
    scf.if %cond3A_96 {
      %swap3A_121 = arith.constant 0.000000e+00 : f32
      %swap3A_122 = arith.constant 0 : index
      %swap3A_123 = memref.load %arg4[%swap3A_122] : memref<1xf32, #tpu.memory_space<smem>>
      memref.store %swap3A_121, %arg4[%swap3A_122] : memref<1xf32, #tpu.memory_space<smem>>
    } else {
    }
    %get3A_97 = arith.constant 0 : index
    %get3A_98 = memref.load %arg4[%get3A_97] : memref<1xf32, #tpu.memory_space<smem>>
    %add3A_99 = arith.addf %get3A_98, %reduce_sum3A_94 : f32
    %swap3A = arith.constant 0 : index
    %swap3A_100 = memref.load %arg4[%swap3A] : memref<1xf32, #tpu.memory_space<smem>>
    memref.store %add3A_99, %arg4[%swap3A] : memref<1xf32, #tpu.memory_space<smem>>
    %eq3A_101 = arith.constant 31 : i32
    %eq3A_102 = arith.cmpi eq, %arg0, %eq3A_101 : i32
    %convert_element_type3A_103 = arith.extui %eq3A_102 : i1 to i32
    %cond3A_104 = arith.constant 0 : i32
    %cond3A_105 = arith.cmpi ne, %convert_element_type3A_103, %cond3A_104 : i32
    scf.if %cond3A_105 {
      %get3A_121 = arith.constant 0 : index
      %get3A_122 = memref.load %arg4[%get3A_121] : memref<1xf32, #tpu.memory_space<smem>>
      %div3A = arith.constant 4.096000e+03 : f32
      %div3A_123 = arith.divf %get3A_122, %div3A : f32
      %swap3A_124 = arith.constant 0 : index
      %swap3A_125 = memref.load %arg4[%swap3A_124] : memref<1xf32, #tpu.memory_space<smem>>
      memref.store %div3A_123, %arg4[%swap3A_124] : memref<1xf32, #tpu.memory_space<smem>>
    } else {
    }
    %get3A_106 = arith.constant 0 : index
    %get3A_107 = arith.constant 0 : index
    %get3A_108 = vector.load %arg2[%get3A_106, %get3A_107] : memref<1x64xf32, #tpu.memory_space<vmem>>, vector<1x64xf32>
    %mul3A_109 = vector.broadcast %get3A_108 : vector<1x64xf32> to vector<128x64xf32>
    %mul3A_110 = arith.mulf %get3A_1, %mul3A_109 : vector<128x64xf32>
    %reduce_sum3A_111 = arith.constant dense<0.000000e+00> : vector<128xf32>
    %reduce_sum3A_112 = vector.multi_reduction <add>, %mul3A_110, %reduce_sum3A_111 [1] : vector<128x64xf32> to vector<128xf32>
    %broadcast_in_dim3A_113 = vector.shape_cast %reduce_sum3A_112 : vector<128xf32> to vector<128x1xf32>
    %get3A_114 = arith.constant 0 : index
    %get3A_115 = memref.load %arg3[%get3A_114] : memref<1xf32, #tpu.memory_space<smem>>
    %add3A_116 = vector.broadcast %get3A_115 : f32 to vector<128x1xf32>
    %add3A_117 = arith.addf %broadcast_in_dim3A_113, %add3A_116 : vector<128x1xf32>
    %swap3A_118 = arith.constant 0 : index
    %swap3A_119 = arith.constant 0 : index
    %swap3A_120 = vector.load %arg5[%swap3A_118, %swap3A_119] : memref<128x1xf32, #tpu.memory_space<vmem>>, vector<128x1xf32>
    tpu.vector_store %arg5[%swap3A_118, %swap3A_119], %add3A_117 {strides = array<i32>} : memref<128x1xf32, #tpu.memory_space<vmem>>, vector<128x1xf32>,
    return
  }
  func.func @transform_0(%arg0: i32) -> (i32, i32) {
    %c0_i32 = arith.constant 0 : i32
    %c0_i32_0 = arith.constant 0 : i32
    return %arg0, %c0_i32 : i32, i32
  }
  func.func @transform_1(%arg0: i32) -> (i32, i32) {
    %c0_i32 = arith.constant 0 : i32
    %c0_i32_0 = arith.constant 0 : i32
    %c0_i32_1 = arith.constant 0 : i32
    return %c0_i32, %c0_i32_0 : i32, i32
  }
  func.func @transform_2(%arg0: i32) -> i32 {
    %c0_i32 = arith.constant 0 : i32
    %c0_i32_0 = arith.constant 0 : i32
    return %c0_i32 : i32
  }
  func.func @transform_3(%arg0: i32) -> i32 {
    %c0_i32 = arith.constant 0 : i32
    %c0_i32_0 = arith.constant 0 : i32
    return %c0_i32 : i32
  }
  func.func @transform_4(%arg0: i32) -> (i32, i32) {
    %c0_i32 = arith.constant 0 : i32
    %c0_i32_0 = arith.constant 0 : i32
    return %arg0, %c0_i32 : i32, i32
  }
}

</mosaic_0001>

<sc_bundles>
// kernel: kernel.4.cloned.1.call-start
scs
__scs_entry_jumppad:
0x0: {  	(pc) =	sbr.rel $0x88, $3  }
0x1: {  	(tag) =	ssettag $0x0;
	lr =	simm.s32 $0x1  }
0x2: {  	[smem:$0x3F9A] =	sst lr;
	_ =	strace $0xD0000000  }
0x3: {  	_ = 	snop  }
0x4: {  	_ = 	snop  }
0x5: {  	_ = 	snop  }
0x6: {  	_ = 	snop  }
0x7: {  	_ = 	snop  }
__scs_overlays_trampoline_lowered:
0x8: {  	[smem:$0x3FA9] =	sst s0  }
0x9: {  	[smem:$0x3FAA] =	sst s1  }
0xa: {  	[smem:$0x3FAB] =	sst s2  }
0xb: {  	[smem:$0x3FAC] =	sst s3  }
0xc: {  	[smem:$0x3FAD] =	sst s4  }
0xd: {  	[smem:$0x3FAE] =	sst s5  }
0xe: {  	[smem:$0x3FAF] =	sst s6  }
0xf: {  	[smem:$0x3FB0] =	sst s7  }
0x10: {  	[smem:$0x3FB1] =	sst s8  }
0x11: {  	[smem:$0x3FB2] =	sst s9;
	s0 =	simm.s32 @!p0 $0x0  }
0x12: {  	s1 =	sld [smem:$0x3F98];
	s0 =	simm.s32 @p0 $0x1  }
0x13: {  	[smem:$0x3FB3] =	sst s0;
	s0 =	simm.s32 @!p1 $0x0  }
0x14: {  	s2 =	sld [smem:$0x3F97];
	s0 =	simm.s32 @p1 $0x1  }
0x15: {  	[smem:$0x3FB4] =	sst s0;
	s0 =	simm.s32 @!p2 $0x0  }
0x16: {  	s3 =	sld [smem:$0x3FDB];
	s0 =	simm.s32 @p2 $0x1  }
0x17: {  	s4 =	simm.s32 $0x1BF5;
	[smem:$0x3FB6] =	sst s0  }
0x18: {  	s0 =	sld [smem:$0x3F99];
	_ =	swait.ge [sflag:s4], $0x0  }
0x19: {  	s7 =	sld [smem:$0x3F9A]  }
0x1a: {  	s8 =	sadd.s32 $0xFFFFE003, lr  }
0x1b: {  	s9 =	sadd.s32 $0xFFFFFEF7, lr;
	s5 =	simm.s32 $0xFFFFFFFF;
	p2 =	slt.u32 s8, $0xFFFFF086  }
0x1c: {  	p1 =	slt.u32 s9, $0xF7A;
	s5 =	simm.s32 @!p2 $0x0  }
0x1d: {  	s5 =	simm.s32 @p1 $0x1;
	p0 =	seq.s32 s7, s2  }
0x1e: {  	s7 =	smul.u32 @!p0 $0xF7A, s2;
	p2 =	seq.s32 @!p0 s5, $0x0  }
0x1f: {  	s9 =	smul.u32 $0xF7A, s1;
	s8 =	simm.s32 @!p0 $0x1BF5;
	p2 =	por !p2, p0  }
0x20: {  	[sflag:s8] =	ssyncset.s32 @!p0 $0xFFFFF086;
	s6 =	sadd.s32 @!p0 s3, s7;
	s7 =	simm.s32 @!p0 $0x108  }
0x21: {  	s3 =	sadd.s32 s3, s9;
	s6 =	sadd.s32 @!p0 $0x88, s6;
	s7 =	simm.s32 @p2 $0x1082  }
0x22: {  	[simem:s7], [sflag:s8] =	dma.local @!p0 [hbm:s6], $0xF7A  }
0x23: {  	s9 =	sor.u32 $0xD0000000, s2;
	s6 =	simm.s32 $0x108;
	_ =	swait.ge @!p0 [sflag:s8], $0x0  }
0x24: {  	s3 =	sadd.s32 $0x88, s3;
	s6 =	simm.s32 @!p1 $0x1082;
	[sflag:s4] =	ssyncset.s32 $0xFFFFF086  }
0x25: {  	[simem:s6], [sflag:s4] =	dma.local [hbm:s3], $0xF7A  }
0x26: {  	[smem:$0x3F9A] =	sst s1;
	(tag) =	ssettag s2;
	_ =	strace s9  }
0x27: {  	s1 =	sld [smem:$0x3FAA]  }
0x28: {  	s2 =	sld [smem:$0x3FAB]  }
0x29: {  	s4 =	sld [smem:$0x3FAD]  }
0x2a: {  	p0 =	seq.s32 s5, $0x0;
	s5 =	sld [smem:$0x3FAE]  }
0x2b: {  	s6 =	sld [smem:$0x3FAF]  }
0x2c: {  	s7 =	sld [smem:$0x3FB0]  }
0x2d: {  	s3 =	simm.s32 $0x108;
	s8 =	sld [smem:$0x3FB1]  }
0x2e: {  	s3 =	simm.s32 @!p0 $0x1082;
	s9 =	sld [smem:$0x3FB2]  }
0x2f: {  	lr =	sadd.s32 s0, s3;
	s0 =	sld [smem:$0x3FA9]  }
0x30: {  	s3 =	sld [smem:$0x3FAC]  }
0x31: {  	[smem:$0x3FB5] =	sst s10  }
0x32: {  	s10 =	sld [smem:$0x3FB3];
	_ =	sdelay $0x3  }
0x33: {  	p0 =	seq.s32 s10, $0x1;
	s10 =	sld [smem:$0x3FB5];
	_ =	sdelay $0x3  }
0x34: {  	[smem:$0x3FB5] =	sst s10  }
0x35: {  	s10 =	sld [smem:$0x3FB4];
	_ =	sdelay $0x3  }
0x36: {  	p1 =	seq.s32 s10, $0x1;
	s10 =	sld [smem:$0x3FB5];
	_ =	sdelay $0x3  }
0x37: {  	[smem:$0x3FB5] =	sst s10  }
0x38: {  	s10 =	sld [smem:$0x3FB6]  }
0x39: {  	_ = 	snop;
	(pc) =	sbr.ind lr, $3  }
0x3a: {  	_ = 	snop  }
0x3b: {  	_ = 	snop  }
0x3c: {  	p2 =	seq.s32 s10, $0x1;
	s10 =	sld [smem:$0x3FB5]  }
0x3d: {  	_ =	shalt  }
0x3e: {  	_ =	shalt  }
0x3f: {  	_ =	shalt  }
0x40: {  	_ =	shalt  }
0x41: {  	_ =	shalt  }
0x42: {  	_ =	shalt  }
0x43: {  	_ =	shalt  }
0x44: {  	_ =	shalt  }
0x45: {  	_ =	shalt  }
0x46: {  	_ =	shalt  }
0x47: {  	_ =	shalt  }
0x48: {  	_ =	shalt  }
0x49: {  	_ =	shalt  }
0x4a: {  	_ =	shalt  }
0x4b: {  	_ =	shalt  }
0x4c: {  	_ =	shalt  }
0x4d: {  	_ =	shalt  }
0x4e: {  	_ =	shalt  }
0x4f: {  	_ =	shalt  }
0x50: {  	_ =	shalt  }
0x51: {  	_ =	shalt  }
0x52: {  	_ =	shalt  }
0x53: {  	_ =	shalt  }
0x54: {  	_ =	shalt  }
0x55: {  	_ =	shalt  }
0x56: {  	_ =	shalt  }
0x57: {  	_ =	shalt  }
0x58: {  	_ =	shalt  }
0x59: {  	_ =	shalt  }
0x5a: {  	_ =	shalt  }
0x5b: {  	_ =	shalt  }
0x5c: {  	_ =	shalt  }
0x5d: {  	_ =	shalt  }
0x5e: {  	_ =	shalt  }
0x5f: {  	_ =	shalt  }
0x60: {  	_ =	shalt  }
0x61: {  	_ =	shalt  }
0x62: {  	_ =	shalt  }
0x63: {  	_ =	shalt  }
0x64: {  	_ =	shalt  }
0x65: {  	_ =	shalt  }
0x66: {  	_ =	shalt  }
0x67: {  	_ =	shalt  }
0x68: {  	_ =	shalt  }
0x69: {  	_ =	shalt  }
0x6a: {  	_ =	shalt  }
0x6b: {  	_ =	shalt  }
0x6c: {  	_ =	shalt  }
0x6d: {  	_ =	shalt  }
0x6e: {  	_ =	shalt  }
0x6f: {  	_ =	shalt  }
0x70: {  	_ =	shalt  }
0x71: {  	_ =	shalt  }
0x72: {  	_ =	shalt  }
0x73: {  	_ =	shalt  }
0x74: {  	_ =	shalt  }
0x75: {  	_ =	shalt  }
0x76: {  	_ =	shalt  }
0x77: {  	_ =	shalt  }
0x78: {  	_ =	shalt  }
0x79: {  	_ =	shalt  }
0x7a: {  	_ =	shalt  }
0x7b: {  	_ =	shalt  }
0x7c: {  	_ =	shalt  }
0x7d: {  	_ =	shalt  }
0x7e: {  	_ =	shalt  }
0x7f: {  	_ =	shalt  }
0x80: {  	_ =	shalt  }
0x81: {  	_ =	shalt  }
0x82: {  	_ =	shalt  }
0x83: {  	_ =	shalt  }
0x84: {  	_ =	shalt  }
0x85: {  	_ =	shalt  }
0x86: {  	_ =	shalt  }
0x87: {  	_ =	shalt  }
.Lfunc_end0:
.L_simem_size_0:
called_computation_lowered:
.L_overlay_start_0:
0x88: {  	s2 =	sld [smem:$0x3FD9]  }
0x89: {  	s3 =	sld [smem:$0x3FFE];
	_ =	sdelay $0x1  }
0x8a: {  	s1 =	srdreg.scid  }
0x8b: {  	s0 =	sand.u32 $0x1, s1  }
0x8c: {  	s16 =	sshll.u32 s0, $0xA;
	s2 =	sadd.s32 s3, s2  }
0x8d: {  	s2 =	sadd.s32 s2, s16  }
0x8e: {  	[smem:$0x3FC1] =	sst s2  }
0x8f: {  	_ = 	snop  }
0x90: {  	(tm) =	ssettm $0x1  }
0x91: {  	s17 =	sld [smem:$0x3FFB];
	_ =	sdelay $0x3  }
0x92: {  	_ =	strace s17  }
0x93: {  	s2 =	sld [smem:$0x3FFC];
	_ =	sdelay $0x3  }
0x94: {  	_ =	strace s2  }
0x95: {  	s2 =	sld [smem:$0x3FFD];
	_ =	sdelay $0x3  }
0x96: {  	_ =	strace s2  }
0x97: {  	_ =	strace $0x8FFFFFFF  }
0x98: {  	s18 =	sld [smem:$0x3FDB];
	_ =	sdelay $0x1  }
0x99: {  	s19 =	simm.s32 $_scs_section_size  }
0x9a: {  	s4 =	simm.s32 $_size__tile_overlayer_lowered;
	s5 =	simm.s32 $_tile_overlayer_lowered  }
0x9b: {  	s22 =	simm.s32 $0x1BFF;
	s21 =	sshll.u32 s5, $0x1;
	s2 =	sadd.s32 s19, s18  }
0x9c: {  	s6 =	simm.s32 $0x0;
	s20 =	sshll.u32 s4, $0x1;
	s4 =	sadd.s32 s21, s2  }
0x9d: {  	[timem:s6], [sflag:s22] =	dma.local [hbm:s4], s20  }
0x9e: {  	_ =	swait.ge [sflag:s22], s20  }
0x9f: {  	s3 =	ssub.s32 $0x0, s20;
	[sflag:s22] =	ssyncset.done $0x0  }
0xa0: {  	[sflag:s22] =	ssyncadd.s32 s3;
	_ =	sdelay $0x1  }
0xa1: {  	s23 =	simm.s32 $0x1B8B  }
0xa2: {  	_ =	swait.ge [sflag:s23], $0x1  }
0xa3: {  	[sflag:s23] =	ssyncset.done $0x0  }
0xa4: {  	s25 =	simm.s32 $0x1B8E;
	s24 =	sld [smem:$0x3FFE];
	[sflag:s23] =	ssyncadd.s32 $0xFFFFFFFF  }
0xa5: {  	s26 =	simm.s32 $execute0_lowered;
	[smem:$0x3FD2] =	sst s25  }
0xa6: {  	s4 =	sshll.u32 s26, $0x1;
	_ =	strace $0x80000046;
	[dreg:$0x1] =	wrdreg $0xFFFFFFFF  }
0xa7: {  	s28 =	simm.s32 $_size_execute0_lowered;
	s2 =	sadd.s32 s2, s4;
	[dreg:$0x0] =	wrdreg $0x0  }
0xa8: {  	s4 =	sshll.u32 s28, $0x1;
	[dreg:$0x2] =	wrdreg s2  }
0xa9: {  	[dreg:$0x3] =	wrdreg s4  }
0xaa: {  	[dreg:$0x4] =	wrdreg $0xC0  }
0xab: {  	_ =	task [dreg:s6], $0x5FFFF  }
0xac: {  	[dreg:$0x1] =	wrdreg $0xFFFFFFFF  }
0xad: {  	[dreg:$0x0] =	wrdreg $0x60  }
0xae: {  	[dreg:$0x2] =	wrdreg s24  }
0xaf: {  	[dreg:$0x3] =	wrdreg $0x9  }
0xb0: {  	_ =	task.clear_ibuf [dreg:s6], $0x4FFFF;
	_ =	strace $0x90000046  }
0xb1: {  	s29 =	simm.s32 $0x9;
	_ =	strace $0x80000048  }
0xb2: {  	_ =	swait.ge [sflag:s29], $0x1  }
0xb3: {  	[sflag:s29] =	ssyncadd.s32 $0xFFFFFFFF  }
0xb4: {  	_ =	strace $0x90000048  }
0xb5: {  	_ =	sfence  }
0xb6: {  	s30 =	sld [smem:$0x0];
	_ =	sdelay $0x2  }
0xb7: {  	s31 =	sshll.u32 s1, $0xD;
	s1 =	sshrl.u32 s1, $0x2  }
0xb8: {  	s3 =	sand.u32 $0x4000, s31;
	s1 =	sadd.s32 s1, s30  }
0xb9: {  	s0 =	sor.u32 s3, s0;
	s1 =	sshll.u32 s1, $0x11  }
0xba: {  	s0 =	sor.u32 s1, s0  }
0xbb: {  	s0 =	sadd.s32 $0x8F2B, s0  }
0xbc: {  	[sflag:s0] =	ssyncadd.remote.s32 $0x1  }
0xbd: {  	_ =	sfence.sel $0xFFFF  }
0xbe: {  	[dreg:$0x0] =	wrdreg $0xFFFFFFFF;
	(pc) =	sbr.abs _section_cstart, $3  }
0xbf: {  	[dreg:$0x1] =	wrdreg $0xFFFFFFFF  }
0xc0: {  	_ =	task.clear_ibuf [dreg:s6], $0x2FFFF;
	_ =	strace $0x9FFFFFFF  }
0xc1: {  	(tm) =	ssettm $0x7FFFFFFF  }
tec
execute0_lowered:
.L_overlay_start_1:
0x0: {  	(tag) =	ssettag $0x1  }
0x1: {  	s5 =	rddreg [dreg:$0x0]  }
0x2: {  	s2 =	simm.s32 $0x0;
	s3 =	srdreg.scid;
	s0 =	stileid.u32  }
0x3: {  	s10 =	simm.s32 $0x400;
	s11 =	simm.s32 $0x0;
	[smem:$0x7FF] =	sst s2  }
0x4: {  	s4 =	sand.u32 $0x1, s3;
	s6 =	sshll.u32 s0, $0x1;
	s3 =	sadd.s32 $0xC00, s5  }
0x5: {  	_ =	strace $0x80000047;
	s6 =	sor.u32 s4, s6;
	s8 =	ssub.s32 $0x2, s4  }
0x6: {  	s7 =	sshll.u32 s6, $0x7;
	s6 =	smul.u32 $0x3800, s6;
	s9 =	sshrl.u32 s8, $0x1  }
0x7: {  	s4 =	sadd.s32 $0xF43000, s5;
	s7 =	sadd.s32 s7, s5;
	s8 =	ssub.s32 s8, s9  }
0x8: {  	s9 =	simm.s32 $0x1;
	s6 =	sadd.s32 s6, s5;
	s5 =	sadd.s32 $0x1E85400, s7  }
0x9: {  	s7 =	smax.u32 s8, $0x1;
	s8 =	simm.s32 $0x2;
	s6 =	sadd.s32 $0x1E86400, s6  }
.LBB2_1:
0xa: {  	[tilespmem:s2], [sflag:$0x2] =	stream.linear.gather [hbm4b:s5+s2], $0x380, $0x38;
	[tilespmem:$0x1C400] =	vst v63  }
0xb: {  	_ =	swait.ge [sflag:s8], $0x380  }
0xc: {  	[sflag:s8] =	ssyncset.done $0x0  }
0xd: {  	[sflag:s8] =	ssyncadd.s32 $0xFFFFFC80  }
0xe: {  	v0 =	vld [tilespmem:s2+$0x0];
	_ =	sdelay $0x4  }
0xf: {  	v0 =	vshll.u32 v0, $0x4  }
0x10: {  	(v2sf) =	vpush v0, $0x0  }
0x11: {  	(v2sf) =	vpush v0, $0x1  }
0x12: {  	(v2sf) =	vpush v0, $0x2;
	_ =	sdelay $0x1  }
0x13: {  	(v2sf) =	vpush v0, $0x4;
	_ =	sdelay $0x1  }
0x14: {  	(v2sf) =	vpush v0, $0x3  }
0x15: {  	(v2sf) =	vpush v0, $0x5  }
0x16: {  	s14 =	simm.s32 $0x2000;
	s13 =	simm.s32 $0x0;
	s15 =	simm.s32 $0x0;
	(v2sf) =	vpush v0, $0x6  }
.LBB2_2:
0x17: {  	p0 =	sne.s32 s14, $0xE000  }
0x18: {  	s25 =	sadd.s32 $0x480, s13;
	s19 =	sadd.s32 $0x980, s13;
	s16 =	smov.u32 s14  }
0x19: {  	s14 =	sadd.s32 $0x2000, s14;
	s22 =	sadd.s32 $0x780, s13;
	s17 =	sadd.s32 $0xA00, s13;
	(v2sf) =	vpush v0, $0x7  }
0x1a: {  	s24 =	sadd.s32 $0x680, s13;
	s20 =	sadd.s32 $0x800, s13;
	s18 =	sadd.s32 $0xA80, s13  }
0x1b: {  	s26 =	sadd.s32 $0x400, s13;
	s28 =	sadd.s32 $0x600, s13;
	(v2sf) =	vpush v0, $0x8  }
0x1c: {  	s12 =	simm.s32 $0x0;
	s29 =	sadd.s32 $0x700, s13;
	s15 =	sadd.s32 $0x10, s15  }
0x1d: {  	s30 =	sadd.s32 $0x500, s13;
	s21 =	sadd.s32 $0x900, s13;
	s23 =	spop (v2sf);
	(v2sf) =	vpush v0, $0x9  }
0x1e: {  	s31 =	sand.u32 $0x1FFFFFF0, s23;
	s23 =	sadd.s32 $0x880, s13;
	s0 =	spop (v2sf)  }
0x1f: {  	s31 =	sadd.s32 s3, s31;
	s0 =	sand.u32 $0x1FFFFFF0, s0;
	s1 =	spop (v2sf);
	(v2sf) =	vpush v0, $0xA  }
0x20: {  	[tilespmem:s26], [sflag:$0x1] =	stream.linear.gather [hbm4b:s31+s12], $0x80, $0x38;
	[tilespmem:$0x1C400] =	vst v63  }
0x21: {  	s0 =	sadd.s32 s3, s0;
	s26 =	sadd.s32 $0x580, s13;
	s31 =	spop (v2sf);
	(v2sf) =	vpush v0, $0xB  }
0x22: {  	[tilespmem:s25], [sflag:$0x1] =	stream.linear.gather [hbm4b:s0+s12], $0x80, $0x38;
	[tilespmem:$0x1C400] =	vst v63  }
0x23: {  	s0 =	sand.u32 $0x1FFFFFF0, s1;
	s1 =	sand.u32 $0x1FFFFFF0, s31;
	s25 =	spop (v2sf);
	(v2sf) =	vpush v0, $0xC  }
0x24: {  	s0 =	sadd.s32 s3, s0;
	s25 =	sand.u32 $0x1FFFFFF0, s25;
	s31 =	spop (v2sf)  }
0x25: {  	[tilespmem:s30], [sflag:$0x1] =	stream.linear.gather [hbm4b:s0+s12], $0x80, $0x38;
	(v2sf) =	vpush v0, $0xD;
	[tilespmem:$0x1C400] =	vst v63  }
0x26: {  	s0 =	sadd.s32 s3, s25;
	s25 =	sand.u32 $0x1FFFFFF0, s31;
	s30 =	spop (v2sf)  }
0x27: {  	[tilespmem:s26], [sflag:$0x1] =	stream.linear.gather [hbm4b:s0+s12], $0x80, $0x38;
	(v2sf) =	vpush v0, $0xE;
	[tilespmem:$0x1C400] =	vst v63  }
0x28: {  	s0 =	sadd.s32 s3, s1;
	s1 =	sand.u32 $0x1FFFFFF0, s30;
	s26 =	spop (v2sf)  }
0x29: {  	[tilespmem:s28], [sflag:$0x1] =	stream.linear.gather [hbm4b:s0+s12], $0x80, $0x38;
	(v2sf) =	vpush v0, $0xF;
	[tilespmem:$0x1C400] =	vst v63  }
0x2a: {  	s0 =	sadd.s32 s3, s25;
	s25 =	sand.u32 $0x1FFFFFF0, s26;
	s26 =	spop (v2sf)  }
0x2b: {  	[tilespmem:s24], [sflag:$0x1] =	stream.linear.gather [hbm4b:s0+s12], $0x80, $0x38;
	[tilespmem:$0x1C400] =	vst v63  }
0x2c: {  	s0 =	sadd.s32 s3, s1;
	s1 =	sand.u32 $0x1FFFFFF0, s26;
	s24 =	spop (v2sf)  }
0x2d: {  	[tilespmem:s29], [sflag:$0x1] =	stream.linear.gather [hbm4b:s0+s12], $0x80, $0x38;
	[tilespmem:$0x1C400] =	vst v63  }
0x2e: {  	s0 =	sadd.s32 s3, s25;
	s24 =	sand.u32 $0x1FFFFFF0, s24;
	s25 =	spop (v2sf)  }
0x2f: {  	[tilespmem:s22], [sflag:$0x1] =	stream.linear.gather [hbm4b:s0+s12], $0x80, $0x38;
	[tilespmem:$0x1C400] =	vst v63  }
0x30: {  	s0 =	sadd.s32 s3, s1;
	s1 =	sand.u32 $0x1FFFFFF0, s25;
	s22 =	spop (v2sf)  }
0x31: {  	[tilespmem:s20], [sflag:$0x1] =	stream.linear.gather [hbm4b:s0+s12], $0x80, $0x38;
	[tilespmem:$0x1C400] =	vst v63  }
0x32: {  	s0 =	sadd.s32 s3, s24;
	s20 =	sand.u32 $0x1FFFFFF0, s22;
	s22 =	spop (v2sf)  }
0x33: {  	[tilespmem:s23], [sflag:$0x1] =	stream.linear.gather [hbm4b:s0+s12], $0x80, $0x38;
	[tilespmem:$0x1C400] =	vst v63  }
0x34: {  	s0 =	sadd.s32 s3, s1;
	s1 =	sand.u32 $0x1FFFFFF0, s22;
	s22 =	spop (v2sf)  }
0x35: {  	[tilespmem:s21], [sflag:$0x1] =	stream.linear.gather [hbm4b:s0+s12], $0x80, $0x38;
	[tilespmem:$0x1C400] =	vst v63  }
0x36: {  	s0 =	sadd.s32 s3, s20;
	s20 =	sand.u32 $0x1FFFFFF0, s22;
	s21 =	spop (v2sf)  }
0x37: {  	[tilespmem:s19], [sflag:$0x1] =	stream.linear.gather [hbm4b:s0+s12], $0x80, $0x38;
	[tilespmem:$0x1C400] =	vst v63  }
0x38: {  	s0 =	sadd.s32 s3, s1;
	s1 =	sand.u32 $0x1FFFFFF0, s21;
	s19 =	spop (v2sf)  }
0x39: {  	[tilespmem:s17], [sflag:$0x1] =	stream.linear.gather [hbm4b:s0+s12], $0x80, $0x38;
	[tilespmem:$0x1C400] =	vst v63  }
0x3a: {  	s0 =	sadd.s32 s3, s20;
	s17 =	sand.u32 $0x1FFFFFF0, s19  }
0x3b: {  	[tilespmem:s18], [sflag:$0x1] =	stream.linear.gather [hbm4b:s0+s12], $0x80, $0x38;
	[tilespmem:$0x1C400] =	vst v63  }
0x3c: {  	s1 =	sadd.s32 s3, s1;
	s0 =	sadd.s32 $0xB00, s13  }
0x3d: {  	[tilespmem:s0], [sflag:$0x1] =	stream.linear.gather [hbm4b:s1+s12], $0x80, $0x38;
	[tilespmem:$0x1C400] =	vst v63  }
0x3e: {  	s0 =	sadd.s32 $0xB80, s13;
	s1 =	sadd.s32 s3, s17  }
0x3f: {  	[tilespmem:s0], [sflag:$0x1] =	stream.linear.gather [hbm4b:s1+s12], $0x80, $0x38;
	[tilespmem:$0x1C400] =	vst v63  }
0x40: {  	v0 =	vld [tilespmem:s15+$0x0];
	_ =	sdelay $0x4  }
0x41: {  	v0 =	vshll.u32 v0, $0x4  }
0x42: {  	(v2sf) =	vpush v0, $0x0  }
0x43: {  	(v2sf) =	vpush v0, $0x1  }
0x44: {  	(v2sf) =	vpush v0, $0x2;
	_ =	sdelay $0x1  }
0x45: {  	(v2sf) =	vpush v0, $0x4  }
.Ltmp0:
0x46: {  	(pc) =	sbr.rel @p0 .LBB2_2-.Ltmp0, $3  }
0x47: {  	(v2sf) =	vpush v0, $0x3  }
0x48: {  	(v2sf) =	vpush v0, $0x5;
	_ =	sdelay $0x1  }
0x49: {  	s13 =	sshra.s32 s16, $0x2;
	(v2sf) =	vpush v0, $0x6  }
0x4a: {  	_ =	sdelay $0x1  }
0x4b: {  	s0 =	sadd.s32 $0x480, s13;
	s16 =	sadd.s32 $0x980, s13  }
0x4c: {  	s1 =	sadd.s32 $0x780, s13;
	s14 =	sadd.s32 $0xA00, s13;
	(v2sf) =	vpush v0, $0x7;
	s17 =	sadd.s32 $0x680, s13  }
0x4d: {  	s18 =	sadd.s32 $0x800, s13;
	s15 =	sadd.s32 $0xA80, s13;
	s19 =	sadd.s32 $0x400, s13  }
0x4e: {  	s20 =	sadd.s32 $0x600, s13;
	s21 =	sadd.s32 $0x700, s13;
	(v2sf) =	vpush v0, $0x8;
	s22 =	spop (v2sf)  }
0x4f: {  	s23 =	sadd.s32 $0x500, s13;
	s22 =	sand.u32 $0x1FFFFFF0, s22;
	s24 =	spop (v2sf)  }
0x50: {  	(v2sf) =	vpush v0, $0x9;
	s22 =	sadd.s32 s3, s22;
	s24 =	sand.u32 $0x1FFFFFF0, s24;
	s25 =	spop (v2sf)  }
0x51: {  	[tilespmem:s19], [sflag:$0x1] =	stream.linear.gather [hbm4b:s22+s12], $0x80, $0x38;
	[tilespmem:$0x1C400] =	vst v63  }
0x52: {  	(v2sf) =	vpush v0, $0xA;
	s26 =	sadd.s32 s3, s24;
	s29 =	sand.u32 $0x1FFFFFF0, s25;
	s28 =	spop (v2sf)  }
0x53: {  	[tilespmem:s0], [sflag:$0x1] =	stream.linear.gather [hbm4b:s26+s12], $0x80, $0x38;
	[tilespmem:$0x1C400] =	vst v63  }
0x54: {  	s19 =	sadd.s32 $0x900, s13;
	(v2sf) =	vpush v0, $0xB;
	s22 =	sadd.s32 s3, s29;
	s30 =	spop (v2sf)  }
0x55: {  	s0 =	sadd.s32 $0x880, s13;
	s26 =	sadd.s32 $0x580, s13;
	s25 =	sand.u32 $0x1FFFFFF0, s30  }
0x56: {  	(v2sf) =	vpush v0, $0xC;
	[tilespmem:s23], [sflag:$0x1] =	stream.linear.gather [hbm4b:s22+s12], $0x80, $0x38;
	[tilespmem:$0x1C400] =	vst v63  }
0x57: {  	s31 =	sand.u32 $0x1FFFFFF0, s28;
	s28 =	spop (v2sf);
	s29 =	sadd.s32 s3, s25  }
0x58: {  	(v2sf) =	vpush v0, $0xD;
	[tilespmem:s26], [sflag:$0x1] =	stream.linear.gather [hbm4b:s29+s12], $0x80, $0x38;
	[tilespmem:$0x1C400] =	vst v63  }
0x59: {  	s22 =	sadd.s32 s3, s31;
	s23 =	sand.u32 $0x1FFFFFF0, s28;
	s30 =	spop (v2sf)  }
0x5a: {  	(v2sf) =	vpush v0, $0xE;
	[tilespmem:s20], [sflag:$0x1] =	stream.linear.gather [hbm4b:s22+s12], $0x80, $0x38;
	[tilespmem:$0x1C400] =	vst v63  }
0x5b: {  	s23 =	sadd.s32 s3, s23;
	s31 =	sand.u32 $0x1FFFFFF0, s30;
	s24 =	spop (v2sf)  }
0x5c: {  	(v2sf) =	vpush v0, $0xF;
	[tilespmem:s17], [sflag:$0x1] =	stream.linear.gather [hbm4b:s23+s12], $0x80, $0x38;
	[tilespmem:$0x1C400] =	vst v63  }
0x5d: {  	s25 =	sand.u32 $0x1FFFFFF0, s24;
	s26 =	spop (v2sf);
	s20 =	sadd.s32 s3, s31  }
0x5e: {  	[tilespmem:s21], [sflag:$0x1] =	stream.linear.gather [hbm4b:s20+s12], $0x80, $0x38;
	[tilespmem:$0x1C400] =	vst v63  }
0x5f: {  	s28 =	sand.u32 $0x1FFFFFF0, s26;
	s17 =	sadd.s32 s3, s25;
	s29 =	spop (v2sf)  }
0x60: {  	[tilespmem:s1], [sflag:$0x1] =	stream.linear.gather [hbm4b:s17+s12], $0x80, $0x38;
	[tilespmem:$0x1C400] =	vst v63  }
0x61: {  	s20 =	sadd.s32 s3, s28;
	s30 =	sand.u32 $0x1FFFFFF0, s29;
	s31 =	spop (v2sf)  }
0x62: {  	[tilespmem:s18], [sflag:$0x1] =	stream.linear.gather [hbm4b:s20+s12], $0x80, $0x38;
	[tilespmem:$0x1C400] =	vst v63  }
0x63: {  	s17 =	sand.u32 $0x1FFFFFF0, s31;
	s1 =	sadd.s32 s3, s30;
	s20 =	spop (v2sf)  }
0x64: {  	[tilespmem:s0], [sflag:$0x1] =	stream.linear.gather [hbm4b:s1+s12], $0x80, $0x38;
	[tilespmem:$0x1C400] =	vst v63  }
0x65: {  	s17 =	sadd.s32 s3, s17;
	s21 =	sand.u32 $0x1FFFFFF0, s20;
	s22 =	spop (v2sf)  }
0x66: {  	[tilespmem:s19], [sflag:$0x1] =	stream.linear.gather [hbm4b:s17+s12], $0x80, $0x38;
	[tilespmem:$0x1C400] =	vst v63  }
0x67: {  	s0 =	sadd.s32 s3, s21;
	s1 =	sand.u32 $0x1FFFFFF0, s22;
	s23 =	spop (v2sf)  }
0x68: {  	[tilespmem:s16], [sflag:$0x1] =	stream.linear.gather [hbm4b:s0+s12], $0x80, $0x38;
	[tilespmem:$0x1C400] =	vst v63  }
0x69: {  	s24 =	sand.u32 $0x1FFFFFF0, s23;
	s1 =	sadd.s32 s3, s1;
	s25 =	spop (v2sf)  }
0x6a: {  	[tilespmem:s14], [sflag:$0x1] =	stream.linear.gather [hbm4b:s1+s12], $0x80, $0x38;
	[tilespmem:$0x1C400] =	vst v63  }
0x6b: {  	s26 =	sand.u32 $0x1FFFFFF0, s25;
	s28 =	spop (v2sf);
	s0 =	sadd.s32 s3, s24  }
0x6c: {  	[tilespmem:s15], [sflag:$0x1] =	stream.linear.gather [hbm4b:s0+s12], $0x80, $0x38;
	[tilespmem:$0x1C400] =	vst v63  }
0x6d: {  	s30 =	sadd.s32 $0xB00, s13;
	s29 =	sand.u32 $0x1FFFFFF0, s28;
	s1 =	sadd.s32 s3, s26  }
0x6e: {  	[tilespmem:s30], [sflag:$0x1] =	stream.linear.gather [hbm4b:s1+s12], $0x80, $0x38;
	[tilespmem:$0x1C400] =	vst v63  }
0x6f: {  	s31 =	sadd.s32 $0xB80, s13;
	s14 =	simm.s32 $0x80;
	s0 =	sadd.s32 s3, s29  }
0x70: {  	[tilespmem:s31], [sflag:$0x1] =	stream.linear.gather [hbm4b:s0+s12], $0x80, $0x38;
	[tilespmem:$0x1C400] =	vst v63  }
0x71: {  	v0 =	vld [tilespmem:s14+$0x0];
	_ =	sdelay $0x4  }
0x72: {  	v0 =	vshll.u32 v0, $0x4  }
0x73: {  	(v2sf) =	vpush v0, $0x0  }
0x74: {  	(v2sf) =	vpush v0, $0x1  }
0x75: {  	(v2sf) =	vpush v0, $0x2;
	_ =	sdelay $0x1  }
0x76: {  	(v2sf) =	vpush v0, $0x4;
	_ =	sdelay $0x1  }
0x77: {  	(v2sf) =	vpush v0, $0x3  }
0x78: {  	(v2sf) =	vpush v0, $0x5  }
0x79: {  	s13 =	simm.s32 $0x0;
	s15 =	simm.s32 $0x2000;
	(v2sf) =	vpush v0, $0x6  }
.LBB2_4:
0x7a: {  	p0 =	sne.s32 s15, $0xE000  }
0x7b: {  	s0 =	sadd.s32 $0x4480, s13;
	s19 =	sadd.s32 $0x4980, s13;
	s16 =	smov.u32 s15  }
0x7c: {  	s15 =	sadd.s32 $0x2000, s15;
	s22 =	sadd.s32 $0x4780, s13;
	s17 =	sadd.s32 $0x4A00, s13;
	(v2sf) =	vpush v0, $0x7  }
0x7d: {  	s24 =	sadd.s32 $0x4680, s13;
	s21 =	sadd.s32 $0x4800, s13;
	s18 =	sadd.s32 $0x4A80, s13  }
0x7e: {  	s1 =	sadd.s32 $0x4400, s13;
	s25 =	sadd.s32 $0x4600, s13;
	(v2sf) =	vpush v0, $0x8  }
0x7f: {  	s26 =	sadd.s32 $0x4700, s13;
	s14 =	sadd.s32 $0x10, s14  }
0x80: {  	s28 =	sadd.s32 $0x4500, s13;
	s20 =	sadd.s32 $0x4900, s13;
	s23 =	spop (v2sf);
	(v2sf) =	vpush v0, $0x9  }
0x81: {  	s29 =	sand.u32 $0x1FFFFFF0, s23;
	s23 =	sadd.s32 $0x4880, s13;
	s30 =	spop (v2sf)  }
0x82: {  	s29 =	sadd.s32 s4, s29;
	s30 =	sand.u32 $0x1FFFFFF0, s30;
	s31 =	spop (v2sf);
	(v2sf) =	vpush v0, $0xA  }
0x83: {  	[tilespmem:s1], [sflag:$0x1] =	stream.linear.gather [hbm4b:s29+s12], $0x80, $0x38;
	[tilespmem:$0x1C400] =	vst v63  }
0x84: {  	s1 =	sadd.s32 s4, s30;
	s29 =	sadd.s32 $0x4580, s13;
	s30 =	spop (v2sf);
	(v2sf) =	vpush v0, $0xB  }
0x85: {  	[tilespmem:s0], [sflag:$0x1] =	stream.linear.gather [hbm4b:s1+s12], $0x80, $0x38;
	[tilespmem:$0x1C400] =	vst v63  }
0x86: {  	s0 =	sand.u32 $0x1FFFFFF0, s31;
	s1 =	sand.u32 $0x1FFFFFF0, s30;
	s30 =	spop (v2sf);
	(v2sf) =	vpush v0, $0xC  }
0x87: {  	s0 =	sadd.s32 s4, s0;
	s30 =	sand.u32 $0x1FFFFFF0, s30;
	s31 =	spop (v2sf)  }
0x88: {  	[tilespmem:s28], [sflag:$0x1] =	stream.linear.gather [hbm4b:s0+s12], $0x80, $0x38;
	(v2sf) =	vpush v0, $0xD;
	[tilespmem:$0x1C400] =	vst v63  }
0x89: {  	s0 =	sadd.s32 s4, s30;
	s28 =	sand.u32 $0x1FFFFFF0, s31;
	s30 =	spop (v2sf)  }
0x8a: {  	[tilespmem:s29], [sflag:$0x1] =	stream.linear.gather [hbm4b:s0+s12], $0x80, $0x38;
	(v2sf) =	vpush v0, $0xE;
	[tilespmem:$0x1C400] =	vst v63  }
0x8b: {  	s0 =	sadd.s32 s4, s1;
	s1 =	sand.u32 $0x1FFFFFF0, s30;
	s29 =	spop (v2sf)  }
0x8c: {  	[tilespmem:s25], [sflag:$0x1] =	stream.linear.gather [hbm4b:s0+s12], $0x80, $0x38;
	(v2sf) =	vpush v0, $0xF;
	[tilespmem:$0x1C400] =	vst v63  }
0x8d: {  	s0 =	sadd.s32 s4, s28;
	s25 =	sand.u32 $0x1FFFFFF0, s29;
	s28 =	spop (v2sf)  }
0x8e: {  	[tilespmem:s24], [sflag:$0x1] =	stream.linear.gather [hbm4b:s0+s12], $0x80, $0x38;
	[tilespmem:$0x1C400] =	vst v63  }
0x8f: {  	s0 =	sadd.s32 s4, s1;
	s1 =	sand.u32 $0x1FFFFFF0, s28;
	s24 =	spop (v2sf)  }
0x90: {  	[tilespmem:s26], [sflag:$0x1] =	stream.linear.gather [hbm4b:s0+s12], $0x80, $0x38;
	[tilespmem:$0x1C400] =	vst v63  }
0x91: {  	s0 =	sadd.s32 s4, s25;
	s24 =	sand.u32 $0x1FFFFFF0, s24;
	s25 =	spop (v2sf)  }
0x92: {  	[tilespmem:s22], [sflag:$0x1] =	stream.linear.gather [hbm4b:s0+s12], $0x80, $0x38;
	[tilespmem:$0x1C400] =	vst v63  }
0x93: {  	s0 =	sadd.s32 s4, s1;
	s1 =	sand.u32 $0x1FFFFFF0, s25;
	s22 =	spop (v2sf)  }
0x94: {  	[tilespmem:s21], [sflag:$0x1] =	stream.linear.gather [hbm4b:s0+s12], $0x80, $0x38;
	[tilespmem:$0x1C400] =	vst v63  }
0x95: {  	s0 =	sadd.s32 s4, s24;
	s21 =	sand.u32 $0x1FFFFFF0, s22;
	s22 =	spop (v2sf)  }
0x96: {  	[tilespmem:s23], [sflag:$0x1] =	stream.linear.gather [hbm4b:s0+s12], $0x80, $0x38;
	[tilespmem:$0x1C400] =	vst v63  }
0x97: {  	s0 =	sadd.s32 s4, s1;
	s1 =	sand.u32 $0x1FFFFFF0, s22;
	s22 =	spop (v2sf)  }
0x98: {  	[tilespmem:s20], [sflag:$0x1] =	stream.linear.gather [hbm4b:s0+s12], $0x80, $0x38;
	[tilespmem:$0x1C400] =	vst v63  }
0x99: {  	s0 =	sadd.s32 s4, s21;
	s20 =	sand.u32 $0x1FFFFFF0, s22;
	s21 =	spop (v2sf)  }
0x9a: {  	[tilespmem:s19], [sflag:$0x1] =	stream.linear.gather [hbm4b:s0+s12], $0x80, $0x38;
	[tilespmem:$0x1C400] =	vst v63  }
0x9b: {  	s0 =	sadd.s32 s4, s1;
	s1 =	sand.u32 $0x1FFFFFF0, s21;
	s19 =	spop (v2sf)  }
0x9c: {  	[tilespmem:s17], [sflag:$0x1] =	stream.linear.gather [hbm4b:s0+s12], $0x80, $0x38;
	[tilespmem:$0x1C400] =	vst v63  }
0x9d: {  	s0 =	sadd.s32 s4, s20;
	s17 =	sand.u32 $0x1FFFFFF0, s19  }
0x9e: {  	[tilespmem:s18], [sflag:$0x1] =	stream.linear.gather [hbm4b:s0+s12], $0x80, $0x38;
	[tilespmem:$0x1C400] =	vst v63  }
0x9f: {  	s1 =	sadd.s32 s4, s1;
	s0 =	sadd.s32 $0x4B00, s13  }
0xa0: {  	[tilespmem:s0], [sflag:$0x1] =	stream.linear.gather [hbm4b:s1+s12], $0x80, $0x38;
	[tilespmem:$0x1C400] =	vst v63  }
0xa1: {  	s0 =	sadd.s32 $0x4B80, s13;
	s1 =	sadd.s32 s4, s17  }
0xa2: {  	[tilespmem:s0], [sflag:$0x1] =	stream.linear.gather [hbm4b:s1+s12], $0x80, $0x38;
	[tilespmem:$0x1C400] =	vst v63  }
0xa3: {  	v0 =	vld [tilespmem:s14+$0x0];
	_ =	sdelay $0x4  }
0xa4: {  	v0 =	vshll.u32 v0, $0x4  }
0xa5: {  	(v2sf) =	vpush v0, $0x0  }
0xa6: {  	(v2sf) =	vpush v0, $0x1  }
0xa7: {  	(v2sf) =	vpush v0, $0x2;
	_ =	sdelay $0x1  }
0xa8: {  	(v2sf) =	vpush v0, $0x4  }
.Ltmp1:
0xa9: {  	(pc) =	sbr.rel @p0 .LBB2_4-.Ltmp1, $3  }
0xaa: {  	(v2sf) =	vpush v0, $0x3  }
0xab: {  	(v2sf) =	vpush v0, $0x5;
	_ =	sdelay $0x1  }
0xac: {  	s13 =	sshra.s32 s16, $0x2;
	(v2sf) =	vpush v0, $0x6  }
0xad: {  	_ =	sdelay $0x1  }
0xae: {  	s0 =	sadd.s32 $0x4480, s13;
	s16 =	sadd.s32 $0x4980, s13  }
0xaf: {  	s1 =	sadd.s32 $0x4780, s13;
	s14 =	sadd.s32 $0x4A00, s13;
	(v2sf) =	vpush v0, $0x7;
	s17 =	sadd.s32 $0x4680, s13  }
0xb0: {  	s18 =	sadd.s32 $0x4800, s13;
	s15 =	sadd.s32 $0x4A80, s13;
	s19 =	sadd.s32 $0x4400, s13  }
0xb1: {  	s20 =	sadd.s32 $0x4600, s13;
	s21 =	sadd.s32 $0x4700, s13;
	(v2sf) =	vpush v0, $0x8;
	s22 =	spop (v2sf)  }
0xb2: {  	s23 =	sadd.s32 $0x4500, s13;
	s22 =	sand.u32 $0x1FFFFFF0, s22;
	s24 =	spop (v2sf)  }
0xb3: {  	(v2sf) =	vpush v0, $0x9;
	s22 =	sadd.s32 s4, s22;
	s24 =	sand.u32 $0x1FFFFFF0, s24;
	s25 =	spop (v2sf)  }
0xb4: {  	[tilespmem:s19], [sflag:$0x1] =	stream.linear.gather [hbm4b:s22+s12], $0x80, $0x38;
	[tilespmem:$0x1C400] =	vst v63  }
0xb5: {  	(v2sf) =	vpush v0, $0xA;
	s26 =	sadd.s32 s4, s24;
	s29 =	sand.u32 $0x1FFFFFF0, s25;
	s28 =	spop (v2sf)  }
0xb6: {  	[tilespmem:s0], [sflag:$0x1] =	stream.linear.gather [hbm4b:s26+s12], $0x80, $0x38;
	[tilespmem:$0x1C400] =	vst v63  }
0xb7: {  	s19 =	sadd.s32 $0x4900, s13;
	(v2sf) =	vpush v0, $0xB;
	s22 =	sadd.s32 s4, s29;
	s30 =	spop (v2sf)  }
0xb8: {  	s0 =	sadd.s32 $0x4880, s13;
	s26 =	sadd.s32 $0x4580, s13;
	s25 =	sand.u32 $0x1FFFFFF0, s30  }
0xb9: {  	(v2sf) =	vpush v0, $0xC;
	[tilespmem:s23], [sflag:$0x1] =	stream.linear.gather [hbm4b:s22+s12], $0x80, $0x38;
	[tilespmem:$0x1C400] =	vst v63  }
0xba: {  	s31 =	sand.u32 $0x1FFFFFF0, s28;
	s28 =	spop (v2sf);
	s29 =	sadd.s32 s4, s25  }
0xbb: {  	(v2sf) =	vpush v0, $0xD;
	[tilespmem:s26], [sflag:$0x1] =	stream.linear.gather [hbm4b:s29+s12], $0x80, $0x38;
	[tilespmem:$0x1C400] =	vst v63  }
0xbc: {  	s22 =	sadd.s32 s4, s31;
	s23 =	sand.u32 $0x1FFFFFF0, s28;
	s30 =	spop (v2sf)  }
0xbd: {  	(v2sf) =	vpush v0, $0xE;
	[tilespmem:s20], [sflag:$0x1] =	stream.linear.gather [hbm4b:s22+s12], $0x80, $0x38;
	[tilespmem:$0x1C400] =	vst v63  }
0xbe: {  	s23 =	sadd.s32 s4, s23;
	s31 =	sand.u32 $0x1FFFFFF0, s30;
	s24 =	spop (v2sf)  }
0xbf: {  	(v2sf) =	vpush v0, $0xF;
	[tilespmem:s17], [sflag:$0x1] =	stream.linear.gather [hbm4b:s23+s12], $0x80, $0x38;
	[tilespmem:$0x1C400] =	vst v63  }
0xc0: {  	s25 =	sand.u32 $0x1FFFFFF0, s24;
	s26 =	spop (v2sf);
	s20 =	sadd.s32 s4, s31  }
0xc1: {  	[tilespmem:s21], [sflag:$0x1] =	stream.linear.gather [hbm4b:s20+s12], $0x80, $0x38;
	[tilespmem:$0x1C400] =	vst v63  }
0xc2: {  	s28 =	sand.u32 $0x1FFFFFF0, s26;
	s17 =	sadd.s32 s4, s25;
	s29 =	spop (v2sf)  }
0xc3: {  	[tilespmem:s1], [sflag:$0x1] =	stream.linear.gather [hbm4b:s17+s12], $0x80, $0x38;
	[tilespmem:$0x1C400] =	vst v63  }
0xc4: {  	s20 =	sadd.s32 s4, s28;
	s30 =	sand.u32 $0x1FFFFFF0, s29;
	s31 =	spop (v2sf)  }
0xc5: {  	[tilespmem:s18], [sflag:$0x1] =	stream.linear.gather [hbm4b:s20+s12], $0x80, $0x38;
	[tilespmem:$0x1C400] =	vst v63  }
0xc6: {  	s17 =	sand.u32 $0x1FFFFFF0, s31;
	s1 =	sadd.s32 s4, s30;
	s20 =	spop (v2sf)  }
0xc7: {  	[tilespmem:s0], [sflag:$0x1] =	stream.linear.gather [hbm4b:s1+s12], $0x80, $0x38;
	[tilespmem:$0x1C400] =	vst v63  }
0xc8: {  	s17 =	sadd.s32 s4, s17;
	s21 =	sand.u32 $0x1FFFFFF0, s20;
	s22 =	spop (v2sf)  }
0xc9: {  	[tilespmem:s19], [sflag:$0x1] =	stream.linear.gather [hbm4b:s17+s12], $0x80, $0x38;
	[tilespmem:$0x1C400] =	vst v63  }
0xca: {  	s0 =	sadd.s32 s4, s21;
	s1 =	sand.u32 $0x1FFFFFF0, s22;
	s23 =	spop (v2sf)  }
0xcb: {  	[tilespmem:s16], [sflag:$0x1] =	stream.linear.gather [hbm4b:s0+s12], $0x80, $0x38;
	[tilespmem:$0x1C400] =	vst v63  }
0xcc: {  	s24 =	sand.u32 $0x1FFFFFF0, s23;
	s1 =	sadd.s32 s4, s1;
	s25 =	spop (v2sf)  }
0xcd: {  	[tilespmem:s14], [sflag:$0x1] =	stream.linear.gather [hbm4b:s1+s12], $0x80, $0x38;
	[tilespmem:$0x1C400] =	vst v63  }
0xce: {  	s26 =	sand.u32 $0x1FFFFFF0, s25;
	s28 =	spop (v2sf);
	s0 =	sadd.s32 s4, s24  }
0xcf: {  	[tilespmem:s15], [sflag:$0x1] =	stream.linear.gather [hbm4b:s0+s12], $0x80, $0x38;
	[tilespmem:$0x1C400] =	vst v63  }
0xd0: {  	s30 =	sadd.s32 $0x4B00, s13;
	s29 =	sand.u32 $0x1FFFFFF0, s28;
	s1 =	sadd.s32 s4, s26  }
0xd1: {  	[tilespmem:s30], [sflag:$0x1] =	stream.linear.gather [hbm4b:s1+s12], $0x80, $0x38;
	[tilespmem:$0x1C400] =	vst v63  }
0xd2: {  	s31 =	sadd.s32 $0x4B80, s13;
	s14 =	simm.s32 $0x100;
	s0 =	sadd.s32 s4, s29  }
0xd3: {  	[tilespmem:s31], [sflag:$0x1] =	stream.linear.gather [hbm4b:s0+s12], $0x80, $0x38;
	[tilespmem:$0x1C400] =	vst v63  }
0xd4: {  	v0 =	vld [tilespmem:s14+$0x0];
	_ =	sdelay $0x4  }
0xd5: {  	v0 =	vshll.u32 v0, $0x4  }
0xd6: {  	(v2sf) =	vpush v0, $0x0  }
0xd7: {  	(v2sf) =	vpush v0, $0x1  }
0xd8: {  	(v2sf) =	vpush v0, $0x2;
	_ =	sdelay $0x1  }
0xd9: {  	(v2sf) =	vpush v0, $0x4;
	_ =	sdelay $0x1  }
0xda: {  	(v2sf) =	vpush v0, $0x3  }
0xdb: {  	(v2sf) =	vpush v0, $0x5  }
0xdc: {  	s13 =	simm.s32 $0x0;
	s15 =	simm.s32 $0x2000;
	(v2sf) =	vpush v0, $0x6  }
.LBB2_6:
0xdd: {  	p0 =	sne.s32 s15, $0xE000  }
0xde: {  	s0 =	sadd.s32 $0x8480, s13;
	s19 =	sadd.s32 $0x8980, s13;
	s16 =	smov.u32 s15  }
0xdf: {  	s15 =	sadd.s32 $0x2000, s15;
	s22 =	sadd.s32 $0x8780, s13;
	s17 =	sadd.s32 $0x8A00, s13;
	(v2sf) =	vpush v0, $0x7  }
0xe0: {  	s24 =	sadd.s32 $0x8680, s13;
	s20 =	sadd.s32 $0x8800, s13;
	s18 =	sadd.s32 $0x8A80, s13  }
0xe1: {  	s1 =	sadd.s32 $0x8400, s13;
	s25 =	sadd.s32 $0x8600, s13;
	(v2sf) =	vpush v0, $0x8  }
0xe2: {  	s12 =	simm.s32 $0x0;
	s26 =	sadd.s32 $0x8700, s13;
	s14 =	sadd.s32 $0x10, s14  }
0xe3: {  	s28 =	sadd.s32 $0x8500, s13;
	s21 =	sadd.s32 $0x8900, s13;
	s23 =	spop (v2sf);
	(v2sf) =	vpush v0, $0x9  }
0xe4: {  	s29 =	sand.u32 $0x1FFFFFF0, s23;
	s23 =	sadd.s32 $0x8880, s13;
	s30 =	spop (v2sf)  }
0xe5: {  	s29 =	sadd.s32 s4, s29;
	s30 =	sand.u32 $0x1FFFFFF0, s30;
	s31 =	spop (v2sf);
	(v2sf) =	vpush v0, $0xA  }
0xe6: {  	[tilespmem:s1], [sflag:$0x1] =	stream.linear.gather [hbm4b:s29+s12], $0x80, $0x38;
	[tilespmem:$0x1C400] =	vst v63  }
0xe7: {  	s1 =	sadd.s32 s4, s30;
	s29 =	sadd.s32 $0x8580, s13;
	s30 =	spop (v2sf);
	(v2sf) =	vpush v0, $0xB  }
0xe8: {  	[tilespmem:s0], [sflag:$0x1] =	stream.linear.gather [hbm4b:s1+s12], $0x80, $0x38;
	[tilespmem:$0x1C400] =	vst v63  }
0xe9: {  	s0 =	sand.u32 $0x1FFFFFF0, s31;
	s1 =	sand.u32 $0x1FFFFFF0, s30;
	s30 =	spop (v2sf);
	(v2sf) =	vpush v0, $0xC  }
0xea: {  	s0 =	sadd.s32 s4, s0;
	s30 =	sand.u32 $0x1FFFFFF0, s30;
	s31 =	spop (v2sf)  }
0xeb: {  	[tilespmem:s28], [sflag:$0x1] =	stream.linear.gather [hbm4b:s0+s12], $0x80, $0x38;
	(v2sf) =	vpush v0, $0xD;
	[tilespmem:$0x1C400] =	vst v63  }
0xec: {  	s0 =	sadd.s32 s4, s30;
	s28 =	sand.u32 $0x1FFFFFF0, s31;
	s30 =	spop (v2sf)  }
0xed: {  	[tilespmem:s29], [sflag:$0x1] =	stream.linear.gather [hbm4b:s0+s12], $0x80, $0x38;
	(v2sf) =	vpush v0, $0xE;
	[tilespmem:$0x1C400] =	vst v63  }
0xee: {  	s0 =	sadd.s32 s4, s1;
	s1 =	sand.u32 $0x1FFFFFF0, s30;
	s29 =	spop (v2sf)  }
0xef: {  	[tilespmem:s25], [sflag:$0x1] =	stream.linear.gather [hbm4b:s0+s12], $0x80, $0x38;
	(v2sf) =	vpush v0, $0xF;
	[tilespmem:$0x1C400] =	vst v63  }
0xf0: {  	s0 =	sadd.s32 s4, s28;
	s25 =	sand.u32 $0x1FFFFFF0, s29;
	s28 =	spop (v2sf)  }
0xf1: {  	[tilespmem:s24], [sflag:$0x1] =	stream.linear.gather [hbm4b:s0+s12], $0x80, $0x38;
	[tilespmem:$0x1C400] =	vst v63  }
0xf2: {  	s0 =	sadd.s32 s4, s1;
	s1 =	sand.u32 $0x1FFFFFF0, s28;
	s24 =	spop (v2sf)  }
0xf3: {  	[tilespmem:s26], [sflag:$0x1] =	stream.linear.gather [hbm4b:s0+s12], $0x80, $0x38;
	[tilespmem:$0x1C400] =	vst v63  }
0xf4: {  	s0 =	sadd.s32 s4, s25;
	s24 =	sand.u32 $0x1FFFFFF0, s24;
	s25 =	spop (v2sf)  }
0xf5: {  	[tilespmem:s22], [sflag:$0x1] =	stream.linear.gather [hbm4b:s0+s12], $0x80, $0x38;
	[tilespmem:$0x1C400] =	vst v63  }
0xf6: {  	s0 =	sadd.s32 s4, s1;
	s1 =	sand.u32 $0x1FFFFFF0, s25;
	s22 =	spop (v2sf)  }
0xf7: {  	[tilespmem:s20], [sflag:$0x1] =	stream.linear.gather [hbm4b:s0+s12], $0x80, $0x38;
	[tilespmem:$0x1C400] =	vst v63  }
0xf8: {  	s0 =	sadd.s32 s4, s24;
	s20 =	sand.u32 $0x1FFFFFF0, s22;
	s22 =	spop (v2sf)  }
0xf9: {  	[tilespmem:s23], [sflag:$0x1] =	stream.linear.gather [hbm4b:s0+s12], $0x80, $0x38;
	[tilespmem:$0x1C400] =	vst v63  }
0xfa: {  	s0 =	sadd.s32 s4, s1;
	s1 =	sand.u32 $0x1FFFFFF0, s22;
	s22 =	spop (v2sf)  }
0xfb: {  	[tilespmem:s21], [sflag:$0x1] =	stream.linear.gather [hbm4b:s0+s12], $0x80, $0x38;
	[tilespmem:$0x1C400] =	vst v63  }
0xfc: {  	s0 =	sadd.s32 s4, s20;
	s20 =	sand.u32 $0x1FFFFFF0, s22;
	s21 =	spop (v2sf)  }
0xfd: {  	[tilespmem:s19], [sflag:$0x1] =	stream.linear.gather [hbm4b:s0+s12], $0x80, $0x38;
	[tilespmem:$0x1C400] =	vst v63  }
0xfe: {  	s0 =	sadd.s32 s4, s1;
	s1 =	sand.u32 $0x1FFFFFF0, s21;
	s19 =	spop (v2sf)  }
0xff: {  	[tilespmem:s17], [sflag:$0x1] =	stream.linear.gather [hbm4b:s0+s12], $0x80, $0x38;
	[tilespmem:$0x1C400] =	vst v63  }
0x100: {  	s0 =	sadd.s32 s4, s20;
	s17 =	sand.u32 $0x1FFFFFF0, s19  }
0x101: {  	[tilespmem:s18], [sflag:$0x1] =	stream.linear.gather [hbm4b:s0+s12], $0x80, $0x38;
	[tilespmem:$0x1C400] =	vst v63  }
0x102: {  	s1 =	sadd.s32 s4, s1;
	s0 =	sadd.s32 $0x8B00, s13  }
0x103: {  	[tilespmem:s0], [sflag:$0x1] =	stream.linear.gather [hbm4b:s1+s12], $0x80, $0x38;
	[tilespmem:$0x1C400] =	vst v63  }
0x104: {  	s0 =	sadd.s32 $0x8B80, s13;
	s1 =	sadd.s32 s4, s17  }
0x105: {  	[tilespmem:s0], [sflag:$0x1] =	stream.linear.gather [hbm4b:s1+s12], $0x80, $0x38;
	[tilespmem:$0x1C400] =	vst v63  }
0x106: {  	v0 =	vld [tilespmem:s14+$0x0];
	_ =	sdelay $0x4  }
0x107: {  	v0 =	vshll.u32 v0, $0x4  }
0x108: {  	(v2sf) =	vpush v0, $0x0  }
0x109: {  	(v2sf) =	vpush v0, $0x1  }
0x10a: {  	(v2sf) =	vpush v0, $0x2;
	_ =	sdelay $0x1  }
0x10b: {  	(v2sf) =	vpush v0, $0x4  }
.Ltmp2:
0x10c: {  	(pc) =	sbr.rel @p0 .LBB2_6-.Ltmp2, $3  }
0x10d: {  	(v2sf) =	vpush v0, $0x3  }
0x10e: {  	(v2sf) =	vpush v0, $0x5;
	_ =	sdelay $0x1  }
0x10f: {  	s13 =	sshra.s32 s16, $0x2;
	(v2sf) =	vpush v0, $0x6  }
0x110: {  	_ =	sdelay $0x1  }
0x111: {  	s0 =	sadd.s32 $0x8480, s13;
	s16 =	sadd.s32 $0x8980, s13  }
0x112: {  	s1 =	sadd.s32 $0x8780, s13;
	s14 =	sadd.s32 $0x8A00, s13;
	(v2sf) =	vpush v0, $0x7;
	s17 =	sadd.s32 $0x8680, s13  }
0x113: {  	s18 =	sadd.s32 $0x8800, s13;
	s15 =	sadd.s32 $0x8A80, s13;
	s19 =	sadd.s32 $0x8400, s13  }
0x114: {  	s20 =	sadd.s32 $0x8600, s13;
	s21 =	sadd.s32 $0x8700, s13;
	(v2sf) =	vpush v0, $0x8;
	s22 =	spop (v2sf)  }
0x115: {  	s23 =	sadd.s32 $0x8500, s13;
	s22 =	sand.u32 $0x1FFFFFF0, s22;
	s24 =	spop (v2sf)  }
0x116: {  	(v2sf) =	vpush v0, $0x9;
	s22 =	sadd.s32 s4, s22;
	s24 =	sand.u32 $0x1FFFFFF0, s24;
	s25 =	spop (v2sf)  }
0x117: {  	[tilespmem:s19], [sflag:$0x1] =	stream.linear.gather [hbm4b:s22+s12], $0x80, $0x38;
	[tilespmem:$0x1C400] =	vst v63  }
0x118: {  	(v2sf) =	vpush v0, $0xA;
	s26 =	sadd.s32 s4, s24;
	s29 =	sand.u32 $0x1FFFFFF0, s25;
	s28 =	spop (v2sf)  }
0x119: {  	[tilespmem:s0], [sflag:$0x1] =	stream.linear.gather [hbm4b:s26+s12], $0x80, $0x38;
	[tilespmem:$0x1C400] =	vst v63  }
0x11a: {  	s19 =	sadd.s32 $0x8900, s13;
	(v2sf) =	vpush v0, $0xB;
	s22 =	sadd.s32 s4, s29;
	s30 =	spop (v2sf)  }
0x11b: {  	s0 =	sadd.s32 $0x8880, s13;
	s26 =	sadd.s32 $0x8580, s13;
	s25 =	sand.u32 $0x1FFFFFF0, s30  }
0x11c: {  	(v2sf) =	vpush v0, $0xC;
	[tilespmem:s23], [sflag:$0x1] =	stream.linear.gather [hbm4b:s22+s12], $0x80, $0x38;
	[tilespmem:$0x1C400] =	vst v63  }
0x11d: {  	s31 =	sand.u32 $0x1FFFFFF0, s28;
	s28 =	spop (v2sf);
	s29 =	sadd.s32 s4, s25  }
0x11e: {  	(v2sf) =	vpush v0, $0xD;
	[tilespmem:s26], [sflag:$0x1] =	stream.linear.gather [hbm4b:s29+s12], $0x80, $0x38;
	[tilespmem:$0x1C400] =	vst v63  }
0x11f: {  	s22 =	sadd.s32 s4, s31;
	s23 =	sand.u32 $0x1FFFFFF0, s28;
	s30 =	spop (v2sf)  }
0x120: {  	(v2sf) =	vpush v0, $0xE;
	[tilespmem:s20], [sflag:$0x1] =	stream.linear.gather [hbm4b:s22+s12], $0x80, $0x38;
	[tilespmem:$0x1C400] =	vst v63  }
0x121: {  	s23 =	sadd.s32 s4, s23;
	s31 =	sand.u32 $0x1FFFFFF0, s30;
	s24 =	spop (v2sf)  }
0x122: {  	(v2sf) =	vpush v0, $0xF;
	[tilespmem:s17], [sflag:$0x1] =	stream.linear.gather [hbm4b:s23+s12], $0x80, $0x38;
	[tilespmem:$0x1C400] =	vst v63  }
0x123: {  	s25 =	sand.u32 $0x1FFFFFF0, s24;
	s26 =	spop (v2sf);
	s20 =	sadd.s32 s4, s31  }
0x124: {  	[tilespmem:s21], [sflag:$0x1] =	stream.linear.gather [hbm4b:s20+s12], $0x80, $0x38;
	[tilespmem:$0x1C400] =	vst v63  }
0x125: {  	s28 =	sand.u32 $0x1FFFFFF0, s26;
	s17 =	sadd.s32 s4, s25;
	s29 =	spop (v2sf)  }
0x126: {  	[tilespmem:s1], [sflag:$0x1] =	stream.linear.gather [hbm4b:s17+s12], $0x80, $0x38;
	[tilespmem:$0x1C400] =	vst v63  }
0x127: {  	s20 =	sadd.s32 s4, s28;
	s30 =	sand.u32 $0x1FFFFFF0, s29;
	s31 =	spop (v2sf)  }
0x128: {  	[tilespmem:s18], [sflag:$0x1] =	stream.linear.gather [hbm4b:s20+s12], $0x80, $0x38;
	[tilespmem:$0x1C400] =	vst v63  }
0x129: {  	s17 =	sand.u32 $0x1FFFFFF0, s31;
	s1 =	sadd.s32 s4, s30;
	s20 =	spop (v2sf)  }
0x12a: {  	[tilespmem:s0], [sflag:$0x1] =	stream.linear.gather [hbm4b:s1+s12], $0x80, $0x38;
	[tilespmem:$0x1C400] =	vst v63  }
0x12b: {  	s17 =	sadd.s32 s4, s17;
	s21 =	sand.u32 $0x1FFFFFF0, s20;
	s22 =	spop (v2sf)  }
0x12c: {  	[tilespmem:s19], [sflag:$0x1] =	stream.linear.gather [hbm4b:s17+s12], $0x80, $0x38;
	[tilespmem:$0x1C400] =	vst v63  }
0x12d: {  	s0 =	sadd.s32 s4, s21;
	s1 =	sand.u32 $0x1FFFFFF0, s22;
	s23 =	spop (v2sf)  }
0x12e: {  	[tilespmem:s16], [sflag:$0x1] =	stream.linear.gather [hbm4b:s0+s12], $0x80, $0x38;
	[tilespmem:$0x1C400] =	vst v63  }
0x12f: {  	s24 =	sand.u32 $0x1FFFFFF0, s23;
	s1 =	sadd.s32 s4, s1;
	s25 =	spop (v2sf)  }
0x130: {  	[tilespmem:s14], [sflag:$0x1] =	stream.linear.gather [hbm4b:s1+s12], $0x80, $0x38;
	[tilespmem:$0x1C400] =	vst v63  }
0x131: {  	s26 =	sand.u32 $0x1FFFFFF0, s25;
	s28 =	spop (v2sf);
	s0 =	sadd.s32 s4, s24  }
0x132: {  	[tilespmem:s15], [sflag:$0x1] =	stream.linear.gather [hbm4b:s0+s12], $0x80, $0x38;
	[tilespmem:$0x1C400] =	vst v63  }
0x133: {  	s30 =	sadd.s32 $0x8B00, s13;
	s29 =	sand.u32 $0x1FFFFFF0, s28;
	s1 =	sadd.s32 s4, s26  }
0x134: {  	[tilespmem:s30], [sflag:$0x1] =	stream.linear.gather [hbm4b:s1+s12], $0x80, $0x38;
	[tilespmem:$0x1C400] =	vst v63  }
0x135: {  	s31 =	sadd.s32 $0x8B80, s13;
	s14 =	simm.s32 $0x180;
	s0 =	sadd.s32 s4, s29  }
0x136: {  	[tilespmem:s31], [sflag:$0x1] =	stream.linear.gather [hbm4b:s0+s12], $0x80, $0x38;
	[tilespmem:$0x1C400] =	vst v63  }
0x137: {  	v0 =	vld [tilespmem:s14+$0x0];
	_ =	sdelay $0x4  }
0x138: {  	v0 =	vshll.u32 v0, $0x4  }
0x139: {  	(v2sf) =	vpush v0, $0x0  }
0x13a: {  	(v2sf) =	vpush v0, $0x1  }
0x13b: {  	(v2sf) =	vpush v0, $0x2;
	_ =	sdelay $0x1  }
0x13c: {  	(v2sf) =	vpush v0, $0x4;
	_ =	sdelay $0x1  }
0x13d: {  	(v2sf) =	vpush v0, $0x3  }
0x13e: {  	(v2sf) =	vpush v0, $0x5  }
0x13f: {  	s13 =	simm.s32 $0x0;
	s15 =	simm.s32 $0x2000;
	(v2sf) =	vpush v0, $0x6  }
.LBB2_8:
0x140: {  	p0 =	sne.s32 s15, $0xE000  }
0x141: {  	s0 =	sadd.s32 $0xC480, s13;
	s19 =	sadd.s32 $0xC980, s13;
	s16 =	smov.u32 s15  }
0x142: {  	s15 =	sadd.s32 $0x2000, s15;
	s22 =	sadd.s32 $0xC780, s13;
	s17 =	sadd.s32 $0xCA00, s13;
	(v2sf) =	vpush v0, $0x7  }
0x143: {  	s24 =	sadd.s32 $0xC680, s13;
	s21 =	sadd.s32 $0xC800, s13;
	s18 =	sadd.s32 $0xCA80, s13  }
0x144: {  	s1 =	sadd.s32 $0xC400, s13;
	s25 =	sadd.s32 $0xC600, s13;
	(v2sf) =	vpush v0, $0x8  }
0x145: {  	s26 =	sadd.s32 $0xC700, s13;
	s14 =	sadd.s32 $0x10, s14  }
0x146: {  	s28 =	sadd.s32 $0xC500, s13;
	s20 =	sadd.s32 $0xC900, s13;
	s23 =	spop (v2sf);
	(v2sf) =	vpush v0, $0x9  }
0x147: {  	s29 =	sand.u32 $0x1FFFFFF0, s23;
	s23 =	sadd.s32 $0xC880, s13;
	s30 =	spop (v2sf)  }
0x148: {  	s29 =	sadd.s32 s4, s29;
	s30 =	sand.u32 $0x1FFFFFF0, s30;
	s31 =	spop (v2sf);
	(v2sf) =	vpush v0, $0xA  }
0x149: {  	[tilespmem:s1], [sflag:$0x1] =	stream.linear.gather [hbm4b:s29+s12], $0x80, $0x38;
	[tilespmem:$0x1C400] =	vst v63  }
0x14a: {  	s1 =	sadd.s32 s4, s30;
	s29 =	sadd.s32 $0xC580, s13;
	s30 =	spop (v2sf);
	(v2sf) =	vpush v0, $0xB  }
0x14b: {  	[tilespmem:s0], [sflag:$0x1] =	stream.linear.gather [hbm4b:s1+s12], $0x80, $0x38;
	[tilespmem:$0x1C400] =	vst v63  }
0x14c: {  	s0 =	sand.u32 $0x1FFFFFF0, s31;
	s1 =	sand.u32 $0x1FFFFFF0, s30;
	s30 =	spop (v2sf);
	(v2sf) =	vpush v0, $0xC  }
0x14d: {  	s0 =	sadd.s32 s4, s0;
	s30 =	sand.u32 $0x1FFFFFF0, s30;
	s31 =	spop (v2sf)  }
0x14e: {  	[tilespmem:s28], [sflag:$0x1] =	stream.linear.gather [hbm4b:s0+s12], $0x80, $0x38;
	(v2sf) =	vpush v0, $0xD;
	[tilespmem:$0x1C400] =	vst v63  }
0x14f: {  	s0 =	sadd.s32 s4, s30;
	s28 =	sand.u32 $0x1FFFFFF0, s31;
	s30 =	spop (v2sf)  }
0x150: {  	[tilespmem:s29], [sflag:$0x1] =	stream.linear.gather [hbm4b:s0+s12], $0x80, $0x38;
	(v2sf) =	vpush v0, $0xE;
	[tilespmem:$0x1C400] =	vst v63  }
0x151: {  	s0 =	sadd.s32 s4, s1;
	s1 =	sand.u32 $0x1FFFFFF0, s30;
	s29 =	spop (v2sf)  }
0x152: {  	[tilespmem:s25], [sflag:$0x1] =	stream.linear.gather [hbm4b:s0+s12], $0x80, $0x38;
	(v2sf) =	vpush v0, $0xF;
	[tilespmem:$0x1C400] =	vst v63  }
0x153: {  	s0 =	sadd.s32 s4, s28;
	s25 =	sand.u32 $0x1FFFFFF0, s29;
	s28 =	spop (v2sf)  }
0x154: {  	[tilespmem:s24], [sflag:$0x1] =	stream.linear.gather [hbm4b:s0+s12], $0x80, $0x38;
	[tilespmem:$0x1C400] =	vst v63  }
0x155: {  	s0 =	sadd.s32 s4, s1;
	s1 =	sand.u32 $0x1FFFFFF0, s28;
	s24 =	spop (v2sf)  }
0x156: {  	[tilespmem:s26], [sflag:$0x1] =	stream.linear.gather [hbm4b:s0+s12], $0x80, $0x38;
	[tilespmem:$0x1C400] =	vst v63  }
0x157: {  	s0 =	sadd.s32 s4, s25;
	s24 =	sand.u32 $0x1FFFFFF0, s24;
	s25 =	spop (v2sf)  }
0x158: {  	[tilespmem:s22], [sflag:$0x1] =	stream.linear.gather [hbm4b:s0+s12], $0x80, $0x38;
	[tilespmem:$0x1C400] =	vst v63  }
0x159: {  	s0 =	sadd.s32 s4, s1;
	s1 =	sand.u32 $0x1FFFFFF0, s25;
	s22 =	spop (v2sf)  }
0x15a: {  	[tilespmem:s21], [sflag:$0x1] =	stream.linear.gather [hbm4b:s0+s12], $0x80, $0x38;
	[tilespmem:$0x1C400] =	vst v63  }
0x15b: {  	s0 =	sadd.s32 s4, s24;
	s21 =	sand.u32 $0x1FFFFFF0, s22;
	s22 =	spop (v2sf)  }
0x15c: {  	[tilespmem:s23], [sflag:$0x1] =	stream.linear.gather [hbm4b:s0+s12], $0x80, $0x38;
	[tilespmem:$0x1C400] =	vst v63  }
0x15d: {  	s0 =	sadd.s32 s4, s1;
	s1 =	sand.u32 $0x1FFFFFF0, s22;
	s22 =	spop (v2sf)  }
0x15e: {  	[tilespmem:s20], [sflag:$0x1] =	stream.linear.gather [hbm4b:s0+s12], $0x80, $0x38;
	[tilespmem:$0x1C400] =	vst v63  }
0x15f: {  	s0 =	sadd.s32 s4, s21;
	s20 =	sand.u32 $0x1FFFFFF0, s22;
	s21 =	spop (v2sf)  }
0x160: {  	[tilespmem:s19], [sflag:$0x1] =	stream.linear.gather [hbm4b:s0+s12], $0x80, $0x38;
	[tilespmem:$0x1C400] =	vst v63  }
0x161: {  	s0 =	sadd.s32 s4, s1;
	s1 =	sand.u32 $0x1FFFFFF0, s21;
	s19 =	spop (v2sf)  }
0x162: {  	[tilespmem:s17], [sflag:$0x1] =	stream.linear.gather [hbm4b:s0+s12], $0x80, $0x38;
	[tilespmem:$0x1C400] =	vst v63  }
0x163: {  	s0 =	sadd.s32 s4, s20;
	s17 =	sand.u32 $0x1FFFFFF0, s19  }
0x164: {  	[tilespmem:s18], [sflag:$0x1] =	stream.linear.gather [hbm4b:s0+s12], $0x80, $0x38;
	[tilespmem:$0x1C400] =	vst v63  }
0x165: {  	s1 =	sadd.s32 s4, s1;
	s0 =	sadd.s32 $0xCB00, s13  }
0x166: {  	[tilespmem:s0], [sflag:$0x1] =	stream.linear.gather [hbm4b:s1+s12], $0x80, $0x38;
	[tilespmem:$0x1C400] =	vst v63  }
0x167: {  	s0 =	sadd.s32 $0xCB80, s13;
	s1 =	sadd.s32 s4, s17  }
0x168: {  	[tilespmem:s0], [sflag:$0x1] =	stream.linear.gather [hbm4b:s1+s12], $0x80, $0x38;
	[tilespmem:$0x1C400] =	vst v63  }
0x169: {  	v0 =	vld [tilespmem:s14+$0x0];
	_ =	sdelay $0x4  }
0x16a: {  	v0 =	vshll.u32 v0, $0x4  }
0x16b: {  	(v2sf) =	vpush v0, $0x0  }
0x16c: {  	(v2sf) =	vpush v0, $0x1  }
0x16d: {  	(v2sf) =	vpush v0, $0x2;
	_ =	sdelay $0x1  }
0x16e: {  	(v2sf) =	vpush v0, $0x4  }
.Ltmp3:
0x16f: {  	(pc) =	sbr.rel @p0 .LBB2_8-.Ltmp3, $3  }
0x170: {  	(v2sf) =	vpush v0, $0x3  }
0x171: {  	(v2sf) =	vpush v0, $0x5;
	_ =	sdelay $0x1  }
0x172: {  	s13 =	sshra.s32 s16, $0x2;
	(v2sf) =	vpush v0, $0x6  }
0x173: {  	_ =	sdelay $0x1  }
0x174: {  	s0 =	sadd.s32 $0xC480, s13;
	s16 =	sadd.s32 $0xC980, s13  }
0x175: {  	s1 =	sadd.s32 $0xC780, s13;
	s14 =	sadd.s32 $0xCA00, s13;
	(v2sf) =	vpush v0, $0x7;
	s17 =	sadd.s32 $0xC680, s13  }
0x176: {  	s18 =	sadd.s32 $0xC800, s13;
	s15 =	sadd.s32 $0xCA80, s13;
	s19 =	sadd.s32 $0xC400, s13  }
0x177: {  	s20 =	sadd.s32 $0xC600, s13;
	s21 =	sadd.s32 $0xC700, s13;
	(v2sf) =	vpush v0, $0x8;
	s22 =	spop (v2sf)  }
0x178: {  	s23 =	sadd.s32 $0xC500, s13;
	s22 =	sand.u32 $0x1FFFFFF0, s22;
	s24 =	spop (v2sf)  }
0x179: {  	(v2sf) =	vpush v0, $0x9;
	s22 =	sadd.s32 s4, s22;
	s24 =	sand.u32 $0x1FFFFFF0, s24;
	s25 =	spop (v2sf)  }
0x17a: {  	[tilespmem:s19], [sflag:$0x1] =	stream.linear.gather [hbm4b:s22+s12], $0x80, $0x38;
	[tilespmem:$0x1C400] =	vst v63  }
0x17b: {  	(v2sf) =	vpush v0, $0xA;
	s26 =	sadd.s32 s4, s24;
	s29 =	sand.u32 $0x1FFFFFF0, s25;
	s28 =	spop (v2sf)  }
0x17c: {  	[tilespmem:s0], [sflag:$0x1] =	stream.linear.gather [hbm4b:s26+s12], $0x80, $0x38;
	[tilespmem:$0x1C400] =	vst v63  }
0x17d: {  	s19 =	sadd.s32 $0xC900, s13;
	(v2sf) =	vpush v0, $0xB;
	s22 =	sadd.s32 s4, s29;
	s30 =	spop (v2sf)  }
0x17e: {  	s0 =	sadd.s32 $0xC880, s13;
	s26 =	sadd.s32 $0xC580, s13;
	s25 =	sand.u32 $0x1FFFFFF0, s30  }
0x17f: {  	(v2sf) =	vpush v0, $0xC;
	[tilespmem:s23], [sflag:$0x1] =	stream.linear.gather [hbm4b:s22+s12], $0x80, $0x38;
	[tilespmem:$0x1C400] =	vst v63  }
0x180: {  	s31 =	sand.u32 $0x1FFFFFF0, s28;
	s28 =	spop (v2sf);
	s29 =	sadd.s32 s4, s25  }
0x181: {  	(v2sf) =	vpush v0, $0xD;
	[tilespmem:s26], [sflag:$0x1] =	stream.linear.gather [hbm4b:s29+s12], $0x80, $0x38;
	[tilespmem:$0x1C400] =	vst v63  }
0x182: {  	s22 =	sadd.s32 s4, s31;
	s23 =	sand.u32 $0x1FFFFFF0, s28;
	s30 =	spop (v2sf)  }
0x183: {  	(v2sf) =	vpush v0, $0xE;
	[tilespmem:s20], [sflag:$0x1] =	stream.linear.gather [hbm4b:s22+s12], $0x80, $0x38;
	[tilespmem:$0x1C400] =	vst v63  }
0x184: {  	s23 =	sadd.s32 s4, s23;
	s31 =	sand.u32 $0x1FFFFFF0, s30;
	s24 =	spop (v2sf)  }
0x185: {  	(v2sf) =	vpush v0, $0xF;
	[tilespmem:s17], [sflag:$0x1] =	stream.linear.gather [hbm4b:s23+s12], $0x80, $0x38;
	[tilespmem:$0x1C400] =	vst v63  }
0x186: {  	s25 =	sand.u32 $0x1FFFFFF0, s24;
	s26 =	spop (v2sf);
	s20 =	sadd.s32 s4, s31  }
0x187: {  	[tilespmem:s21], [sflag:$0x1] =	stream.linear.gather [hbm4b:s20+s12], $0x80, $0x38;
	[tilespmem:$0x1C400] =	vst v63  }
0x188: {  	s28 =	sand.u32 $0x1FFFFFF0, s26;
	s17 =	sadd.s32 s4, s25;
	s29 =	spop (v2sf)  }
0x189: {  	[tilespmem:s1], [sflag:$0x1] =	stream.linear.gather [hbm4b:s17+s12], $0x80, $0x38;
	[tilespmem:$0x1C400] =	vst v63  }
0x18a: {  	s20 =	sadd.s32 s4, s28;
	s30 =	sand.u32 $0x1FFFFFF0, s29;
	s31 =	spop (v2sf)  }
0x18b: {  	[tilespmem:s18], [sflag:$0x1] =	stream.linear.gather [hbm4b:s20+s12], $0x80, $0x38;
	[tilespmem:$0x1C400] =	vst v63  }
0x18c: {  	s17 =	sand.u32 $0x1FFFFFF0, s31;
	s1 =	sadd.s32 s4, s30;
	s20 =	spop (v2sf)  }
0x18d: {  	[tilespmem:s0], [sflag:$0x1] =	stream.linear.gather [hbm4b:s1+s12], $0x80, $0x38;
	[tilespmem:$0x1C400] =	vst v63  }
0x18e: {  	s17 =	sadd.s32 s4, s17;
	s21 =	sand.u32 $0x1FFFFFF0, s20;
	s22 =	spop (v2sf)  }
0x18f: {  	[tilespmem:s19], [sflag:$0x1] =	stream.linear.gather [hbm4b:s17+s12], $0x80, $0x38;
	[tilespmem:$0x1C400] =	vst v63  }
0x190: {  	s0 =	sadd.s32 s4, s21;
	s1 =	sand.u32 $0x1FFFFFF0, s22;
	s23 =	spop (v2sf)  }
0x191: {  	[tilespmem:s16], [sflag:$0x1] =	stream.linear.gather [hbm4b:s0+s12], $0x80, $0x38;
	[tilespmem:$0x1C400] =	vst v63  }
0x192: {  	s24 =	sand.u32 $0x1FFFFFF0, s23;
	s1 =	sadd.s32 s4, s1;
	s25 =	spop (v2sf)  }
0x193: {  	[tilespmem:s14], [sflag:$0x1] =	stream.linear.gather [hbm4b:s1+s12], $0x80, $0x38;
	[tilespmem:$0x1C400] =	vst v63  }
0x194: {  	s26 =	sand.u32 $0x1FFFFFF0, s25;
	s28 =	spop (v2sf);
	s0 =	sadd.s32 s4, s24  }
0x195: {  	[tilespmem:s15], [sflag:$0x1] =	stream.linear.gather [hbm4b:s0+s12], $0x80, $0x38;
	[tilespmem:$0x1C400] =	vst v63  }
0x196: {  	s30 =	sadd.s32 $0xCB00, s13;
	s29 =	sand.u32 $0x1FFFFFF0, s28;
	s1 =	sadd.s32 s4, s26  }
0x197: {  	[tilespmem:s30], [sflag:$0x1] =	stream.linear.gather [hbm4b:s1+s12], $0x80, $0x38;
	[tilespmem:$0x1C400] =	vst v63  }
0x198: {  	s31 =	sadd.s32 $0xCB80, s13;
	s14 =	simm.s32 $0x200;
	s0 =	sadd.s32 s4, s29  }
0x199: {  	[tilespmem:s31], [sflag:$0x1] =	stream.linear.gather [hbm4b:s0+s12], $0x80, $0x38;
	[tilespmem:$0x1C400] =	vst v63  }
0x19a: {  	v0 =	vld [tilespmem:s14+$0x0];
	_ =	sdelay $0x4  }
0x19b: {  	v0 =	vshll.u32 v0, $0x4  }
0x19c: {  	(v2sf) =	vpush v0, $0x0  }
0x19d: {  	(v2sf) =	vpush v0, $0x1  }
0x19e: {  	(v2sf) =	vpush v0, $0x2;
	_ =	sdelay $0x1  }
0x19f: {  	(v2sf) =	vpush v0, $0x4;
	_ =	sdelay $0x1  }
0x1a0: {  	(v2sf) =	vpush v0, $0x3  }
0x1a1: {  	(v2sf) =	vpush v0, $0x5  }
0x1a2: {  	s13 =	simm.s32 $0x0;
	s15 =	simm.s32 $0x2000;
	(v2sf) =	vpush v0, $0x6  }
.LBB2_10:
0x1a3: {  	p0 =	sne.s32 s15, $0xE000  }
0x1a4: {  	s0 =	sadd.s32 $0x10480, s13;
	s19 =	sadd.s32 $0x10980, s13;
	s16 =	smov.u32 s15  }
0x1a5: {  	s15 =	sadd.s32 $0x2000, s15;
	s22 =	sadd.s32 $0x10780, s13;
	s17 =	sadd.s32 $0x10A00, s13;
	(v2sf) =	vpush v0, $0x7  }
0x1a6: {  	s24 =	sadd.s32 $0x10680, s13;
	s20 =	sadd.s32 $0x10800, s13;
	s18 =	sadd.s32 $0x10A80, s13  }
0x1a7: {  	s1 =	sadd.s32 $0x10400, s13;
	s25 =	sadd.s32 $0x10600, s13;
	(v2sf) =	vpush v0, $0x8  }
0x1a8: {  	s12 =	simm.s32 $0x0;
	s26 =	sadd.s32 $0x10700, s13;
	s14 =	sadd.s32 $0x10, s14  }
0x1a9: {  	s28 =	sadd.s32 $0x10500, s13;
	s21 =	sadd.s32 $0x10900, s13;
	s23 =	spop (v2sf);
	(v2sf) =	vpush v0, $0x9  }
0x1aa: {  	s29 =	sand.u32 $0x1FFFFFF0, s23;
	s23 =	sadd.s32 $0x10880, s13;
	s30 =	spop (v2sf)  }
0x1ab: {  	s29 =	sadd.s32 s4, s29;
	s30 =	sand.u32 $0x1FFFFFF0, s30;
	s31 =	spop (v2sf);
	(v2sf) =	vpush v0, $0xA  }
0x1ac: {  	[tilespmem:s1], [sflag:$0x1] =	stream.linear.gather [hbm4b:s29+s12], $0x80, $0x38;
	[tilespmem:$0x1C400] =	vst v63  }
0x1ad: {  	s1 =	sadd.s32 s4, s30;
	s29 =	sadd.s32 $0x10580, s13;
	s30 =	spop (v2sf);
	(v2sf) =	vpush v0, $0xB  }
0x1ae: {  	[tilespmem:s0], [sflag:$0x1] =	stream.linear.gather [hbm4b:s1+s12], $0x80, $0x38;
	[tilespmem:$0x1C400] =	vst v63  }
0x1af: {  	s0 =	sand.u32 $0x1FFFFFF0, s31;
	s1 =	sand.u32 $0x1FFFFFF0, s30;
	s30 =	spop (v2sf);
	(v2sf) =	vpush v0, $0xC  }
0x1b0: {  	s0 =	sadd.s32 s4, s0;
	s30 =	sand.u32 $0x1FFFFFF0, s30;
	s31 =	spop (v2sf)  }
0x1b1: {  	[tilespmem:s28], [sflag:$0x1] =	stream.linear.gather [hbm4b:s0+s12], $0x80, $0x38;
	(v2sf) =	vpush v0, $0xD;
	[tilespmem:$0x1C400] =	vst v63  }
0x1b2: {  	s0 =	sadd.s32 s4, s30;
	s28 =	sand.u32 $0x1FFFFFF0, s31;
	s30 =	spop (v2sf)  }
0x1b3: {  	[tilespmem:s29], [sflag:$0x1] =	stream.linear.gather [hbm4b:s0+s12], $0x80, $0x38;
	(v2sf) =	vpush v0, $0xE;
	[tilespmem:$0x1C400] =	vst v63  }
0x1b4: {  	s0 =	sadd.s32 s4, s1;
	s1 =	sand.u32 $0x1FFFFFF0, s30;
	s29 =	spop (v2sf)  }
0x1b5: {  	[tilespmem:s25], [sflag:$0x1] =	stream.linear.gather [hbm4b:s0+s12], $0x80, $0x38;
	(v2sf) =	vpush v0, $0xF;
	[tilespmem:$0x1C400] =	vst v63  }
0x1b6: {  	s0 =	sadd.s32 s4, s28;
	s25 =	sand.u32 $0x1FFFFFF0, s29;
	s28 =	spop (v2sf)  }
0x1b7: {  	[tilespmem:s24], [sflag:$0x1] =	stream.linear.gather [hbm4b:s0+s12], $0x80, $0x38;
	[tilespmem:$0x1C400] =	vst v63  }
0x1b8: {  	s0 =	sadd.s32 s4, s1;
	s1 =	sand.u32 $0x1FFFFFF0, s28;
	s24 =	spop (v2sf)  }
0x1b9: {  	[tilespmem:s26], [sflag:$0x1] =	stream.linear.gather [hbm4b:s0+s12], $0x80, $0x38;
	[tilespmem:$0x1C400] =	vst v63  }
0x1ba: {  	s0 =	sadd.s32 s4, s25;
	s24 =	sand.u32 $0x1FFFFFF0, s24;
	s25 =	spop (v2sf)  }
0x1bb: {  	[tilespmem:s22], [sflag:$0x1] =	stream.linear.gather [hbm4b:s0+s12], $0x80, $0x38;
	[tilespmem:$0x1C400] =	vst v63  }
0x1bc: {  	s0 =	sadd.s32 s4, s1;
	s1 =	sand.u32 $0x1FFFFFF0, s25;
	s22 =	spop (v2sf)  }
0x1bd: {  	[tilespmem:s20], [sflag:$0x1] =	stream.linear.gather [hbm4b:s0+s12], $0x80, $0x38;
	[tilespmem:$0x1C400] =	vst v63  }
0x1be: {  	s0 =	sadd.s32 s4, s24;
	s20 =	sand.u32 $0x1FFFFFF0, s22;
	s22 =	spop (v2sf)  }
0x1bf: {  	[tilespmem:s23], [sflag:$0x1] =	stream.linear.gather [hbm4b:s0+s12], $0x80, $0x38;
	[tilespmem:$0x1C400] =	vst v63  }
0x1c0: {  	s0 =	sadd.s32 s4, s1;
	s1 =	sand.u32 $0x1FFFFFF0, s22;
	s22 =	spop (v2sf)  }
0x1c1: {  	[tilespmem:s21], [sflag:$0x1] =	stream.linear.gather [hbm4b:s0+s12], $0x80, $0x38;
	[tilespmem:$0x1C400] =	vst v63  }
0x1c2: {  	s0 =	sadd.s32 s4, s20;
	s20 =	sand.u32 $0x1FFFFFF0, s22;
	s21 =	spop (v2sf)  }
0x1c3: {  	[tilespmem:s19], [sflag:$0x1] =	stream.linear.gather [hbm4b:s0+s12], $0x80, $0x38;
	[tilespmem:$0x1C400] =	vst v63  }
0x1c4: {  	s0 =	sadd.s32 s4, s1;
	s1 =	sand.u32 $0x1FFFFFF0, s21;
	s19 =	spop (v2sf)  }
0x1c5: {  	[tilespmem:s17], [sflag:$0x1] =	stream.linear.gather [hbm4b:s0+s12], $0x80, $0x38;
	[tilespmem:$0x1C400] =	vst v63  }
0x1c6: {  	s0 =	sadd.s32 s4, s20;
	s17 =	sand.u32 $0x1FFFFFF0, s19  }
0x1c7: {  	[tilespmem:s18], [sflag:$0x1] =	stream.linear.gather [hbm4b:s0+s12], $0x80, $0x38;
	[tilespmem:$0x1C400] =	vst v63  }
0x1c8: {  	s1 =	sadd.s32 s4, s1;
	s0 =	sadd.s32 $0x10B00, s13  }
0x1c9: {  	[tilespmem:s0], [sflag:$0x1] =	stream.linear.gather [hbm4b:s1+s12], $0x80, $0x38;
	[tilespmem:$0x1C400] =	vst v63  }
0x1ca: {  	s0 =	sadd.s32 $0x10B80, s13;
	s1 =	sadd.s32 s4, s17  }
0x1cb: {  	[tilespmem:s0], [sflag:$0x1] =	stream.linear.gather [hbm4b:s1+s12], $0x80, $0x38;
	[tilespmem:$0x1C400] =	vst v63  }
0x1cc: {  	v0 =	vld [tilespmem:s14+$0x0];
	_ =	sdelay $0x4  }
0x1cd: {  	v0 =	vshll.u32 v0, $0x4  }
0x1ce: {  	(v2sf) =	vpush v0, $0x0  }
0x1cf: {  	(v2sf) =	vpush v0, $0x1  }
0x1d0: {  	(v2sf) =	vpush v0, $0x2;
	_ =	sdelay $0x1  }
0x1d1: {  	(v2sf) =	vpush v0, $0x4  }
.Ltmp4:
0x1d2: {  	(pc) =	sbr.rel @p0 .LBB2_10-.Ltmp4, $3  }
0x1d3: {  	(v2sf) =	vpush v0, $0x3  }
0x1d4: {  	(v2sf) =	vpush v0, $0x5;
	_ =	sdelay $0x1  }
0x1d5: {  	s13 =	sshra.s32 s16, $0x2;
	(v2sf) =	vpush v0, $0x6  }
0x1d6: {  	_ =	sdelay $0x1  }
0x1d7: {  	s0 =	sadd.s32 $0x10480, s13;
	s16 =	sadd.s32 $0x10980, s13  }
0x1d8: {  	s1 =	sadd.s32 $0x10780, s13;
	s14 =	sadd.s32 $0x10A00, s13;
	(v2sf) =	vpush v0, $0x7;
	s17 =	sadd.s32 $0x10680, s13  }
0x1d9: {  	s18 =	sadd.s32 $0x10800, s13;
	s15 =	sadd.s32 $0x10A80, s13;
	s19 =	sadd.s32 $0x10400, s13  }
0x1da: {  	s20 =	sadd.s32 $0x10600, s13;
	s21 =	sadd.s32 $0x10700, s13;
	(v2sf) =	vpush v0, $0x8;
	s22 =	spop (v2sf)  }
0x1db: {  	s23 =	sadd.s32 $0x10500, s13;
	s22 =	sand.u32 $0x1FFFFFF0, s22;
	s24 =	spop (v2sf)  }
0x1dc: {  	(v2sf) =	vpush v0, $0x9;
	s22 =	sadd.s32 s4, s22;
	s24 =	sand.u32 $0x1FFFFFF0, s24;
	s25 =	spop (v2sf)  }
0x1dd: {  	[tilespmem:s19], [sflag:$0x1] =	stream.linear.gather [hbm4b:s22+s12], $0x80, $0x38;
	[tilespmem:$0x1C400] =	vst v63  }
0x1de: {  	(v2sf) =	vpush v0, $0xA;
	s26 =	sadd.s32 s4, s24;
	s29 =	sand.u32 $0x1FFFFFF0, s25;
	s28 =	spop (v2sf)  }
0x1df: {  	[tilespmem:s0], [sflag:$0x1] =	stream.linear.gather [hbm4b:s26+s12], $0x80, $0x38;
	[tilespmem:$0x1C400] =	vst v63  }
0x1e0: {  	s19 =	sadd.s32 $0x10900, s13;
	(v2sf) =	vpush v0, $0xB;
	s22 =	sadd.s32 s4, s29;
	s30 =	spop (v2sf)  }
0x1e1: {  	s0 =	sadd.s32 $0x10880, s13;
	s26 =	sadd.s32 $0x10580, s13;
	s25 =	sand.u32 $0x1FFFFFF0, s30  }
0x1e2: {  	(v2sf) =	vpush v0, $0xC;
	[tilespmem:s23], [sflag:$0x1] =	stream.linear.gather [hbm4b:s22+s12], $0x80, $0x38;
	[tilespmem:$0x1C400] =	vst v63  }
0x1e3: {  	s31 =	sand.u32 $0x1FFFFFF0, s28;
	s28 =	spop (v2sf);
	s29 =	sadd.s32 s4, s25  }
0x1e4: {  	(v2sf) =	vpush v0, $0xD;
	[tilespmem:s26], [sflag:$0x1] =	stream.linear.gather [hbm4b:s29+s12], $0x80, $0x38;
	[tilespmem:$0x1C400] =	vst v63  }
0x1e5: {  	s22 =	sadd.s32 s4, s31;
	s23 =	sand.u32 $0x1FFFFFF0, s28;
	s30 =	spop (v2sf)  }
0x1e6: {  	(v2sf) =	vpush v0, $0xE;
	[tilespmem:s20], [sflag:$0x1] =	stream.linear.gather [hbm4b:s22+s12], $0x80, $0x38;
	[tilespmem:$0x1C400] =	vst v63  }
0x1e7: {  	s23 =	sadd.s32 s4, s23;
	s31 =	sand.u32 $0x1FFFFFF0, s30;
	s24 =	spop (v2sf)  }
0x1e8: {  	(v2sf) =	vpush v0, $0xF;
	[tilespmem:s17], [sflag:$0x1] =	stream.linear.gather [hbm4b:s23+s12], $0x80, $0x38;
	[tilespmem:$0x1C400] =	vst v63  }
0x1e9: {  	s25 =	sand.u32 $0x1FFFFFF0, s24;
	s26 =	spop (v2sf);
	s20 =	sadd.s32 s4, s31  }
0x1ea: {  	[tilespmem:s21], [sflag:$0x1] =	stream.linear.gather [hbm4b:s20+s12], $0x80, $0x38;
	[tilespmem:$0x1C400] =	vst v63  }
0x1eb: {  	s28 =	sand.u32 $0x1FFFFFF0, s26;
	s17 =	sadd.s32 s4, s25;
	s29 =	spop (v2sf)  }
0x1ec: {  	[tilespmem:s1], [sflag:$0x1] =	stream.linear.gather [hbm4b:s17+s12], $0x80, $0x38;
	[tilespmem:$0x1C400] =	vst v63  }
0x1ed: {  	s20 =	sadd.s32 s4, s28;
	s30 =	sand.u32 $0x1FFFFFF0, s29;
	s31 =	spop (v2sf)  }
0x1ee: {  	[tilespmem:s18], [sflag:$0x1] =	stream.linear.gather [hbm4b:s20+s12], $0x80, $0x38;
	[tilespmem:$0x1C400] =	vst v63  }
0x1ef: {  	s17 =	sand.u32 $0x1FFFFFF0, s31;
	s1 =	sadd.s32 s4, s30;
	s20 =	spop (v2sf)  }
0x1f0: {  	[tilespmem:s0], [sflag:$0x1] =	stream.linear.gather [hbm4b:s1+s12], $0x80, $0x38;
	[tilespmem:$0x1C400] =	vst v63  }
0x1f1: {  	s17 =	sadd.s32 s4, s17;
	s21 =	sand.u32 $0x1FFFFFF0, s20;
	s22 =	spop (v2sf)  }
0x1f2: {  	[tilespmem:s19], [sflag:$0x1] =	stream.linear.gather [hbm4b:s17+s12], $0x80, $0x38;
	[tilespmem:$0x1C400] =	vst v63  }
0x1f3: {  	s0 =	sadd.s32 s4, s21;
	s1 =	sand.u32 $0x1FFFFFF0, s22;
	s23 =	spop (v2sf)  }
0x1f4: {  	[tilespmem:s16], [sflag:$0x1] =	stream.linear.gather [hbm4b:s0+s12], $0x80, $0x38;
	[tilespmem:$0x1C400] =	vst v63  }
0x1f5: {  	s24 =	sand.u32 $0x1FFFFFF0, s23;
	s1 =	sadd.s32 s4, s1;
	s25 =	spop (v2sf)  }
0x1f6: {  	[tilespmem:s14], [sflag:$0x1] =	stream.linear.gather [hbm4b:s1+s12], $0x80, $0x38;
	[tilespmem:$0x1C400] =	vst v63  }
0x1f7: {  	s26 =	sand.u32 $0x1FFFFFF0, s25;
	s28 =	spop (v2sf);
	s0 =	sadd.s32 s4, s24  }
0x1f8: {  	[tilespmem:s15], [sflag:$0x1] =	stream.linear.gather [hbm4b:s0+s12], $0x80, $0x38;
	[tilespmem:$0x1C400] =	vst v63  }
0x1f9: {  	s30 =	sadd.s32 $0x10B00, s13;
	s29 =	sand.u32 $0x1FFFFFF0, s28;
	s1 =	sadd.s32 s4, s26  }
0x1fa: {  	[tilespmem:s30], [sflag:$0x1] =	stream.linear.gather [hbm4b:s1+s12], $0x80, $0x38;
	[tilespmem:$0x1C400] =	vst v63  }
0x1fb: {  	s31 =	sadd.s32 $0x10B80, s13;
	s14 =	simm.s32 $0x280;
	s0 =	sadd.s32 s4, s29  }
0x1fc: {  	[tilespmem:s31], [sflag:$0x1] =	stream.linear.gather [hbm4b:s0+s12], $0x80, $0x38;
	[tilespmem:$0x1C400] =	vst v63  }
0x1fd: {  	v0 =	vld [tilespmem:s14+$0x0];
	_ =	sdelay $0x4  }
0x1fe: {  	v0 =	vshll.u32 v0, $0x4  }
0x1ff: {  	(v2sf) =	vpush v0, $0x0  }
0x200: {  	(v2sf) =	vpush v0, $0x1  }
0x201: {  	(v2sf) =	vpush v0, $0x2;
	_ =	sdelay $0x1  }
0x202: {  	(v2sf) =	vpush v0, $0x4;
	_ =	sdelay $0x1  }
0x203: {  	(v2sf) =	vpush v0, $0x3  }
0x204: {  	(v2sf) =	vpush v0, $0x5  }
0x205: {  	s13 =	simm.s32 $0x0;
	s15 =	simm.s32 $0x2000;
	(v2sf) =	vpush v0, $0x6  }
.LBB2_12:
0x206: {  	p0 =	sne.s32 s15, $0xE000  }
0x207: {  	s0 =	sadd.s32 $0x14480, s13;
	s19 =	sadd.s32 $0x14980, s13;
	s16 =	smov.u32 s15  }
0x208: {  	s15 =	sadd.s32 $0x2000, s15;
	s22 =	sadd.s32 $0x14780, s13;
	s17 =	sadd.s32 $0x14A00, s13;
	(v2sf) =	vpush v0, $0x7  }
0x209: {  	s24 =	sadd.s32 $0x14680, s13;
	s21 =	sadd.s32 $0x14800, s13;
	s18 =	sadd.s32 $0x14A80, s13  }
0x20a: {  	s1 =	sadd.s32 $0x14400, s13;
	s25 =	sadd.s32 $0x14600, s13;
	(v2sf) =	vpush v0, $0x8  }
0x20b: {  	s26 =	sadd.s32 $0x14700, s13;
	s14 =	sadd.s32 $0x10, s14  }
0x20c: {  	s28 =	sadd.s32 $0x14500, s13;
	s20 =	sadd.s32 $0x14900, s13;
	s23 =	spop (v2sf);
	(v2sf) =	vpush v0, $0x9  }
0x20d: {  	s29 =	sand.u32 $0x1FFFFFF0, s23;
	s23 =	sadd.s32 $0x14880, s13;
	s30 =	spop (v2sf)  }
0x20e: {  	s29 =	sadd.s32 s4, s29;
	s30 =	sand.u32 $0x1FFFFFF0, s30;
	s31 =	spop (v2sf);
	(v2sf) =	vpush v0, $0xA  }
0x20f: {  	[tilespmem:s1], [sflag:$0x1] =	stream.linear.gather [hbm4b:s29+s12], $0x80, $0x38;
	[tilespmem:$0x1C400] =	vst v63  }
0x210: {  	s1 =	sadd.s32 s4, s30;
	s29 =	sadd.s32 $0x14580, s13;
	s30 =	spop (v2sf);
	(v2sf) =	vpush v0, $0xB  }
0x211: {  	[tilespmem:s0], [sflag:$0x1] =	stream.linear.gather [hbm4b:s1+s12], $0x80, $0x38;
	[tilespmem:$0x1C400] =	vst v63  }
0x212: {  	s0 =	sand.u32 $0x1FFFFFF0, s31;
	s1 =	sand.u32 $0x1FFFFFF0, s30;
	s30 =	spop (v2sf);
	(v2sf) =	vpush v0, $0xC  }
0x213: {  	s0 =	sadd.s32 s4, s0;
	s30 =	sand.u32 $0x1FFFFFF0, s30;
	s31 =	spop (v2sf)  }
0x214: {  	[tilespmem:s28], [sflag:$0x1] =	stream.linear.gather [hbm4b:s0+s12], $0x80, $0x38;
	(v2sf) =	vpush v0, $0xD;
	[tilespmem:$0x1C400] =	vst v63  }
0x215: {  	s0 =	sadd.s32 s4, s30;
	s28 =	sand.u32 $0x1FFFFFF0, s31;
	s30 =	spop (v2sf)  }
0x216: {  	[tilespmem:s29], [sflag:$0x1] =	stream.linear.gather [hbm4b:s0+s12], $0x80, $0x38;
	(v2sf) =	vpush v0, $0xE;
	[tilespmem:$0x1C400] =	vst v63  }
0x217: {  	s0 =	sadd.s32 s4, s1;
	s1 =	sand.u32 $0x1FFFFFF0, s30;
	s29 =	spop (v2sf)  }
0x218: {  	[tilespmem:s25], [sflag:$0x1] =	stream.linear.gather [hbm4b:s0+s12], $0x80, $0x38;
	(v2sf) =	vpush v0, $0xF;
	[tilespmem:$0x1C400] =	vst v63  }
0x219: {  	s0 =	sadd.s32 s4, s28;
	s25 =	sand.u32 $0x1FFFFFF0, s29;
	s28 =	spop (v2sf)  }
0x21a: {  	[tilespmem:s24], [sflag:$0x1] =	stream.linear.gather [hbm4b:s0+s12], $0x80, $0x38;
	[tilespmem:$0x1C400] =	vst v63  }
0x21b: {  	s0 =	sadd.s32 s4, s1;
	s1 =	sand.u32 $0x1FFFFFF0, s28;
	s24 =	spop (v2sf)  }
0x21c: {  	[tilespmem:s26], [sflag:$0x1] =	stream.linear.gather [hbm4b:s0+s12], $0x80, $0x38;
	[tilespmem:$0x1C400] =	vst v63  }
0x21d: {  	s0 =	sadd.s32 s4, s25;
	s24 =	sand.u32 $0x1FFFFFF0, s24;
	s25 =	spop (v2sf)  }
0x21e: {  	[tilespmem:s22], [sflag:$0x1] =	stream.linear.gather [hbm4b:s0+s12], $0x80, $0x38;
	[tilespmem:$0x1C400] =	vst v63  }
0x21f: {  	s0 =	sadd.s32 s4, s1;
	s1 =	sand.u32 $0x1FFFFFF0, s25;
	s22 =	spop (v2sf)  }
0x220: {  	[tilespmem:s21], [sflag:$0x1] =	stream.linear.gather [hbm4b:s0+s12], $0x80, $0x38;
	[tilespmem:$0x1C400] =	vst v63  }
0x221: {  	s0 =	sadd.s32 s4, s24;
	s21 =	sand.u32 $0x1FFFFFF0, s22;
	s22 =	spop (v2sf)  }
0x222: {  	[tilespmem:s23], [sflag:$0x1] =	stream.linear.gather [hbm4b:s0+s12], $0x80, $0x38;
	[tilespmem:$0x1C400] =	vst v63  }
0x223: {  	s0 =	sadd.s32 s4, s1;
	s1 =	sand.u32 $0x1FFFFFF0, s22;
	s22 =	spop (v2sf)  }
0x224: {  	[tilespmem:s20], [sflag:$0x1] =	stream.linear.gather [hbm4b:s0+s12], $0x80, $0x38;
	[tilespmem:$0x1C400] =	vst v63  }
0x225: {  	s0 =	sadd.s32 s4, s21;
	s20 =	sand.u32 $0x1FFFFFF0, s22;
	s21 =	spop (v2sf)  }
0x226: {  	[tilespmem:s19], [sflag:$0x1] =	stream.linear.gather [hbm4b:s0+s12], $0x80, $0x38;
	[tilespmem:$0x1C400] =	vst v63  }
0x227: {  	s0 =	sadd.s32 s4, s1;
	s1 =	sand.u32 $0x1FFFFFF0, s21;
	s19 =	spop (v2sf)  }
0x228: {  	[tilespmem:s17], [sflag:$0x1] =	stream.linear.gather [hbm4b:s0+s12], $0x80, $0x38;
	[tilespmem:$0x1C400] =	vst v63  }
0x229: {  	s0 =	sadd.s32 s4, s20;
	s17 =	sand.u32 $0x1FFFFFF0, s19  }
0x22a: {  	[tilespmem:s18], [sflag:$0x1] =	stream.linear.gather [hbm4b:s0+s12], $0x80, $0x38;
	[tilespmem:$0x1C400] =	vst v63  }
0x22b: {  	s1 =	sadd.s32 s4, s1;
	s0 =	sadd.s32 $0x14B00, s13  }
0x22c: {  	[tilespmem:s0], [sflag:$0x1] =	stream.linear.gather [hbm4b:s1+s12], $0x80, $0x38;
	[tilespmem:$0x1C400] =	vst v63  }
0x22d: {  	s0 =	sadd.s32 $0x14B80, s13;
	s1 =	sadd.s32 s4, s17  }
0x22e: {  	[tilespmem:s0], [sflag:$0x1] =	stream.linear.gather [hbm4b:s1+s12], $0x80, $0x38;
	[tilespmem:$0x1C400] =	vst v63  }
0x22f: {  	v0 =	vld [tilespmem:s14+$0x0];
	_ =	sdelay $0x4  }
0x230: {  	v0 =	vshll.u32 v0, $0x4  }
0x231: {  	(v2sf) =	vpush v0, $0x0  }
0x232: {  	(v2sf) =	vpush v0, $0x1  }
0x233: {  	(v2sf) =	vpush v0, $0x2;
	_ =	sdelay $0x1  }
0x234: {  	(v2sf) =	vpush v0, $0x4  }
.Ltmp5:
0x235: {  	(pc) =	sbr.rel @p0 .LBB2_12-.Ltmp5, $3  }
0x236: {  	(v2sf) =	vpush v0, $0x3  }
0x237: {  	(v2sf) =	vpush v0, $0x5;
	_ =	sdelay $0x1  }
0x238: {  	s13 =	sshra.s32 s16, $0x2;
	(v2sf) =	vpush v0, $0x6  }
0x239: {  	_ =	sdelay $0x1  }
0x23a: {  	s0 =	sadd.s32 $0x14480, s13;
	s16 =	sadd.s32 $0x14980, s13  }
0x23b: {  	s1 =	sadd.s32 $0x14780, s13;
	s14 =	sadd.s32 $0x14A00, s13;
	(v2sf) =	vpush v0, $0x7;
	s17 =	sadd.s32 $0x14680, s13  }
0x23c: {  	s18 =	sadd.s32 $0x14800, s13;
	s15 =	sadd.s32 $0x14A80, s13;
	s19 =	sadd.s32 $0x14400, s13  }
0x23d: {  	s20 =	sadd.s32 $0x14600, s13;
	s21 =	sadd.s32 $0x14700, s13;
	(v2sf) =	vpush v0, $0x8;
	s22 =	spop (v2sf)  }
0x23e: {  	s23 =	sadd.s32 $0x14500, s13;
	s22 =	sand.u32 $0x1FFFFFF0, s22;
	s24 =	spop (v2sf)  }
0x23f: {  	(v2sf) =	vpush v0, $0x9;
	s22 =	sadd.s32 s4, s22;
	s24 =	sand.u32 $0x1FFFFFF0, s24;
	s25 =	spop (v2sf)  }
0x240: {  	[tilespmem:s19], [sflag:$0x1] =	stream.linear.gather [hbm4b:s22+s12], $0x80, $0x38;
	[tilespmem:$0x1C400] =	vst v63  }
0x241: {  	(v2sf) =	vpush v0, $0xA;
	s26 =	sadd.s32 s4, s24;
	s29 =	sand.u32 $0x1FFFFFF0, s25;
	s28 =	spop (v2sf)  }
0x242: {  	[tilespmem:s0], [sflag:$0x1] =	stream.linear.gather [hbm4b:s26+s12], $0x80, $0x38;
	[tilespmem:$0x1C400] =	vst v63  }
0x243: {  	s19 =	sadd.s32 $0x14900, s13;
	(v2sf) =	vpush v0, $0xB;
	s22 =	sadd.s32 s4, s29;
	s30 =	spop (v2sf)  }
0x244: {  	s0 =	sadd.s32 $0x14880, s13;
	s26 =	sadd.s32 $0x14580, s13;
	s25 =	sand.u32 $0x1FFFFFF0, s30  }
0x245: {  	(v2sf) =	vpush v0, $0xC;
	[tilespmem:s23], [sflag:$0x1] =	stream.linear.gather [hbm4b:s22+s12], $0x80, $0x38;
	[tilespmem:$0x1C400] =	vst v63  }
0x246: {  	s31 =	sand.u32 $0x1FFFFFF0, s28;
	s28 =	spop (v2sf);
	s29 =	sadd.s32 s4, s25  }
0x247: {  	(v2sf) =	vpush v0, $0xD;
	[tilespmem:s26], [sflag:$0x1] =	stream.linear.gather [hbm4b:s29+s12], $0x80, $0x38;
	[tilespmem:$0x1C400] =	vst v63  }
0x248: {  	s22 =	sadd.s32 s4, s31;
	s23 =	sand.u32 $0x1FFFFFF0, s28;
	s30 =	spop (v2sf)  }
0x249: {  	(v2sf) =	vpush v0, $0xE;
	[tilespmem:s20], [sflag:$0x1] =	stream.linear.gather [hbm4b:s22+s12], $0x80, $0x38;
	[tilespmem:$0x1C400] =	vst v63  }
0x24a: {  	s23 =	sadd.s32 s4, s23;
	s31 =	sand.u32 $0x1FFFFFF0, s30;
	s24 =	spop (v2sf)  }
0x24b: {  	(v2sf) =	vpush v0, $0xF;
	[tilespmem:s17], [sflag:$0x1] =	stream.linear.gather [hbm4b:s23+s12], $0x80, $0x38;
	[tilespmem:$0x1C400] =	vst v63  }
0x24c: {  	s25 =	sand.u32 $0x1FFFFFF0, s24;
	s26 =	spop (v2sf);
	s20 =	sadd.s32 s4, s31  }
0x24d: {  	[tilespmem:s21], [sflag:$0x1] =	stream.linear.gather [hbm4b:s20+s12], $0x80, $0x38;
	[tilespmem:$0x1C400] =	vst v63  }
0x24e: {  	s28 =	sand.u32 $0x1FFFFFF0, s26;
	s17 =	sadd.s32 s4, s25;
	s29 =	spop (v2sf)  }
0x24f: {  	[tilespmem:s1], [sflag:$0x1] =	stream.linear.gather [hbm4b:s17+s12], $0x80, $0x38;
	[tilespmem:$0x1C400] =	vst v63  }
0x250: {  	s20 =	sadd.s32 s4, s28;
	s30 =	sand.u32 $0x1FFFFFF0, s29;
	s31 =	spop (v2sf)  }
0x251: {  	[tilespmem:s18], [sflag:$0x1] =	stream.linear.gather [hbm4b:s20+s12], $0x80, $0x38;
	[tilespmem:$0x1C400] =	vst v63  }
0x252: {  	s17 =	sand.u32 $0x1FFFFFF0, s31;
	s1 =	sadd.s32 s4, s30;
	s20 =	spop (v2sf)  }
0x253: {  	[tilespmem:s0], [sflag:$0x1] =	stream.linear.gather [hbm4b:s1+s12], $0x80, $0x38;
	[tilespmem:$0x1C400] =	vst v63  }
0x254: {  	s17 =	sadd.s32 s4, s17;
	s21 =	sand.u32 $0x1FFFFFF0, s20;
	s22 =	spop (v2sf)  }
0x255: {  	[tilespmem:s19], [sflag:$0x1] =	stream.linear.gather [hbm4b:s17+s12], $0x80, $0x38;
	[tilespmem:$0x1C400] =	vst v63  }
0x256: {  	s0 =	sadd.s32 s4, s21;
	s1 =	sand.u32 $0x1FFFFFF0, s22;
	s23 =	spop (v2sf)  }
0x257: {  	[tilespmem:s16], [sflag:$0x1] =	stream.linear.gather [hbm4b:s0+s12], $0x80, $0x38;
	[tilespmem:$0x1C400] =	vst v63  }
0x258: {  	s24 =	sand.u32 $0x1FFFFFF0, s23;
	s1 =	sadd.s32 s4, s1;
	s25 =	spop (v2sf)  }
0x259: {  	[tilespmem:s14], [sflag:$0x1] =	stream.linear.gather [hbm4b:s1+s12], $0x80, $0x38;
	[tilespmem:$0x1C400] =	vst v63  }
0x25a: {  	s26 =	sand.u32 $0x1FFFFFF0, s25;
	s28 =	spop (v2sf);
	s0 =	sadd.s32 s4, s24  }
0x25b: {  	[tilespmem:s15], [sflag:$0x1] =	stream.linear.gather [hbm4b:s0+s12], $0x80, $0x38;
	[tilespmem:$0x1C400] =	vst v63  }
0x25c: {  	s30 =	sadd.s32 $0x14B00, s13;
	s29 =	sand.u32 $0x1FFFFFF0, s28;
	s1 =	sadd.s32 s4, s26  }
0x25d: {  	[tilespmem:s30], [sflag:$0x1] =	stream.linear.gather [hbm4b:s1+s12], $0x80, $0x38;
	[tilespmem:$0x1C400] =	vst v63  }
0x25e: {  	s31 =	sadd.s32 $0x14B80, s13;
	s13 =	simm.s32 $0x300;
	s0 =	sadd.s32 s4, s29  }
0x25f: {  	[tilespmem:s31], [sflag:$0x1] =	stream.linear.gather [hbm4b:s0+s12], $0x80, $0x38;
	[tilespmem:$0x1C400] =	vst v63  }
0x260: {  	v0 =	vld [tilespmem:s13+$0x0];
	_ =	sdelay $0x4  }
0x261: {  	v0 =	vshll.u32 v0, $0x4  }
0x262: {  	(v2sf) =	vpush v0, $0x0  }
0x263: {  	(v2sf) =	vpush v0, $0x1  }
0x264: {  	(v2sf) =	vpush v0, $0x2;
	_ =	sdelay $0x1  }
0x265: {  	(v2sf) =	vpush v0, $0x4;
	_ =	sdelay $0x1  }
0x266: {  	(v2sf) =	vpush v0, $0x3  }
0x267: {  	(v2sf) =	vpush v0, $0x5  }
0x268: {  	s14 =	simm.s32 $0x2000;
	s12 =	simm.s32 $0x0;
	(v2sf) =	vpush v0, $0x6  }
.LBB2_14:
0x269: {  	p0 =	sne.s32 s14, $0xE000  }
0x26a: {  	s0 =	sadd.s32 $0x18480, s12;
	s18 =	sadd.s32 $0x18980, s12;
	s15 =	smov.u32 s14  }
0x26b: {  	s14 =	sadd.s32 $0x2000, s14;
	s21 =	sadd.s32 $0x18780, s12;
	s16 =	sadd.s32 $0x18A00, s12;
	(v2sf) =	vpush v0, $0x7  }
0x26c: {  	s23 =	sadd.s32 $0x18680, s12;
	s20 =	sadd.s32 $0x18800, s12;
	s17 =	sadd.s32 $0x18A80, s12  }
0x26d: {  	s1 =	sadd.s32 $0x18400, s12;
	s24 =	sadd.s32 $0x18600, s12;
	(v2sf) =	vpush v0, $0x8  }
0x26e: {  	s25 =	sadd.s32 $0x18700, s12;
	s13 =	sadd.s32 $0x10, s13  }
0x26f: {  	s26 =	sadd.s32 $0x18500, s12;
	s19 =	sadd.s32 $0x18900, s12;
	s22 =	spop (v2sf);
	(v2sf) =	vpush v0, $0x9  }
0x270: {  	s28 =	sand.u32 $0x1FFFFFF0, s22;
	s22 =	sadd.s32 $0x18880, s12;
	s29 =	spop (v2sf)  }
0x271: {  	s28 =	sadd.s32 s4, s28;
	s29 =	sand.u32 $0x1FFFFFF0, s29;
	s30 =	spop (v2sf);
	(v2sf) =	vpush v0, $0xA  }
0x272: {  	[tilespmem:s1], [sflag:$0x1] =	stream.linear.gather [hbm4b:s28+s2], $0x80, $0x38;
	[tilespmem:$0x1C400] =	vst v63  }
0x273: {  	s1 =	sadd.s32 s4, s29;
	s28 =	sadd.s32 $0x18580, s12;
	s29 =	spop (v2sf);
	(v2sf) =	vpush v0, $0xB  }
0x274: {  	[tilespmem:s0], [sflag:$0x1] =	stream.linear.gather [hbm4b:s1+s2], $0x80, $0x38;
	[tilespmem:$0x1C400] =	vst v63  }
0x275: {  	s0 =	sand.u32 $0x1FFFFFF0, s30;
	s1 =	sand.u32 $0x1FFFFFF0, s29;
	s29 =	spop (v2sf);
	(v2sf) =	vpush v0, $0xC  }
0x276: {  	s0 =	sadd.s32 s4, s0;
	s29 =	sand.u32 $0x1FFFFFF0, s29;
	s30 =	spop (v2sf)  }
0x277: {  	[tilespmem:s26], [sflag:$0x1] =	stream.linear.gather [hbm4b:s0+s2], $0x80, $0x38;
	(v2sf) =	vpush v0, $0xD;
	[tilespmem:$0x1C400] =	vst v63  }
0x278: {  	s0 =	sadd.s32 s4, s29;
	s26 =	sand.u32 $0x1FFFFFF0, s30;
	s29 =	spop (v2sf)  }
0x279: {  	[tilespmem:s28], [sflag:$0x1] =	stream.linear.gather [hbm4b:s0+s2], $0x80, $0x38;
	(v2sf) =	vpush v0, $0xE;
	[tilespmem:$0x1C400] =	vst v63  }
0x27a: {  	s0 =	sadd.s32 s4, s1;
	s1 =	sand.u32 $0x1FFFFFF0, s29;
	s28 =	spop (v2sf)  }
0x27b: {  	[tilespmem:s24], [sflag:$0x1] =	stream.linear.gather [hbm4b:s0+s2], $0x80, $0x38;
	(v2sf) =	vpush v0, $0xF;
	[tilespmem:$0x1C400] =	vst v63  }
0x27c: {  	s0 =	sadd.s32 s4, s26;
	s24 =	sand.u32 $0x1FFFFFF0, s28;
	s26 =	spop (v2sf)  }
0x27d: {  	[tilespmem:s23], [sflag:$0x1] =	stream.linear.gather [hbm4b:s0+s2], $0x80, $0x38;
	[tilespmem:$0x1C400] =	vst v63  }
0x27e: {  	s0 =	sadd.s32 s4, s1;
	s1 =	sand.u32 $0x1FFFFFF0, s26;
	s23 =	spop (v2sf)  }
0x27f: {  	[tilespmem:s25], [sflag:$0x1] =	stream.linear.gather [hbm4b:s0+s2], $0x80, $0x38;
	[tilespmem:$0x1C400] =	vst v63  }
0x280: {  	s0 =	sadd.s32 s4, s24;
	s23 =	sand.u32 $0x1FFFFFF0, s23;
	s24 =	spop (v2sf)  }
0x281: {  	[tilespmem:s21], [sflag:$0x1] =	stream.linear.gather [hbm4b:s0+s2], $0x80, $0x38;
	[tilespmem:$0x1C400] =	vst v63  }
0x282: {  	s0 =	sadd.s32 s4, s1;
	s1 =	sand.u32 $0x1FFFFFF0, s24;
	s21 =	spop (v2sf)  }
0x283: {  	[tilespmem:s20], [sflag:$0x1] =	stream.linear.gather [hbm4b:s0+s2], $0x80, $0x38;
	[tilespmem:$0x1C400] =	vst v63  }
0x284: {  	s0 =	sadd.s32 s4, s23;
	s20 =	sand.u32 $0x1FFFFFF0, s21;
	s21 =	spop (v2sf)  }
0x285: {  	[tilespmem:s22], [sflag:$0x1] =	stream.linear.gather [hbm4b:s0+s2], $0x80, $0x38;
	[tilespmem:$0x1C400] =	vst v63  }
0x286: {  	s0 =	sadd.s32 s4, s1;
	s1 =	sand.u32 $0x1FFFFFF0, s21;
	s21 =	spop (v2sf)  }
0x287: {  	[tilespmem:s19], [sflag:$0x1] =	stream.linear.gather [hbm4b:s0+s2], $0x80, $0x38;
	[tilespmem:$0x1C400] =	vst v63  }
0x288: {  	s0 =	sadd.s32 s4, s20;
	s19 =	sand.u32 $0x1FFFFFF0, s21;
	s20 =	spop (v2sf)  }
0x289: {  	[tilespmem:s18], [sflag:$0x1] =	stream.linear.gather [hbm4b:s0+s2], $0x80, $0x38;
	[tilespmem:$0x1C400] =	vst v63  }
0x28a: {  	s0 =	sadd.s32 s4, s1;
	s1 =	sand.u32 $0x1FFFFFF0, s20;
	s18 =	spop (v2sf)  }
0x28b: {  	[tilespmem:s16], [sflag:$0x1] =	stream.linear.gather [hbm4b:s0+s2], $0x80, $0x38;
	[tilespmem:$0x1C400] =	vst v63  }
0x28c: {  	s0 =	sadd.s32 s4, s19;
	s16 =	sand.u32 $0x1FFFFFF0, s18  }
0x28d: {  	[tilespmem:s17], [sflag:$0x1] =	stream.linear.gather [hbm4b:s0+s2], $0x80, $0x38;
	[tilespmem:$0x1C400] =	vst v63  }
0x28e: {  	s1 =	sadd.s32 s4, s1;
	s0 =	sadd.s32 $0x18B00, s12  }
0x28f: {  	[tilespmem:s0], [sflag:$0x1] =	stream.linear.gather [hbm4b:s1+s2], $0x80, $0x38;
	[tilespmem:$0x1C400] =	vst v63  }
0x290: {  	s0 =	sadd.s32 $0x18B80, s12;
	s1 =	sadd.s32 s4, s16  }
0x291: {  	[tilespmem:s0], [sflag:$0x1] =	stream.linear.gather [hbm4b:s1+s2], $0x80, $0x38;
	[tilespmem:$0x1C400] =	vst v63  }
0x292: {  	v0 =	vld [tilespmem:s13+$0x0];
	_ =	sdelay $0x4  }
0x293: {  	v0 =	vshll.u32 v0, $0x4  }
0x294: {  	(v2sf) =	vpush v0, $0x0  }
0x295: {  	(v2sf) =	vpush v0, $0x1  }
0x296: {  	(v2sf) =	vpush v0, $0x2;
	_ =	sdelay $0x1  }
0x297: {  	(v2sf) =	vpush v0, $0x4  }
.Ltmp6:
0x298: {  	(pc) =	sbr.rel @p0 .LBB2_14-.Ltmp6, $3  }
0x299: {  	(v2sf) =	vpush v0, $0x3  }
0x29a: {  	(v2sf) =	vpush v0, $0x5;
	_ =	sdelay $0x1  }
0x29b: {  	s12 =	sshra.s32 s15, $0x2;
	(v2sf) =	vpush v0, $0x6  }
0x29c: {  	_ =	sdelay $0x1  }
0x29d: {  	s0 =	sadd.s32 $0x18480, s12;
	s15 =	sadd.s32 $0x18980, s12  }
0x29e: {  	s1 =	sadd.s32 $0x18780, s12;
	s13 =	sadd.s32 $0x18A00, s12;
	(v2sf) =	vpush v0, $0x7;
	s16 =	sadd.s32 $0x18680, s12  }
0x29f: {  	s17 =	sadd.s32 $0x18800, s12;
	s14 =	sadd.s32 $0x18A80, s12;
	s18 =	sadd.s32 $0x18400, s12  }
0x2a0: {  	s19 =	sadd.s32 $0x18600, s12;
	s20 =	sadd.s32 $0x18700, s12;
	(v2sf) =	vpush v0, $0x8;
	s21 =	spop (v2sf)  }
0x2a1: {  	s22 =	sadd.s32 $0x18500, s12;
	s21 =	sand.u32 $0x1FFFFFF0, s21;
	s23 =	spop (v2sf)  }
0x2a2: {  	(v2sf) =	vpush v0, $0x9;
	s21 =	sadd.s32 s4, s21;
	s23 =	sand.u32 $0x1FFFFFF0, s23;
	s24 =	spop (v2sf)  }
0x2a3: {  	[tilespmem:s18], [sflag:$0x1] =	stream.linear.gather [hbm4b:s21+s2], $0x80, $0x38;
	[tilespmem:$0x1C400] =	vst v63  }
0x2a4: {  	s25 =	sadd.s32 $0x18580, s12;
	(v2sf) =	vpush v0, $0xA;
	s30 =	sadd.s32 s4, s23;
	s31 =	spop (v2sf)  }
0x2a5: {  	[tilespmem:s0], [sflag:$0x1] =	stream.linear.gather [hbm4b:s30+s2], $0x80, $0x38;
	[tilespmem:$0x1C400] =	vst v63  }
0x2a6: {  	s18 =	sadd.s32 $0x18900, s12;
	s24 =	sand.u32 $0x1FFFFFF0, s24;
	(v2sf) =	vpush v0, $0xB;
	s26 =	spop (v2sf)  }
0x2a7: {  	s21 =	sadd.s32 s4, s24;
	s0 =	sadd.s32 $0x18880, s12;
	s24 =	sand.u32 $0x1FFFFFF0, s26  }
0x2a8: {  	(v2sf) =	vpush v0, $0xC;
	[tilespmem:s22], [sflag:$0x1] =	stream.linear.gather [hbm4b:s21+s2], $0x80, $0x38;
	[tilespmem:$0x1C400] =	vst v63  }
0x2a9: {  	s28 =	sand.u32 $0x1FFFFFF0, s31;
	s29 =	spop (v2sf);
	s30 =	sadd.s32 s4, s24  }
0x2aa: {  	(v2sf) =	vpush v0, $0xD;
	[tilespmem:s25], [sflag:$0x1] =	stream.linear.gather [hbm4b:s30+s2], $0x80, $0x38;
	[tilespmem:$0x1C400] =	vst v63  }
0x2ab: {  	s21 =	sadd.s32 s4, s28;
	s22 =	sand.u32 $0x1FFFFFF0, s29;
	s31 =	spop (v2sf)  }
0x2ac: {  	(v2sf) =	vpush v0, $0xE;
	[tilespmem:s19], [sflag:$0x1] =	stream.linear.gather [hbm4b:s21+s2], $0x80, $0x38;
	[tilespmem:$0x1C400] =	vst v63  }
0x2ad: {  	s22 =	sadd.s32 s4, s22;
	s23 =	sand.u32 $0x1FFFFFF0, s31;
	s24 =	spop (v2sf)  }
0x2ae: {  	(v2sf) =	vpush v0, $0xF;
	[tilespmem:s16], [sflag:$0x1] =	stream.linear.gather [hbm4b:s22+s2], $0x80, $0x38;
	[tilespmem:$0x1C400] =	vst v63  }
0x2af: {  	s25 =	sand.u32 $0x1FFFFFF0, s24;
	s26 =	spop (v2sf);
	s19 =	sadd.s32 s4, s23  }
0x2b0: {  	[tilespmem:s20], [sflag:$0x1] =	stream.linear.gather [hbm4b:s19+s2], $0x80, $0x38;
	[tilespmem:$0x1C400] =	vst v63  }
0x2b1: {  	s28 =	sand.u32 $0x1FFFFFF0, s26;
	s16 =	sadd.s32 s4, s25;
	s29 =	spop (v2sf)  }
0x2b2: {  	[tilespmem:s1], [sflag:$0x1] =	stream.linear.gather [hbm4b:s16+s2], $0x80, $0x38;
	[tilespmem:$0x1C400] =	vst v63  }
0x2b3: {  	s19 =	sadd.s32 s4, s28;
	s30 =	sand.u32 $0x1FFFFFF0, s29;
	s31 =	spop (v2sf)  }
0x2b4: {  	[tilespmem:s17], [sflag:$0x1] =	stream.linear.gather [hbm4b:s19+s2], $0x80, $0x38;
	[tilespmem:$0x1C400] =	vst v63  }
0x2b5: {  	s16 =	sand.u32 $0x1FFFFFF0, s31;
	s1 =	sadd.s32 s4, s30;
	s20 =	spop (v2sf)  }
0x2b6: {  	[tilespmem:s0], [sflag:$0x1] =	stream.linear.gather [hbm4b:s1+s2], $0x80, $0x38;
	[tilespmem:$0x1C400] =	vst v63  }
0x2b7: {  	s16 =	sadd.s32 s4, s16;
	s21 =	sand.u32 $0x1FFFFFF0, s20;
	s22 =	spop (v2sf)  }
0x2b8: {  	[tilespmem:s18], [sflag:$0x1] =	stream.linear.gather [hbm4b:s16+s2], $0x80, $0x38;
	[tilespmem:$0x1C400] =	vst v63  }
0x2b9: {  	s0 =	sadd.s32 s4, s21;
	s1 =	sand.u32 $0x1FFFFFF0, s22;
	s23 =	spop (v2sf)  }
0x2ba: {  	[tilespmem:s15], [sflag:$0x1] =	stream.linear.gather [hbm4b:s0+s2], $0x80, $0x38;
	[tilespmem:$0x1C400] =	vst v63  }
0x2bb: {  	s24 =	sand.u32 $0x1FFFFFF0, s23;
	s1 =	sadd.s32 s4, s1;
	s25 =	spop (v2sf)  }
0x2bc: {  	[tilespmem:s13], [sflag:$0x1] =	stream.linear.gather [hbm4b:s1+s2], $0x80, $0x38;
	[tilespmem:$0x1C400] =	vst v63  }
0x2bd: {  	s26 =	sand.u32 $0x1FFFFFF0, s25;
	s28 =	spop (v2sf);
	s0 =	sadd.s32 s4, s24  }
0x2be: {  	[tilespmem:s14], [sflag:$0x1] =	stream.linear.gather [hbm4b:s0+s2], $0x80, $0x38;
	[tilespmem:$0x1C400] =	vst v63  }
0x2bf: {  	s30 =	sadd.s32 $0x18B00, s12;
	s29 =	sand.u32 $0x1FFFFFF0, s28;
	s1 =	sadd.s32 s4, s26  }
0x2c0: {  	[tilespmem:s30], [sflag:$0x1] =	stream.linear.gather [hbm4b:s1+s2], $0x80, $0x38;
	[tilespmem:$0x1C400] =	vst v63  }
0x2c1: {  	s31 =	sadd.s32 $0x18B80, s12;
	s0 =	sadd.s32 s4, s29  }
0x2c2: {  	[tilespmem:s31], [sflag:$0x1] =	stream.linear.gather [hbm4b:s0+s2], $0x80, $0x38;
	[tilespmem:$0x1C400] =	vst v63  }
0x2c3: {  	_ =	swait.ge [sflag:s9], $0x4000  }
0x2c4: {  	[sflag:s9] =	ssyncset.done $0x0  }
0x2c5: {  	[sflag:s9] =	ssyncadd.s32 $0xFFFFC000  }
0x2c6: {  	_ =	swait.ge [sflag:s9], $0x4000  }
0x2c7: {  	[sflag:s9] =	ssyncset.done $0x0  }
0x2c8: {  	[sflag:s9] =	ssyncadd.s32 $0xFFFFC000  }
0x2c9: {  	_ =	swait.ge [sflag:s9], $0x4000  }
0x2ca: {  	[sflag:s9] =	ssyncset.done $0x0  }
0x2cb: {  	[sflag:s9] =	ssyncadd.s32 $0xFFFFC000  }
0x2cc: {  	_ =	swait.ge [sflag:s9], $0x4000  }
0x2cd: {  	[sflag:s9] =	ssyncset.done $0x0  }
0x2ce: {  	[sflag:s9] =	ssyncadd.s32 $0xFFFFC000  }
0x2cf: {  	_ =	swait.ge [sflag:s9], $0x4000  }
0x2d0: {  	[sflag:s9] =	ssyncset.done $0x0  }
0x2d1: {  	[sflag:s9] =	ssyncadd.s32 $0xFFFFC000  }
0x2d2: {  	_ =	swait.ge [sflag:s9], $0x4000  }
0x2d3: {  	[sflag:s9] =	ssyncset.done $0x0  }
0x2d4: {  	[sflag:s9] =	ssyncadd.s32 $0xFFFFC000  }
0x2d5: {  	s11 =	sadd.s32 $0x1, s11;
	_ =	swait.ge [sflag:s9], $0x4000  }
0x2d6: {  	p0 =	sne.s32 s11, s7;
	[sflag:s9] =	ssyncset.done $0x0  }
.Ltmp7:
0x2d7: {  	[sflag:s9] =	ssyncadd.s32 $0xFFFFC000;
	(pc) =	sbr.rel @p0 .LBB2_1-.Ltmp7, $4  }
0x2d8: {  	[hbm4b:s6+s2] =	stream.linear.scatter [tilespmem:s10], [sflag:$0x2], $0x1C000, $0x38;
	[tilespmem:$0x1C400] =	vst v63  }
0x2d9: {  	_ =	swait.ge [sflag:s8], $0x1C000  }
0x2da: {  	[sflag:s8] =	ssyncset.done $0x0  }
0x2db: {  	[sflag:s8] =	ssyncadd.s32 $0xFFFE4000  }
0x2dc: {  	_ =	sfence.sel $0x180000  }
0x2dd: {  	[bflag:$0x0] =	sbarrier.arrive $0xFFFF  }
0x2de: {  	_ =	strace $0x90000047  }
0x2df: {  	s0 =	stileid.u32;
	[bflag:$0x2] =	sbarrier.arrive $0xFFFF  }
0x2e0: {  	p0 =	sne.s32 s0, $0x0;
	s0 =	rddreg [dreg:$0x1]  }
0x2e1: {  	s0 =	sadd.s32 @!p0 $0x100000, s0  }
0x2e2: {  	[sflag:s0] =	ssyncadd.tile.s32 @!p0 $0x1;
	_ =	shalt  }
.Lfunc_end2:
_tile_overlayer_lowered:
.L_overlay_start_2:
0x2e3: {  	(tag) =	ssettag $0x2  }
0x2e4: {  	s0 =	rddreg [dreg:$0x0];
	s2 =	stileid.u32  }
0x2e5: {  	s1 =	rddreg [dreg:$0x1];
	p0 =	sne.s32 s2, $0x0  }
0x2e6: {  	s3 =	rddreg [dreg:$0x2];
	[bflag:$0x3] =	sbarrier.arrive $0xFFFF;
	s2 =	simm.s32 @!p0 $0x1C02  }
0x2e7: {  	[timem:s3], [sflag:s2] =	dma.local @!p0 [hbm:s0], s1  }
0x2e8: {  	s0 =	simm.s32 @!p0 $0x2  }
0x2e9: {  	_ =	swait.ge @!p0 [sflag:s0], s1  }
0x2ea: {  	s1 =	ssub.s32 @!p0 $0x0, s1;
	[sflag:s0] =	ssyncset.done @!p0 $0x0  }
0x2eb: {  	[sflag:s0] =	ssyncadd.s32 @!p0 s1  }
0x2ec: {  	[bflag:$0x3] =	sbarrier.arrive $0xFFFF  }
0x2ed: {  	_ =	shalt  }

</sc_bundles>
